<compile_context>
chip_gen: v7x
topology: tpu7x:2x2x1
jax: 0.10.2.dev20260603
libtpu: 0.0.44.dev20260713+nightly
codegen_flags: <defaults>
</compile_context>

<pallas_src>
import functools
import math

import jax
import jax.numpy as jnp
from jax import lax
from jax.experimental import pallas as pl
from jax.experimental.pallas import tpu as pltpu
from jax.experimental.pallas import tpu_sc as plsc

N = 10000
E = 320000
C = 128
H = 8
D = 16

NC = 2
NS = 16
NW = NC * NS
CH = 128
NCH = 80
EP = NW * NCH * CH
CHB = 64
NCHB = EP // (NW * CHB)
GRP = 16
NGRP = CH // GRP
NBUF = 3
NSUP = 27
RPW = 624
RPW_TAIL = N - NS * RPW

BR = 400
BE_MLP = 8192
BE_SM = 16384

_INV_SQRT_D = 1.0 / math.sqrt(D)



def _qkv_body(xs_ref, xd_ref, wqt, wkt, wvt, bq, bk, bv, q_ref, k_ref, v_ref):
    xs = xs_ref[...]
    xd = xd_ref[...]
    q_ref[...] = jnp.dot(xd, wqt[...], preferred_element_type=jnp.float32) + bq[...]
    k_ref[...] = jnp.dot(xs, wkt[...], preferred_element_type=jnp.float32) + bk[...]
    v_ref[...] = jnp.dot(xs, wvt[...], preferred_element_type=jnp.float32) + bv[...]


def _qkv(x_src, x_dst, WqT, WkT, WvT, bq2, bk2, bv2):
    grid = (N // BR,)
    row_spec = pl.BlockSpec((BR, C), lambda i: (i, 0))
    w_spec = pl.BlockSpec((C, C), lambda i: (0, 0))
    b_spec = pl.BlockSpec((1, C), lambda i: (0, 0))
    out = jax.ShapeDtypeStruct((N, C), jnp.float32)
    return pl.pallas_call(
        _qkv_body,
        grid=grid,
        in_specs=[row_spec, row_spec, w_spec, w_spec, w_spec, b_spec, b_spec, b_spec],
        out_specs=[row_spec, row_spec, row_spec],
        out_shape=[out, out, out],
    )(x_src, x_dst, WqT, WkT, WvT, bq2, bk2, bv2)



def _ebias_body(ea_ref, w1, b1, w2, b2, w3, b3, ws, bs, gp, out_ref):
    ea = ea_ref[...]
    h1 = jnp.maximum(jnp.dot(w1[...], ea, preferred_element_type=jnp.float32) + b1[...], 0.0)
    h2 = jnp.maximum(jnp.dot(w2[...], h1, preferred_element_type=jnp.float32) + b2[...], 0.0)
    mlp = jnp.dot(w3[...], h2, preferred_element_type=jnp.float32) + b3[...]
    sc = jnp.dot(ws[...], ea, preferred_element_type=jnp.float32) + bs[...]
    g = jax.nn.sigmoid(gp[0, 0])
    out_ref[...] = g * mlp + (1.0 - g) * sc


def _ebias(eaT, ew1, eb1, ew2, eb2, ew3, eb3, esw, esb, gate_param):
    ED = eaT.shape[0]
    grid = (EP // BE_MLP,)

    def full(shape):
        return pl.BlockSpec(shape, lambda i: (0, 0))

    return pl.pallas_call(
        _ebias_body,
        grid=grid,
        in_specs=[
            pl.BlockSpec((ED, BE_MLP), lambda i: (0, i)),
            full((64, ED)), full((64, 1)),
            full((32, 64)), full((32, 1)),
            full((H, 32)), full((H, 1)),
            full((H, ED)), full((H, 1)),
            full((1, 1)),
        ],
        out_specs=pl.BlockSpec((H, BE_MLP), lambda i: (0, i)),
        out_shape=jax.ShapeDtypeStruct((H, EP), jnp.float32),
    )(eaT, ew1, eb1.reshape(64, 1), ew2, eb2.reshape(32, 1), ew3, eb3.reshape(H, 1),
      esw, esb.reshape(H, 1), gate_param.reshape(1, 1))



def _dot_chunk(qrows, krows, sblk):
    iota = lax.iota(jnp.int32, GRP)

    def group(g, carry):
        rows = iota + g * GRP
        for h in range(H):
            acc = jnp.zeros((GRP,), jnp.float32)
            for d in range(D):
                col = jnp.full((GRP,), h * D + d, jnp.int32)
                qv = plsc.load_gather(qrows, [rows, col])
                kv = plsc.load_gather(krows, [rows, col])
                acc = acc + qv * kv
            plsc.store_scatter(sblk, [jnp.full((GRP,), h, jnp.int32), rows], acc)
        return carry

    lax.fori_loop(0, NGRP, group, 0)


def _scores_sc_body(q_hbm, k_hbm, src_hbm, dst_hbm, s_hbm,
                    asrc, adst, q0, q1, k0, k1, s0, s1,
                    si0, si1, si2, si3, sg0, sg1, sw0, sw1):
    cid = lax.axis_index("c")
    sid = lax.axis_index("s")
    wid = cid * NS + sid
    qrows = [q0, q1]
    krows = [k0, k1]
    sblk = [s0, s1]
    sem_i = [si0, si1, si2, si3]
    sem_g = [sg0, sg1]
    sem_w = [sw0, sw1]
    cbase = wid * NCH * CH

    def issue_idx(j, b4):
        base = cbase + j * CH
        pltpu.async_copy(src_hbm.at[pl.ds(base, CH)], asrc.at[b4], sem_i[b4])
        pltpu.async_copy(dst_hbm.at[pl.ds(base, CH)], adst.at[b4], sem_i[b4])

    def wait_idx(b4):
        pltpu.make_async_copy(src_hbm.at[pl.ds(0, CH)], asrc.at[b4],
                              sem_i[b4]).wait()
        pltpu.make_async_copy(dst_hbm.at[pl.ds(0, CH)], adst.at[b4],
                              sem_i[b4]).wait()

    def issue_gather(b2, b4):
        pltpu.async_copy(k_hbm.at[asrc.at[b4]], krows[b2], sem_g[b2])
        pltpu.async_copy(q_hbm.at[adst.at[b4]], qrows[b2], sem_g[b2])

    def wait_gather(b2, b4):
        pltpu.make_async_copy(k_hbm.at[asrc.at[b4]], krows[b2],
                              sem_g[b2]).wait()
        pltpu.make_async_copy(q_hbm.at[adst.at[b4]], qrows[b2],
                              sem_g[b2]).wait()

    issue_idx(0, 0)
    issue_idx(1, 1)
    wait_idx(0)
    issue_gather(0, 0)

    def super_iter(jj, carry):
        for u in range(4):
            j = jj * 4 + u
            b2 = u % 2
            nb2 = (u + 1) % 2

            @pl.when(j + 2 < NCH)
            def _():
                issue_idx(j + 2, (u + 2) % 4)

            @pl.when(j + 1 < NCH)
            def _():
                wait_idx((u + 1) % 4)
                issue_gather(nb2, (u + 1) % 4)

            @pl.when(j >= 2)
            def _():
                pltpu.make_async_copy(
                    sblk[b2], s_hbm.at[:, pl.ds(0, CH)], sem_w[b2]).wait()

            wait_gather(b2, u)
            pltpu.async_copy(
                sblk[b2], s_hbm.at[:, pl.ds(cbase + j * CH, CH)], sem_w[b2])
        return carry

    lax.fori_loop(0, NCH // 4, super_iter, 0)
    for b2 in range(2):
        pltpu.make_async_copy(sblk[b2], s_hbm.at[:, pl.ds(0, CH)],
                              sem_w[b2]).wait()


def _scores_sc(Q, K, srcp, dstp):
    mesh = plsc.VectorSubcoreMesh(core_axis_name="c", subcore_axis_name="s",
                                  num_cores=NC, num_subcores=NS)
    rowbuf = pltpu.VMEM((CH, C), jnp.float32)
    f = functools.partial(
        pl.kernel,
        out_type=jax.ShapeDtypeStruct((H, EP), jnp.float32),
        mesh=mesh,
        scratch_types=[
            pltpu.VMEM((4, CH), jnp.int32),
            pltpu.VMEM((4, CH), jnp.int32),
            rowbuf, rowbuf,
            rowbuf, rowbuf,
            pltpu.VMEM((H, CH), jnp.float32),
            pltpu.VMEM((H, CH), jnp.float32),
            pltpu.SemaphoreType.DMA, pltpu.SemaphoreType.DMA,
            pltpu.SemaphoreType.DMA, pltpu.SemaphoreType.DMA,
            pltpu.SemaphoreType.DMA, pltpu.SemaphoreType.DMA,
            pltpu.SemaphoreType.DMA, pltpu.SemaphoreType.DMA,
        ],
        compiler_params=pltpu.CompilerParams(needs_layout_passes=False),
    )(_scores_sc_body)
    return f(Q, K, srcp, dstp)



def _softmax_body(s_ref, b_ref, a_ref, macc, sacc):
    p = pl.program_id(0)
    j = pl.program_id(1)
    s = s_ref[...] * _INV_SQRT_D + b_ref[...]
    col = lax.broadcasted_iota(jnp.int32, (H, BE_SM), 1) + j * BE_SM
    s = jnp.where(col < E, s, -1e30)

    @pl.when(jnp.logical_and(p == 0, j == 0))
    def _():
        macc[...] = jnp.full((H, 128), -1e30, jnp.float32)

    @pl.when(p == 0)
    def _():
        m = jnp.max(s, axis=1, keepdims=True)
        macc[...] = jnp.maximum(macc[...], jnp.broadcast_to(m, (H, 128)))
        a_ref[...] = s

    @pl.when(jnp.logical_and(p == 1, j == 0))
    def _():
        sacc[...] = jnp.zeros((H, 128), jnp.float32)

    @pl.when(p == 1)
    def _():
        ex = jnp.exp(s - macc[:, 0:1])
        sacc[...] += jnp.broadcast_to(jnp.sum(ex, axis=1, keepdims=True), (H, 128))
        a_ref[...] = s

    @pl.when(p == 2)
    def _():
        a_ref[...] = jnp.exp(s - macc[:, 0:1]) / sacc[:, 0:1]


def _softmax(scores, bias):
    grid = (3, EP // BE_SM)
    spec = pl.BlockSpec((H, BE_SM), lambda p, j: (0, j))
    return pl.pallas_call(
        _softmax_body,
        grid=grid,
        in_specs=[spec, spec],
        out_specs=spec,
        out_shape=jax.ShapeDtypeStruct((H, EP), jnp.float32),
        scratch_shapes=[
            pltpu.VMEM((H, 128), jnp.float32),
            pltpu.VMEM((H, 128), jnp.float32),
        ],
    )(scores, bias)



def _scale_chunk(vrows, ablk):
    iota = lax.iota(jnp.int32, GRP)
    hrow = [jnp.full((GRP,), h, jnp.int32) for h in range(H)]

    def edge(e, carry):
        erow = jnp.full((GRP,), e, jnp.int32)
        for h in range(H):
            cols = iota + h * D
            av = plsc.load_gather(ablk, [hrow[h // 2], erow + (h % 2) * CHB])
            vv = plsc.load_gather(vrows, [erow, cols])
            plsc.store_scatter(vrows, [erow, cols], vv * av)
        return carry

    lax.fori_loop(0, CHB, edge, 0)


def _agg_sc_body(v_hbm, attn_hbm, src_hbm, dst_hbm, zeros_hbm, out_hbm,
                 asrc, adst, v0, v1, v2, v3, a0, a1, a2, a3, shared,
                 si0, si1, si2, si3, si4, si5, si6, si7,
                 sg0, sg1, sg2, sg3, ss0, ss1, ss2, ss3):
    cid = lax.axis_index("c")
    sid = lax.axis_index("s")
    wid = cid * NS + sid
    vrows = [v0, v1, v2, v3]
    ablk = [a0, a1, a2, a3]
    sem_i = [si0, si1, si2, si3, si4, si5, si6, si7]
    sem_g = [sg0, sg1, sg2, sg3]
    sem_s = [ss0, ss1, ss2, ss3]
    cbase = wid * NCHB * CHB

    pltpu.sync_copy(zeros_hbm.at[pl.ds(sid * RPW, RPW)],
                    shared.at[pl.ds(sid * RPW, RPW)])

    @pl.when(sid == NS - 1)
    def _():
        pltpu.sync_copy(zeros_hbm.at[pl.ds(NS * RPW, RPW_TAIL)],
                        shared.at[pl.ds(NS * RPW, RPW_TAIL)])

    def issue_idx(j, b8):
        base = cbase + j * CHB
        pltpu.async_copy(src_hbm.at[pl.ds(base, CHB)], asrc.at[b8], sem_i[b8])
        pltpu.async_copy(dst_hbm.at[pl.ds(base, CHB)], adst.at[b8], sem_i[b8])

    def wait_idx(b8):
        pltpu.make_async_copy(src_hbm.at[pl.ds(0, CHB)], asrc.at[b8],
                              sem_i[b8]).wait()
        pltpu.make_async_copy(dst_hbm.at[pl.ds(0, CHB)], adst.at[b8],
                              sem_i[b8]).wait()

    def issue_gather(j, b4, b8):
        pltpu.async_copy(v_hbm.at[asrc.at[b8]], vrows[b4], sem_g[b4])
        pltpu.async_copy(attn_hbm.at[wid * NCHB + j], ablk[b4], sem_g[b4])

    def wait_gather(b4, b8):
        pltpu.make_async_copy(v_hbm.at[asrc.at[b8]], vrows[b4],
                              sem_g[b4]).wait()
        pltpu.make_async_copy(attn_hbm.at[0], ablk[b4], sem_g[b4]).wait()

    def wait_scatter(b4):
        pltpu.make_async_copy(vrows[b4], shared.at[adst.at[0]],
                              sem_s[b4]).wait()

    issue_idx(0, 0)
    issue_idx(1, 1)
    issue_idx(2, 2)
    wait_idx(0)
    issue_gather(0, 0, 0)
    plsc.subcore_barrier()

    def super_iter(jj, carry):
        for u in range(8):
            j = jj * 8 + u
            b4 = u % 4

            @pl.when(j + 3 < NCHB)
            def _():
                issue_idx(j + 3, (u + 3) % 8)

            @pl.when(j + 1 < NCHB)
            def _():
                wait_idx((u + 1) % 8)

                @pl.when(j + 1 >= 4)
                def _():
                    wait_scatter((u + 1) % 4)

                issue_gather(j + 1, (u + 1) % 4, (u + 1) % 8)

            wait_gather(b4, u)
            _scale_chunk(vrows[b4], ablk[b4])
            pltpu.async_copy(vrows[b4], shared.at[adst.at[u]], sem_s[b4],
                             add=True)
        return carry

    lax.fori_loop(0, NCHB // 8, super_iter, 0)
    for b4 in range(4):
        wait_scatter(b4)
    plsc.subcore_barrier()
    pltpu.sync_copy(shared.at[pl.ds(sid * RPW, RPW)],
                    out_hbm.at[cid, pl.ds(sid * RPW, RPW)])

    @pl.when(sid == NS - 1)
    def _():
        pltpu.sync_copy(shared.at[pl.ds(NS * RPW, RPW_TAIL)],
                        out_hbm.at[cid, pl.ds(NS * RPW, RPW_TAIL)])


def _agg_sc(V, attn, srcp, dstp):
    mesh = plsc.VectorSubcoreMesh(core_axis_name="c", subcore_axis_name="s",
                                  num_cores=NC, num_subcores=NS)
    zeros = jnp.zeros((N, C), jnp.float32)
    rowbuf = pltpu.VMEM((CHB, C), jnp.float32)
    abuf = pltpu.VMEM(((H * CHB) // 128, 128), jnp.float32)
    f = functools.partial(
        pl.kernel,
        out_type=jax.ShapeDtypeStruct((NC, N, C), jnp.float32),
        mesh=mesh,
        scratch_types=[
            pltpu.VMEM((8, CHB), jnp.int32),
            pltpu.VMEM((8, CHB), jnp.int32),
            rowbuf, rowbuf, rowbuf, rowbuf,
            abuf, abuf, abuf, abuf,
            pltpu.VMEM_SHARED((N, C), jnp.float32),
            pltpu.SemaphoreType.DMA, pltpu.SemaphoreType.DMA,
            pltpu.SemaphoreType.DMA, pltpu.SemaphoreType.DMA,
            pltpu.SemaphoreType.DMA, pltpu.SemaphoreType.DMA,
            pltpu.SemaphoreType.DMA, pltpu.SemaphoreType.DMA,
            pltpu.SemaphoreType.DMA, pltpu.SemaphoreType.DMA,
            pltpu.SemaphoreType.DMA, pltpu.SemaphoreType.DMA,
            pltpu.SemaphoreType.DMA, pltpu.SemaphoreType.DMA,
            pltpu.SemaphoreType.DMA, pltpu.SemaphoreType.DMA,
        ],
        compiler_params=pltpu.CompilerParams(needs_layout_passes=False),
    )(_agg_sc_body)
    return f(V, attn, srcp, dstp, zeros)



def _omlp_body(p0_ref, p1_ref, xd_ref, w1t, b1, w2t, b2, w3t, b3,
               pos, gamma, beta, o_ref):
    agg = p0_ref[...] + p1_ref[...]
    o1 = jnp.maximum(jnp.dot(agg, w1t[...], preferred_element_type=jnp.float32) + b1[...], 0.0)
    o2 = jnp.maximum(jnp.dot(o1, w2t[...], preferred_element_type=jnp.float32) + b2[...], 0.0)
    o3 = jnp.dot(o2, w3t[...], preferred_element_type=jnp.float32) + b3[...]
    o3 = o3 + xd_ref[...] + pos[...]
    mu = jnp.mean(o3, axis=1, keepdims=True)
    ctr = o3 - mu
    var = jnp.mean(ctr * ctr, axis=1, keepdims=True)
    o_ref[...] = ctr * lax.rsqrt(var + 1e-5) * gamma[...] + beta[...]


def _omlp(p0, p1, x_dst, ow1T, ob1, ow2T, ob2, ow3T, ob3, pos, gamma, beta):
    grid = (N // BR,)
    row_spec = pl.BlockSpec((BR, C), lambda i: (i, 0))

    def full(shape):
        return pl.BlockSpec(shape, lambda i: (0, 0))

    return pl.pallas_call(
        _omlp_body,
        grid=grid,
        in_specs=[
            row_spec, row_spec, row_spec,
            full((C, 2 * C)), full((1, 2 * C)),
            full((2 * C, 3 * C)), full((1, 3 * C)),
            full((3 * C, C)), full((1, C)),
            full((1, C)), full((1, C)), full((1, C)),
        ],
        out_specs=row_spec,
        out_shape=jax.ShapeDtypeStruct((N, C), jnp.float32),
    )(p0, p1, x_dst, ow1T, ob1.reshape(1, 2 * C), ow2T, ob2.reshape(1, 3 * C),
      ow3T, ob3.reshape(1, C), pos, gamma.reshape(1, C), beta.reshape(1, C))



def kernel(x_src, x_dst, edge_attr, Wq, bq, Wk, bk, Wv, bv,
           ew1, eb1, ew2, eb2, ew3, eb3, esw, esb, gate_param,
           ow1, ob1, ow2, ob2, ow3, ob3, pos, gamma, beta, edge_index):
    pad = jnp.zeros((EP - E,), jnp.int32)
    srcp = jnp.concatenate([edge_index[0], pad])
    dstp = jnp.concatenate([edge_index[1], pad])
    eaT = jnp.concatenate(
        [edge_attr, jnp.zeros((EP - E, edge_attr.shape[1]), jnp.float32)]).T

    Q, K, V = _qkv(x_src, x_dst, Wq.T, Wk.T, Wv.T,
                   bq.reshape(1, C), bk.reshape(1, C), bv.reshape(1, C))
    bias = _ebias(eaT, ew1, eb1, ew2, eb2, ew3, eb3, esw, esb, gate_param)
    scores = _scores_sc(Q, K, srcp, dstp)
    attn = _softmax(scores, bias)
    attn_c = attn.reshape(H, EP // CHB, CHB).transpose(1, 0, 2).reshape(
        EP // CHB, (H * CHB) // 128, 128)
    parts = _agg_sc(V, attn_c, srcp, dstp)
    out = _omlp(parts[0], parts[1], x_dst, ow1.T, ob1, ow2.T, ob2, ow3.T, ob3,
                pos, gamma, beta)
    return out

# --- scband reference (transcript-rebuilt; emitter-appended) ---
"""Pipeline reference for scband-multi-type-graph-attention-29901562314877 (READ-ONLY COPY).

The authoritative reference and input builder live on the scoring server;
editing this copy changes nothing except your own understanding.
"""

import jax, jax.numpy as jnp
import numpy as np
import math

N = 10000
E = 320000
C = 128
H = 8
D = C // H
ED = 16


def _xavier(k, shape, gain=1.0):
    fan_out, fan_in = shape
    a = gain * math.sqrt(6.0 / (fan_in + fan_out))
    return jax.random.uniform(k, shape, jnp.float32, -a, a)


def setup_inputs(seed: int = 0) -> dict:
    key = jax.random.key(seed)
    ks = jax.random.split(key, 20)
    inp = {}
    inp['x_src'] = jax.random.normal(ks[0], (N, C), jnp.float32)
    inp['x_dst'] = jax.random.normal(ks[1], (N, C), jnp.float32)
    inp['edge_attr'] = jax.random.normal(ks[2], (E, ED), jnp.float32)
    # q/k/v projections (torch Linear convention: weight [out, in])
    inp['Wq'] = _xavier(ks[3], (C, C)); inp['bq'] = jnp.zeros((C,), jnp.float32)
    inp['Wk'] = _xavier(ks[4], (C, C)); inp['bk'] = jnp.zeros((C,), jnp.float32)
    inp['Wv'] = _xavier(ks[5], (C, C)); inp['bv'] = jnp.zeros((C,), jnp.float32)
    # edge encoder MLP: ED->64->32->H, gain 0.5; shortcut ED->H, gain 1.0
    inp['ew1'] = _xavier(ks[6], (64, ED), 0.5); inp['eb1'] = jnp.zeros((64,), jnp.float32)
    inp['ew2'] = _xavier(ks[7], (32, 64), 0.5); inp['eb2'] = jnp.zeros((32,), jnp.float32)
    inp['ew3'] = _xavier(ks[8], (H, 32), 0.5); inp['eb3'] = jnp.zeros((H,), jnp.float32)
    inp['esw'] = _xavier(ks[9], (H, ED), 1.0); inp['esb'] = jnp.zeros((H,), jnp.float32)
    inp['gate_param'] = jnp.array(-0.5, jnp.float32)
    # output MLP: C->2C->3C->C with gains 1.0, 0.8, 0.6
    inp['ow1'] = _xavier(ks[10], (2 * C, C), 1.0); inp['ob1'] = jnp.zeros((2 * C,), jnp.float32)
    inp['ow2'] = _xavier(ks[11], (3 * C, 2 * C), 0.8); inp['ob2'] = jnp.zeros((3 * C,), jnp.float32)
    inp['ow3'] = _xavier(ks[12], (C, 3 * C), 0.6); inp['ob3'] = jnp.zeros((C,), jnp.float32)
    inp['pos'] = jax.random.normal(ks[13], (1, C), jnp.float32)
    inp['gamma'] = jnp.ones((C,), jnp.float32)
    inp['beta'] = jnp.zeros((C,), jnp.float32)
    inp['edge_index'] = jax.random.randint(ks[14], (2, E), 0, N, jnp.int32)
    return inp


def _forward(x_src, x_dst, edge_attr, Wq, bq, Wk, bk, Wv, bv, ew1, eb1, ew2, eb2, ew3, eb3, esw, esb, gate_param, ow1, ob1, ow2, ob2, ow3, ob3, pos, gamma, beta, src, dst):
    Q = (x_dst @ Wq.T + bq).reshape(-1, H, D)
    K = (x_src @ Wk.T + bk).reshape(-1, H, D)
    V = (x_src @ Wv.T + bv).reshape(-1, H, D)
    Qe = Q[dst]
    Ke = K[src]
    Ve = V[src]
    scores = jnp.sum(Qe * Ke, axis=-1) / math.sqrt(D)
    h = jax.nn.relu(edge_attr @ ew1.T + eb1)
    h = jax.nn.relu(h @ ew2.T + eb2)
    mlp_out = h @ ew3.T + eb3
    shortcut = edge_attr @ esw.T + esb
    gate = jax.nn.sigmoid(gate_param)
    edge_bias = gate * mlp_out + (1.0 - gate) * shortcut
    scores = scores + edge_bias
    attn = jax.nn.softmax(scores, axis=0)  # softmax over all edges, per head (faithful to dim=0)
    msgs = (Ve * attn[..., None]).reshape(-1, C)
    out = jnp.zeros((x_dst.shape[0], C), x_dst.dtype).at[dst].add(msgs)
    o = jax.nn.relu(out @ ow1.T + ob1)
    o = jax.nn.relu(o @ ow2.T + ob2)
    o = o @ ow3.T + ob3
    o = o + x_dst  # in_channels == out_channels residual
    o = o + pos
    mu = jnp.mean(o, axis=-1, keepdims=True)
    var = jnp.mean((o - mu) ** 2, axis=-1, keepdims=True)
    o = (o - mu) / jnp.sqrt(var + 1e-5) * gamma + beta
    return o


def reference(x_src, x_dst, edge_attr, Wq, bq, Wk, bk, Wv, bv, ew1, eb1, ew2, eb2, ew3, eb3, esw, esb, gate_param, ow1, ob1, ow2, ob2, ow3, ob3, pos, gamma, beta, edge_index):
    src = edge_index[0]
    dst = edge_index[1]
    return _forward(x_src, x_dst, edge_attr, Wq, bq, Wk, bk, Wv, bv, ew1, eb1, ew2, eb2, ew3, eb3, esw, esb, gate_param, ow1, ob1, ow2, ob2, ow3, ob3, pos, gamma, beta, src, dst)

if __name__ == "__main__":
    import jax
    _d = setup_inputs()
    print(jax.jit(kernel)(*tuple(_d.values())))

</pallas_src>

<mosaic_0001>
#map = affine_map<(d0, d1) -> (0, 0)>
#map1 = affine_map<(d0, d1) -> (0, 0, 0)>
#map2 = affine_map<(d0, d1) -> (0)>
module attributes {stable_mosaic.version = 14 : i64} {
  func.func @_agg_sc_body(%arg0: i32, %arg1: i32, %arg2: memref<10000x128xf32, #tpu.memory_space<hbm>>, %arg3: memref<5120x4x128xf32, #tpu.memory_space<hbm>>, %arg4: memref<327680xi32, #tpu.memory_space<hbm>>, %arg5: memref<327680xi32, #tpu.memory_space<hbm>>, %arg6: memref<10000x128xf32, #tpu.memory_space<hbm>>, %arg7: memref<2x10000x128xf32, #tpu.memory_space<hbm>>, %arg8: memref<8x64xi32, #tpu.memory_space<vmem>>, %arg9: memref<8x64xi32, #tpu.memory_space<vmem>>, %arg10: memref<64x128xf32, #tpu.memory_space<vmem>>, %arg11: memref<64x128xf32, #tpu.memory_space<vmem>>, %arg12: memref<64x128xf32, #tpu.memory_space<vmem>>, %arg13: memref<64x128xf32, #tpu.memory_space<vmem>>, %arg14: memref<4x128xf32, #tpu.memory_space<vmem>>, %arg15: memref<4x128xf32, #tpu.memory_space<vmem>>, %arg16: memref<4x128xf32, #tpu.memory_space<vmem>>, %arg17: memref<4x128xf32, #tpu.memory_space<vmem>>, %arg18: memref<10000x128xf32, #tpu.memory_space<vmem_shared>>, %arg19: memref<!tpu.dma_semaphore, #tpu.memory_space<semaphore_mem>>, %arg20: memref<!tpu.dma_semaphore, #tpu.memory_space<semaphore_mem>>, %arg21: memref<!tpu.dma_semaphore, #tpu.memory_space<semaphore_mem>>, %arg22: memref<!tpu.dma_semaphore, #tpu.memory_space<semaphore_mem>>, %arg23: memref<!tpu.dma_semaphore, #tpu.memory_space<semaphore_mem>>, %arg24: memref<!tpu.dma_semaphore, #tpu.memory_space<semaphore_mem>>, %arg25: memref<!tpu.dma_semaphore, #tpu.memory_space<semaphore_mem>>, %arg26: memref<!tpu.dma_semaphore, #tpu.memory_space<semaphore_mem>>, %arg27: memref<!tpu.dma_semaphore, #tpu.memory_space<semaphore_mem>>, %arg28: memref<!tpu.dma_semaphore, #tpu.memory_space<semaphore_mem>>, %arg29: memref<!tpu.dma_semaphore, #tpu.memory_space<semaphore_mem>>, %arg30: memref<!tpu.dma_semaphore, #tpu.memory_space<semaphore_mem>>, %arg31: memref<!tpu.dma_semaphore, #tpu.memory_space<semaphore_mem>>, %arg32: memref<!tpu.dma_semaphore, #tpu.memory_space<semaphore_mem>>, %arg33: memref<!tpu.dma_semaphore, #tpu.memory_space<semaphore_mem>>, %arg34: memref<!tpu.dma_semaphore, #tpu.memory_space<semaphore_mem>>) attributes {dimension_semantics = [#tpu.dimension_semantics<core_parallel>, #tpu.dimension_semantics<subcore_parallel>], iteration_bounds = array<i64: 2, 16>, scalar_prefetch = 0 : i64, scratch_operands = 27 : i64, tpu.core_type = #tpu.core_type<sc_vector_subcore>, window_params = [{transform_indices = #map}, {transform_indices = #map1}, {transform_indices = #map2}, {transform_indices = #map2}, {transform_indices = #map}, {transform_indices = #map1}]} {
    %mul3A = arith.constant 16 : i32
    %mul3A_0 = arith.muli %arg0, %mul3A : i32
    %add3A = arith.addi %mul3A_0, %arg1 : i32
    %mul3A_1 = arith.constant 160 : i32
    %mul3A_2 = arith.muli %add3A, %mul3A_1 : i32
    %mul3A_3 = arith.constant 64 : i32
    %mul3A_4 = arith.muli %mul3A_2, %mul3A_3 : i32
    %mul3A_5 = arith.constant 624 : i32
    %mul3A_6 = arith.muli %arg1, %mul3A_5 : i32
    %mul3A_7 = arith.constant 624 : i32
    %mul3A_8 = arith.muli %arg1, %mul3A_7 : i32
    "tpu.region"() ({
      %run_scoped3A = tpu.sem_alloc : memref<!tpu.dma_semaphore, #tpu.memory_space<semaphore_mem>>
      %dma_start3A_153 = arith.constant 0 : i32
      %dma_start3A_154 = tpu.memref_slice %arg18[%mul3A_8, %dma_start3A_153] : memref<10000x128xf32, #tpu.memory_space<vmem_shared>> -> memref<624x128xf32, #tpu.memory_space<vmem_shared>>
      %dma_start3A_155 = arith.constant 0 : i32
      %dma_start3A_156 = tpu.memref_slice %arg6[%mul3A_6, %dma_start3A_155] : memref<10000x128xf32, #tpu.memory_space<hbm>> -> memref<624x128xf32, #tpu.memory_space<hbm>>
      tpu.enqueue_dma source(%dma_start3A_156 : memref<624x128xf32, #tpu.memory_space<hbm>>) target(%dma_start3A_154 : memref<624x128xf32, #tpu.memory_space<vmem_shared>>) target_semaphore(%run_scoped3A : memref<!tpu.dma_semaphore, #tpu.memory_space<semaphore_mem>>)
      %dma_wait3A_157 = arith.constant 0 : i32
      %dma_wait3A_158 = tpu.memref_slice %arg18[%mul3A_8, %dma_wait3A_157] : memref<10000x128xf32, #tpu.memory_space<vmem_shared>> -> memref<624x128xf32, #tpu.memory_space<vmem_shared>>
      %dma_wait3A_159 = arith.constant 0 : i32
      %dma_wait3A_160 = tpu.memref_slice %arg6[%mul3A_6, %dma_wait3A_159] : memref<10000x128xf32, #tpu.memory_space<hbm>> -> memref<624x128xf32, #tpu.memory_space<hbm>>
      tpu.wait_dma2 semaphore(%run_scoped3A : memref<!tpu.dma_semaphore, #tpu.memory_space<semaphore_mem>>) src(%dma_wait3A_160 : memref<624x128xf32, #tpu.memory_space<hbm>>) dst(%dma_wait3A_158 : memref<624x128xf32, #tpu.memory_space<vmem_shared>>)
      tpu.yield
    }) : () -> ()
    %eq3A = arith.constant 15 : i32
    %eq3A_9 = arith.cmpi eq, %arg1, %eq3A : i32
    %convert_element_type3A = arith.extui %eq3A_9 : i1 to i32
    %cond3A = arith.constant 0 : i32
    %cond3A_10 = arith.cmpi ne, %convert_element_type3A, %cond3A : i32
    scf.if %cond3A_10 {
      "tpu.region"() ({
        %run_scoped3A = tpu.sem_alloc : memref<!tpu.dma_semaphore, #tpu.memory_space<semaphore_mem>>
        %dma_start3A_153 = arith.constant 9984 : i32
        %dma_start3A_154 = arith.constant 0 : i32
        %dma_start3A_155 = tpu.memref_slice %arg18[%dma_start3A_153, %dma_start3A_154] : memref<10000x128xf32, #tpu.memory_space<vmem_shared>> -> memref<16x128xf32, #tpu.memory_space<vmem_shared>>
        %dma_start3A_156 = arith.constant 9984 : i32
        %dma_start3A_157 = arith.constant 0 : i32
        %dma_start3A_158 = tpu.memref_slice %arg6[%dma_start3A_156, %dma_start3A_157] : memref<10000x128xf32, #tpu.memory_space<hbm>> -> memref<16x128xf32, #tpu.memory_space<hbm>>
        tpu.enqueue_dma source(%dma_start3A_158 : memref<16x128xf32, #tpu.memory_space<hbm>>) target(%dma_start3A_155 : memref<16x128xf32, #tpu.memory_space<vmem_shared>>) target_semaphore(%run_scoped3A : memref<!tpu.dma_semaphore, #tpu.memory_space<semaphore_mem>>)
        %dma_wait3A_159 = arith.constant 9984 : i32
        %dma_wait3A_160 = arith.constant 0 : i32
        %dma_wait3A_161 = tpu.memref_slice %arg18[%dma_wait3A_159, %dma_wait3A_160] : memref<10000x128xf32, #tpu.memory_space<vmem_shared>> -> memref<16x128xf32, #tpu.memory_space<vmem_shared>>
        %dma_wait3A_162 = arith.constant 9984 : i32
        %dma_wait3A_163 = arith.constant 0 : i32
        %dma_wait3A_164 = tpu.memref_slice %arg6[%dma_wait3A_162, %dma_wait3A_163] : memref<10000x128xf32, #tpu.memory_space<hbm>> -> memref<16x128xf32, #tpu.memory_space<hbm>>
        tpu.wait_dma2 semaphore(%run_scoped3A : memref<!tpu.dma_semaphore, #tpu.memory_space<semaphore_mem>>) src(%dma_wait3A_164 : memref<16x128xf32, #tpu.memory_space<hbm>>) dst(%dma_wait3A_161 : memref<16x128xf32, #tpu.memory_space<vmem_shared>>)
        tpu.yield
      }) : () -> ()
    } else {
    }
    %add3A_11 = arith.constant 0 : i32
    %add3A_12 = arith.addi %mul3A_4, %add3A_11 : i32
    %dma_start3A = arith.constant 0 : i32
    %dma_start3A_13 = arith.constant 0 : i32
    %dma_start3A_14 = tpu.memref_slice %arg8[%dma_start3A, %dma_start3A_13] : memref<8x64xi32, #tpu.memory_space<vmem>> -> memref<1x64xi32, #tpu.memory_space<vmem>>
    %dma_start3A_15 = tpu.memref_squeeze %dma_start3A_14 : memref<1x64xi32, #tpu.memory_space<vmem>> -> memref<64xi32, #tpu.memory_space<vmem>>
    %dma_start3A_16 = tpu.memref_slice %arg4[%add3A_12] : memref<327680xi32, #tpu.memory_space<hbm>> -> memref<64xi32, #tpu.memory_space<hbm>>
    %dma_start3A_17 = arith.constant 0 : i32
    %dma_start3A_18 = tpu.memref_slice %arg8[%dma_start3A, %dma_start3A_17] : memref<8x64xi32, #tpu.memory_space<vmem>> -> memref<1x64xi32, #tpu.memory_space<vmem>>
    %dma_start3A_19 = tpu.memref_squeeze %dma_start3A_18 : memref<1x64xi32, #tpu.memory_space<vmem>> -> memref<64xi32, #tpu.memory_space<vmem>>
    %dma_start3A_20 = tpu.memref_slice %arg4[%add3A_12] : memref<327680xi32, #tpu.memory_space<hbm>> -> memref<64xi32, #tpu.memory_space<hbm>>
    tpu.enqueue_dma source(%dma_start3A_20 : memref<64xi32, #tpu.memory_space<hbm>>) target(%dma_start3A_19 : memref<64xi32, #tpu.memory_space<vmem>>) target_semaphore(%arg19 : memref<!tpu.dma_semaphore, #tpu.memory_space<semaphore_mem>>)
    %dma_start3A_21 = arith.constant 0 : i32
    %dma_start3A_22 = arith.constant 0 : i32
    %dma_start3A_23 = tpu.memref_slice %arg9[%dma_start3A_21, %dma_start3A_22] : memref<8x64xi32, #tpu.memory_space<vmem>> -> memref<1x64xi32, #tpu.memory_space<vmem>>
    %dma_start3A_24 = tpu.memref_squeeze %dma_start3A_23 : memref<1x64xi32, #tpu.memory_space<vmem>> -> memref<64xi32, #tpu.memory_space<vmem>>
    %dma_start3A_25 = tpu.memref_slice %arg5[%add3A_12] : memref<327680xi32, #tpu.memory_space<hbm>> -> memref<64xi32, #tpu.memory_space<hbm>>
    %dma_start3A_26 = arith.constant 0 : i32
    %dma_start3A_27 = tpu.memref_slice %arg9[%dma_start3A_21, %dma_start3A_26] : memref<8x64xi32, #tpu.memory_space<vmem>> -> memref<1x64xi32, #tpu.memory_space<vmem>>
    %dma_start3A_28 = tpu.memref_squeeze %dma_start3A_27 : memref<1x64xi32, #tpu.memory_space<vmem>> -> memref<64xi32, #tpu.memory_space<vmem>>
    %dma_start3A_29 = tpu.memref_slice %arg5[%add3A_12] : memref<327680xi32, #tpu.memory_space<hbm>> -> memref<64xi32, #tpu.memory_space<hbm>>
    tpu.enqueue_dma source(%dma_start3A_29 : memref<64xi32, #tpu.memory_space<hbm>>) target(%dma_start3A_28 : memref<64xi32, #tpu.memory_space<vmem>>) target_semaphore(%arg19 : memref<!tpu.dma_semaphore, #tpu.memory_space<semaphore_mem>>)
    %add3A_30 = arith.constant 64 : i32
    %add3A_31 = arith.addi %mul3A_4, %add3A_30 : i32
    %dma_start3A_32 = arith.constant 1 : i32
    %dma_start3A_33 = arith.constant 0 : i32
    %dma_start3A_34 = tpu.memref_slice %arg8[%dma_start3A_32, %dma_start3A_33] : memref<8x64xi32, #tpu.memory_space<vmem>> -> memref<1x64xi32, #tpu.memory_space<vmem>>
    %dma_start3A_35 = tpu.memref_squeeze %dma_start3A_34 : memref<1x64xi32, #tpu.memory_space<vmem>> -> memref<64xi32, #tpu.memory_space<vmem>>
    %dma_start3A_36 = tpu.memref_slice %arg4[%add3A_31] : memref<327680xi32, #tpu.memory_space<hbm>> -> memref<64xi32, #tpu.memory_space<hbm>>
    %dma_start3A_37 = arith.constant 0 : i32
    %dma_start3A_38 = tpu.memref_slice %arg8[%dma_start3A_32, %dma_start3A_37] : memref<8x64xi32, #tpu.memory_space<vmem>> -> memref<1x64xi32, #tpu.memory_space<vmem>>
    %dma_start3A_39 = tpu.memref_squeeze %dma_start3A_38 : memref<1x64xi32, #tpu.memory_space<vmem>> -> memref<64xi32, #tpu.memory_space<vmem>>
    %dma_start3A_40 = tpu.memref_slice %arg4[%add3A_31] : memref<327680xi32, #tpu.memory_space<hbm>> -> memref<64xi32, #tpu.memory_space<hbm>>
    tpu.enqueue_dma source(%dma_start3A_40 : memref<64xi32, #tpu.memory_space<hbm>>) target(%dma_start3A_39 : memref<64xi32, #tpu.memory_space<vmem>>) target_semaphore(%arg20 : memref<!tpu.dma_semaphore, #tpu.memory_space<semaphore_mem>>)
    %dma_start3A_41 = arith.constant 1 : i32
    %dma_start3A_42 = arith.constant 0 : i32
    %dma_start3A_43 = tpu.memref_slice %arg9[%dma_start3A_41, %dma_start3A_42] : memref<8x64xi32, #tpu.memory_space<vmem>> -> memref<1x64xi32, #tpu.memory_space<vmem>>
    %dma_start3A_44 = tpu.memref_squeeze %dma_start3A_43 : memref<1x64xi32, #tpu.memory_space<vmem>> -> memref<64xi32, #tpu.memory_space<vmem>>
    %dma_start3A_45 = tpu.memref_slice %arg5[%add3A_31] : memref<327680xi32, #tpu.memory_space<hbm>> -> memref<64xi32, #tpu.memory_space<hbm>>
    %dma_start3A_46 = arith.constant 0 : i32
    %dma_start3A_47 = tpu.memref_slice %arg9[%dma_start3A_41, %dma_start3A_46] : memref<8x64xi32, #tpu.memory_space<vmem>> -> memref<1x64xi32, #tpu.memory_space<vmem>>
    %dma_start3A_48 = tpu.memref_squeeze %dma_start3A_47 : memref<1x64xi32, #tpu.memory_space<vmem>> -> memref<64xi32, #tpu.memory_space<vmem>>
    %dma_start3A_49 = tpu.memref_slice %arg5[%add3A_31] : memref<327680xi32, #tpu.memory_space<hbm>> -> memref<64xi32, #tpu.memory_space<hbm>>
    tpu.enqueue_dma source(%dma_start3A_49 : memref<64xi32, #tpu.memory_space<hbm>>) target(%dma_start3A_48 : memref<64xi32, #tpu.memory_space<vmem>>) target_semaphore(%arg20 : memref<!tpu.dma_semaphore, #tpu.memory_space<semaphore_mem>>)
    %add3A_50 = arith.constant 128 : i32
    %add3A_51 = arith.addi %mul3A_4, %add3A_50 : i32
    %dma_start3A_52 = arith.constant 2 : i32
    %dma_start3A_53 = arith.constant 0 : i32
    %dma_start3A_54 = tpu.memref_slice %arg8[%dma_start3A_52, %dma_start3A_53] : memref<8x64xi32, #tpu.memory_space<vmem>> -> memref<1x64xi32, #tpu.memory_space<vmem>>
    %dma_start3A_55 = tpu.memref_squeeze %dma_start3A_54 : memref<1x64xi32, #tpu.memory_space<vmem>> -> memref<64xi32, #tpu.memory_space<vmem>>
    %dma_start3A_56 = tpu.memref_slice %arg4[%add3A_51] : memref<327680xi32, #tpu.memory_space<hbm>> -> memref<64xi32, #tpu.memory_space<hbm>>
    %dma_start3A_57 = arith.constant 0 : i32
    %dma_start3A_58 = tpu.memref_slice %arg8[%dma_start3A_52, %dma_start3A_57] : memref<8x64xi32, #tpu.memory_space<vmem>> -> memref<1x64xi32, #tpu.memory_space<vmem>>
    %dma_start3A_59 = tpu.memref_squeeze %dma_start3A_58 : memref<1x64xi32, #tpu.memory_space<vmem>> -> memref<64xi32, #tpu.memory_space<vmem>>
    %dma_start3A_60 = tpu.memref_slice %arg4[%add3A_51] : memref<327680xi32, #tpu.memory_space<hbm>> -> memref<64xi32, #tpu.memory_space<hbm>>
    tpu.enqueue_dma source(%dma_start3A_60 : memref<64xi32, #tpu.memory_space<hbm>>) target(%dma_start3A_59 : memref<64xi32, #tpu.memory_space<vmem>>) target_semaphore(%arg21 : memref<!tpu.dma_semaphore, #tpu.memory_space<semaphore_mem>>)
    %dma_start3A_61 = arith.constant 2 : i32
    %dma_start3A_62 = arith.constant 0 : i32
    %dma_start3A_63 = tpu.memref_slice %arg9[%dma_start3A_61, %dma_start3A_62] : memref<8x64xi32, #tpu.memory_space<vmem>> -> memref<1x64xi32, #tpu.memory_space<vmem>>
    %dma_start3A_64 = tpu.memref_squeeze %dma_start3A_63 : memref<1x64xi32, #tpu.memory_space<vmem>> -> memref<64xi32, #tpu.memory_space<vmem>>
    %dma_start3A_65 = tpu.memref_slice %arg5[%add3A_51] : memref<327680xi32, #tpu.memory_space<hbm>> -> memref<64xi32, #tpu.memory_space<hbm>>
    %dma_start3A_66 = arith.constant 0 : i32
    %dma_start3A_67 = tpu.memref_slice %arg9[%dma_start3A_61, %dma_start3A_66] : memref<8x64xi32, #tpu.memory_space<vmem>> -> memref<1x64xi32, #tpu.memory_space<vmem>>
    %dma_start3A_68 = tpu.memref_squeeze %dma_start3A_67 : memref<1x64xi32, #tpu.memory_space<vmem>> -> memref<64xi32, #tpu.memory_space<vmem>>
    %dma_start3A_69 = tpu.memref_slice %arg5[%add3A_51] : memref<327680xi32, #tpu.memory_space<hbm>> -> memref<64xi32, #tpu.memory_space<hbm>>
    tpu.enqueue_dma source(%dma_start3A_69 : memref<64xi32, #tpu.memory_space<hbm>>) target(%dma_start3A_68 : memref<64xi32, #tpu.memory_space<vmem>>) target_semaphore(%arg21 : memref<!tpu.dma_semaphore, #tpu.memory_space<semaphore_mem>>)
    %dma_wait3A = arith.constant 0 : i32
    %dma_wait3A_70 = arith.constant 0 : i32
    %dma_wait3A_71 = tpu.memref_slice %arg8[%dma_wait3A, %dma_wait3A_70] : memref<8x64xi32, #tpu.memory_space<vmem>> -> memref<1x64xi32, #tpu.memory_space<vmem>>
    %dma_wait3A_72 = tpu.memref_squeeze %dma_wait3A_71 : memref<1x64xi32, #tpu.memory_space<vmem>> -> memref<64xi32, #tpu.memory_space<vmem>>
    %dma_wait3A_73 = arith.constant 0 : i32
    %dma_wait3A_74 = tpu.memref_slice %arg4[%dma_wait3A_73] : memref<327680xi32, #tpu.memory_space<hbm>> -> memref<64xi32, #tpu.memory_space<hbm>>
    %dma_wait3A_75 = arith.constant 0 : i32
    %dma_wait3A_76 = tpu.memref_slice %arg8[%dma_wait3A, %dma_wait3A_75] : memref<8x64xi32, #tpu.memory_space<vmem>> -> memref<1x64xi32, #tpu.memory_space<vmem>>
    %dma_wait3A_77 = tpu.memref_squeeze %dma_wait3A_76 : memref<1x64xi32, #tpu.memory_space<vmem>> -> memref<64xi32, #tpu.memory_space<vmem>>
    %dma_wait3A_78 = arith.constant 0 : i32
    %dma_wait3A_79 = tpu.memref_slice %arg4[%dma_wait3A_78] : memref<327680xi32, #tpu.memory_space<hbm>> -> memref<64xi32, #tpu.memory_space<hbm>>
    tpu.wait_dma2 semaphore(%arg19 : memref<!tpu.dma_semaphore, #tpu.memory_space<semaphore_mem>>) src(%dma_wait3A_79 : memref<64xi32, #tpu.memory_space<hbm>>) dst(%dma_wait3A_77 : memref<64xi32, #tpu.memory_space<vmem>>)
    %dma_wait3A_80 = arith.constant 0 : i32
    %dma_wait3A_81 = arith.constant 0 : i32
    %dma_wait3A_82 = tpu.memref_slice %arg9[%dma_wait3A_80, %dma_wait3A_81] : memref<8x64xi32, #tpu.memory_space<vmem>> -> memref<1x64xi32, #tpu.memory_space<vmem>>
    %dma_wait3A_83 = tpu.memref_squeeze %dma_wait3A_82 : memref<1x64xi32, #tpu.memory_space<vmem>> -> memref<64xi32, #tpu.memory_space<vmem>>
    %dma_wait3A_84 = arith.constant 0 : i32
    %dma_wait3A_85 = tpu.memref_slice %arg5[%dma_wait3A_84] : memref<327680xi32, #tpu.memory_space<hbm>> -> memref<64xi32, #tpu.memory_space<hbm>>
    %dma_wait3A_86 = arith.constant 0 : i32
    %dma_wait3A_87 = tpu.memref_slice %arg9[%dma_wait3A_80, %dma_wait3A_86] : memref<8x64xi32, #tpu.memory_space<vmem>> -> memref<1x64xi32, #tpu.memory_space<vmem>>
    %dma_wait3A_88 = tpu.memref_squeeze %dma_wait3A_87 : memref<1x64xi32, #tpu.memory_space<vmem>> -> memref<64xi32, #tpu.memory_space<vmem>>
    %dma_wait3A_89 = arith.constant 0 : i32
    %dma_wait3A_90 = tpu.memref_slice %arg5[%dma_wait3A_89] : memref<327680xi32, #tpu.memory_space<hbm>> -> memref<64xi32, #tpu.memory_space<hbm>>
    tpu.wait_dma2 semaphore(%arg19 : memref<!tpu.dma_semaphore, #tpu.memory_space<semaphore_mem>>) src(%dma_wait3A_90 : memref<64xi32, #tpu.memory_space<hbm>>) dst(%dma_wait3A_88 : memref<64xi32, #tpu.memory_space<vmem>>)
    %dma_start3A_91 = arith.constant 0 : i32
    %dma_start3A_92 = arith.constant 0 : i32
    %dma_start3A_93 = tpu.memref_slice %arg8[%dma_start3A_91, %dma_start3A_92] : memref<8x64xi32, #tpu.memory_space<vmem>> -> memref<1x64xi32, #tpu.memory_space<vmem>>
    %dma_start3A_94 = tpu.memref_squeeze %dma_start3A_93 : memref<1x64xi32, #tpu.memory_space<vmem>> -> memref<64xi32, #tpu.memory_space<vmem>>
    %dma_start3A_95 = arith.constant 0 : i32
    %dma_start3A_96 = arith.constant 0 : i32
    %dma_start3A_97 = tpu.memref_slice %arg2[%dma_start3A_95, %dma_start3A_96] : memref<10000x128xf32, #tpu.memory_space<hbm>> -> memref<10000x128xf32, #tpu.memory_space<hbm>>
    tpu.enqueue_indirect_dma source(%dma_start3A_97 : memref<10000x128xf32, #tpu.memory_space<hbm>>) target(%arg10 : memref<64x128xf32, #tpu.memory_space<vmem>>) offsets(%dma_start3A_94 : memref<64xi32, #tpu.memory_space<vmem>>) semaphore(%arg27 : memref<!tpu.dma_semaphore, #tpu.memory_space<semaphore_mem>>)
    %mul3A_98 = arith.constant 160 : i32
    %mul3A_99 = arith.muli %add3A, %mul3A_98 : i32
    %add3A_100 = arith.constant 0 : i32
    %add3A_101 = arith.addi %mul3A_99, %add3A_100 : i32
    %dma_start3A_102 = arith.constant 0 : i32
    %dma_start3A_103 = arith.constant 0 : i32
    %dma_start3A_104 = tpu.memref_slice %arg3[%add3A_101, %dma_start3A_102, %dma_start3A_103] : memref<5120x4x128xf32, #tpu.memory_space<hbm>> -> memref<1x4x128xf32, #tpu.memory_space<hbm>>
    %dma_start3A_105 = tpu.memref_squeeze %dma_start3A_104 : memref<1x4x128xf32, #tpu.memory_space<hbm>> -> memref<4x128xf32, #tpu.memory_space<hbm>>
    %dma_start3A_106 = arith.constant 0 : i32
    %dma_start3A_107 = arith.constant 0 : i32
    %dma_start3A_108 = tpu.memref_slice %arg3[%add3A_101, %dma_start3A_106, %dma_start3A_107] : memref<5120x4x128xf32, #tpu.memory_space<hbm>> -> memref<1x4x128xf32, #tpu.memory_space<hbm>>
    %dma_start3A_109 = tpu.memref_squeeze %dma_start3A_108 : memref<1x4x128xf32, #tpu.memory_space<hbm>> -> memref<4x128xf32, #tpu.memory_space<hbm>>
    tpu.enqueue_dma source(%dma_start3A_109 : memref<4x128xf32, #tpu.memory_space<hbm>>) target(%arg14 : memref<4x128xf32, #tpu.memory_space<vmem>>) target_semaphore(%arg27 : memref<!tpu.dma_semaphore, #tpu.memory_space<semaphore_mem>>)
    %barrier3A = arith.constant 0 : index
    tpu.barrier barrier_id(%barrier3A)
    %scan3A = arith.constant 0 : i32
    %scan3A_110 = arith.constant 0 : i32
    %scan3A_111 = arith.constant 20 : i32
    %scan3A_112 = arith.addi %scan3A_110, %scan3A_111 : i32
    %scan3A_113 = arith.constant 1 : i32
    scf.for %scan3A_153 = %scan3A_110 to %scan3A_112 step %scan3A_113  : i32 {
      %mul3A_154 = arith.constant 8 : i32
      %mul3A_155 = arith.muli %scan3A_153, %mul3A_154 : i32
      %add3A_156 = arith.constant 0 : i32
      %add3A_157 = arith.addi %mul3A_155, %add3A_156 : i32
      %add3A_158 = arith.constant 3 : i32
      %add3A_159 = arith.addi %add3A_157, %add3A_158 : i32
      %lt3A = arith.constant 160 : i32
      %lt3A_160 = arith.cmpi slt, %add3A_159, %lt3A : i32
      %convert_element_type3A_161 = arith.extui %lt3A_160 : i1 to i32
      %cond3A_162 = arith.constant 0 : i32
      %cond3A_163 = arith.cmpi ne, %convert_element_type3A_161, %cond3A_162 : i32
      scf.if %cond3A_163 {
        %add3A_663 = arith.constant 3 : i32
        %add3A_664 = arith.addi %add3A_157, %add3A_663 : i32
        %mul3A_665 = arith.constant 64 : i32
        %mul3A_666 = arith.muli %add3A_664, %mul3A_665 : i32
        %add3A_667 = arith.addi %mul3A_4, %mul3A_666 : i32
        %dma_start3A_668 = arith.constant 3 : i32
        %dma_start3A_669 = arith.constant 0 : i32
        %dma_start3A_670 = tpu.memref_slice %arg8[%dma_start3A_668, %dma_start3A_669] : memref<8x64xi32, #tpu.memory_space<vmem>> -> memref<1x64xi32, #tpu.memory_space<vmem>>
        %dma_start3A_671 = tpu.memref_squeeze %dma_start3A_670 : memref<1x64xi32, #tpu.memory_space<vmem>> -> memref<64xi32, #tpu.memory_space<vmem>>
        %dma_start3A_672 = tpu.memref_slice %arg4[%add3A_667] : memref<327680xi32, #tpu.memory_space<hbm>> -> memref<64xi32, #tpu.memory_space<hbm>>
        %dma_start3A_673 = arith.constant 0 : i32
        %dma_start3A_674 = tpu.memref_slice %arg8[%dma_start3A_668, %dma_start3A_673] : memref<8x64xi32, #tpu.memory_space<vmem>> -> memref<1x64xi32, #tpu.memory_space<vmem>>
        %dma_start3A_675 = tpu.memref_squeeze %dma_start3A_674 : memref<1x64xi32, #tpu.memory_space<vmem>> -> memref<64xi32, #tpu.memory_space<vmem>>
        %dma_start3A_676 = tpu.memref_slice %arg4[%add3A_667] : memref<327680xi32, #tpu.memory_space<hbm>> -> memref<64xi32, #tpu.memory_space<hbm>>
        tpu.enqueue_dma source(%dma_start3A_676 : memref<64xi32, #tpu.memory_space<hbm>>) target(%dma_start3A_675 : memref<64xi32, #tpu.memory_space<vmem>>) target_semaphore(%arg22 : memref<!tpu.dma_semaphore, #tpu.memory_space<semaphore_mem>>)
        %dma_start3A_677 = arith.constant 3 : i32
        %dma_start3A_678 = arith.constant 0 : i32
        %dma_start3A_679 = tpu.memref_slice %arg9[%dma_start3A_677, %dma_start3A_678] : memref<8x64xi32, #tpu.memory_space<vmem>> -> memref<1x64xi32, #tpu.memory_space<vmem>>
        %dma_start3A_680 = tpu.memref_squeeze %dma_start3A_679 : memref<1x64xi32, #tpu.memory_space<vmem>> -> memref<64xi32, #tpu.memory_space<vmem>>
        %dma_start3A_681 = tpu.memref_slice %arg5[%add3A_667] : memref<327680xi32, #tpu.memory_space<hbm>> -> memref<64xi32, #tpu.memory_space<hbm>>
        %dma_start3A_682 = arith.constant 0 : i32
        %dma_start3A_683 = tpu.memref_slice %arg9[%dma_start3A_677, %dma_start3A_682] : memref<8x64xi32, #tpu.memory_space<vmem>> -> memref<1x64xi32, #tpu.memory_space<vmem>>
        %dma_start3A_684 = tpu.memref_squeeze %dma_start3A_683 : memref<1x64xi32, #tpu.memory_space<vmem>> -> memref<64xi32, #tpu.memory_space<vmem>>
        %dma_start3A_685 = tpu.memref_slice %arg5[%add3A_667] : memref<327680xi32, #tpu.memory_space<hbm>> -> memref<64xi32, #tpu.memory_space<hbm>>
        tpu.enqueue_dma source(%dma_start3A_685 : memref<64xi32, #tpu.memory_space<hbm>>) target(%dma_start3A_684 : memref<64xi32, #tpu.memory_space<vmem>>) target_semaphore(%arg22 : memref<!tpu.dma_semaphore, #tpu.memory_space<semaphore_mem>>)
      } else {
      }
      %add3A_164 = arith.constant 1 : i32
      %add3A_165 = arith.addi %add3A_157, %add3A_164 : i32
      %lt3A_166 = arith.constant 160 : i32
      %lt3A_167 = arith.cmpi slt, %add3A_165, %lt3A_166 : i32
      %convert_element_type3A_168 = arith.extui %lt3A_167 : i1 to i32
      %cond3A_169 = arith.constant 0 : i32
      %cond3A_170 = arith.cmpi ne, %convert_element_type3A_168, %cond3A_169 : i32
      scf.if %cond3A_170 {
        %dma_wait3A_663 = arith.constant 1 : i32
        %dma_wait3A_664 = arith.constant 0 : i32
        %dma_wait3A_665 = tpu.memref_slice %arg8[%dma_wait3A_663, %dma_wait3A_664] : memref<8x64xi32, #tpu.memory_space<vmem>> -> memref<1x64xi32, #tpu.memory_space<vmem>>
        %dma_wait3A_666 = tpu.memref_squeeze %dma_wait3A_665 : memref<1x64xi32, #tpu.memory_space<vmem>> -> memref<64xi32, #tpu.memory_space<vmem>>
        %dma_wait3A_667 = arith.constant 0 : i32
        %dma_wait3A_668 = tpu.memref_slice %arg4[%dma_wait3A_667] : memref<327680xi32, #tpu.memory_space<hbm>> -> memref<64xi32, #tpu.memory_space<hbm>>
        %dma_wait3A_669 = arith.constant 0 : i32
        %dma_wait3A_670 = tpu.memref_slice %arg8[%dma_wait3A_663, %dma_wait3A_669] : memref<8x64xi32, #tpu.memory_space<vmem>> -> memref<1x64xi32, #tpu.memory_space<vmem>>
        %dma_wait3A_671 = tpu.memref_squeeze %dma_wait3A_670 : memref<1x64xi32, #tpu.memory_space<vmem>> -> memref<64xi32, #tpu.memory_space<vmem>>
        %dma_wait3A_672 = arith.constant 0 : i32
        %dma_wait3A_673 = tpu.memref_slice %arg4[%dma_wait3A_672] : memref<327680xi32, #tpu.memory_space<hbm>> -> memref<64xi32, #tpu.memory_space<hbm>>
        tpu.wait_dma2 semaphore(%arg20 : memref<!tpu.dma_semaphore, #tpu.memory_space<semaphore_mem>>) src(%dma_wait3A_673 : memref<64xi32, #tpu.memory_space<hbm>>) dst(%dma_wait3A_671 : memref<64xi32, #tpu.memory_space<vmem>>)
        %dma_wait3A_674 = arith.constant 1 : i32
        %dma_wait3A_675 = arith.constant 0 : i32
        %dma_wait3A_676 = tpu.memref_slice %arg9[%dma_wait3A_674, %dma_wait3A_675] : memref<8x64xi32, #tpu.memory_space<vmem>> -> memref<1x64xi32, #tpu.memory_space<vmem>>
        %dma_wait3A_677 = tpu.memref_squeeze %dma_wait3A_676 : memref<1x64xi32, #tpu.memory_space<vmem>> -> memref<64xi32, #tpu.memory_space<vmem>>
        %dma_wait3A_678 = arith.constant 0 : i32
        %dma_wait3A_679 = tpu.memref_slice %arg5[%dma_wait3A_678] : memref<327680xi32, #tpu.memory_space<hbm>> -> memref<64xi32, #tpu.memory_space<hbm>>
        %dma_wait3A_680 = arith.constant 0 : i32
        %dma_wait3A_681 = tpu.memref_slice %arg9[%dma_wait3A_674, %dma_wait3A_680] : memref<8x64xi32, #tpu.memory_space<vmem>> -> memref<1x64xi32, #tpu.memory_space<vmem>>
        %dma_wait3A_682 = tpu.memref_squeeze %dma_wait3A_681 : memref<1x64xi32, #tpu.memory_space<vmem>> -> memref<64xi32, #tpu.memory_space<vmem>>
        %dma_wait3A_683 = arith.constant 0 : i32
        %dma_wait3A_684 = tpu.memref_slice %arg5[%dma_wait3A_683] : memref<327680xi32, #tpu.memory_space<hbm>> -> memref<64xi32, #tpu.memory_space<hbm>>
        tpu.wait_dma2 semaphore(%arg20 : memref<!tpu.dma_semaphore, #tpu.memory_space<semaphore_mem>>) src(%dma_wait3A_684 : memref<64xi32, #tpu.memory_space<hbm>>) dst(%dma_wait3A_682 : memref<64xi32, #tpu.memory_space<vmem>>)
        %add3A_685 = arith.constant 1 : i32
        %add3A_686 = arith.addi %add3A_157, %add3A_685 : i32
        %ge3A = arith.constant 4 : i32
        %ge3A_687 = arith.cmpi sge, %add3A_686, %ge3A : i32
        %convert_element_type3A_688 = arith.extui %ge3A_687 : i1 to i32
        %cond3A_689 = arith.constant 0 : i32
        %cond3A_690 = arith.cmpi ne, %convert_element_type3A_688, %cond3A_689 : i32
        scf.if %cond3A_690 {
          %dma_wait3A_711 = arith.constant 0 : i32
          %dma_wait3A_712 = arith.constant 0 : i32
          %dma_wait3A_713 = tpu.memref_slice %arg9[%dma_wait3A_711, %dma_wait3A_712] : memref<8x64xi32, #tpu.memory_space<vmem>> -> memref<1x64xi32, #tpu.memory_space<vmem>>
          %dma_wait3A_714 = tpu.memref_squeeze %dma_wait3A_713 : memref<1x64xi32, #tpu.memory_space<vmem>> -> memref<64xi32, #tpu.memory_space<vmem>>
          %dma_wait3A_715 = arith.constant 0 : i32
          %dma_wait3A_716 = arith.constant 0 : i32
          %dma_wait3A_717 = tpu.memref_slice %arg18[%dma_wait3A_715, %dma_wait3A_716] : memref<10000x128xf32, #tpu.memory_space<vmem_shared>> -> memref<10000x128xf32, #tpu.memory_space<vmem_shared>>
          tpu.wait_indirect_dma semaphore(%arg32 : memref<!tpu.dma_semaphore, #tpu.memory_space<semaphore_mem>>) src(%arg11 : memref<64x128xf32, #tpu.memory_space<vmem>>) dst(%dma_wait3A_717 : memref<10000x128xf32, #tpu.memory_space<vmem_shared>>)
        } else {
        }
        %add3A_691 = arith.constant 1 : i32
        %add3A_692 = arith.addi %add3A_157, %add3A_691 : i32
        %dma_start3A_693 = arith.constant 1 : i32
        %dma_start3A_694 = arith.constant 0 : i32
        %dma_start3A_695 = tpu.memref_slice %arg8[%dma_start3A_693, %dma_start3A_694] : memref<8x64xi32, #tpu.memory_space<vmem>> -> memref<1x64xi32, #tpu.memory_space<vmem>>
        %dma_start3A_696 = tpu.memref_squeeze %dma_start3A_695 : memref<1x64xi32, #tpu.memory_space<vmem>> -> memref<64xi32, #tpu.memory_space<vmem>>
        %dma_start3A_697 = arith.constant 0 : i32
        %dma_start3A_698 = arith.constant 0 : i32
        %dma_start3A_699 = tpu.memref_slice %arg2[%dma_start3A_697, %dma_start3A_698] : memref<10000x128xf32, #tpu.memory_space<hbm>> -> memref<10000x128xf32, #tpu.memory_space<hbm>>
        tpu.enqueue_indirect_dma source(%dma_start3A_699 : memref<10000x128xf32, #tpu.memory_space<hbm>>) target(%arg11 : memref<64x128xf32, #tpu.memory_space<vmem>>) offsets(%dma_start3A_696 : memref<64xi32, #tpu.memory_space<vmem>>) semaphore(%arg28 : memref<!tpu.dma_semaphore, #tpu.memory_space<semaphore_mem>>)
        %mul3A_700 = arith.constant 160 : i32
        %mul3A_701 = arith.muli %add3A, %mul3A_700 : i32
        %add3A_702 = arith.addi %mul3A_701, %add3A_692 : i32
        %dma_start3A_703 = arith.constant 0 : i32
        %dma_start3A_704 = arith.constant 0 : i32
        %dma_start3A_705 = tpu.memref_slice %arg3[%add3A_702, %dma_start3A_703, %dma_start3A_704] : memref<5120x4x128xf32, #tpu.memory_space<hbm>> -> memref<1x4x128xf32, #tpu.memory_space<hbm>>
        %dma_start3A_706 = tpu.memref_squeeze %dma_start3A_705 : memref<1x4x128xf32, #tpu.memory_space<hbm>> -> memref<4x128xf32, #tpu.memory_space<hbm>>
        %dma_start3A_707 = arith.constant 0 : i32
        %dma_start3A_708 = arith.constant 0 : i32
        %dma_start3A_709 = tpu.memref_slice %arg3[%add3A_702, %dma_start3A_707, %dma_start3A_708] : memref<5120x4x128xf32, #tpu.memory_space<hbm>> -> memref<1x4x128xf32, #tpu.memory_space<hbm>>
        %dma_start3A_710 = tpu.memref_squeeze %dma_start3A_709 : memref<1x4x128xf32, #tpu.memory_space<hbm>> -> memref<4x128xf32, #tpu.memory_space<hbm>>
        tpu.enqueue_dma source(%dma_start3A_710 : memref<4x128xf32, #tpu.memory_space<hbm>>) target(%arg15 : memref<4x128xf32, #tpu.memory_space<vmem>>) target_semaphore(%arg28 : memref<!tpu.dma_semaphore, #tpu.memory_space<semaphore_mem>>)
      } else {
      }
      %dma_wait3A_171 = arith.constant 0 : i32
      %dma_wait3A_172 = arith.constant 0 : i32
      %dma_wait3A_173 = tpu.memref_slice %arg8[%dma_wait3A_171, %dma_wait3A_172] : memref<8x64xi32, #tpu.memory_space<vmem>> -> memref<1x64xi32, #tpu.memory_space<vmem>>
      %dma_wait3A_174 = tpu.memref_squeeze %dma_wait3A_173 : memref<1x64xi32, #tpu.memory_space<vmem>> -> memref<64xi32, #tpu.memory_space<vmem>>
      %dma_wait3A_175 = arith.constant 0 : i32
      %dma_wait3A_176 = arith.constant 0 : i32
      %dma_wait3A_177 = tpu.memref_slice %arg2[%dma_wait3A_175, %dma_wait3A_176] : memref<10000x128xf32, #tpu.memory_space<hbm>> -> memref<10000x128xf32, #tpu.memory_space<hbm>>
      tpu.wait_indirect_dma semaphore(%arg27 : memref<!tpu.dma_semaphore, #tpu.memory_space<semaphore_mem>>) src(%dma_wait3A_177 : memref<10000x128xf32, #tpu.memory_space<hbm>>) dst(%arg10 : memref<64x128xf32, #tpu.memory_space<vmem>>)
      %dma_wait3A_178 = arith.constant 0 : i32
      %dma_wait3A_179 = arith.constant 0 : i32
      %dma_wait3A_180 = arith.constant 0 : i32
      %dma_wait3A_181 = tpu.memref_slice %arg3[%dma_wait3A_178, %dma_wait3A_179, %dma_wait3A_180] : memref<5120x4x128xf32, #tpu.memory_space<hbm>> -> memref<1x4x128xf32, #tpu.memory_space<hbm>>
      %dma_wait3A_182 = tpu.memref_squeeze %dma_wait3A_181 : memref<1x4x128xf32, #tpu.memory_space<hbm>> -> memref<4x128xf32, #tpu.memory_space<hbm>>
      %dma_wait3A_183 = arith.constant 0 : i32
      %dma_wait3A_184 = arith.constant 0 : i32
      %dma_wait3A_185 = tpu.memref_slice %arg3[%dma_wait3A_178, %dma_wait3A_183, %dma_wait3A_184] : memref<5120x4x128xf32, #tpu.memory_space<hbm>> -> memref<1x4x128xf32, #tpu.memory_space<hbm>>
      %dma_wait3A_186 = tpu.memref_squeeze %dma_wait3A_185 : memref<1x4x128xf32, #tpu.memory_space<hbm>> -> memref<4x128xf32, #tpu.memory_space<hbm>>
      tpu.wait_dma2 semaphore(%arg27 : memref<!tpu.dma_semaphore, #tpu.memory_space<semaphore_mem>>) src(%dma_wait3A_186 : memref<4x128xf32, #tpu.memory_space<hbm>>) dst(%arg14 : memref<4x128xf32, #tpu.memory_space<vmem>>)
      %iota3A = tpu.iota {dimensions = array<i32: 0>} : vector<16xi32>
      %broadcast_in_dim3A = arith.constant 0 : i32
      %broadcast_in_dim3A_187 = vector.broadcast %broadcast_in_dim3A : i32 to vector<16xi32>
      %broadcast_in_dim3A_188 = arith.constant 1 : i32
      %broadcast_in_dim3A_189 = vector.broadcast %broadcast_in_dim3A_188 : i32 to vector<16xi32>
      %broadcast_in_dim3A_190 = arith.constant 2 : i32
      %broadcast_in_dim3A_191 = vector.broadcast %broadcast_in_dim3A_190 : i32 to vector<16xi32>
      %broadcast_in_dim3A_192 = arith.constant 3 : i32
      %broadcast_in_dim3A_193 = vector.broadcast %broadcast_in_dim3A_192 : i32 to vector<16xi32>
      %broadcast_in_dim3A_194 = arith.constant 4 : i32
      %broadcast_in_dim3A_195 = vector.broadcast %broadcast_in_dim3A_194 : i32 to vector<16xi32>
      %broadcast_in_dim3A_196 = arith.constant 5 : i32
      %broadcast_in_dim3A_197 = vector.broadcast %broadcast_in_dim3A_196 : i32 to vector<16xi32>
      %broadcast_in_dim3A_198 = arith.constant 6 : i32
      %broadcast_in_dim3A_199 = vector.broadcast %broadcast_in_dim3A_198 : i32 to vector<16xi32>
      %broadcast_in_dim3A_200 = arith.constant 7 : i32
      %broadcast_in_dim3A_201 = vector.broadcast %broadcast_in_dim3A_200 : i32 to vector<16xi32>
      %scan3A_202 = arith.constant 0 : i32
      %scan3A_203 = arith.constant 0 : i32
      %scan3A_204 = arith.constant 64 : i32
      %scan3A_205 = arith.addi %scan3A_203, %scan3A_204 : i32
      %scan3A_206 = arith.constant 1 : i32
      scf.for %scan3A_663 = %scan3A_203 to %scan3A_205 step %scan3A_206  : i32 {
        %broadcast_in_dim3A_664 = vector.broadcast %scan3A_663 : i32 to vector<16xi32>
        %add3A_665 = arith.constant 0 : i32
        %add3A_666 = vector.broadcast %add3A_665 : i32 to vector<16xi32>
        %add3A_667 = arith.addi %iota3A, %add3A_666 : vector<16xi32>
        %add3A_668 = arith.constant 0 : i32
        %add3A_669 = vector.broadcast %add3A_668 : i32 to vector<16xi32>
        %add3A_670 = arith.addi %broadcast_in_dim3A_664, %add3A_669 : vector<16xi32>
        %gather3A = tpu.vector_load_idx %arg14[%broadcast_in_dim3A_187, %add3A_670] : memref<4x128xf32, #tpu.memory_space<vmem>>[vector<16xi32>, vector<16xi32>], vector<16xf32>,
        %gather3A_671 = tpu.vector_load_idx %arg10[%broadcast_in_dim3A_664, %add3A_667] : memref<64x128xf32, #tpu.memory_space<vmem>>[vector<16xi32>, vector<16xi32>], vector<16xf32>,
        %mul3A_672 = arith.mulf %gather3A_671, %gather3A : vector<16xf32>
        tpu.vector_store_idx %arg10[%broadcast_in_dim3A_664, %add3A_667], %mul3A_672 : memref<64x128xf32, #tpu.memory_space<vmem>>[vector<16xi32>, vector<16xi32>], vector<16xf32>,
        %add3A_673 = arith.constant 16 : i32
        %add3A_674 = vector.broadcast %add3A_673 : i32 to vector<16xi32>
        %add3A_675 = arith.addi %iota3A, %add3A_674 : vector<16xi32>
        %add3A_676 = arith.constant 64 : i32
        %add3A_677 = vector.broadcast %add3A_676 : i32 to vector<16xi32>
        %add3A_678 = arith.addi %broadcast_in_dim3A_664, %add3A_677 : vector<16xi32>
        %gather3A_679 = tpu.vector_load_idx %arg14[%broadcast_in_dim3A_187, %add3A_678] : memref<4x128xf32, #tpu.memory_space<vmem>>[vector<16xi32>, vector<16xi32>], vector<16xf32>,
        %gather3A_680 = tpu.vector_load_idx %arg10[%broadcast_in_dim3A_664, %add3A_675] : memref<64x128xf32, #tpu.memory_space<vmem>>[vector<16xi32>, vector<16xi32>], vector<16xf32>,
        %mul3A_681 = arith.mulf %gather3A_680, %gather3A_679 : vector<16xf32>
        tpu.vector_store_idx %arg10[%broadcast_in_dim3A_664, %add3A_675], %mul3A_681 : memref<64x128xf32, #tpu.memory_space<vmem>>[vector<16xi32>, vector<16xi32>], vector<16xf32>,
        %add3A_682 = arith.constant 32 : i32
        %add3A_683 = vector.broadcast %add3A_682 : i32 to vector<16xi32>
        %add3A_684 = arith.addi %iota3A, %add3A_683 : vector<16xi32>
        %add3A_685 = arith.constant 0 : i32
        %add3A_686 = vector.broadcast %add3A_685 : i32 to vector<16xi32>
        %add3A_687 = arith.addi %broadcast_in_dim3A_664, %add3A_686 : vector<16xi32>
        %gather3A_688 = tpu.vector_load_idx %arg14[%broadcast_in_dim3A_189, %add3A_687] : memref<4x128xf32, #tpu.memory_space<vmem>>[vector<16xi32>, vector<16xi32>], vector<16xf32>,
        %gather3A_689 = tpu.vector_load_idx %arg10[%broadcast_in_dim3A_664, %add3A_684] : memref<64x128xf32, #tpu.memory_space<vmem>>[vector<16xi32>, vector<16xi32>], vector<16xf32>,
        %mul3A_690 = arith.mulf %gather3A_689, %gather3A_688 : vector<16xf32>
        tpu.vector_store_idx %arg10[%broadcast_in_dim3A_664, %add3A_684], %mul3A_690 : memref<64x128xf32, #tpu.memory_space<vmem>>[vector<16xi32>, vector<16xi32>], vector<16xf32>,
        %add3A_691 = arith.constant 48 : i32
        %add3A_692 = vector.broadcast %add3A_691 : i32 to vector<16xi32>
        %add3A_693 = arith.addi %iota3A, %add3A_692 : vector<16xi32>
        %add3A_694 = arith.constant 64 : i32
        %add3A_695 = vector.broadcast %add3A_694 : i32 to vector<16xi32>
        %add3A_696 = arith.addi %broadcast_in_dim3A_664, %add3A_695 : vector<16xi32>
        %gather3A_697 = tpu.vector_load_idx %arg14[%broadcast_in_dim3A_189, %add3A_696] : memref<4x128xf32, #tpu.memory_space<vmem>>[vector<16xi32>, vector<16xi32>], vector<16xf32>,
        %gather3A_698 = tpu.vector_load_idx %arg10[%broadcast_in_dim3A_664, %add3A_693] : memref<64x128xf32, #tpu.memory_space<vmem>>[vector<16xi32>, vector<16xi32>], vector<16xf32>,
        %mul3A_699 = arith.mulf %gather3A_698, %gather3A_697 : vector<16xf32>
        tpu.vector_store_idx %arg10[%broadcast_in_dim3A_664, %add3A_693], %mul3A_699 : memref<64x128xf32, #tpu.memory_space<vmem>>[vector<16xi32>, vector<16xi32>], vector<16xf32>,
        %add3A_700 = arith.constant 64 : i32
        %add3A_701 = vector.broadcast %add3A_700 : i32 to vector<16xi32>
        %add3A_702 = arith.addi %iota3A, %add3A_701 : vector<16xi32>
        %add3A_703 = arith.constant 0 : i32
        %add3A_704 = vector.broadcast %add3A_703 : i32 to vector<16xi32>
        %add3A_705 = arith.addi %broadcast_in_dim3A_664, %add3A_704 : vector<16xi32>
        %gather3A_706 = tpu.vector_load_idx %arg14[%broadcast_in_dim3A_191, %add3A_705] : memref<4x128xf32, #tpu.memory_space<vmem>>[vector<16xi32>, vector<16xi32>], vector<16xf32>,
        %gather3A_707 = tpu.vector_load_idx %arg10[%broadcast_in_dim3A_664, %add3A_702] : memref<64x128xf32, #tpu.memory_space<vmem>>[vector<16xi32>, vector<16xi32>], vector<16xf32>,
        %mul3A_708 = arith.mulf %gather3A_707, %gather3A_706 : vector<16xf32>
        tpu.vector_store_idx %arg10[%broadcast_in_dim3A_664, %add3A_702], %mul3A_708 : memref<64x128xf32, #tpu.memory_space<vmem>>[vector<16xi32>, vector<16xi32>], vector<16xf32>,
        %add3A_709 = arith.constant 80 : i32
        %add3A_710 = vector.broadcast %add3A_709 : i32 to vector<16xi32>
        %add3A_711 = arith.addi %iota3A, %add3A_710 : vector<16xi32>
        %add3A_712 = arith.constant 64 : i32
        %add3A_713 = vector.broadcast %add3A_712 : i32 to vector<16xi32>
        %add3A_714 = arith.addi %broadcast_in_dim3A_664, %add3A_713 : vector<16xi32>
        %gather3A_715 = tpu.vector_load_idx %arg14[%broadcast_in_dim3A_191, %add3A_714] : memref<4x128xf32, #tpu.memory_space<vmem>>[vector<16xi32>, vector<16xi32>], vector<16xf32>,
        %gather3A_716 = tpu.vector_load_idx %arg10[%broadcast_in_dim3A_664, %add3A_711] : memref<64x128xf32, #tpu.memory_space<vmem>>[vector<16xi32>, vector<16xi32>], vector<16xf32>,
        %mul3A_717 = arith.mulf %gather3A_716, %gather3A_715 : vector<16xf32>
        tpu.vector_store_idx %arg10[%broadcast_in_dim3A_664, %add3A_711], %mul3A_717 : memref<64x128xf32, #tpu.memory_space<vmem>>[vector<16xi32>, vector<16xi32>], vector<16xf32>,
        %add3A_718 = arith.constant 96 : i32
        %add3A_719 = vector.broadcast %add3A_718 : i32 to vector<16xi32>
        %add3A_720 = arith.addi %iota3A, %add3A_719 : vector<16xi32>
        %add3A_721 = arith.constant 0 : i32
        %add3A_722 = vector.broadcast %add3A_721 : i32 to vector<16xi32>
        %add3A_723 = arith.addi %broadcast_in_dim3A_664, %add3A_722 : vector<16xi32>
        %gather3A_724 = tpu.vector_load_idx %arg14[%broadcast_in_dim3A_193, %add3A_723] : memref<4x128xf32, #tpu.memory_space<vmem>>[vector<16xi32>, vector<16xi32>], vector<16xf32>,
        %gather3A_725 = tpu.vector_load_idx %arg10[%broadcast_in_dim3A_664, %add3A_720] : memref<64x128xf32, #tpu.memory_space<vmem>>[vector<16xi32>, vector<16xi32>], vector<16xf32>,
        %mul3A_726 = arith.mulf %gather3A_725, %gather3A_724 : vector<16xf32>
        tpu.vector_store_idx %arg10[%broadcast_in_dim3A_664, %add3A_720], %mul3A_726 : memref<64x128xf32, #tpu.memory_space<vmem>>[vector<16xi32>, vector<16xi32>], vector<16xf32>,
        %add3A_727 = arith.constant 112 : i32
        %add3A_728 = vector.broadcast %add3A_727 : i32 to vector<16xi32>
        %add3A_729 = arith.addi %iota3A, %add3A_728 : vector<16xi32>
        %add3A_730 = arith.constant 64 : i32
        %add3A_731 = vector.broadcast %add3A_730 : i32 to vector<16xi32>
        %add3A_732 = arith.addi %broadcast_in_dim3A_664, %add3A_731 : vector<16xi32>
        %gather3A_733 = tpu.vector_load_idx %arg14[%broadcast_in_dim3A_193, %add3A_732] : memref<4x128xf32, #tpu.memory_space<vmem>>[vector<16xi32>, vector<16xi32>], vector<16xf32>,
        %gather3A_734 = tpu.vector_load_idx %arg10[%broadcast_in_dim3A_664, %add3A_729] : memref<64x128xf32, #tpu.memory_space<vmem>>[vector<16xi32>, vector<16xi32>], vector<16xf32>,
        %mul3A_735 = arith.mulf %gather3A_734, %gather3A_733 : vector<16xf32>
        tpu.vector_store_idx %arg10[%broadcast_in_dim3A_664, %add3A_729], %mul3A_735 : memref<64x128xf32, #tpu.memory_space<vmem>>[vector<16xi32>, vector<16xi32>], vector<16xf32>,
      }
      %scan3A_207 = arith.constant 64 : i32
      %dma_start3A_208 = arith.constant 0 : i32
      %dma_start3A_209 = arith.constant 0 : i32
      %dma_start3A_210 = tpu.memref_slice %arg9[%dma_start3A_208, %dma_start3A_209] : memref<8x64xi32, #tpu.memory_space<vmem>> -> memref<1x64xi32, #tpu.memory_space<vmem>>
      %dma_start3A_211 = tpu.memref_squeeze %dma_start3A_210 : memref<1x64xi32, #tpu.memory_space<vmem>> -> memref<64xi32, #tpu.memory_space<vmem>>
      %dma_start3A_212 = arith.constant 0 : i32
      %dma_start3A_213 = arith.constant 0 : i32
      %dma_start3A_214 = tpu.memref_slice %arg18[%dma_start3A_212, %dma_start3A_213] : memref<10000x128xf32, #tpu.memory_space<vmem_shared>> -> memref<10000x128xf32, #tpu.memory_space<vmem_shared>>
      tpu.enqueue_indirect_dma source(%arg10 : memref<64x128xf32, #tpu.memory_space<vmem>>) target(%dma_start3A_214 : memref<10000x128xf32, #tpu.memory_space<vmem_shared>>) offsets(%dma_start3A_211 : memref<64xi32, #tpu.memory_space<vmem>>) semaphore(%arg31 : memref<!tpu.dma_semaphore, #tpu.memory_space<semaphore_mem>>) {add = true}
      %mul3A_215 = arith.constant 8 : i32
      %mul3A_216 = arith.muli %scan3A_153, %mul3A_215 : i32
      %add3A_217 = arith.constant 1 : i32
      %add3A_218 = arith.addi %mul3A_216, %add3A_217 : i32
      %add3A_219 = arith.constant 3 : i32
      %add3A_220 = arith.addi %add3A_218, %add3A_219 : i32
      %lt3A_221 = arith.constant 160 : i32
      %lt3A_222 = arith.cmpi slt, %add3A_220, %lt3A_221 : i32
      %convert_element_type3A_223 = arith.extui %lt3A_222 : i1 to i32
      %cond3A_224 = arith.constant 0 : i32
      %cond3A_225 = arith.cmpi ne, %convert_element_type3A_223, %cond3A_224 : i32
      scf.if %cond3A_225 {
        %add3A_663 = arith.constant 3 : i32
        %add3A_664 = arith.addi %add3A_218, %add3A_663 : i32
        %mul3A_665 = arith.constant 64 : i32
        %mul3A_666 = arith.muli %add3A_664, %mul3A_665 : i32
        %add3A_667 = arith.addi %mul3A_4, %mul3A_666 : i32
        %dma_start3A_668 = arith.constant 4 : i32
        %dma_start3A_669 = arith.constant 0 : i32
        %dma_start3A_670 = tpu.memref_slice %arg8[%dma_start3A_668, %dma_start3A_669] : memref<8x64xi32, #tpu.memory_space<vmem>> -> memref<1x64xi32, #tpu.memory_space<vmem>>
        %dma_start3A_671 = tpu.memref_squeeze %dma_start3A_670 : memref<1x64xi32, #tpu.memory_space<vmem>> -> memref<64xi32, #tpu.memory_space<vmem>>
        %dma_start3A_672 = tpu.memref_slice %arg4[%add3A_667] : memref<327680xi32, #tpu.memory_space<hbm>> -> memref<64xi32, #tpu.memory_space<hbm>>
        %dma_start3A_673 = arith.constant 0 : i32
        %dma_start3A_674 = tpu.memref_slice %arg8[%dma_start3A_668, %dma_start3A_673] : memref<8x64xi32, #tpu.memory_space<vmem>> -> memref<1x64xi32, #tpu.memory_space<vmem>>
        %dma_start3A_675 = tpu.memref_squeeze %dma_start3A_674 : memref<1x64xi32, #tpu.memory_space<vmem>> -> memref<64xi32, #tpu.memory_space<vmem>>
        %dma_start3A_676 = tpu.memref_slice %arg4[%add3A_667] : memref<327680xi32, #tpu.memory_space<hbm>> -> memref<64xi32, #tpu.memory_space<hbm>>
        tpu.enqueue_dma source(%dma_start3A_676 : memref<64xi32, #tpu.memory_space<hbm>>) target(%dma_start3A_675 : memref<64xi32, #tpu.memory_space<vmem>>) target_semaphore(%arg23 : memref<!tpu.dma_semaphore, #tpu.memory_space<semaphore_mem>>)
        %dma_start3A_677 = arith.constant 4 : i32
        %dma_start3A_678 = arith.constant 0 : i32
        %dma_start3A_679 = tpu.memref_slice %arg9[%dma_start3A_677, %dma_start3A_678] : memref<8x64xi32, #tpu.memory_space<vmem>> -> memref<1x64xi32, #tpu.memory_space<vmem>>
        %dma_start3A_680 = tpu.memref_squeeze %dma_start3A_679 : memref<1x64xi32, #tpu.memory_space<vmem>> -> memref<64xi32, #tpu.memory_space<vmem>>
        %dma_start3A_681 = tpu.memref_slice %arg5[%add3A_667] : memref<327680xi32, #tpu.memory_space<hbm>> -> memref<64xi32, #tpu.memory_space<hbm>>
        %dma_start3A_682 = arith.constant 0 : i32
        %dma_start3A_683 = tpu.memref_slice %arg9[%dma_start3A_677, %dma_start3A_682] : memref<8x64xi32, #tpu.memory_space<vmem>> -> memref<1x64xi32, #tpu.memory_space<vmem>>
        %dma_start3A_684 = tpu.memref_squeeze %dma_start3A_683 : memref<1x64xi32, #tpu.memory_space<vmem>> -> memref<64xi32, #tpu.memory_space<vmem>>
        %dma_start3A_685 = tpu.memref_slice %arg5[%add3A_667] : memref<327680xi32, #tpu.memory_space<hbm>> -> memref<64xi32, #tpu.memory_space<hbm>>
        tpu.enqueue_dma source(%dma_start3A_685 : memref<64xi32, #tpu.memory_space<hbm>>) target(%dma_start3A_684 : memref<64xi32, #tpu.memory_space<vmem>>) target_semaphore(%arg23 : memref<!tpu.dma_semaphore, #tpu.memory_space<semaphore_mem>>)
      } else {
      }
      %add3A_226 = arith.constant 1 : i32
      %add3A_227 = arith.addi %add3A_218, %add3A_226 : i32
      %lt3A_228 = arith.constant 160 : i32
      %lt3A_229 = arith.cmpi slt, %add3A_227, %lt3A_228 : i32
      %convert_element_type3A_230 = arith.extui %lt3A_229 : i1 to i32
      %cond3A_231 = arith.constant 0 : i32
      %cond3A_232 = arith.cmpi ne, %convert_element_type3A_230, %cond3A_231 : i32
      scf.if %cond3A_232 {
        %dma_wait3A_663 = arith.constant 2 : i32
        %dma_wait3A_664 = arith.constant 0 : i32
        %dma_wait3A_665 = tpu.memref_slice %arg8[%dma_wait3A_663, %dma_wait3A_664] : memref<8x64xi32, #tpu.memory_space<vmem>> -> memref<1x64xi32, #tpu.memory_space<vmem>>
        %dma_wait3A_666 = tpu.memref_squeeze %dma_wait3A_665 : memref<1x64xi32, #tpu.memory_space<vmem>> -> memref<64xi32, #tpu.memory_space<vmem>>
        %dma_wait3A_667 = arith.constant 0 : i32
        %dma_wait3A_668 = tpu.memref_slice %arg4[%dma_wait3A_667] : memref<327680xi32, #tpu.memory_space<hbm>> -> memref<64xi32, #tpu.memory_space<hbm>>
        %dma_wait3A_669 = arith.constant 0 : i32
        %dma_wait3A_670 = tpu.memref_slice %arg8[%dma_wait3A_663, %dma_wait3A_669] : memref<8x64xi32, #tpu.memory_space<vmem>> -> memref<1x64xi32, #tpu.memory_space<vmem>>
        %dma_wait3A_671 = tpu.memref_squeeze %dma_wait3A_670 : memref<1x64xi32, #tpu.memory_space<vmem>> -> memref<64xi32, #tpu.memory_space<vmem>>
        %dma_wait3A_672 = arith.constant 0 : i32
        %dma_wait3A_673 = tpu.memref_slice %arg4[%dma_wait3A_672] : memref<327680xi32, #tpu.memory_space<hbm>> -> memref<64xi32, #tpu.memory_space<hbm>>
        tpu.wait_dma2 semaphore(%arg21 : memref<!tpu.dma_semaphore, #tpu.memory_space<semaphore_mem>>) src(%dma_wait3A_673 : memref<64xi32, #tpu.memory_space<hbm>>) dst(%dma_wait3A_671 : memref<64xi32, #tpu.memory_space<vmem>>)
        %dma_wait3A_674 = arith.constant 2 : i32
        %dma_wait3A_675 = arith.constant 0 : i32
        %dma_wait3A_676 = tpu.memref_slice %arg9[%dma_wait3A_674, %dma_wait3A_675] : memref<8x64xi32, #tpu.memory_space<vmem>> -> memref<1x64xi32, #tpu.memory_space<vmem>>
        %dma_wait3A_677 = tpu.memref_squeeze %dma_wait3A_676 : memref<1x64xi32, #tpu.memory_space<vmem>> -> memref<64xi32, #tpu.memory_space<vmem>>
        %dma_wait3A_678 = arith.constant 0 : i32
        %dma_wait3A_679 = tpu.memref_slice %arg5[%dma_wait3A_678] : memref<327680xi32, #tpu.memory_space<hbm>> -> memref<64xi32, #tpu.memory_space<hbm>>
        %dma_wait3A_680 = arith.constant 0 : i32
        %dma_wait3A_681 = tpu.memref_slice %arg9[%dma_wait3A_674, %dma_wait3A_680] : memref<8x64xi32, #tpu.memory_space<vmem>> -> memref<1x64xi32, #tpu.memory_space<vmem>>
        %dma_wait3A_682 = tpu.memref_squeeze %dma_wait3A_681 : memref<1x64xi32, #tpu.memory_space<vmem>> -> memref<64xi32, #tpu.memory_space<vmem>>
        %dma_wait3A_683 = arith.constant 0 : i32
        %dma_wait3A_684 = tpu.memref_slice %arg5[%dma_wait3A_683] : memref<327680xi32, #tpu.memory_space<hbm>> -> memref<64xi32, #tpu.memory_space<hbm>>
        tpu.wait_dma2 semaphore(%arg21 : memref<!tpu.dma_semaphore, #tpu.memory_space<semaphore_mem>>) src(%dma_wait3A_684 : memref<64xi32, #tpu.memory_space<hbm>>) dst(%dma_wait3A_682 : memref<64xi32, #tpu.memory_space<vmem>>)
        %add3A_685 = arith.constant 1 : i32
        %add3A_686 = arith.addi %add3A_218, %add3A_685 : i32
        %ge3A = arith.constant 4 : i32
        %ge3A_687 = arith.cmpi sge, %add3A_686, %ge3A : i32
        %convert_element_type3A_688 = arith.extui %ge3A_687 : i1 to i32
        %cond3A_689 = arith.constant 0 : i32
        %cond3A_690 = arith.cmpi ne, %convert_element_type3A_688, %cond3A_689 : i32
        scf.if %cond3A_690 {
          %dma_wait3A_711 = arith.constant 0 : i32
          %dma_wait3A_712 = arith.constant 0 : i32
          %dma_wait3A_713 = tpu.memref_slice %arg9[%dma_wait3A_711, %dma_wait3A_712] : memref<8x64xi32, #tpu.memory_space<vmem>> -> memref<1x64xi32, #tpu.memory_space<vmem>>
          %dma_wait3A_714 = tpu.memref_squeeze %dma_wait3A_713 : memref<1x64xi32, #tpu.memory_space<vmem>> -> memref<64xi32, #tpu.memory_space<vmem>>
          %dma_wait3A_715 = arith.constant 0 : i32
          %dma_wait3A_716 = arith.constant 0 : i32
          %dma_wait3A_717 = tpu.memref_slice %arg18[%dma_wait3A_715, %dma_wait3A_716] : memref<10000x128xf32, #tpu.memory_space<vmem_shared>> -> memref<10000x128xf32, #tpu.memory_space<vmem_shared>>
          tpu.wait_indirect_dma semaphore(%arg33 : memref<!tpu.dma_semaphore, #tpu.memory_space<semaphore_mem>>) src(%arg12 : memref<64x128xf32, #tpu.memory_space<vmem>>) dst(%dma_wait3A_717 : memref<10000x128xf32, #tpu.memory_space<vmem_shared>>)
        } else {
        }
        %add3A_691 = arith.constant 1 : i32
        %add3A_692 = arith.addi %add3A_218, %add3A_691 : i32
        %dma_start3A_693 = arith.constant 2 : i32
        %dma_start3A_694 = arith.constant 0 : i32
        %dma_start3A_695 = tpu.memref_slice %arg8[%dma_start3A_693, %dma_start3A_694] : memref<8x64xi32, #tpu.memory_space<vmem>> -> memref<1x64xi32, #tpu.memory_space<vmem>>
        %dma_start3A_696 = tpu.memref_squeeze %dma_start3A_695 : memref<1x64xi32, #tpu.memory_space<vmem>> -> memref<64xi32, #tpu.memory_space<vmem>>
        %dma_start3A_697 = arith.constant 0 : i32
        %dma_start3A_698 = arith.constant 0 : i32
        %dma_start3A_699 = tpu.memref_slice %arg2[%dma_start3A_697, %dma_start3A_698] : memref<10000x128xf32, #tpu.memory_space<hbm>> -> memref<10000x128xf32, #tpu.memory_space<hbm>>
        tpu.enqueue_indirect_dma source(%dma_start3A_699 : memref<10000x128xf32, #tpu.memory_space<hbm>>) target(%arg12 : memref<64x128xf32, #tpu.memory_space<vmem>>) offsets(%dma_start3A_696 : memref<64xi32, #tpu.memory_space<vmem>>) semaphore(%arg29 : memref<!tpu.dma_semaphore, #tpu.memory_space<semaphore_mem>>)
        %mul3A_700 = arith.constant 160 : i32
        %mul3A_701 = arith.muli %add3A, %mul3A_700 : i32
        %add3A_702 = arith.addi %mul3A_701, %add3A_692 : i32
        %dma_start3A_703 = arith.constant 0 : i32
        %dma_start3A_704 = arith.constant 0 : i32
        %dma_start3A_705 = tpu.memref_slice %arg3[%add3A_702, %dma_start3A_703, %dma_start3A_704] : memref<5120x4x128xf32, #tpu.memory_space<hbm>> -> memref<1x4x128xf32, #tpu.memory_space<hbm>>
        %dma_start3A_706 = tpu.memref_squeeze %dma_start3A_705 : memref<1x4x128xf32, #tpu.memory_space<hbm>> -> memref<4x128xf32, #tpu.memory_space<hbm>>
        %dma_start3A_707 = arith.constant 0 : i32
        %dma_start3A_708 = arith.constant 0 : i32
        %dma_start3A_709 = tpu.memref_slice %arg3[%add3A_702, %dma_start3A_707, %dma_start3A_708] : memref<5120x4x128xf32, #tpu.memory_space<hbm>> -> memref<1x4x128xf32, #tpu.memory_space<hbm>>
        %dma_start3A_710 = tpu.memref_squeeze %dma_start3A_709 : memref<1x4x128xf32, #tpu.memory_space<hbm>> -> memref<4x128xf32, #tpu.memory_space<hbm>>
        tpu.enqueue_dma source(%dma_start3A_710 : memref<4x128xf32, #tpu.memory_space<hbm>>) target(%arg16 : memref<4x128xf32, #tpu.memory_space<vmem>>) target_semaphore(%arg29 : memref<!tpu.dma_semaphore, #tpu.memory_space<semaphore_mem>>)
      } else {
      }
      %dma_wait3A_233 = arith.constant 1 : i32
      %dma_wait3A_234 = arith.constant 0 : i32
      %dma_wait3A_235 = tpu.memref_slice %arg8[%dma_wait3A_233, %dma_wait3A_234] : memref<8x64xi32, #tpu.memory_space<vmem>> -> memref<1x64xi32, #tpu.memory_space<vmem>>
      %dma_wait3A_236 = tpu.memref_squeeze %dma_wait3A_235 : memref<1x64xi32, #tpu.memory_space<vmem>> -> memref<64xi32, #tpu.memory_space<vmem>>
      %dma_wait3A_237 = arith.constant 0 : i32
      %dma_wait3A_238 = arith.constant 0 : i32
      %dma_wait3A_239 = tpu.memref_slice %arg2[%dma_wait3A_237, %dma_wait3A_238] : memref<10000x128xf32, #tpu.memory_space<hbm>> -> memref<10000x128xf32, #tpu.memory_space<hbm>>
      tpu.wait_indirect_dma semaphore(%arg28 : memref<!tpu.dma_semaphore, #tpu.memory_space<semaphore_mem>>) src(%dma_wait3A_239 : memref<10000x128xf32, #tpu.memory_space<hbm>>) dst(%arg11 : memref<64x128xf32, #tpu.memory_space<vmem>>)
      %dma_wait3A_240 = arith.constant 0 : i32
      %dma_wait3A_241 = arith.constant 0 : i32
      %dma_wait3A_242 = arith.constant 0 : i32
      %dma_wait3A_243 = tpu.memref_slice %arg3[%dma_wait3A_240, %dma_wait3A_241, %dma_wait3A_242] : memref<5120x4x128xf32, #tpu.memory_space<hbm>> -> memref<1x4x128xf32, #tpu.memory_space<hbm>>
      %dma_wait3A_244 = tpu.memref_squeeze %dma_wait3A_243 : memref<1x4x128xf32, #tpu.memory_space<hbm>> -> memref<4x128xf32, #tpu.memory_space<hbm>>
      %dma_wait3A_245 = arith.constant 0 : i32
      %dma_wait3A_246 = arith.constant 0 : i32
      %dma_wait3A_247 = tpu.memref_slice %arg3[%dma_wait3A_240, %dma_wait3A_245, %dma_wait3A_246] : memref<5120x4x128xf32, #tpu.memory_space<hbm>> -> memref<1x4x128xf32, #tpu.memory_space<hbm>>
      %dma_wait3A_248 = tpu.memref_squeeze %dma_wait3A_247 : memref<1x4x128xf32, #tpu.memory_space<hbm>> -> memref<4x128xf32, #tpu.memory_space<hbm>>
      tpu.wait_dma2 semaphore(%arg28 : memref<!tpu.dma_semaphore, #tpu.memory_space<semaphore_mem>>) src(%dma_wait3A_248 : memref<4x128xf32, #tpu.memory_space<hbm>>) dst(%arg15 : memref<4x128xf32, #tpu.memory_space<vmem>>)
      %iota3A_249 = tpu.iota {dimensions = array<i32: 0>} : vector<16xi32>
      %broadcast_in_dim3A_250 = arith.constant 0 : i32
      %broadcast_in_dim3A_251 = vector.broadcast %broadcast_in_dim3A_250 : i32 to vector<16xi32>
      %broadcast_in_dim3A_252 = arith.constant 1 : i32
      %broadcast_in_dim3A_253 = vector.broadcast %broadcast_in_dim3A_252 : i32 to vector<16xi32>
      %broadcast_in_dim3A_254 = arith.constant 2 : i32
      %broadcast_in_dim3A_255 = vector.broadcast %broadcast_in_dim3A_254 : i32 to vector<16xi32>
      %broadcast_in_dim3A_256 = arith.constant 3 : i32
      %broadcast_in_dim3A_257 = vector.broadcast %broadcast_in_dim3A_256 : i32 to vector<16xi32>
      %broadcast_in_dim3A_258 = arith.constant 4 : i32
      %broadcast_in_dim3A_259 = vector.broadcast %broadcast_in_dim3A_258 : i32 to vector<16xi32>
      %broadcast_in_dim3A_260 = arith.constant 5 : i32
      %broadcast_in_dim3A_261 = vector.broadcast %broadcast_in_dim3A_260 : i32 to vector<16xi32>
      %broadcast_in_dim3A_262 = arith.constant 6 : i32
      %broadcast_in_dim3A_263 = vector.broadcast %broadcast_in_dim3A_262 : i32 to vector<16xi32>
      %broadcast_in_dim3A_264 = arith.constant 7 : i32
      %broadcast_in_dim3A_265 = vector.broadcast %broadcast_in_dim3A_264 : i32 to vector<16xi32>
      %scan3A_266 = arith.constant 0 : i32
      %scan3A_267 = arith.constant 0 : i32
      %scan3A_268 = arith.constant 64 : i32
      %scan3A_269 = arith.addi %scan3A_267, %scan3A_268 : i32
      %scan3A_270 = arith.constant 1 : i32
      scf.for %scan3A_663 = %scan3A_267 to %scan3A_269 step %scan3A_270  : i32 {
        %broadcast_in_dim3A_664 = vector.broadcast %scan3A_663 : i32 to vector<16xi32>
        %add3A_665 = arith.constant 0 : i32
        %add3A_666 = vector.broadcast %add3A_665 : i32 to vector<16xi32>
        %add3A_667 = arith.addi %iota3A_249, %add3A_666 : vector<16xi32>
        %add3A_668 = arith.constant 0 : i32
        %add3A_669 = vector.broadcast %add3A_668 : i32 to vector<16xi32>
        %add3A_670 = arith.addi %broadcast_in_dim3A_664, %add3A_669 : vector<16xi32>
        %gather3A = tpu.vector_load_idx %arg15[%broadcast_in_dim3A_251, %add3A_670] : memref<4x128xf32, #tpu.memory_space<vmem>>[vector<16xi32>, vector<16xi32>], vector<16xf32>,
        %gather3A_671 = tpu.vector_load_idx %arg11[%broadcast_in_dim3A_664, %add3A_667] : memref<64x128xf32, #tpu.memory_space<vmem>>[vector<16xi32>, vector<16xi32>], vector<16xf32>,
        %mul3A_672 = arith.mulf %gather3A_671, %gather3A : vector<16xf32>
        tpu.vector_store_idx %arg11[%broadcast_in_dim3A_664, %add3A_667], %mul3A_672 : memref<64x128xf32, #tpu.memory_space<vmem>>[vector<16xi32>, vector<16xi32>], vector<16xf32>,
        %add3A_673 = arith.constant 16 : i32
        %add3A_674 = vector.broadcast %add3A_673 : i32 to vector<16xi32>
        %add3A_675 = arith.addi %iota3A_249, %add3A_674 : vector<16xi32>
        %add3A_676 = arith.constant 64 : i32
        %add3A_677 = vector.broadcast %add3A_676 : i32 to vector<16xi32>
        %add3A_678 = arith.addi %broadcast_in_dim3A_664, %add3A_677 : vector<16xi32>
        %gather3A_679 = tpu.vector_load_idx %arg15[%broadcast_in_dim3A_251, %add3A_678] : memref<4x128xf32, #tpu.memory_space<vmem>>[vector<16xi32>, vector<16xi32>], vector<16xf32>,
        %gather3A_680 = tpu.vector_load_idx %arg11[%broadcast_in_dim3A_664, %add3A_675] : memref<64x128xf32, #tpu.memory_space<vmem>>[vector<16xi32>, vector<16xi32>], vector<16xf32>,
        %mul3A_681 = arith.mulf %gather3A_680, %gather3A_679 : vector<16xf32>
        tpu.vector_store_idx %arg11[%broadcast_in_dim3A_664, %add3A_675], %mul3A_681 : memref<64x128xf32, #tpu.memory_space<vmem>>[vector<16xi32>, vector<16xi32>], vector<16xf32>,
        %add3A_682 = arith.constant 32 : i32
        %add3A_683 = vector.broadcast %add3A_682 : i32 to vector<16xi32>
        %add3A_684 = arith.addi %iota3A_249, %add3A_683 : vector<16xi32>
        %add3A_685 = arith.constant 0 : i32
        %add3A_686 = vector.broadcast %add3A_685 : i32 to vector<16xi32>
        %add3A_687 = arith.addi %broadcast_in_dim3A_664, %add3A_686 : vector<16xi32>
        %gather3A_688 = tpu.vector_load_idx %arg15[%broadcast_in_dim3A_253, %add3A_687] : memref<4x128xf32, #tpu.memory_space<vmem>>[vector<16xi32>, vector<16xi32>], vector<16xf32>,
        %gather3A_689 = tpu.vector_load_idx %arg11[%broadcast_in_dim3A_664, %add3A_684] : memref<64x128xf32, #tpu.memory_space<vmem>>[vector<16xi32>, vector<16xi32>], vector<16xf32>,
        %mul3A_690 = arith.mulf %gather3A_689, %gather3A_688 : vector<16xf32>
        tpu.vector_store_idx %arg11[%broadcast_in_dim3A_664, %add3A_684], %mul3A_690 : memref<64x128xf32, #tpu.memory_space<vmem>>[vector<16xi32>, vector<16xi32>], vector<16xf32>,
        %add3A_691 = arith.constant 48 : i32
        %add3A_692 = vector.broadcast %add3A_691 : i32 to vector<16xi32>
        %add3A_693 = arith.addi %iota3A_249, %add3A_692 : vector<16xi32>
        %add3A_694 = arith.constant 64 : i32
        %add3A_695 = vector.broadcast %add3A_694 : i32 to vector<16xi32>
        %add3A_696 = arith.addi %broadcast_in_dim3A_664, %add3A_695 : vector<16xi32>
        %gather3A_697 = tpu.vector_load_idx %arg15[%broadcast_in_dim3A_253, %add3A_696] : memref<4x128xf32, #tpu.memory_space<vmem>>[vector<16xi32>, vector<16xi32>], vector<16xf32>,
        %gather3A_698 = tpu.vector_load_idx %arg11[%broadcast_in_dim3A_664, %add3A_693] : memref<64x128xf32, #tpu.memory_space<vmem>>[vector<16xi32>, vector<16xi32>], vector<16xf32>,
        %mul3A_699 = arith.mulf %gather3A_698, %gather3A_697 : vector<16xf32>
        tpu.vector_store_idx %arg11[%broadcast_in_dim3A_664, %add3A_693], %mul3A_699 : memref<64x128xf32, #tpu.memory_space<vmem>>[vector<16xi32>, vector<16xi32>], vector<16xf32>,
        %add3A_700 = arith.constant 64 : i32
        %add3A_701 = vector.broadcast %add3A_700 : i32 to vector<16xi32>
        %add3A_702 = arith.addi %iota3A_249, %add3A_701 : vector<16xi32>
        %add3A_703 = arith.constant 0 : i32
        %add3A_704 = vector.broadcast %add3A_703 : i32 to vector<16xi32>
        %add3A_705 = arith.addi %broadcast_in_dim3A_664, %add3A_704 : vector<16xi32>
        %gather3A_706 = tpu.vector_load_idx %arg15[%broadcast_in_dim3A_255, %add3A_705] : memref<4x128xf32, #tpu.memory_space<vmem>>[vector<16xi32>, vector<16xi32>], vector<16xf32>,
        %gather3A_707 = tpu.vector_load_idx %arg11[%broadcast_in_dim3A_664, %add3A_702] : memref<64x128xf32, #tpu.memory_space<vmem>>[vector<16xi32>, vector<16xi32>], vector<16xf32>,
        %mul3A_708 = arith.mulf %gather3A_707, %gather3A_706 : vector<16xf32>
        tpu.vector_store_idx %arg11[%broadcast_in_dim3A_664, %add3A_702], %mul3A_708 : memref<64x128xf32, #tpu.memory_space<vmem>>[vector<16xi32>, vector<16xi32>], vector<16xf32>,
        %add3A_709 = arith.constant 80 : i32
        %add3A_710 = vector.broadcast %add3A_709 : i32 to vector<16xi32>
        %add3A_711 = arith.addi %iota3A_249, %add3A_710 : vector<16xi32>
        %add3A_712 = arith.constant 64 : i32
        %add3A_713 = vector.broadcast %add3A_712 : i32 to vector<16xi32>
        %add3A_714 = arith.addi %broadcast_in_dim3A_664, %add3A_713 : vector<16xi32>
        %gather3A_715 = tpu.vector_load_idx %arg15[%broadcast_in_dim3A_255, %add3A_714] : memref<4x128xf32, #tpu.memory_space<vmem>>[vector<16xi32>, vector<16xi32>], vector<16xf32>,
        %gather3A_716 = tpu.vector_load_idx %arg11[%broadcast_in_dim3A_664, %add3A_711] : memref<64x128xf32, #tpu.memory_space<vmem>>[vector<16xi32>, vector<16xi32>], vector<16xf32>,
        %mul3A_717 = arith.mulf %gather3A_716, %gather3A_715 : vector<16xf32>
        tpu.vector_store_idx %arg11[%broadcast_in_dim3A_664, %add3A_711], %mul3A_717 : memref<64x128xf32, #tpu.memory_space<vmem>>[vector<16xi32>, vector<16xi32>], vector<16xf32>,
        %add3A_718 = arith.constant 96 : i32
        %add3A_719 = vector.broadcast %add3A_718 : i32 to vector<16xi32>
        %add3A_720 = arith.addi %iota3A_249, %add3A_719 : vector<16xi32>
        %add3A_721 = arith.constant 0 : i32
        %add3A_722 = vector.broadcast %add3A_721 : i32 to vector<16xi32>
        %add3A_723 = arith.addi %broadcast_in_dim3A_664, %add3A_722 : vector<16xi32>
        %gather3A_724 = tpu.vector_load_idx %arg15[%broadcast_in_dim3A_257, %add3A_723] : memref<4x128xf32, #tpu.memory_space<vmem>>[vector<16xi32>, vector<16xi32>], vector<16xf32>,
        %gather3A_725 = tpu.vector_load_idx %arg11[%broadcast_in_dim3A_664, %add3A_720] : memref<64x128xf32, #tpu.memory_space<vmem>>[vector<16xi32>, vector<16xi32>], vector<16xf32>,
        %mul3A_726 = arith.mulf %gather3A_725, %gather3A_724 : vector<16xf32>
        tpu.vector_store_idx %arg11[%broadcast_in_dim3A_664, %add3A_720], %mul3A_726 : memref<64x128xf32, #tpu.memory_space<vmem>>[vector<16xi32>, vector<16xi32>], vector<16xf32>,
        %add3A_727 = arith.constant 112 : i32
        %add3A_728 = vector.broadcast %add3A_727 : i32 to vector<16xi32>
        %add3A_729 = arith.addi %iota3A_249, %add3A_728 : vector<16xi32>
        %add3A_730 = arith.constant 64 : i32
        %add3A_731 = vector.broadcast %add3A_730 : i32 to vector<16xi32>
        %add3A_732 = arith.addi %broadcast_in_dim3A_664, %add3A_731 : vector<16xi32>
        %gather3A_733 = tpu.vector_load_idx %arg15[%broadcast_in_dim3A_257, %add3A_732] : memref<4x128xf32, #tpu.memory_space<vmem>>[vector<16xi32>, vector<16xi32>], vector<16xf32>,
        %gather3A_734 = tpu.vector_load_idx %arg11[%broadcast_in_dim3A_664, %add3A_729] : memref<64x128xf32, #tpu.memory_space<vmem>>[vector<16xi32>, vector<16xi32>], vector<16xf32>,
        %mul3A_735 = arith.mulf %gather3A_734, %gather3A_733 : vector<16xf32>
        tpu.vector_store_idx %arg11[%broadcast_in_dim3A_664, %add3A_729], %mul3A_735 : memref<64x128xf32, #tpu.memory_space<vmem>>[vector<16xi32>, vector<16xi32>], vector<16xf32>,
      }
      %scan3A_271 = arith.constant 64 : i32
      %dma_start3A_272 = arith.constant 1 : i32
      %dma_start3A_273 = arith.constant 0 : i32
      %dma_start3A_274 = tpu.memref_slice %arg9[%dma_start3A_272, %dma_start3A_273] : memref<8x64xi32, #tpu.memory_space<vmem>> -> memref<1x64xi32, #tpu.memory_space<vmem>>
      %dma_start3A_275 = tpu.memref_squeeze %dma_start3A_274 : memref<1x64xi32, #tpu.memory_space<vmem>> -> memref<64xi32, #tpu.memory_space<vmem>>
      %dma_start3A_276 = arith.constant 0 : i32
      %dma_start3A_277 = arith.constant 0 : i32
      %dma_start3A_278 = tpu.memref_slice %arg18[%dma_start3A_276, %dma_start3A_277] : memref<10000x128xf32, #tpu.memory_space<vmem_shared>> -> memref<10000x128xf32, #tpu.memory_space<vmem_shared>>
      tpu.enqueue_indirect_dma source(%arg11 : memref<64x128xf32, #tpu.memory_space<vmem>>) target(%dma_start3A_278 : memref<10000x128xf32, #tpu.memory_space<vmem_shared>>) offsets(%dma_start3A_275 : memref<64xi32, #tpu.memory_space<vmem>>) semaphore(%arg32 : memref<!tpu.dma_semaphore, #tpu.memory_space<semaphore_mem>>) {add = true}
      %mul3A_279 = arith.constant 8 : i32
      %mul3A_280 = arith.muli %scan3A_153, %mul3A_279 : i32
      %add3A_281 = arith.constant 2 : i32
      %add3A_282 = arith.addi %mul3A_280, %add3A_281 : i32
      %add3A_283 = arith.constant 3 : i32
      %add3A_284 = arith.addi %add3A_282, %add3A_283 : i32
      %lt3A_285 = arith.constant 160 : i32
      %lt3A_286 = arith.cmpi slt, %add3A_284, %lt3A_285 : i32
      %convert_element_type3A_287 = arith.extui %lt3A_286 : i1 to i32
      %cond3A_288 = arith.constant 0 : i32
      %cond3A_289 = arith.cmpi ne, %convert_element_type3A_287, %cond3A_288 : i32
      scf.if %cond3A_289 {
        %add3A_663 = arith.constant 3 : i32
        %add3A_664 = arith.addi %add3A_282, %add3A_663 : i32
        %mul3A_665 = arith.constant 64 : i32
        %mul3A_666 = arith.muli %add3A_664, %mul3A_665 : i32
        %add3A_667 = arith.addi %mul3A_4, %mul3A_666 : i32
        %dma_start3A_668 = arith.constant 5 : i32
        %dma_start3A_669 = arith.constant 0 : i32
        %dma_start3A_670 = tpu.memref_slice %arg8[%dma_start3A_668, %dma_start3A_669] : memref<8x64xi32, #tpu.memory_space<vmem>> -> memref<1x64xi32, #tpu.memory_space<vmem>>
        %dma_start3A_671 = tpu.memref_squeeze %dma_start3A_670 : memref<1x64xi32, #tpu.memory_space<vmem>> -> memref<64xi32, #tpu.memory_space<vmem>>
        %dma_start3A_672 = tpu.memref_slice %arg4[%add3A_667] : memref<327680xi32, #tpu.memory_space<hbm>> -> memref<64xi32, #tpu.memory_space<hbm>>
        %dma_start3A_673 = arith.constant 0 : i32
        %dma_start3A_674 = tpu.memref_slice %arg8[%dma_start3A_668, %dma_start3A_673] : memref<8x64xi32, #tpu.memory_space<vmem>> -> memref<1x64xi32, #tpu.memory_space<vmem>>
        %dma_start3A_675 = tpu.memref_squeeze %dma_start3A_674 : memref<1x64xi32, #tpu.memory_space<vmem>> -> memref<64xi32, #tpu.memory_space<vmem>>
        %dma_start3A_676 = tpu.memref_slice %arg4[%add3A_667] : memref<327680xi32, #tpu.memory_space<hbm>> -> memref<64xi32, #tpu.memory_space<hbm>>
        tpu.enqueue_dma source(%dma_start3A_676 : memref<64xi32, #tpu.memory_space<hbm>>) target(%dma_start3A_675 : memref<64xi32, #tpu.memory_space<vmem>>) target_semaphore(%arg24 : memref<!tpu.dma_semaphore, #tpu.memory_space<semaphore_mem>>)
        %dma_start3A_677 = arith.constant 5 : i32
        %dma_start3A_678 = arith.constant 0 : i32
        %dma_start3A_679 = tpu.memref_slice %arg9[%dma_start3A_677, %dma_start3A_678] : memref<8x64xi32, #tpu.memory_space<vmem>> -> memref<1x64xi32, #tpu.memory_space<vmem>>
        %dma_start3A_680 = tpu.memref_squeeze %dma_start3A_679 : memref<1x64xi32, #tpu.memory_space<vmem>> -> memref<64xi32, #tpu.memory_space<vmem>>
        %dma_start3A_681 = tpu.memref_slice %arg5[%add3A_667] : memref<327680xi32, #tpu.memory_space<hbm>> -> memref<64xi32, #tpu.memory_space<hbm>>
        %dma_start3A_682 = arith.constant 0 : i32
        %dma_start3A_683 = tpu.memref_slice %arg9[%dma_start3A_677, %dma_start3A_682] : memref<8x64xi32, #tpu.memory_space<vmem>> -> memref<1x64xi32, #tpu.memory_space<vmem>>
        %dma_start3A_684 = tpu.memref_squeeze %dma_start3A_683 : memref<1x64xi32, #tpu.memory_space<vmem>> -> memref<64xi32, #tpu.memory_space<vmem>>
        %dma_start3A_685 = tpu.memref_slice %arg5[%add3A_667] : memref<327680xi32, #tpu.memory_space<hbm>> -> memref<64xi32, #tpu.memory_space<hbm>>
        tpu.enqueue_dma source(%dma_start3A_685 : memref<64xi32, #tpu.memory_space<hbm>>) target(%dma_start3A_684 : memref<64xi32, #tpu.memory_space<vmem>>) target_semaphore(%arg24 : memref<!tpu.dma_semaphore, #tpu.memory_space<semaphore_mem>>)
      } else {
      }
      %add3A_290 = arith.constant 1 : i32
      %add3A_291 = arith.addi %add3A_282, %add3A_290 : i32
      %lt3A_292 = arith.constant 160 : i32
      %lt3A_293 = arith.cmpi slt, %add3A_291, %lt3A_292 : i32
      %convert_element_type3A_294 = arith.extui %lt3A_293 : i1 to i32
      %cond3A_295 = arith.constant 0 : i32
      %cond3A_296 = arith.cmpi ne, %convert_element_type3A_294, %cond3A_295 : i32
      scf.if %cond3A_296 {
        %dma_wait3A_663 = arith.constant 3 : i32
        %dma_wait3A_664 = arith.constant 0 : i32
        %dma_wait3A_665 = tpu.memref_slice %arg8[%dma_wait3A_663, %dma_wait3A_664] : memref<8x64xi32, #tpu.memory_space<vmem>> -> memref<1x64xi32, #tpu.memory_space<vmem>>
        %dma_wait3A_666 = tpu.memref_squeeze %dma_wait3A_665 : memref<1x64xi32, #tpu.memory_space<vmem>> -> memref<64xi32, #tpu.memory_space<vmem>>
        %dma_wait3A_667 = arith.constant 0 : i32
        %dma_wait3A_668 = tpu.memref_slice %arg4[%dma_wait3A_667] : memref<327680xi32, #tpu.memory_space<hbm>> -> memref<64xi32, #tpu.memory_space<hbm>>
        %dma_wait3A_669 = arith.constant 0 : i32
        %dma_wait3A_670 = tpu.memref_slice %arg8[%dma_wait3A_663, %dma_wait3A_669] : memref<8x64xi32, #tpu.memory_space<vmem>> -> memref<1x64xi32, #tpu.memory_space<vmem>>
        %dma_wait3A_671 = tpu.memref_squeeze %dma_wait3A_670 : memref<1x64xi32, #tpu.memory_space<vmem>> -> memref<64xi32, #tpu.memory_space<vmem>>
        %dma_wait3A_672 = arith.constant 0 : i32
        %dma_wait3A_673 = tpu.memref_slice %arg4[%dma_wait3A_672] : memref<327680xi32, #tpu.memory_space<hbm>> -> memref<64xi32, #tpu.memory_space<hbm>>
        tpu.wait_dma2 semaphore(%arg22 : memref<!tpu.dma_semaphore, #tpu.memory_space<semaphore_mem>>) src(%dma_wait3A_673 : memref<64xi32, #tpu.memory_space<hbm>>) dst(%dma_wait3A_671 : memref<64xi32, #tpu.memory_space<vmem>>)
        %dma_wait3A_674 = arith.constant 3 : i32
        %dma_wait3A_675 = arith.constant 0 : i32
        %dma_wait3A_676 = tpu.memref_slice %arg9[%dma_wait3A_674, %dma_wait3A_675] : memref<8x64xi32, #tpu.memory_space<vmem>> -> memref<1x64xi32, #tpu.memory_space<vmem>>
        %dma_wait3A_677 = tpu.memref_squeeze %dma_wait3A_676 : memref<1x64xi32, #tpu.memory_space<vmem>> -> memref<64xi32, #tpu.memory_space<vmem>>
        %dma_wait3A_678 = arith.constant 0 : i32
        %dma_wait3A_679 = tpu.memref_slice %arg5[%dma_wait3A_678] : memref<327680xi32, #tpu.memory_space<hbm>> -> memref<64xi32, #tpu.memory_space<hbm>>
        %dma_wait3A_680 = arith.constant 0 : i32
        %dma_wait3A_681 = tpu.memref_slice %arg9[%dma_wait3A_674, %dma_wait3A_680] : memref<8x64xi32, #tpu.memory_space<vmem>> -> memref<1x64xi32, #tpu.memory_space<vmem>>
        %dma_wait3A_682 = tpu.memref_squeeze %dma_wait3A_681 : memref<1x64xi32, #tpu.memory_space<vmem>> -> memref<64xi32, #tpu.memory_space<vmem>>
        %dma_wait3A_683 = arith.constant 0 : i32
        %dma_wait3A_684 = tpu.memref_slice %arg5[%dma_wait3A_683] : memref<327680xi32, #tpu.memory_space<hbm>> -> memref<64xi32, #tpu.memory_space<hbm>>
        tpu.wait_dma2 semaphore(%arg22 : memref<!tpu.dma_semaphore, #tpu.memory_space<semaphore_mem>>) src(%dma_wait3A_684 : memref<64xi32, #tpu.memory_space<hbm>>) dst(%dma_wait3A_682 : memref<64xi32, #tpu.memory_space<vmem>>)
        %add3A_685 = arith.constant 1 : i32
        %add3A_686 = arith.addi %add3A_282, %add3A_685 : i32
        %ge3A = arith.constant 4 : i32
        %ge3A_687 = arith.cmpi sge, %add3A_686, %ge3A : i32
        %convert_element_type3A_688 = arith.extui %ge3A_687 : i1 to i32
        %cond3A_689 = arith.constant 0 : i32
        %cond3A_690 = arith.cmpi ne, %convert_element_type3A_688, %cond3A_689 : i32
        scf.if %cond3A_690 {
          %dma_wait3A_711 = arith.constant 0 : i32
          %dma_wait3A_712 = arith.constant 0 : i32
          %dma_wait3A_713 = tpu.memref_slice %arg9[%dma_wait3A_711, %dma_wait3A_712] : memref<8x64xi32, #tpu.memory_space<vmem>> -> memref<1x64xi32, #tpu.memory_space<vmem>>
          %dma_wait3A_714 = tpu.memref_squeeze %dma_wait3A_713 : memref<1x64xi32, #tpu.memory_space<vmem>> -> memref<64xi32, #tpu.memory_space<vmem>>
          %dma_wait3A_715 = arith.constant 0 : i32
          %dma_wait3A_716 = arith.constant 0 : i32
          %dma_wait3A_717 = tpu.memref_slice %arg18[%dma_wait3A_715, %dma_wait3A_716] : memref<10000x128xf32, #tpu.memory_space<vmem_shared>> -> memref<10000x128xf32, #tpu.memory_space<vmem_shared>>
          tpu.wait_indirect_dma semaphore(%arg34 : memref<!tpu.dma_semaphore, #tpu.memory_space<semaphore_mem>>) src(%arg13 : memref<64x128xf32, #tpu.memory_space<vmem>>) dst(%dma_wait3A_717 : memref<10000x128xf32, #tpu.memory_space<vmem_shared>>)
        } else {
        }
        %add3A_691 = arith.constant 1 : i32
        %add3A_692 = arith.addi %add3A_282, %add3A_691 : i32
        %dma_start3A_693 = arith.constant 3 : i32
        %dma_start3A_694 = arith.constant 0 : i32
        %dma_start3A_695 = tpu.memref_slice %arg8[%dma_start3A_693, %dma_start3A_694] : memref<8x64xi32, #tpu.memory_space<vmem>> -> memref<1x64xi32, #tpu.memory_space<vmem>>
        %dma_start3A_696 = tpu.memref_squeeze %dma_start3A_695 : memref<1x64xi32, #tpu.memory_space<vmem>> -> memref<64xi32, #tpu.memory_space<vmem>>
        %dma_start3A_697 = arith.constant 0 : i32
        %dma_start3A_698 = arith.constant 0 : i32
        %dma_start3A_699 = tpu.memref_slice %arg2[%dma_start3A_697, %dma_start3A_698] : memref<10000x128xf32, #tpu.memory_space<hbm>> -> memref<10000x128xf32, #tpu.memory_space<hbm>>
        tpu.enqueue_indirect_dma source(%dma_start3A_699 : memref<10000x128xf32, #tpu.memory_space<hbm>>) target(%arg13 : memref<64x128xf32, #tpu.memory_space<vmem>>) offsets(%dma_start3A_696 : memref<64xi32, #tpu.memory_space<vmem>>) semaphore(%arg30 : memref<!tpu.dma_semaphore, #tpu.memory_space<semaphore_mem>>)
        %mul3A_700 = arith.constant 160 : i32
        %mul3A_701 = arith.muli %add3A, %mul3A_700 : i32
        %add3A_702 = arith.addi %mul3A_701, %add3A_692 : i32
        %dma_start3A_703 = arith.constant 0 : i32
        %dma_start3A_704 = arith.constant 0 : i32
        %dma_start3A_705 = tpu.memref_slice %arg3[%add3A_702, %dma_start3A_703, %dma_start3A_704] : memref<5120x4x128xf32, #tpu.memory_space<hbm>> -> memref<1x4x128xf32, #tpu.memory_space<hbm>>
        %dma_start3A_706 = tpu.memref_squeeze %dma_start3A_705 : memref<1x4x128xf32, #tpu.memory_space<hbm>> -> memref<4x128xf32, #tpu.memory_space<hbm>>
        %dma_start3A_707 = arith.constant 0 : i32
        %dma_start3A_708 = arith.constant 0 : i32
        %dma_start3A_709 = tpu.memref_slice %arg3[%add3A_702, %dma_start3A_707, %dma_start3A_708] : memref<5120x4x128xf32, #tpu.memory_space<hbm>> -> memref<1x4x128xf32, #tpu.memory_space<hbm>>
        %dma_start3A_710 = tpu.memref_squeeze %dma_start3A_709 : memref<1x4x128xf32, #tpu.memory_space<hbm>> -> memref<4x128xf32, #tpu.memory_space<hbm>>
        tpu.enqueue_dma source(%dma_start3A_710 : memref<4x128xf32, #tpu.memory_space<hbm>>) target(%arg17 : memref<4x128xf32, #tpu.memory_space<vmem>>) target_semaphore(%arg30 : memref<!tpu.dma_semaphore, #tpu.memory_space<semaphore_mem>>)
      } else {
      }
      %dma_wait3A_297 = arith.constant 2 : i32
      %dma_wait3A_298 = arith.constant 0 : i32
      %dma_wait3A_299 = tpu.memref_slice %arg8[%dma_wait3A_297, %dma_wait3A_298] : memref<8x64xi32, #tpu.memory_space<vmem>> -> memref<1x64xi32, #tpu.memory_space<vmem>>
      %dma_wait3A_300 = tpu.memref_squeeze %dma_wait3A_299 : memref<1x64xi32, #tpu.memory_space<vmem>> -> memref<64xi32, #tpu.memory_space<vmem>>
      %dma_wait3A_301 = arith.constant 0 : i32
      %dma_wait3A_302 = arith.constant 0 : i32
      %dma_wait3A_303 = tpu.memref_slice %arg2[%dma_wait3A_301, %dma_wait3A_302] : memref<10000x128xf32, #tpu.memory_space<hbm>> -> memref<10000x128xf32, #tpu.memory_space<hbm>>
      tpu.wait_indirect_dma semaphore(%arg29 : memref<!tpu.dma_semaphore, #tpu.memory_space<semaphore_mem>>) src(%dma_wait3A_303 : memref<10000x128xf32, #tpu.memory_space<hbm>>) dst(%arg12 : memref<64x128xf32, #tpu.memory_space<vmem>>)
      %dma_wait3A_304 = arith.constant 0 : i32
      %dma_wait3A_305 = arith.constant 0 : i32
      %dma_wait3A_306 = arith.constant 0 : i32
      %dma_wait3A_307 = tpu.memref_slice %arg3[%dma_wait3A_304, %dma_wait3A_305, %dma_wait3A_306] : memref<5120x4x128xf32, #tpu.memory_space<hbm>> -> memref<1x4x128xf32, #tpu.memory_space<hbm>>
      %dma_wait3A_308 = tpu.memref_squeeze %dma_wait3A_307 : memref<1x4x128xf32, #tpu.memory_space<hbm>> -> memref<4x128xf32, #tpu.memory_space<hbm>>
      %dma_wait3A_309 = arith.constant 0 : i32
      %dma_wait3A_310 = arith.constant 0 : i32
      %dma_wait3A_311 = tpu.memref_slice %arg3[%dma_wait3A_304, %dma_wait3A_309, %dma_wait3A_310] : memref<5120x4x128xf32, #tpu.memory_space<hbm>> -> memref<1x4x128xf32, #tpu.memory_space<hbm>>
      %dma_wait3A_312 = tpu.memref_squeeze %dma_wait3A_311 : memref<1x4x128xf32, #tpu.memory_space<hbm>> -> memref<4x128xf32, #tpu.memory_space<hbm>>
      tpu.wait_dma2 semaphore(%arg29 : memref<!tpu.dma_semaphore, #tpu.memory_space<semaphore_mem>>) src(%dma_wait3A_312 : memref<4x128xf32, #tpu.memory_space<hbm>>) dst(%arg16 : memref<4x128xf32, #tpu.memory_space<vmem>>)
      %iota3A_313 = tpu.iota {dimensions = array<i32: 0>} : vector<16xi32>
      %broadcast_in_dim3A_314 = arith.constant 0 : i32
      %broadcast_in_dim3A_315 = vector.broadcast %broadcast_in_dim3A_314 : i32 to vector<16xi32>
      %broadcast_in_dim3A_316 = arith.constant 1 : i32
      %broadcast_in_dim3A_317 = vector.broadcast %broadcast_in_dim3A_316 : i32 to vector<16xi32>
      %broadcast_in_dim3A_318 = arith.constant 2 : i32
      %broadcast_in_dim3A_319 = vector.broadcast %broadcast_in_dim3A_318 : i32 to vector<16xi32>
      %broadcast_in_dim3A_320 = arith.constant 3 : i32
      %broadcast_in_dim3A_321 = vector.broadcast %broadcast_in_dim3A_320 : i32 to vector<16xi32>
      %broadcast_in_dim3A_322 = arith.constant 4 : i32
      %broadcast_in_dim3A_323 = vector.broadcast %broadcast_in_dim3A_322 : i32 to vector<16xi32>
      %broadcast_in_dim3A_324 = arith.constant 5 : i32
      %broadcast_in_dim3A_325 = vector.broadcast %broadcast_in_dim3A_324 : i32 to vector<16xi32>
      %broadcast_in_dim3A_326 = arith.constant 6 : i32
      %broadcast_in_dim3A_327 = vector.broadcast %broadcast_in_dim3A_326 : i32 to vector<16xi32>
      %broadcast_in_dim3A_328 = arith.constant 7 : i32
      %broadcast_in_dim3A_329 = vector.broadcast %broadcast_in_dim3A_328 : i32 to vector<16xi32>
      %scan3A_330 = arith.constant 0 : i32
      %scan3A_331 = arith.constant 0 : i32
      %scan3A_332 = arith.constant 64 : i32
      %scan3A_333 = arith.addi %scan3A_331, %scan3A_332 : i32
      %scan3A_334 = arith.constant 1 : i32
      scf.for %scan3A_663 = %scan3A_331 to %scan3A_333 step %scan3A_334  : i32 {
        %broadcast_in_dim3A_664 = vector.broadcast %scan3A_663 : i32 to vector<16xi32>
        %add3A_665 = arith.constant 0 : i32
        %add3A_666 = vector.broadcast %add3A_665 : i32 to vector<16xi32>
        %add3A_667 = arith.addi %iota3A_313, %add3A_666 : vector<16xi32>
        %add3A_668 = arith.constant 0 : i32
        %add3A_669 = vector.broadcast %add3A_668 : i32 to vector<16xi32>
        %add3A_670 = arith.addi %broadcast_in_dim3A_664, %add3A_669 : vector<16xi32>
        %gather3A = tpu.vector_load_idx %arg16[%broadcast_in_dim3A_315, %add3A_670] : memref<4x128xf32, #tpu.memory_space<vmem>>[vector<16xi32>, vector<16xi32>], vector<16xf32>,
        %gather3A_671 = tpu.vector_load_idx %arg12[%broadcast_in_dim3A_664, %add3A_667] : memref<64x128xf32, #tpu.memory_space<vmem>>[vector<16xi32>, vector<16xi32>], vector<16xf32>,
        %mul3A_672 = arith.mulf %gather3A_671, %gather3A : vector<16xf32>
        tpu.vector_store_idx %arg12[%broadcast_in_dim3A_664, %add3A_667], %mul3A_672 : memref<64x128xf32, #tpu.memory_space<vmem>>[vector<16xi32>, vector<16xi32>], vector<16xf32>,
        %add3A_673 = arith.constant 16 : i32
        %add3A_674 = vector.broadcast %add3A_673 : i32 to vector<16xi32>
        %add3A_675 = arith.addi %iota3A_313, %add3A_674 : vector<16xi32>
        %add3A_676 = arith.constant 64 : i32
        %add3A_677 = vector.broadcast %add3A_676 : i32 to vector<16xi32>
        %add3A_678 = arith.addi %broadcast_in_dim3A_664, %add3A_677 : vector<16xi32>
        %gather3A_679 = tpu.vector_load_idx %arg16[%broadcast_in_dim3A_315, %add3A_678] : memref<4x128xf32, #tpu.memory_space<vmem>>[vector<16xi32>, vector<16xi32>], vector<16xf32>,
        %gather3A_680 = tpu.vector_load_idx %arg12[%broadcast_in_dim3A_664, %add3A_675] : memref<64x128xf32, #tpu.memory_space<vmem>>[vector<16xi32>, vector<16xi32>], vector<16xf32>,
        %mul3A_681 = arith.mulf %gather3A_680, %gather3A_679 : vector<16xf32>
        tpu.vector_store_idx %arg12[%broadcast_in_dim3A_664, %add3A_675], %mul3A_681 : memref<64x128xf32, #tpu.memory_space<vmem>>[vector<16xi32>, vector<16xi32>], vector<16xf32>,
        %add3A_682 = arith.constant 32 : i32
        %add3A_683 = vector.broadcast %add3A_682 : i32 to vector<16xi32>
        %add3A_684 = arith.addi %iota3A_313, %add3A_683 : vector<16xi32>
        %add3A_685 = arith.constant 0 : i32
        %add3A_686 = vector.broadcast %add3A_685 : i32 to vector<16xi32>
        %add3A_687 = arith.addi %broadcast_in_dim3A_664, %add3A_686 : vector<16xi32>
        %gather3A_688 = tpu.vector_load_idx %arg16[%broadcast_in_dim3A_317, %add3A_687] : memref<4x128xf32, #tpu.memory_space<vmem>>[vector<16xi32>, vector<16xi32>], vector<16xf32>,
        %gather3A_689 = tpu.vector_load_idx %arg12[%broadcast_in_dim3A_664, %add3A_684] : memref<64x128xf32, #tpu.memory_space<vmem>>[vector<16xi32>, vector<16xi32>], vector<16xf32>,
        %mul3A_690 = arith.mulf %gather3A_689, %gather3A_688 : vector<16xf32>
        tpu.vector_store_idx %arg12[%broadcast_in_dim3A_664, %add3A_684], %mul3A_690 : memref<64x128xf32, #tpu.memory_space<vmem>>[vector<16xi32>, vector<16xi32>], vector<16xf32>,
        %add3A_691 = arith.constant 48 : i32
        %add3A_692 = vector.broadcast %add3A_691 : i32 to vector<16xi32>
        %add3A_693 = arith.addi %iota3A_313, %add3A_692 : vector<16xi32>
        %add3A_694 = arith.constant 64 : i32
        %add3A_695 = vector.broadcast %add3A_694 : i32 to vector<16xi32>
        %add3A_696 = arith.addi %broadcast_in_dim3A_664, %add3A_695 : vector<16xi32>
        %gather3A_697 = tpu.vector_load_idx %arg16[%broadcast_in_dim3A_317, %add3A_696] : memref<4x128xf32, #tpu.memory_space<vmem>>[vector<16xi32>, vector<16xi32>], vector<16xf32>,
        %gather3A_698 = tpu.vector_load_idx %arg12[%broadcast_in_dim3A_664, %add3A_693] : memref<64x128xf32, #tpu.memory_space<vmem>>[vector<16xi32>, vector<16xi32>], vector<16xf32>,
        %mul3A_699 = arith.mulf %gather3A_698, %gather3A_697 : vector<16xf32>
        tpu.vector_store_idx %arg12[%broadcast_in_dim3A_664, %add3A_693], %mul3A_699 : memref<64x128xf32, #tpu.memory_space<vmem>>[vector<16xi32>, vector<16xi32>], vector<16xf32>,
        %add3A_700 = arith.constant 64 : i32
        %add3A_701 = vector.broadcast %add3A_700 : i32 to vector<16xi32>
        %add3A_702 = arith.addi %iota3A_313, %add3A_701 : vector<16xi32>
        %add3A_703 = arith.constant 0 : i32
        %add3A_704 = vector.broadcast %add3A_703 : i32 to vector<16xi32>
        %add3A_705 = arith.addi %broadcast_in_dim3A_664, %add3A_704 : vector<16xi32>
        %gather3A_706 = tpu.vector_load_idx %arg16[%broadcast_in_dim3A_319, %add3A_705] : memref<4x128xf32, #tpu.memory_space<vmem>>[vector<16xi32>, vector<16xi32>], vector<16xf32>,
        %gather3A_707 = tpu.vector_load_idx %arg12[%broadcast_in_dim3A_664, %add3A_702] : memref<64x128xf32, #tpu.memory_space<vmem>>[vector<16xi32>, vector<16xi32>], vector<16xf32>,
        %mul3A_708 = arith.mulf %gather3A_707, %gather3A_706 : vector<16xf32>
        tpu.vector_store_idx %arg12[%broadcast_in_dim3A_664, %add3A_702], %mul3A_708 : memref<64x128xf32, #tpu.memory_space<vmem>>[vector<16xi32>, vector<16xi32>], vector<16xf32>,
        %add3A_709 = arith.constant 80 : i32
        %add3A_710 = vector.broadcast %add3A_709 : i32 to vector<16xi32>
        %add3A_711 = arith.addi %iota3A_313, %add3A_710 : vector<16xi32>
        %add3A_712 = arith.constant 64 : i32
        %add3A_713 = vector.broadcast %add3A_712 : i32 to vector<16xi32>
        %add3A_714 = arith.addi %broadcast_in_dim3A_664, %add3A_713 : vector<16xi32>
        %gather3A_715 = tpu.vector_load_idx %arg16[%broadcast_in_dim3A_319, %add3A_714] : memref<4x128xf32, #tpu.memory_space<vmem>>[vector<16xi32>, vector<16xi32>], vector<16xf32>,
        %gather3A_716 = tpu.vector_load_idx %arg12[%broadcast_in_dim3A_664, %add3A_711] : memref<64x128xf32, #tpu.memory_space<vmem>>[vector<16xi32>, vector<16xi32>], vector<16xf32>,
        %mul3A_717 = arith.mulf %gather3A_716, %gather3A_715 : vector<16xf32>
        tpu.vector_store_idx %arg12[%broadcast_in_dim3A_664, %add3A_711], %mul3A_717 : memref<64x128xf32, #tpu.memory_space<vmem>>[vector<16xi32>, vector<16xi32>], vector<16xf32>,
        %add3A_718 = arith.constant 96 : i32
        %add3A_719 = vector.broadcast %add3A_718 : i32 to vector<16xi32>
        %add3A_720 = arith.addi %iota3A_313, %add3A_719 : vector<16xi32>
        %add3A_721 = arith.constant 0 : i32
        %add3A_722 = vector.broadcast %add3A_721 : i32 to vector<16xi32>
        %add3A_723 = arith.addi %broadcast_in_dim3A_664, %add3A_722 : vector<16xi32>
        %gather3A_724 = tpu.vector_load_idx %arg16[%broadcast_in_dim3A_321, %add3A_723] : memref<4x128xf32, #tpu.memory_space<vmem>>[vector<16xi32>, vector<16xi32>], vector<16xf32>,
        %gather3A_725 = tpu.vector_load_idx %arg12[%broadcast_in_dim3A_664, %add3A_720] : memref<64x128xf32, #tpu.memory_space<vmem>>[vector<16xi32>, vector<16xi32>], vector<16xf32>,
        %mul3A_726 = arith.mulf %gather3A_725, %gather3A_724 : vector<16xf32>
        tpu.vector_store_idx %arg12[%broadcast_in_dim3A_664, %add3A_720], %mul3A_726 : memref<64x128xf32, #tpu.memory_space<vmem>>[vector<16xi32>, vector<16xi32>], vector<16xf32>,
        %add3A_727 = arith.constant 112 : i32
        %add3A_728 = vector.broadcast %add3A_727 : i32 to vector<16xi32>
        %add3A_729 = arith.addi %iota3A_313, %add3A_728 : vector<16xi32>
        %add3A_730 = arith.constant 64 : i32
        %add3A_731 = vector.broadcast %add3A_730 : i32 to vector<16xi32>
        %add3A_732 = arith.addi %broadcast_in_dim3A_664, %add3A_731 : vector<16xi32>
        %gather3A_733 = tpu.vector_load_idx %arg16[%broadcast_in_dim3A_321, %add3A_732] : memref<4x128xf32, #tpu.memory_space<vmem>>[vector<16xi32>, vector<16xi32>], vector<16xf32>,
        %gather3A_734 = tpu.vector_load_idx %arg12[%broadcast_in_dim3A_664, %add3A_729] : memref<64x128xf32, #tpu.memory_space<vmem>>[vector<16xi32>, vector<16xi32>], vector<16xf32>,
        %mul3A_735 = arith.mulf %gather3A_734, %gather3A_733 : vector<16xf32>
        tpu.vector_store_idx %arg12[%broadcast_in_dim3A_664, %add3A_729], %mul3A_735 : memref<64x128xf32, #tpu.memory_space<vmem>>[vector<16xi32>, vector<16xi32>], vector<16xf32>,
      }
      %scan3A_335 = arith.constant 64 : i32
      %dma_start3A_336 = arith.constant 2 : i32
      %dma_start3A_337 = arith.constant 0 : i32
      %dma_start3A_338 = tpu.memref_slice %arg9[%dma_start3A_336, %dma_start3A_337] : memref<8x64xi32, #tpu.memory_space<vmem>> -> memref<1x64xi32, #tpu.memory_space<vmem>>
      %dma_start3A_339 = tpu.memref_squeeze %dma_start3A_338 : memref<1x64xi32, #tpu.memory_space<vmem>> -> memref<64xi32, #tpu.memory_space<vmem>>
      %dma_start3A_340 = arith.constant 0 : i32
      %dma_start3A_341 = arith.constant 0 : i32
      %dma_start3A_342 = tpu.memref_slice %arg18[%dma_start3A_340, %dma_start3A_341] : memref<10000x128xf32, #tpu.memory_space<vmem_shared>> -> memref<10000x128xf32, #tpu.memory_space<vmem_shared>>
      tpu.enqueue_indirect_dma source(%arg12 : memref<64x128xf32, #tpu.memory_space<vmem>>) target(%dma_start3A_342 : memref<10000x128xf32, #tpu.memory_space<vmem_shared>>) offsets(%dma_start3A_339 : memref<64xi32, #tpu.memory_space<vmem>>) semaphore(%arg33 : memref<!tpu.dma_semaphore, #tpu.memory_space<semaphore_mem>>) {add = true}
      %mul3A_343 = arith.constant 8 : i32
      %mul3A_344 = arith.muli %scan3A_153, %mul3A_343 : i32
      %add3A_345 = arith.constant 3 : i32
      %add3A_346 = arith.addi %mul3A_344, %add3A_345 : i32
      %add3A_347 = arith.constant 3 : i32
      %add3A_348 = arith.addi %add3A_346, %add3A_347 : i32
      %lt3A_349 = arith.constant 160 : i32
      %lt3A_350 = arith.cmpi slt, %add3A_348, %lt3A_349 : i32
      %convert_element_type3A_351 = arith.extui %lt3A_350 : i1 to i32
      %cond3A_352 = arith.constant 0 : i32
      %cond3A_353 = arith.cmpi ne, %convert_element_type3A_351, %cond3A_352 : i32
      scf.if %cond3A_353 {
        %add3A_663 = arith.constant 3 : i32
        %add3A_664 = arith.addi %add3A_346, %add3A_663 : i32
        %mul3A_665 = arith.constant 64 : i32
        %mul3A_666 = arith.muli %add3A_664, %mul3A_665 : i32
        %add3A_667 = arith.addi %mul3A_4, %mul3A_666 : i32
        %dma_start3A_668 = arith.constant 6 : i32
        %dma_start3A_669 = arith.constant 0 : i32
        %dma_start3A_670 = tpu.memref_slice %arg8[%dma_start3A_668, %dma_start3A_669] : memref<8x64xi32, #tpu.memory_space<vmem>> -> memref<1x64xi32, #tpu.memory_space<vmem>>
        %dma_start3A_671 = tpu.memref_squeeze %dma_start3A_670 : memref<1x64xi32, #tpu.memory_space<vmem>> -> memref<64xi32, #tpu.memory_space<vmem>>
        %dma_start3A_672 = tpu.memref_slice %arg4[%add3A_667] : memref<327680xi32, #tpu.memory_space<hbm>> -> memref<64xi32, #tpu.memory_space<hbm>>
        %dma_start3A_673 = arith.constant 0 : i32
        %dma_start3A_674 = tpu.memref_slice %arg8[%dma_start3A_668, %dma_start3A_673] : memref<8x64xi32, #tpu.memory_space<vmem>> -> memref<1x64xi32, #tpu.memory_space<vmem>>
        %dma_start3A_675 = tpu.memref_squeeze %dma_start3A_674 : memref<1x64xi32, #tpu.memory_space<vmem>> -> memref<64xi32, #tpu.memory_space<vmem>>
        %dma_start3A_676 = tpu.memref_slice %arg4[%add3A_667] : memref<327680xi32, #tpu.memory_space<hbm>> -> memref<64xi32, #tpu.memory_space<hbm>>
        tpu.enqueue_dma source(%dma_start3A_676 : memref<64xi32, #tpu.memory_space<hbm>>) target(%dma_start3A_675 : memref<64xi32, #tpu.memory_space<vmem>>) target_semaphore(%arg25 : memref<!tpu.dma_semaphore, #tpu.memory_space<semaphore_mem>>)
        %dma_start3A_677 = arith.constant 6 : i32
        %dma_start3A_678 = arith.constant 0 : i32
        %dma_start3A_679 = tpu.memref_slice %arg9[%dma_start3A_677, %dma_start3A_678] : memref<8x64xi32, #tpu.memory_space<vmem>> -> memref<1x64xi32, #tpu.memory_space<vmem>>
        %dma_start3A_680 = tpu.memref_squeeze %dma_start3A_679 : memref<1x64xi32, #tpu.memory_space<vmem>> -> memref<64xi32, #tpu.memory_space<vmem>>
        %dma_start3A_681 = tpu.memref_slice %arg5[%add3A_667] : memref<327680xi32, #tpu.memory_space<hbm>> -> memref<64xi32, #tpu.memory_space<hbm>>
        %dma_start3A_682 = arith.constant 0 : i32
        %dma_start3A_683 = tpu.memref_slice %arg9[%dma_start3A_677, %dma_start3A_682] : memref<8x64xi32, #tpu.memory_space<vmem>> -> memref<1x64xi32, #tpu.memory_space<vmem>>
        %dma_start3A_684 = tpu.memref_squeeze %dma_start3A_683 : memref<1x64xi32, #tpu.memory_space<vmem>> -> memref<64xi32, #tpu.memory_space<vmem>>
        %dma_start3A_685 = tpu.memref_slice %arg5[%add3A_667] : memref<327680xi32, #tpu.memory_space<hbm>> -> memref<64xi32, #tpu.memory_space<hbm>>
        tpu.enqueue_dma source(%dma_start3A_685 : memref<64xi32, #tpu.memory_space<hbm>>) target(%dma_start3A_684 : memref<64xi32, #tpu.memory_space<vmem>>) target_semaphore(%arg25 : memref<!tpu.dma_semaphore, #tpu.memory_space<semaphore_mem>>)
      } else {
      }
      %add3A_354 = arith.constant 1 : i32
      %add3A_355 = arith.addi %add3A_346, %add3A_354 : i32
      %lt3A_356 = arith.constant 160 : i32
      %lt3A_357 = arith.cmpi slt, %add3A_355, %lt3A_356 : i32
      %convert_element_type3A_358 = arith.extui %lt3A_357 : i1 to i32
      %cond3A_359 = arith.constant 0 : i32
      %cond3A_360 = arith.cmpi ne, %convert_element_type3A_358, %cond3A_359 : i32
      scf.if %cond3A_360 {
        %dma_wait3A_663 = arith.constant 4 : i32
        %dma_wait3A_664 = arith.constant 0 : i32
        %dma_wait3A_665 = tpu.memref_slice %arg8[%dma_wait3A_663, %dma_wait3A_664] : memref<8x64xi32, #tpu.memory_space<vmem>> -> memref<1x64xi32, #tpu.memory_space<vmem>>
        %dma_wait3A_666 = tpu.memref_squeeze %dma_wait3A_665 : memref<1x64xi32, #tpu.memory_space<vmem>> -> memref<64xi32, #tpu.memory_space<vmem>>
        %dma_wait3A_667 = arith.constant 0 : i32
        %dma_wait3A_668 = tpu.memref_slice %arg4[%dma_wait3A_667] : memref<327680xi32, #tpu.memory_space<hbm>> -> memref<64xi32, #tpu.memory_space<hbm>>
        %dma_wait3A_669 = arith.constant 0 : i32
        %dma_wait3A_670 = tpu.memref_slice %arg8[%dma_wait3A_663, %dma_wait3A_669] : memref<8x64xi32, #tpu.memory_space<vmem>> -> memref<1x64xi32, #tpu.memory_space<vmem>>
        %dma_wait3A_671 = tpu.memref_squeeze %dma_wait3A_670 : memref<1x64xi32, #tpu.memory_space<vmem>> -> memref<64xi32, #tpu.memory_space<vmem>>
        %dma_wait3A_672 = arith.constant 0 : i32
        %dma_wait3A_673 = tpu.memref_slice %arg4[%dma_wait3A_672] : memref<327680xi32, #tpu.memory_space<hbm>> -> memref<64xi32, #tpu.memory_space<hbm>>
        tpu.wait_dma2 semaphore(%arg23 : memref<!tpu.dma_semaphore, #tpu.memory_space<semaphore_mem>>) src(%dma_wait3A_673 : memref<64xi32, #tpu.memory_space<hbm>>) dst(%dma_wait3A_671 : memref<64xi32, #tpu.memory_space<vmem>>)
        %dma_wait3A_674 = arith.constant 4 : i32
        %dma_wait3A_675 = arith.constant 0 : i32
        %dma_wait3A_676 = tpu.memref_slice %arg9[%dma_wait3A_674, %dma_wait3A_675] : memref<8x64xi32, #tpu.memory_space<vmem>> -> memref<1x64xi32, #tpu.memory_space<vmem>>
        %dma_wait3A_677 = tpu.memref_squeeze %dma_wait3A_676 : memref<1x64xi32, #tpu.memory_space<vmem>> -> memref<64xi32, #tpu.memory_space<vmem>>
        %dma_wait3A_678 = arith.constant 0 : i32
        %dma_wait3A_679 = tpu.memref_slice %arg5[%dma_wait3A_678] : memref<327680xi32, #tpu.memory_space<hbm>> -> memref<64xi32, #tpu.memory_space<hbm>>
        %dma_wait3A_680 = arith.constant 0 : i32
        %dma_wait3A_681 = tpu.memref_slice %arg9[%dma_wait3A_674, %dma_wait3A_680] : memref<8x64xi32, #tpu.memory_space<vmem>> -> memref<1x64xi32, #tpu.memory_space<vmem>>
        %dma_wait3A_682 = tpu.memref_squeeze %dma_wait3A_681 : memref<1x64xi32, #tpu.memory_space<vmem>> -> memref<64xi32, #tpu.memory_space<vmem>>
        %dma_wait3A_683 = arith.constant 0 : i32
        %dma_wait3A_684 = tpu.memref_slice %arg5[%dma_wait3A_683] : memref<327680xi32, #tpu.memory_space<hbm>> -> memref<64xi32, #tpu.memory_space<hbm>>
        tpu.wait_dma2 semaphore(%arg23 : memref<!tpu.dma_semaphore, #tpu.memory_space<semaphore_mem>>) src(%dma_wait3A_684 : memref<64xi32, #tpu.memory_space<hbm>>) dst(%dma_wait3A_682 : memref<64xi32, #tpu.memory_space<vmem>>)
        %add3A_685 = arith.constant 1 : i32
        %add3A_686 = arith.addi %add3A_346, %add3A_685 : i32
        %ge3A = arith.constant 4 : i32
        %ge3A_687 = arith.cmpi sge, %add3A_686, %ge3A : i32
        %convert_element_type3A_688 = arith.extui %ge3A_687 : i1 to i32
        %cond3A_689 = arith.constant 0 : i32
        %cond3A_690 = arith.cmpi ne, %convert_element_type3A_688, %cond3A_689 : i32
        scf.if %cond3A_690 {
          %dma_wait3A_711 = arith.constant 0 : i32
          %dma_wait3A_712 = arith.constant 0 : i32
          %dma_wait3A_713 = tpu.memref_slice %arg9[%dma_wait3A_711, %dma_wait3A_712] : memref<8x64xi32, #tpu.memory_space<vmem>> -> memref<1x64xi32, #tpu.memory_space<vmem>>
          %dma_wait3A_714 = tpu.memref_squeeze %dma_wait3A_713 : memref<1x64xi32, #tpu.memory_space<vmem>> -> memref<64xi32, #tpu.memory_space<vmem>>
          %dma_wait3A_715 = arith.constant 0 : i32
          %dma_wait3A_716 = arith.constant 0 : i32
          %dma_wait3A_717 = tpu.memref_slice %arg18[%dma_wait3A_715, %dma_wait3A_716] : memref<10000x128xf32, #tpu.memory_space<vmem_shared>> -> memref<10000x128xf32, #tpu.memory_space<vmem_shared>>
          tpu.wait_indirect_dma semaphore(%arg31 : memref<!tpu.dma_semaphore, #tpu.memory_space<semaphore_mem>>) src(%arg10 : memref<64x128xf32, #tpu.memory_space<vmem>>) dst(%dma_wait3A_717 : memref<10000x128xf32, #tpu.memory_space<vmem_shared>>)
        } else {
        }
        %add3A_691 = arith.constant 1 : i32
        %add3A_692 = arith.addi %add3A_346, %add3A_691 : i32
        %dma_start3A_693 = arith.constant 4 : i32
        %dma_start3A_694 = arith.constant 0 : i32
        %dma_start3A_695 = tpu.memref_slice %arg8[%dma_start3A_693, %dma_start3A_694] : memref<8x64xi32, #tpu.memory_space<vmem>> -> memref<1x64xi32, #tpu.memory_space<vmem>>
        %dma_start3A_696 = tpu.memref_squeeze %dma_start3A_695 : memref<1x64xi32, #tpu.memory_space<vmem>> -> memref<64xi32, #tpu.memory_space<vmem>>
        %dma_start3A_697 = arith.constant 0 : i32
        %dma_start3A_698 = arith.constant 0 : i32
        %dma_start3A_699 = tpu.memref_slice %arg2[%dma_start3A_697, %dma_start3A_698] : memref<10000x128xf32, #tpu.memory_space<hbm>> -> memref<10000x128xf32, #tpu.memory_space<hbm>>
        tpu.enqueue_indirect_dma source(%dma_start3A_699 : memref<10000x128xf32, #tpu.memory_space<hbm>>) target(%arg10 : memref<64x128xf32, #tpu.memory_space<vmem>>) offsets(%dma_start3A_696 : memref<64xi32, #tpu.memory_space<vmem>>) semaphore(%arg27 : memref<!tpu.dma_semaphore, #tpu.memory_space<semaphore_mem>>)
        %mul3A_700 = arith.constant 160 : i32
        %mul3A_701 = arith.muli %add3A, %mul3A_700 : i32
        %add3A_702 = arith.addi %mul3A_701, %add3A_692 : i32
        %dma_start3A_703 = arith.constant 0 : i32
        %dma_start3A_704 = arith.constant 0 : i32
        %dma_start3A_705 = tpu.memref_slice %arg3[%add3A_702, %dma_start3A_703, %dma_start3A_704] : memref<5120x4x128xf32, #tpu.memory_space<hbm>> -> memref<1x4x128xf32, #tpu.memory_space<hbm>>
        %dma_start3A_706 = tpu.memref_squeeze %dma_start3A_705 : memref<1x4x128xf32, #tpu.memory_space<hbm>> -> memref<4x128xf32, #tpu.memory_space<hbm>>
        %dma_start3A_707 = arith.constant 0 : i32
        %dma_start3A_708 = arith.constant 0 : i32
        %dma_start3A_709 = tpu.memref_slice %arg3[%add3A_702, %dma_start3A_707, %dma_start3A_708] : memref<5120x4x128xf32, #tpu.memory_space<hbm>> -> memref<1x4x128xf32, #tpu.memory_space<hbm>>
        %dma_start3A_710 = tpu.memref_squeeze %dma_start3A_709 : memref<1x4x128xf32, #tpu.memory_space<hbm>> -> memref<4x128xf32, #tpu.memory_space<hbm>>
        tpu.enqueue_dma source(%dma_start3A_710 : memref<4x128xf32, #tpu.memory_space<hbm>>) target(%arg14 : memref<4x128xf32, #tpu.memory_space<vmem>>) target_semaphore(%arg27 : memref<!tpu.dma_semaphore, #tpu.memory_space<semaphore_mem>>)
      } else {
      }
      %dma_wait3A_361 = arith.constant 3 : i32
      %dma_wait3A_362 = arith.constant 0 : i32
      %dma_wait3A_363 = tpu.memref_slice %arg8[%dma_wait3A_361, %dma_wait3A_362] : memref<8x64xi32, #tpu.memory_space<vmem>> -> memref<1x64xi32, #tpu.memory_space<vmem>>
      %dma_wait3A_364 = tpu.memref_squeeze %dma_wait3A_363 : memref<1x64xi32, #tpu.memory_space<vmem>> -> memref<64xi32, #tpu.memory_space<vmem>>
      %dma_wait3A_365 = arith.constant 0 : i32
      %dma_wait3A_366 = arith.constant 0 : i32
      %dma_wait3A_367 = tpu.memref_slice %arg2[%dma_wait3A_365, %dma_wait3A_366] : memref<10000x128xf32, #tpu.memory_space<hbm>> -> memref<10000x128xf32, #tpu.memory_space<hbm>>
      tpu.wait_indirect_dma semaphore(%arg30 : memref<!tpu.dma_semaphore, #tpu.memory_space<semaphore_mem>>) src(%dma_wait3A_367 : memref<10000x128xf32, #tpu.memory_space<hbm>>) dst(%arg13 : memref<64x128xf32, #tpu.memory_space<vmem>>)
      %dma_wait3A_368 = arith.constant 0 : i32
      %dma_wait3A_369 = arith.constant 0 : i32
      %dma_wait3A_370 = arith.constant 0 : i32
      %dma_wait3A_371 = tpu.memref_slice %arg3[%dma_wait3A_368, %dma_wait3A_369, %dma_wait3A_370] : memref<5120x4x128xf32, #tpu.memory_space<hbm>> -> memref<1x4x128xf32, #tpu.memory_space<hbm>>
      %dma_wait3A_372 = tpu.memref_squeeze %dma_wait3A_371 : memref<1x4x128xf32, #tpu.memory_space<hbm>> -> memref<4x128xf32, #tpu.memory_space<hbm>>
      %dma_wait3A_373 = arith.constant 0 : i32
      %dma_wait3A_374 = arith.constant 0 : i32
      %dma_wait3A_375 = tpu.memref_slice %arg3[%dma_wait3A_368, %dma_wait3A_373, %dma_wait3A_374] : memref<5120x4x128xf32, #tpu.memory_space<hbm>> -> memref<1x4x128xf32, #tpu.memory_space<hbm>>
      %dma_wait3A_376 = tpu.memref_squeeze %dma_wait3A_375 : memref<1x4x128xf32, #tpu.memory_space<hbm>> -> memref<4x128xf32, #tpu.memory_space<hbm>>
      tpu.wait_dma2 semaphore(%arg30 : memref<!tpu.dma_semaphore, #tpu.memory_space<semaphore_mem>>) src(%dma_wait3A_376 : memref<4x128xf32, #tpu.memory_space<hbm>>) dst(%arg17 : memref<4x128xf32, #tpu.memory_space<vmem>>)
      %iota3A_377 = tpu.iota {dimensions = array<i32: 0>} : vector<16xi32>
      %broadcast_in_dim3A_378 = arith.constant 0 : i32
      %broadcast_in_dim3A_379 = vector.broadcast %broadcast_in_dim3A_378 : i32 to vector<16xi32>
      %broadcast_in_dim3A_380 = arith.constant 1 : i32
      %broadcast_in_dim3A_381 = vector.broadcast %broadcast_in_dim3A_380 : i32 to vector<16xi32>
      %broadcast_in_dim3A_382 = arith.constant 2 : i32
      %broadcast_in_dim3A_383 = vector.broadcast %broadcast_in_dim3A_382 : i32 to vector<16xi32>
      %broadcast_in_dim3A_384 = arith.constant 3 : i32
      %broadcast_in_dim3A_385 = vector.broadcast %broadcast_in_dim3A_384 : i32 to vector<16xi32>
      %broadcast_in_dim3A_386 = arith.constant 4 : i32
      %broadcast_in_dim3A_387 = vector.broadcast %broadcast_in_dim3A_386 : i32 to vector<16xi32>
      %broadcast_in_dim3A_388 = arith.constant 5 : i32
      %broadcast_in_dim3A_389 = vector.broadcast %broadcast_in_dim3A_388 : i32 to vector<16xi32>
      %broadcast_in_dim3A_390 = arith.constant 6 : i32
      %broadcast_in_dim3A_391 = vector.broadcast %broadcast_in_dim3A_390 : i32 to vector<16xi32>
      %broadcast_in_dim3A_392 = arith.constant 7 : i32
      %broadcast_in_dim3A_393 = vector.broadcast %broadcast_in_dim3A_392 : i32 to vector<16xi32>
      %scan3A_394 = arith.constant 0 : i32
      %scan3A_395 = arith.constant 0 : i32
      %scan3A_396 = arith.constant 64 : i32
      %scan3A_397 = arith.addi %scan3A_395, %scan3A_396 : i32
      %scan3A_398 = arith.constant 1 : i32
      scf.for %scan3A_663 = %scan3A_395 to %scan3A_397 step %scan3A_398  : i32 {
        %broadcast_in_dim3A_664 = vector.broadcast %scan3A_663 : i32 to vector<16xi32>
        %add3A_665 = arith.constant 0 : i32
        %add3A_666 = vector.broadcast %add3A_665 : i32 to vector<16xi32>
        %add3A_667 = arith.addi %iota3A_377, %add3A_666 : vector<16xi32>
        %add3A_668 = arith.constant 0 : i32
        %add3A_669 = vector.broadcast %add3A_668 : i32 to vector<16xi32>
        %add3A_670 = arith.addi %broadcast_in_dim3A_664, %add3A_669 : vector<16xi32>
        %gather3A = tpu.vector_load_idx %arg17[%broadcast_in_dim3A_379, %add3A_670] : memref<4x128xf32, #tpu.memory_space<vmem>>[vector<16xi32>, vector<16xi32>], vector<16xf32>,
        %gather3A_671 = tpu.vector_load_idx %arg13[%broadcast_in_dim3A_664, %add3A_667] : memref<64x128xf32, #tpu.memory_space<vmem>>[vector<16xi32>, vector<16xi32>], vector<16xf32>,
        %mul3A_672 = arith.mulf %gather3A_671, %gather3A : vector<16xf32>
        tpu.vector_store_idx %arg13[%broadcast_in_dim3A_664, %add3A_667], %mul3A_672 : memref<64x128xf32, #tpu.memory_space<vmem>>[vector<16xi32>, vector<16xi32>], vector<16xf32>,
        %add3A_673 = arith.constant 16 : i32
        %add3A_674 = vector.broadcast %add3A_673 : i32 to vector<16xi32>
        %add3A_675 = arith.addi %iota3A_377, %add3A_674 : vector<16xi32>
        %add3A_676 = arith.constant 64 : i32
        %add3A_677 = vector.broadcast %add3A_676 : i32 to vector<16xi32>
        %add3A_678 = arith.addi %broadcast_in_dim3A_664, %add3A_677 : vector<16xi32>
        %gather3A_679 = tpu.vector_load_idx %arg17[%broadcast_in_dim3A_379, %add3A_678] : memref<4x128xf32, #tpu.memory_space<vmem>>[vector<16xi32>, vector<16xi32>], vector<16xf32>,
        %gather3A_680 = tpu.vector_load_idx %arg13[%broadcast_in_dim3A_664, %add3A_675] : memref<64x128xf32, #tpu.memory_space<vmem>>[vector<16xi32>, vector<16xi32>], vector<16xf32>,
        %mul3A_681 = arith.mulf %gather3A_680, %gather3A_679 : vector<16xf32>
        tpu.vector_store_idx %arg13[%broadcast_in_dim3A_664, %add3A_675], %mul3A_681 : memref<64x128xf32, #tpu.memory_space<vmem>>[vector<16xi32>, vector<16xi32>], vector<16xf32>,
        %add3A_682 = arith.constant 32 : i32
        %add3A_683 = vector.broadcast %add3A_682 : i32 to vector<16xi32>
        %add3A_684 = arith.addi %iota3A_377, %add3A_683 : vector<16xi32>
        %add3A_685 = arith.constant 0 : i32
        %add3A_686 = vector.broadcast %add3A_685 : i32 to vector<16xi32>
        %add3A_687 = arith.addi %broadcast_in_dim3A_664, %add3A_686 : vector<16xi32>
        %gather3A_688 = tpu.vector_load_idx %arg17[%broadcast_in_dim3A_381, %add3A_687] : memref<4x128xf32, #tpu.memory_space<vmem>>[vector<16xi32>, vector<16xi32>], vector<16xf32>,
        %gather3A_689 = tpu.vector_load_idx %arg13[%broadcast_in_dim3A_664, %add3A_684] : memref<64x128xf32, #tpu.memory_space<vmem>>[vector<16xi32>, vector<16xi32>], vector<16xf32>,
        %mul3A_690 = arith.mulf %gather3A_689, %gather3A_688 : vector<16xf32>
        tpu.vector_store_idx %arg13[%broadcast_in_dim3A_664, %add3A_684], %mul3A_690 : memref<64x128xf32, #tpu.memory_space<vmem>>[vector<16xi32>, vector<16xi32>], vector<16xf32>,
        %add3A_691 = arith.constant 48 : i32
        %add3A_692 = vector.broadcast %add3A_691 : i32 to vector<16xi32>
        %add3A_693 = arith.addi %iota3A_377, %add3A_692 : vector<16xi32>
        %add3A_694 = arith.constant 64 : i32
        %add3A_695 = vector.broadcast %add3A_694 : i32 to vector<16xi32>
        %add3A_696 = arith.addi %broadcast_in_dim3A_664, %add3A_695 : vector<16xi32>
        %gather3A_697 = tpu.vector_load_idx %arg17[%broadcast_in_dim3A_381, %add3A_696] : memref<4x128xf32, #tpu.memory_space<vmem>>[vector<16xi32>, vector<16xi32>], vector<16xf32>,
        %gather3A_698 = tpu.vector_load_idx %arg13[%broadcast_in_dim3A_664, %add3A_693] : memref<64x128xf32, #tpu.memory_space<vmem>>[vector<16xi32>, vector<16xi32>], vector<16xf32>,
        %mul3A_699 = arith.mulf %gather3A_698, %gather3A_697 : vector<16xf32>
        tpu.vector_store_idx %arg13[%broadcast_in_dim3A_664, %add3A_693], %mul3A_699 : memref<64x128xf32, #tpu.memory_space<vmem>>[vector<16xi32>, vector<16xi32>], vector<16xf32>,
        %add3A_700 = arith.constant 64 : i32
        %add3A_701 = vector.broadcast %add3A_700 : i32 to vector<16xi32>
        %add3A_702 = arith.addi %iota3A_377, %add3A_701 : vector<16xi32>
        %add3A_703 = arith.constant 0 : i32
        %add3A_704 = vector.broadcast %add3A_703 : i32 to vector<16xi32>
        %add3A_705 = arith.addi %broadcast_in_dim3A_664, %add3A_704 : vector<16xi32>
        %gather3A_706 = tpu.vector_load_idx %arg17[%broadcast_in_dim3A_383, %add3A_705] : memref<4x128xf32, #tpu.memory_space<vmem>>[vector<16xi32>, vector<16xi32>], vector<16xf32>,
        %gather3A_707 = tpu.vector_load_idx %arg13[%broadcast_in_dim3A_664, %add3A_702] : memref<64x128xf32, #tpu.memory_space<vmem>>[vector<16xi32>, vector<16xi32>], vector<16xf32>,
        %mul3A_708 = arith.mulf %gather3A_707, %gather3A_706 : vector<16xf32>
        tpu.vector_store_idx %arg13[%broadcast_in_dim3A_664, %add3A_702], %mul3A_708 : memref<64x128xf32, #tpu.memory_space<vmem>>[vector<16xi32>, vector<16xi32>], vector<16xf32>,
        %add3A_709 = arith.constant 80 : i32
        %add3A_710 = vector.broadcast %add3A_709 : i32 to vector<16xi32>
        %add3A_711 = arith.addi %iota3A_377, %add3A_710 : vector<16xi32>
        %add3A_712 = arith.constant 64 : i32
        %add3A_713 = vector.broadcast %add3A_712 : i32 to vector<16xi32>
        %add3A_714 = arith.addi %broadcast_in_dim3A_664, %add3A_713 : vector<16xi32>
        %gather3A_715 = tpu.vector_load_idx %arg17[%broadcast_in_dim3A_383, %add3A_714] : memref<4x128xf32, #tpu.memory_space<vmem>>[vector<16xi32>, vector<16xi32>], vector<16xf32>,
        %gather3A_716 = tpu.vector_load_idx %arg13[%broadcast_in_dim3A_664, %add3A_711] : memref<64x128xf32, #tpu.memory_space<vmem>>[vector<16xi32>, vector<16xi32>], vector<16xf32>,
        %mul3A_717 = arith.mulf %gather3A_716, %gather3A_715 : vector<16xf32>
        tpu.vector_store_idx %arg13[%broadcast_in_dim3A_664, %add3A_711], %mul3A_717 : memref<64x128xf32, #tpu.memory_space<vmem>>[vector<16xi32>, vector<16xi32>], vector<16xf32>,
        %add3A_718 = arith.constant 96 : i32
        %add3A_719 = vector.broadcast %add3A_718 : i32 to vector<16xi32>
        %add3A_720 = arith.addi %iota3A_377, %add3A_719 : vector<16xi32>
        %add3A_721 = arith.constant 0 : i32
        %add3A_722 = vector.broadcast %add3A_721 : i32 to vector<16xi32>
        %add3A_723 = arith.addi %broadcast_in_dim3A_664, %add3A_722 : vector<16xi32>
        %gather3A_724 = tpu.vector_load_idx %arg17[%broadcast_in_dim3A_385, %add3A_723] : memref<4x128xf32, #tpu.memory_space<vmem>>[vector<16xi32>, vector<16xi32>], vector<16xf32>,
        %gather3A_725 = tpu.vector_load_idx %arg13[%broadcast_in_dim3A_664, %add3A_720] : memref<64x128xf32, #tpu.memory_space<vmem>>[vector<16xi32>, vector<16xi32>], vector<16xf32>,
        %mul3A_726 = arith.mulf %gather3A_725, %gather3A_724 : vector<16xf32>
        tpu.vector_store_idx %arg13[%broadcast_in_dim3A_664, %add3A_720], %mul3A_726 : memref<64x128xf32, #tpu.memory_space<vmem>>[vector<16xi32>, vector<16xi32>], vector<16xf32>,
        %add3A_727 = arith.constant 112 : i32
        %add3A_728 = vector.broadcast %add3A_727 : i32 to vector<16xi32>
        %add3A_729 = arith.addi %iota3A_377, %add3A_728 : vector<16xi32>
        %add3A_730 = arith.constant 64 : i32
        %add3A_731 = vector.broadcast %add3A_730 : i32 to vector<16xi32>
        %add3A_732 = arith.addi %broadcast_in_dim3A_664, %add3A_731 : vector<16xi32>
        %gather3A_733 = tpu.vector_load_idx %arg17[%broadcast_in_dim3A_385, %add3A_732] : memref<4x128xf32, #tpu.memory_space<vmem>>[vector<16xi32>, vector<16xi32>], vector<16xf32>,
        %gather3A_734 = tpu.vector_load_idx %arg13[%broadcast_in_dim3A_664, %add3A_729] : memref<64x128xf32, #tpu.memory_space<vmem>>[vector<16xi32>, vector<16xi32>], vector<16xf32>,
        %mul3A_735 = arith.mulf %gather3A_734, %gather3A_733 : vector<16xf32>
        tpu.vector_store_idx %arg13[%broadcast_in_dim3A_664, %add3A_729], %mul3A_735 : memref<64x128xf32, #tpu.memory_space<vmem>>[vector<16xi32>, vector<16xi32>], vector<16xf32>,
      }
      %scan3A_399 = arith.constant 64 : i32
      %dma_start3A_400 = arith.constant 3 : i32
      %dma_start3A_401 = arith.constant 0 : i32
      %dma_start3A_402 = tpu.memref_slice %arg9[%dma_start3A_400, %dma_start3A_401] : memref<8x64xi32, #tpu.memory_space<vmem>> -> memref<1x64xi32, #tpu.memory_space<vmem>>
      %dma_start3A_403 = tpu.memref_squeeze %dma_start3A_402 : memref<1x64xi32, #tpu.memory_space<vmem>> -> memref<64xi32, #tpu.memory_space<vmem>>
      %dma_start3A_404 = arith.constant 0 : i32
      %dma_start3A_405 = arith.constant 0 : i32
      %dma_start3A_406 = tpu.memref_slice %arg18[%dma_start3A_404, %dma_start3A_405] : memref<10000x128xf32, #tpu.memory_space<vmem_shared>> -> memref<10000x128xf32, #tpu.memory_space<vmem_shared>>
      tpu.enqueue_indirect_dma source(%arg13 : memref<64x128xf32, #tpu.memory_space<vmem>>) target(%dma_start3A_406 : memref<10000x128xf32, #tpu.memory_space<vmem_shared>>) offsets(%dma_start3A_403 : memref<64xi32, #tpu.memory_space<vmem>>) semaphore(%arg34 : memref<!tpu.dma_semaphore, #tpu.memory_space<semaphore_mem>>) {add = true}
      %mul3A_407 = arith.constant 8 : i32
      %mul3A_408 = arith.muli %scan3A_153, %mul3A_407 : i32
      %add3A_409 = arith.constant 4 : i32
      %add3A_410 = arith.addi %mul3A_408, %add3A_409 : i32
      %add3A_411 = arith.constant 3 : i32
      %add3A_412 = arith.addi %add3A_410, %add3A_411 : i32
      %lt3A_413 = arith.constant 160 : i32
      %lt3A_414 = arith.cmpi slt, %add3A_412, %lt3A_413 : i32
      %convert_element_type3A_415 = arith.extui %lt3A_414 : i1 to i32
      %cond3A_416 = arith.constant 0 : i32
      %cond3A_417 = arith.cmpi ne, %convert_element_type3A_415, %cond3A_416 : i32
      scf.if %cond3A_417 {
        %add3A_663 = arith.constant 3 : i32
        %add3A_664 = arith.addi %add3A_410, %add3A_663 : i32
        %mul3A_665 = arith.constant 64 : i32
        %mul3A_666 = arith.muli %add3A_664, %mul3A_665 : i32
        %add3A_667 = arith.addi %mul3A_4, %mul3A_666 : i32
        %dma_start3A_668 = arith.constant 7 : i32
        %dma_start3A_669 = arith.constant 0 : i32
        %dma_start3A_670 = tpu.memref_slice %arg8[%dma_start3A_668, %dma_start3A_669] : memref<8x64xi32, #tpu.memory_space<vmem>> -> memref<1x64xi32, #tpu.memory_space<vmem>>
        %dma_start3A_671 = tpu.memref_squeeze %dma_start3A_670 : memref<1x64xi32, #tpu.memory_space<vmem>> -> memref<64xi32, #tpu.memory_space<vmem>>
        %dma_start3A_672 = tpu.memref_slice %arg4[%add3A_667] : memref<327680xi32, #tpu.memory_space<hbm>> -> memref<64xi32, #tpu.memory_space<hbm>>
        %dma_start3A_673 = arith.constant 0 : i32
        %dma_start3A_674 = tpu.memref_slice %arg8[%dma_start3A_668, %dma_start3A_673] : memref<8x64xi32, #tpu.memory_space<vmem>> -> memref<1x64xi32, #tpu.memory_space<vmem>>
        %dma_start3A_675 = tpu.memref_squeeze %dma_start3A_674 : memref<1x64xi32, #tpu.memory_space<vmem>> -> memref<64xi32, #tpu.memory_space<vmem>>
        %dma_start3A_676 = tpu.memref_slice %arg4[%add3A_667] : memref<327680xi32, #tpu.memory_space<hbm>> -> memref<64xi32, #tpu.memory_space<hbm>>
        tpu.enqueue_dma source(%dma_start3A_676 : memref<64xi32, #tpu.memory_space<hbm>>) target(%dma_start3A_675 : memref<64xi32, #tpu.memory_space<vmem>>) target_semaphore(%arg26 : memref<!tpu.dma_semaphore, #tpu.memory_space<semaphore_mem>>)
        %dma_start3A_677 = arith.constant 7 : i32
        %dma_start3A_678 = arith.constant 0 : i32
        %dma_start3A_679 = tpu.memref_slice %arg9[%dma_start3A_677, %dma_start3A_678] : memref<8x64xi32, #tpu.memory_space<vmem>> -> memref<1x64xi32, #tpu.memory_space<vmem>>
        %dma_start3A_680 = tpu.memref_squeeze %dma_start3A_679 : memref<1x64xi32, #tpu.memory_space<vmem>> -> memref<64xi32, #tpu.memory_space<vmem>>
        %dma_start3A_681 = tpu.memref_slice %arg5[%add3A_667] : memref<327680xi32, #tpu.memory_space<hbm>> -> memref<64xi32, #tpu.memory_space<hbm>>
        %dma_start3A_682 = arith.constant 0 : i32
        %dma_start3A_683 = tpu.memref_slice %arg9[%dma_start3A_677, %dma_start3A_682] : memref<8x64xi32, #tpu.memory_space<vmem>> -> memref<1x64xi32, #tpu.memory_space<vmem>>
        %dma_start3A_684 = tpu.memref_squeeze %dma_start3A_683 : memref<1x64xi32, #tpu.memory_space<vmem>> -> memref<64xi32, #tpu.memory_space<vmem>>
        %dma_start3A_685 = tpu.memref_slice %arg5[%add3A_667] : memref<327680xi32, #tpu.memory_space<hbm>> -> memref<64xi32, #tpu.memory_space<hbm>>
        tpu.enqueue_dma source(%dma_start3A_685 : memref<64xi32, #tpu.memory_space<hbm>>) target(%dma_start3A_684 : memref<64xi32, #tpu.memory_space<vmem>>) target_semaphore(%arg26 : memref<!tpu.dma_semaphore, #tpu.memory_space<semaphore_mem>>)
      } else {
      }
      %add3A_418 = arith.constant 1 : i32
      %add3A_419 = arith.addi %add3A_410, %add3A_418 : i32
      %lt3A_420 = arith.constant 160 : i32
      %lt3A_421 = arith.cmpi slt, %add3A_419, %lt3A_420 : i32
      %convert_element_type3A_422 = arith.extui %lt3A_421 : i1 to i32
      %cond3A_423 = arith.constant 0 : i32
      %cond3A_424 = arith.cmpi ne, %convert_element_type3A_422, %cond3A_423 : i32
      scf.if %cond3A_424 {
        %dma_wait3A_663 = arith.constant 5 : i32
        %dma_wait3A_664 = arith.constant 0 : i32
        %dma_wait3A_665 = tpu.memref_slice %arg8[%dma_wait3A_663, %dma_wait3A_664] : memref<8x64xi32, #tpu.memory_space<vmem>> -> memref<1x64xi32, #tpu.memory_space<vmem>>
        %dma_wait3A_666 = tpu.memref_squeeze %dma_wait3A_665 : memref<1x64xi32, #tpu.memory_space<vmem>> -> memref<64xi32, #tpu.memory_space<vmem>>
        %dma_wait3A_667 = arith.constant 0 : i32
        %dma_wait3A_668 = tpu.memref_slice %arg4[%dma_wait3A_667] : memref<327680xi32, #tpu.memory_space<hbm>> -> memref<64xi32, #tpu.memory_space<hbm>>
        %dma_wait3A_669 = arith.constant 0 : i32
        %dma_wait3A_670 = tpu.memref_slice %arg8[%dma_wait3A_663, %dma_wait3A_669] : memref<8x64xi32, #tpu.memory_space<vmem>> -> memref<1x64xi32, #tpu.memory_space<vmem>>
        %dma_wait3A_671 = tpu.memref_squeeze %dma_wait3A_670 : memref<1x64xi32, #tpu.memory_space<vmem>> -> memref<64xi32, #tpu.memory_space<vmem>>
        %dma_wait3A_672 = arith.constant 0 : i32
        %dma_wait3A_673 = tpu.memref_slice %arg4[%dma_wait3A_672] : memref<327680xi32, #tpu.memory_space<hbm>> -> memref<64xi32, #tpu.memory_space<hbm>>
        tpu.wait_dma2 semaphore(%arg24 : memref<!tpu.dma_semaphore, #tpu.memory_space<semaphore_mem>>) src(%dma_wait3A_673 : memref<64xi32, #tpu.memory_space<hbm>>) dst(%dma_wait3A_671 : memref<64xi32, #tpu.memory_space<vmem>>)
        %dma_wait3A_674 = arith.constant 5 : i32
        %dma_wait3A_675 = arith.constant 0 : i32
        %dma_wait3A_676 = tpu.memref_slice %arg9[%dma_wait3A_674, %dma_wait3A_675] : memref<8x64xi32, #tpu.memory_space<vmem>> -> memref<1x64xi32, #tpu.memory_space<vmem>>
        %dma_wait3A_677 = tpu.memref_squeeze %dma_wait3A_676 : memref<1x64xi32, #tpu.memory_space<vmem>> -> memref<64xi32, #tpu.memory_space<vmem>>
        %dma_wait3A_678 = arith.constant 0 : i32
        %dma_wait3A_679 = tpu.memref_slice %arg5[%dma_wait3A_678] : memref<327680xi32, #tpu.memory_space<hbm>> -> memref<64xi32, #tpu.memory_space<hbm>>
        %dma_wait3A_680 = arith.constant 0 : i32
        %dma_wait3A_681 = tpu.memref_slice %arg9[%dma_wait3A_674, %dma_wait3A_680] : memref<8x64xi32, #tpu.memory_space<vmem>> -> memref<1x64xi32, #tpu.memory_space<vmem>>
        %dma_wait3A_682 = tpu.memref_squeeze %dma_wait3A_681 : memref<1x64xi32, #tpu.memory_space<vmem>> -> memref<64xi32, #tpu.memory_space<vmem>>
        %dma_wait3A_683 = arith.constant 0 : i32
        %dma_wait3A_684 = tpu.memref_slice %arg5[%dma_wait3A_683] : memref<327680xi32, #tpu.memory_space<hbm>> -> memref<64xi32, #tpu.memory_space<hbm>>
        tpu.wait_dma2 semaphore(%arg24 : memref<!tpu.dma_semaphore, #tpu.memory_space<semaphore_mem>>) src(%dma_wait3A_684 : memref<64xi32, #tpu.memory_space<hbm>>) dst(%dma_wait3A_682 : memref<64xi32, #tpu.memory_space<vmem>>)
        %add3A_685 = arith.constant 1 : i32
        %add3A_686 = arith.addi %add3A_410, %add3A_685 : i32
        %ge3A = arith.constant 4 : i32
        %ge3A_687 = arith.cmpi sge, %add3A_686, %ge3A : i32
        %convert_element_type3A_688 = arith.extui %ge3A_687 : i1 to i32
        %cond3A_689 = arith.constant 0 : i32
        %cond3A_690 = arith.cmpi ne, %convert_element_type3A_688, %cond3A_689 : i32
        scf.if %cond3A_690 {
          %dma_wait3A_711 = arith.constant 0 : i32
          %dma_wait3A_712 = arith.constant 0 : i32
          %dma_wait3A_713 = tpu.memref_slice %arg9[%dma_wait3A_711, %dma_wait3A_712] : memref<8x64xi32, #tpu.memory_space<vmem>> -> memref<1x64xi32, #tpu.memory_space<vmem>>
          %dma_wait3A_714 = tpu.memref_squeeze %dma_wait3A_713 : memref<1x64xi32, #tpu.memory_space<vmem>> -> memref<64xi32, #tpu.memory_space<vmem>>
          %dma_wait3A_715 = arith.constant 0 : i32
          %dma_wait3A_716 = arith.constant 0 : i32
          %dma_wait3A_717 = tpu.memref_slice %arg18[%dma_wait3A_715, %dma_wait3A_716] : memref<10000x128xf32, #tpu.memory_space<vmem_shared>> -> memref<10000x128xf32, #tpu.memory_space<vmem_shared>>
          tpu.wait_indirect_dma semaphore(%arg32 : memref<!tpu.dma_semaphore, #tpu.memory_space<semaphore_mem>>) src(%arg11 : memref<64x128xf32, #tpu.memory_space<vmem>>) dst(%dma_wait3A_717 : memref<10000x128xf32, #tpu.memory_space<vmem_shared>>)
        } else {
        }
        %add3A_691 = arith.constant 1 : i32
        %add3A_692 = arith.addi %add3A_410, %add3A_691 : i32
        %dma_start3A_693 = arith.constant 5 : i32
        %dma_start3A_694 = arith.constant 0 : i32
        %dma_start3A_695 = tpu.memref_slice %arg8[%dma_start3A_693, %dma_start3A_694] : memref<8x64xi32, #tpu.memory_space<vmem>> -> memref<1x64xi32, #tpu.memory_space<vmem>>
        %dma_start3A_696 = tpu.memref_squeeze %dma_start3A_695 : memref<1x64xi32, #tpu.memory_space<vmem>> -> memref<64xi32, #tpu.memory_space<vmem>>
        %dma_start3A_697 = arith.constant 0 : i32
        %dma_start3A_698 = arith.constant 0 : i32
        %dma_start3A_699 = tpu.memref_slice %arg2[%dma_start3A_697, %dma_start3A_698] : memref<10000x128xf32, #tpu.memory_space<hbm>> -> memref<10000x128xf32, #tpu.memory_space<hbm>>
        tpu.enqueue_indirect_dma source(%dma_start3A_699 : memref<10000x128xf32, #tpu.memory_space<hbm>>) target(%arg11 : memref<64x128xf32, #tpu.memory_space<vmem>>) offsets(%dma_start3A_696 : memref<64xi32, #tpu.memory_space<vmem>>) semaphore(%arg28 : memref<!tpu.dma_semaphore, #tpu.memory_space<semaphore_mem>>)
        %mul3A_700 = arith.constant 160 : i32
        %mul3A_701 = arith.muli %add3A, %mul3A_700 : i32
        %add3A_702 = arith.addi %mul3A_701, %add3A_692 : i32
        %dma_start3A_703 = arith.constant 0 : i32
        %dma_start3A_704 = arith.constant 0 : i32
        %dma_start3A_705 = tpu.memref_slice %arg3[%add3A_702, %dma_start3A_703, %dma_start3A_704] : memref<5120x4x128xf32, #tpu.memory_space<hbm>> -> memref<1x4x128xf32, #tpu.memory_space<hbm>>
        %dma_start3A_706 = tpu.memref_squeeze %dma_start3A_705 : memref<1x4x128xf32, #tpu.memory_space<hbm>> -> memref<4x128xf32, #tpu.memory_space<hbm>>
        %dma_start3A_707 = arith.constant 0 : i32
        %dma_start3A_708 = arith.constant 0 : i32
        %dma_start3A_709 = tpu.memref_slice %arg3[%add3A_702, %dma_start3A_707, %dma_start3A_708] : memref<5120x4x128xf32, #tpu.memory_space<hbm>> -> memref<1x4x128xf32, #tpu.memory_space<hbm>>
        %dma_start3A_710 = tpu.memref_squeeze %dma_start3A_709 : memref<1x4x128xf32, #tpu.memory_space<hbm>> -> memref<4x128xf32, #tpu.memory_space<hbm>>
        tpu.enqueue_dma source(%dma_start3A_710 : memref<4x128xf32, #tpu.memory_space<hbm>>) target(%arg15 : memref<4x128xf32, #tpu.memory_space<vmem>>) target_semaphore(%arg28 : memref<!tpu.dma_semaphore, #tpu.memory_space<semaphore_mem>>)
      } else {
      }
      %dma_wait3A_425 = arith.constant 4 : i32
      %dma_wait3A_426 = arith.constant 0 : i32
      %dma_wait3A_427 = tpu.memref_slice %arg8[%dma_wait3A_425, %dma_wait3A_426] : memref<8x64xi32, #tpu.memory_space<vmem>> -> memref<1x64xi32, #tpu.memory_space<vmem>>
      %dma_wait3A_428 = tpu.memref_squeeze %dma_wait3A_427 : memref<1x64xi32, #tpu.memory_space<vmem>> -> memref<64xi32, #tpu.memory_space<vmem>>
      %dma_wait3A_429 = arith.constant 0 : i32
      %dma_wait3A_430 = arith.constant 0 : i32
      %dma_wait3A_431 = tpu.memref_slice %arg2[%dma_wait3A_429, %dma_wait3A_430] : memref<10000x128xf32, #tpu.memory_space<hbm>> -> memref<10000x128xf32, #tpu.memory_space<hbm>>
      tpu.wait_indirect_dma semaphore(%arg27 : memref<!tpu.dma_semaphore, #tpu.memory_space<semaphore_mem>>) src(%dma_wait3A_431 : memref<10000x128xf32, #tpu.memory_space<hbm>>) dst(%arg10 : memref<64x128xf32, #tpu.memory_space<vmem>>)
      %dma_wait3A_432 = arith.constant 0 : i32
      %dma_wait3A_433 = arith.constant 0 : i32
      %dma_wait3A_434 = arith.constant 0 : i32
      %dma_wait3A_435 = tpu.memref_slice %arg3[%dma_wait3A_432, %dma_wait3A_433, %dma_wait3A_434] : memref<5120x4x128xf32, #tpu.memory_space<hbm>> -> memref<1x4x128xf32, #tpu.memory_space<hbm>>
      %dma_wait3A_436 = tpu.memref_squeeze %dma_wait3A_435 : memref<1x4x128xf32, #tpu.memory_space<hbm>> -> memref<4x128xf32, #tpu.memory_space<hbm>>
      %dma_wait3A_437 = arith.constant 0 : i32
      %dma_wait3A_438 = arith.constant 0 : i32
      %dma_wait3A_439 = tpu.memref_slice %arg3[%dma_wait3A_432, %dma_wait3A_437, %dma_wait3A_438] : memref<5120x4x128xf32, #tpu.memory_space<hbm>> -> memref<1x4x128xf32, #tpu.memory_space<hbm>>
      %dma_wait3A_440 = tpu.memref_squeeze %dma_wait3A_439 : memref<1x4x128xf32, #tpu.memory_space<hbm>> -> memref<4x128xf32, #tpu.memory_space<hbm>>
      tpu.wait_dma2 semaphore(%arg27 : memref<!tpu.dma_semaphore, #tpu.memory_space<semaphore_mem>>) src(%dma_wait3A_440 : memref<4x128xf32, #tpu.memory_space<hbm>>) dst(%arg14 : memref<4x128xf32, #tpu.memory_space<vmem>>)
      %iota3A_441 = tpu.iota {dimensions = array<i32: 0>} : vector<16xi32>
      %broadcast_in_dim3A_442 = arith.constant 0 : i32
      %broadcast_in_dim3A_443 = vector.broadcast %broadcast_in_dim3A_442 : i32 to vector<16xi32>
      %broadcast_in_dim3A_444 = arith.constant 1 : i32
      %broadcast_in_dim3A_445 = vector.broadcast %broadcast_in_dim3A_444 : i32 to vector<16xi32>
      %broadcast_in_dim3A_446 = arith.constant 2 : i32
      %broadcast_in_dim3A_447 = vector.broadcast %broadcast_in_dim3A_446 : i32 to vector<16xi32>
      %broadcast_in_dim3A_448 = arith.constant 3 : i32
      %broadcast_in_dim3A_449 = vector.broadcast %broadcast_in_dim3A_448 : i32 to vector<16xi32>
      %broadcast_in_dim3A_450 = arith.constant 4 : i32
      %broadcast_in_dim3A_451 = vector.broadcast %broadcast_in_dim3A_450 : i32 to vector<16xi32>
      %broadcast_in_dim3A_452 = arith.constant 5 : i32
      %broadcast_in_dim3A_453 = vector.broadcast %broadcast_in_dim3A_452 : i32 to vector<16xi32>
      %broadcast_in_dim3A_454 = arith.constant 6 : i32
      %broadcast_in_dim3A_455 = vector.broadcast %broadcast_in_dim3A_454 : i32 to vector<16xi32>
      %broadcast_in_dim3A_456 = arith.constant 7 : i32
      %broadcast_in_dim3A_457 = vector.broadcast %broadcast_in_dim3A_456 : i32 to vector<16xi32>
      %scan3A_458 = arith.constant 0 : i32
      %scan3A_459 = arith.constant 0 : i32
      %scan3A_460 = arith.constant 64 : i32
      %scan3A_461 = arith.addi %scan3A_459, %scan3A_460 : i32
      %scan3A_462 = arith.constant 1 : i32
      scf.for %scan3A_663 = %scan3A_459 to %scan3A_461 step %scan3A_462  : i32 {
        %broadcast_in_dim3A_664 = vector.broadcast %scan3A_663 : i32 to vector<16xi32>
        %add3A_665 = arith.constant 0 : i32
        %add3A_666 = vector.broadcast %add3A_665 : i32 to vector<16xi32>
        %add3A_667 = arith.addi %iota3A_441, %add3A_666 : vector<16xi32>
        %add3A_668 = arith.constant 0 : i32
        %add3A_669 = vector.broadcast %add3A_668 : i32 to vector<16xi32>
        %add3A_670 = arith.addi %broadcast_in_dim3A_664, %add3A_669 : vector<16xi32>
        %gather3A = tpu.vector_load_idx %arg14[%broadcast_in_dim3A_443, %add3A_670] : memref<4x128xf32, #tpu.memory_space<vmem>>[vector<16xi32>, vector<16xi32>], vector<16xf32>,
        %gather3A_671 = tpu.vector_load_idx %arg10[%broadcast_in_dim3A_664, %add3A_667] : memref<64x128xf32, #tpu.memory_space<vmem>>[vector<16xi32>, vector<16xi32>], vector<16xf32>,
        %mul3A_672 = arith.mulf %gather3A_671, %gather3A : vector<16xf32>
        tpu.vector_store_idx %arg10[%broadcast_in_dim3A_664, %add3A_667], %mul3A_672 : memref<64x128xf32, #tpu.memory_space<vmem>>[vector<16xi32>, vector<16xi32>], vector<16xf32>,
        %add3A_673 = arith.constant 16 : i32
        %add3A_674 = vector.broadcast %add3A_673 : i32 to vector<16xi32>
        %add3A_675 = arith.addi %iota3A_441, %add3A_674 : vector<16xi32>
        %add3A_676 = arith.constant 64 : i32
        %add3A_677 = vector.broadcast %add3A_676 : i32 to vector<16xi32>
        %add3A_678 = arith.addi %broadcast_in_dim3A_664, %add3A_677 : vector<16xi32>
        %gather3A_679 = tpu.vector_load_idx %arg14[%broadcast_in_dim3A_443, %add3A_678] : memref<4x128xf32, #tpu.memory_space<vmem>>[vector<16xi32>, vector<16xi32>], vector<16xf32>,
        %gather3A_680 = tpu.vector_load_idx %arg10[%broadcast_in_dim3A_664, %add3A_675] : memref<64x128xf32, #tpu.memory_space<vmem>>[vector<16xi32>, vector<16xi32>], vector<16xf32>,
        %mul3A_681 = arith.mulf %gather3A_680, %gather3A_679 : vector<16xf32>
        tpu.vector_store_idx %arg10[%broadcast_in_dim3A_664, %add3A_675], %mul3A_681 : memref<64x128xf32, #tpu.memory_space<vmem>>[vector<16xi32>, vector<16xi32>], vector<16xf32>,
        %add3A_682 = arith.constant 32 : i32
        %add3A_683 = vector.broadcast %add3A_682 : i32 to vector<16xi32>
        %add3A_684 = arith.addi %iota3A_441, %add3A_683 : vector<16xi32>
        %add3A_685 = arith.constant 0 : i32
        %add3A_686 = vector.broadcast %add3A_685 : i32 to vector<16xi32>
        %add3A_687 = arith.addi %broadcast_in_dim3A_664, %add3A_686 : vector<16xi32>
        %gather3A_688 = tpu.vector_load_idx %arg14[%broadcast_in_dim3A_445, %add3A_687] : memref<4x128xf32, #tpu.memory_space<vmem>>[vector<16xi32>, vector<16xi32>], vector<16xf32>,
        %gather3A_689 = tpu.vector_load_idx %arg10[%broadcast_in_dim3A_664, %add3A_684] : memref<64x128xf32, #tpu.memory_space<vmem>>[vector<16xi32>, vector<16xi32>], vector<16xf32>,
        %mul3A_690 = arith.mulf %gather3A_689, %gather3A_688 : vector<16xf32>
        tpu.vector_store_idx %arg10[%broadcast_in_dim3A_664, %add3A_684], %mul3A_690 : memref<64x128xf32, #tpu.memory_space<vmem>>[vector<16xi32>, vector<16xi32>], vector<16xf32>,
        %add3A_691 = arith.constant 48 : i32
        %add3A_692 = vector.broadcast %add3A_691 : i32 to vector<16xi32>
        %add3A_693 = arith.addi %iota3A_441, %add3A_692 : vector<16xi32>
        %add3A_694 = arith.constant 64 : i32
        %add3A_695 = vector.broadcast %add3A_694 : i32 to vector<16xi32>
        %add3A_696 = arith.addi %broadcast_in_dim3A_664, %add3A_695 : vector<16xi32>
        %gather3A_697 = tpu.vector_load_idx %arg14[%broadcast_in_dim3A_445, %add3A_696] : memref<4x128xf32, #tpu.memory_space<vmem>>[vector<16xi32>, vector<16xi32>], vector<16xf32>,
        %gather3A_698 = tpu.vector_load_idx %arg10[%broadcast_in_dim3A_664, %add3A_693] : memref<64x128xf32, #tpu.memory_space<vmem>>[vector<16xi32>, vector<16xi32>], vector<16xf32>,
        %mul3A_699 = arith.mulf %gather3A_698, %gather3A_697 : vector<16xf32>
        tpu.vector_store_idx %arg10[%broadcast_in_dim3A_664, %add3A_693], %mul3A_699 : memref<64x128xf32, #tpu.memory_space<vmem>>[vector<16xi32>, vector<16xi32>], vector<16xf32>,
        %add3A_700 = arith.constant 64 : i32
        %add3A_701 = vector.broadcast %add3A_700 : i32 to vector<16xi32>
        %add3A_702 = arith.addi %iota3A_441, %add3A_701 : vector<16xi32>
        %add3A_703 = arith.constant 0 : i32
        %add3A_704 = vector.broadcast %add3A_703 : i32 to vector<16xi32>
        %add3A_705 = arith.addi %broadcast_in_dim3A_664, %add3A_704 : vector<16xi32>
        %gather3A_706 = tpu.vector_load_idx %arg14[%broadcast_in_dim3A_447, %add3A_705] : memref<4x128xf32, #tpu.memory_space<vmem>>[vector<16xi32>, vector<16xi32>], vector<16xf32>,
        %gather3A_707 = tpu.vector_load_idx %arg10[%broadcast_in_dim3A_664, %add3A_702] : memref<64x128xf32, #tpu.memory_space<vmem>>[vector<16xi32>, vector<16xi32>], vector<16xf32>,
        %mul3A_708 = arith.mulf %gather3A_707, %gather3A_706 : vector<16xf32>
        tpu.vector_store_idx %arg10[%broadcast_in_dim3A_664, %add3A_702], %mul3A_708 : memref<64x128xf32, #tpu.memory_space<vmem>>[vector<16xi32>, vector<16xi32>], vector<16xf32>,
        %add3A_709 = arith.constant 80 : i32
        %add3A_710 = vector.broadcast %add3A_709 : i32 to vector<16xi32>
        %add3A_711 = arith.addi %iota3A_441, %add3A_710 : vector<16xi32>
        %add3A_712 = arith.constant 64 : i32
        %add3A_713 = vector.broadcast %add3A_712 : i32 to vector<16xi32>
        %add3A_714 = arith.addi %broadcast_in_dim3A_664, %add3A_713 : vector<16xi32>
        %gather3A_715 = tpu.vector_load_idx %arg14[%broadcast_in_dim3A_447, %add3A_714] : memref<4x128xf32, #tpu.memory_space<vmem>>[vector<16xi32>, vector<16xi32>], vector<16xf32>,
        %gather3A_716 = tpu.vector_load_idx %arg10[%broadcast_in_dim3A_664, %add3A_711] : memref<64x128xf32, #tpu.memory_space<vmem>>[vector<16xi32>, vector<16xi32>], vector<16xf32>,
        %mul3A_717 = arith.mulf %gather3A_716, %gather3A_715 : vector<16xf32>
        tpu.vector_store_idx %arg10[%broadcast_in_dim3A_664, %add3A_711], %mul3A_717 : memref<64x128xf32, #tpu.memory_space<vmem>>[vector<16xi32>, vector<16xi32>], vector<16xf32>,
        %add3A_718 = arith.constant 96 : i32
        %add3A_719 = vector.broadcast %add3A_718 : i32 to vector<16xi32>
        %add3A_720 = arith.addi %iota3A_441, %add3A_719 : vector<16xi32>
        %add3A_721 = arith.constant 0 : i32
        %add3A_722 = vector.broadcast %add3A_721 : i32 to vector<16xi32>
        %add3A_723 = arith.addi %broadcast_in_dim3A_664, %add3A_722 : vector<16xi32>
        %gather3A_724 = tpu.vector_load_idx %arg14[%broadcast_in_dim3A_449, %add3A_723] : memref<4x128xf32, #tpu.memory_space<vmem>>[vector<16xi32>, vector<16xi32>], vector<16xf32>,
        %gather3A_725 = tpu.vector_load_idx %arg10[%broadcast_in_dim3A_664, %add3A_720] : memref<64x128xf32, #tpu.memory_space<vmem>>[vector<16xi32>, vector<16xi32>], vector<16xf32>,
        %mul3A_726 = arith.mulf %gather3A_725, %gather3A_724 : vector<16xf32>
        tpu.vector_store_idx %arg10[%broadcast_in_dim3A_664, %add3A_720], %mul3A_726 : memref<64x128xf32, #tpu.memory_space<vmem>>[vector<16xi32>, vector<16xi32>], vector<16xf32>,
        %add3A_727 = arith.constant 112 : i32
        %add3A_728 = vector.broadcast %add3A_727 : i32 to vector<16xi32>
        %add3A_729 = arith.addi %iota3A_441, %add3A_728 : vector<16xi32>
        %add3A_730 = arith.constant 64 : i32
        %add3A_731 = vector.broadcast %add3A_730 : i32 to vector<16xi32>
        %add3A_732 = arith.addi %broadcast_in_dim3A_664, %add3A_731 : vector<16xi32>
        %gather3A_733 = tpu.vector_load_idx %arg14[%broadcast_in_dim3A_449, %add3A_732] : memref<4x128xf32, #tpu.memory_space<vmem>>[vector<16xi32>, vector<16xi32>], vector<16xf32>,
        %gather3A_734 = tpu.vector_load_idx %arg10[%broadcast_in_dim3A_664, %add3A_729] : memref<64x128xf32, #tpu.memory_space<vmem>>[vector<16xi32>, vector<16xi32>], vector<16xf32>,
        %mul3A_735 = arith.mulf %gather3A_734, %gather3A_733 : vector<16xf32>
        tpu.vector_store_idx %arg10[%broadcast_in_dim3A_664, %add3A_729], %mul3A_735 : memref<64x128xf32, #tpu.memory_space<vmem>>[vector<16xi32>, vector<16xi32>], vector<16xf32>,
      }
      %scan3A_463 = arith.constant 64 : i32
      %dma_start3A_464 = arith.constant 4 : i32
      %dma_start3A_465 = arith.constant 0 : i32
      %dma_start3A_466 = tpu.memref_slice %arg9[%dma_start3A_464, %dma_start3A_465] : memref<8x64xi32, #tpu.memory_space<vmem>> -> memref<1x64xi32, #tpu.memory_space<vmem>>
      %dma_start3A_467 = tpu.memref_squeeze %dma_start3A_466 : memref<1x64xi32, #tpu.memory_space<vmem>> -> memref<64xi32, #tpu.memory_space<vmem>>
      %dma_start3A_468 = arith.constant 0 : i32
      %dma_start3A_469 = arith.constant 0 : i32
      %dma_start3A_470 = tpu.memref_slice %arg18[%dma_start3A_468, %dma_start3A_469] : memref<10000x128xf32, #tpu.memory_space<vmem_shared>> -> memref<10000x128xf32, #tpu.memory_space<vmem_shared>>
      tpu.enqueue_indirect_dma source(%arg10 : memref<64x128xf32, #tpu.memory_space<vmem>>) target(%dma_start3A_470 : memref<10000x128xf32, #tpu.memory_space<vmem_shared>>) offsets(%dma_start3A_467 : memref<64xi32, #tpu.memory_space<vmem>>) semaphore(%arg31 : memref<!tpu.dma_semaphore, #tpu.memory_space<semaphore_mem>>) {add = true}
      %mul3A_471 = arith.constant 8 : i32
      %mul3A_472 = arith.muli %scan3A_153, %mul3A_471 : i32
      %add3A_473 = arith.constant 5 : i32
      %add3A_474 = arith.addi %mul3A_472, %add3A_473 : i32
      %add3A_475 = arith.constant 3 : i32
      %add3A_476 = arith.addi %add3A_474, %add3A_475 : i32
      %lt3A_477 = arith.constant 160 : i32
      %lt3A_478 = arith.cmpi slt, %add3A_476, %lt3A_477 : i32
      %convert_element_type3A_479 = arith.extui %lt3A_478 : i1 to i32
      %cond3A_480 = arith.constant 0 : i32
      %cond3A_481 = arith.cmpi ne, %convert_element_type3A_479, %cond3A_480 : i32
      scf.if %cond3A_481 {
        %add3A_663 = arith.constant 3 : i32
        %add3A_664 = arith.addi %add3A_474, %add3A_663 : i32
        %mul3A_665 = arith.constant 64 : i32
        %mul3A_666 = arith.muli %add3A_664, %mul3A_665 : i32
        %add3A_667 = arith.addi %mul3A_4, %mul3A_666 : i32
        %dma_start3A_668 = arith.constant 0 : i32
        %dma_start3A_669 = arith.constant 0 : i32
        %dma_start3A_670 = tpu.memref_slice %arg8[%dma_start3A_668, %dma_start3A_669] : memref<8x64xi32, #tpu.memory_space<vmem>> -> memref<1x64xi32, #tpu.memory_space<vmem>>
        %dma_start3A_671 = tpu.memref_squeeze %dma_start3A_670 : memref<1x64xi32, #tpu.memory_space<vmem>> -> memref<64xi32, #tpu.memory_space<vmem>>
        %dma_start3A_672 = tpu.memref_slice %arg4[%add3A_667] : memref<327680xi32, #tpu.memory_space<hbm>> -> memref<64xi32, #tpu.memory_space<hbm>>
        %dma_start3A_673 = arith.constant 0 : i32
        %dma_start3A_674 = tpu.memref_slice %arg8[%dma_start3A_668, %dma_start3A_673] : memref<8x64xi32, #tpu.memory_space<vmem>> -> memref<1x64xi32, #tpu.memory_space<vmem>>
        %dma_start3A_675 = tpu.memref_squeeze %dma_start3A_674 : memref<1x64xi32, #tpu.memory_space<vmem>> -> memref<64xi32, #tpu.memory_space<vmem>>
        %dma_start3A_676 = tpu.memref_slice %arg4[%add3A_667] : memref<327680xi32, #tpu.memory_space<hbm>> -> memref<64xi32, #tpu.memory_space<hbm>>
        tpu.enqueue_dma source(%dma_start3A_676 : memref<64xi32, #tpu.memory_space<hbm>>) target(%dma_start3A_675 : memref<64xi32, #tpu.memory_space<vmem>>) target_semaphore(%arg19 : memref<!tpu.dma_semaphore, #tpu.memory_space<semaphore_mem>>)
        %dma_start3A_677 = arith.constant 0 : i32
        %dma_start3A_678 = arith.constant 0 : i32
        %dma_start3A_679 = tpu.memref_slice %arg9[%dma_start3A_677, %dma_start3A_678] : memref<8x64xi32, #tpu.memory_space<vmem>> -> memref<1x64xi32, #tpu.memory_space<vmem>>
        %dma_start3A_680 = tpu.memref_squeeze %dma_start3A_679 : memref<1x64xi32, #tpu.memory_space<vmem>> -> memref<64xi32, #tpu.memory_space<vmem>>
        %dma_start3A_681 = tpu.memref_slice %arg5[%add3A_667] : memref<327680xi32, #tpu.memory_space<hbm>> -> memref<64xi32, #tpu.memory_space<hbm>>
        %dma_start3A_682 = arith.constant 0 : i32
        %dma_start3A_683 = tpu.memref_slice %arg9[%dma_start3A_677, %dma_start3A_682] : memref<8x64xi32, #tpu.memory_space<vmem>> -> memref<1x64xi32, #tpu.memory_space<vmem>>
        %dma_start3A_684 = tpu.memref_squeeze %dma_start3A_683 : memref<1x64xi32, #tpu.memory_space<vmem>> -> memref<64xi32, #tpu.memory_space<vmem>>
        %dma_start3A_685 = tpu.memref_slice %arg5[%add3A_667] : memref<327680xi32, #tpu.memory_space<hbm>> -> memref<64xi32, #tpu.memory_space<hbm>>
        tpu.enqueue_dma source(%dma_start3A_685 : memref<64xi32, #tpu.memory_space<hbm>>) target(%dma_start3A_684 : memref<64xi32, #tpu.memory_space<vmem>>) target_semaphore(%arg19 : memref<!tpu.dma_semaphore, #tpu.memory_space<semaphore_mem>>)
      } else {
      }
      %add3A_482 = arith.constant 1 : i32
      %add3A_483 = arith.addi %add3A_474, %add3A_482 : i32
      %lt3A_484 = arith.constant 160 : i32
      %lt3A_485 = arith.cmpi slt, %add3A_483, %lt3A_484 : i32
      %convert_element_type3A_486 = arith.extui %lt3A_485 : i1 to i32
      %cond3A_487 = arith.constant 0 : i32
      %cond3A_488 = arith.cmpi ne, %convert_element_type3A_486, %cond3A_487 : i32
      scf.if %cond3A_488 {
        %dma_wait3A_663 = arith.constant 6 : i32
        %dma_wait3A_664 = arith.constant 0 : i32
        %dma_wait3A_665 = tpu.memref_slice %arg8[%dma_wait3A_663, %dma_wait3A_664] : memref<8x64xi32, #tpu.memory_space<vmem>> -> memref<1x64xi32, #tpu.memory_space<vmem>>
        %dma_wait3A_666 = tpu.memref_squeeze %dma_wait3A_665 : memref<1x64xi32, #tpu.memory_space<vmem>> -> memref<64xi32, #tpu.memory_space<vmem>>
        %dma_wait3A_667 = arith.constant 0 : i32
        %dma_wait3A_668 = tpu.memref_slice %arg4[%dma_wait3A_667] : memref<327680xi32, #tpu.memory_space<hbm>> -> memref<64xi32, #tpu.memory_space<hbm>>
        %dma_wait3A_669 = arith.constant 0 : i32
        %dma_wait3A_670 = tpu.memref_slice %arg8[%dma_wait3A_663, %dma_wait3A_669] : memref<8x64xi32, #tpu.memory_space<vmem>> -> memref<1x64xi32, #tpu.memory_space<vmem>>
        %dma_wait3A_671 = tpu.memref_squeeze %dma_wait3A_670 : memref<1x64xi32, #tpu.memory_space<vmem>> -> memref<64xi32, #tpu.memory_space<vmem>>
        %dma_wait3A_672 = arith.constant 0 : i32
        %dma_wait3A_673 = tpu.memref_slice %arg4[%dma_wait3A_672] : memref<327680xi32, #tpu.memory_space<hbm>> -> memref<64xi32, #tpu.memory_space<hbm>>
        tpu.wait_dma2 semaphore(%arg25 : memref<!tpu.dma_semaphore, #tpu.memory_space<semaphore_mem>>) src(%dma_wait3A_673 : memref<64xi32, #tpu.memory_space<hbm>>) dst(%dma_wait3A_671 : memref<64xi32, #tpu.memory_space<vmem>>)
        %dma_wait3A_674 = arith.constant 6 : i32
        %dma_wait3A_675 = arith.constant 0 : i32
        %dma_wait3A_676 = tpu.memref_slice %arg9[%dma_wait3A_674, %dma_wait3A_675] : memref<8x64xi32, #tpu.memory_space<vmem>> -> memref<1x64xi32, #tpu.memory_space<vmem>>
        %dma_wait3A_677 = tpu.memref_squeeze %dma_wait3A_676 : memref<1x64xi32, #tpu.memory_space<vmem>> -> memref<64xi32, #tpu.memory_space<vmem>>
        %dma_wait3A_678 = arith.constant 0 : i32
        %dma_wait3A_679 = tpu.memref_slice %arg5[%dma_wait3A_678] : memref<327680xi32, #tpu.memory_space<hbm>> -> memref<64xi32, #tpu.memory_space<hbm>>
        %dma_wait3A_680 = arith.constant 0 : i32
        %dma_wait3A_681 = tpu.memref_slice %arg9[%dma_wait3A_674, %dma_wait3A_680] : memref<8x64xi32, #tpu.memory_space<vmem>> -> memref<1x64xi32, #tpu.memory_space<vmem>>
        %dma_wait3A_682 = tpu.memref_squeeze %dma_wait3A_681 : memref<1x64xi32, #tpu.memory_space<vmem>> -> memref<64xi32, #tpu.memory_space<vmem>>
        %dma_wait3A_683 = arith.constant 0 : i32
        %dma_wait3A_684 = tpu.memref_slice %arg5[%dma_wait3A_683] : memref<327680xi32, #tpu.memory_space<hbm>> -> memref<64xi32, #tpu.memory_space<hbm>>
        tpu.wait_dma2 semaphore(%arg25 : memref<!tpu.dma_semaphore, #tpu.memory_space<semaphore_mem>>) src(%dma_wait3A_684 : memref<64xi32, #tpu.memory_space<hbm>>) dst(%dma_wait3A_682 : memref<64xi32, #tpu.memory_space<vmem>>)
        %add3A_685 = arith.constant 1 : i32
        %add3A_686 = arith.addi %add3A_474, %add3A_685 : i32
        %ge3A = arith.constant 4 : i32
        %ge3A_687 = arith.cmpi sge, %add3A_686, %ge3A : i32
        %convert_element_type3A_688 = arith.extui %ge3A_687 : i1 to i32
        %cond3A_689 = arith.constant 0 : i32
        %cond3A_690 = arith.cmpi ne, %convert_element_type3A_688, %cond3A_689 : i32
        scf.if %cond3A_690 {
          %dma_wait3A_711 = arith.constant 0 : i32
          %dma_wait3A_712 = arith.constant 0 : i32
          %dma_wait3A_713 = tpu.memref_slice %arg9[%dma_wait3A_711, %dma_wait3A_712] : memref<8x64xi32, #tpu.memory_space<vmem>> -> memref<1x64xi32, #tpu.memory_space<vmem>>
          %dma_wait3A_714 = tpu.memref_squeeze %dma_wait3A_713 : memref<1x64xi32, #tpu.memory_space<vmem>> -> memref<64xi32, #tpu.memory_space<vmem>>
          %dma_wait3A_715 = arith.constant 0 : i32
          %dma_wait3A_716 = arith.constant 0 : i32
          %dma_wait3A_717 = tpu.memref_slice %arg18[%dma_wait3A_715, %dma_wait3A_716] : memref<10000x128xf32, #tpu.memory_space<vmem_shared>> -> memref<10000x128xf32, #tpu.memory_space<vmem_shared>>
          tpu.wait_indirect_dma semaphore(%arg33 : memref<!tpu.dma_semaphore, #tpu.memory_space<semaphore_mem>>) src(%arg12 : memref<64x128xf32, #tpu.memory_space<vmem>>) dst(%dma_wait3A_717 : memref<10000x128xf32, #tpu.memory_space<vmem_shared>>)
        } else {
        }
        %add3A_691 = arith.constant 1 : i32
        %add3A_692 = arith.addi %add3A_474, %add3A_691 : i32
        %dma_start3A_693 = arith.constant 6 : i32
        %dma_start3A_694 = arith.constant 0 : i32
        %dma_start3A_695 = tpu.memref_slice %arg8[%dma_start3A_693, %dma_start3A_694] : memref<8x64xi32, #tpu.memory_space<vmem>> -> memref<1x64xi32, #tpu.memory_space<vmem>>
        %dma_start3A_696 = tpu.memref_squeeze %dma_start3A_695 : memref<1x64xi32, #tpu.memory_space<vmem>> -> memref<64xi32, #tpu.memory_space<vmem>>
        %dma_start3A_697 = arith.constant 0 : i32
        %dma_start3A_698 = arith.constant 0 : i32
        %dma_start3A_699 = tpu.memref_slice %arg2[%dma_start3A_697, %dma_start3A_698] : memref<10000x128xf32, #tpu.memory_space<hbm>> -> memref<10000x128xf32, #tpu.memory_space<hbm>>
        tpu.enqueue_indirect_dma source(%dma_start3A_699 : memref<10000x128xf32, #tpu.memory_space<hbm>>) target(%arg12 : memref<64x128xf32, #tpu.memory_space<vmem>>) offsets(%dma_start3A_696 : memref<64xi32, #tpu.memory_space<vmem>>) semaphore(%arg29 : memref<!tpu.dma_semaphore, #tpu.memory_space<semaphore_mem>>)
        %mul3A_700 = arith.constant 160 : i32
        %mul3A_701 = arith.muli %add3A, %mul3A_700 : i32
        %add3A_702 = arith.addi %mul3A_701, %add3A_692 : i32
        %dma_start3A_703 = arith.constant 0 : i32
        %dma_start3A_704 = arith.constant 0 : i32
        %dma_start3A_705 = tpu.memref_slice %arg3[%add3A_702, %dma_start3A_703, %dma_start3A_704] : memref<5120x4x128xf32, #tpu.memory_space<hbm>> -> memref<1x4x128xf32, #tpu.memory_space<hbm>>
        %dma_start3A_706 = tpu.memref_squeeze %dma_start3A_705 : memref<1x4x128xf32, #tpu.memory_space<hbm>> -> memref<4x128xf32, #tpu.memory_space<hbm>>
        %dma_start3A_707 = arith.constant 0 : i32
        %dma_start3A_708 = arith.constant 0 : i32
        %dma_start3A_709 = tpu.memref_slice %arg3[%add3A_702, %dma_start3A_707, %dma_start3A_708] : memref<5120x4x128xf32, #tpu.memory_space<hbm>> -> memref<1x4x128xf32, #tpu.memory_space<hbm>>
        %dma_start3A_710 = tpu.memref_squeeze %dma_start3A_709 : memref<1x4x128xf32, #tpu.memory_space<hbm>> -> memref<4x128xf32, #tpu.memory_space<hbm>>
        tpu.enqueue_dma source(%dma_start3A_710 : memref<4x128xf32, #tpu.memory_space<hbm>>) target(%arg16 : memref<4x128xf32, #tpu.memory_space<vmem>>) target_semaphore(%arg29 : memref<!tpu.dma_semaphore, #tpu.memory_space<semaphore_mem>>)
      } else {
      }
      %dma_wait3A_489 = arith.constant 5 : i32
      %dma_wait3A_490 = arith.constant 0 : i32
      %dma_wait3A_491 = tpu.memref_slice %arg8[%dma_wait3A_489, %dma_wait3A_490] : memref<8x64xi32, #tpu.memory_space<vmem>> -> memref<1x64xi32, #tpu.memory_space<vmem>>
      %dma_wait3A_492 = tpu.memref_squeeze %dma_wait3A_491 : memref<1x64xi32, #tpu.memory_space<vmem>> -> memref<64xi32, #tpu.memory_space<vmem>>
      %dma_wait3A_493 = arith.constant 0 : i32
      %dma_wait3A_494 = arith.constant 0 : i32
      %dma_wait3A_495 = tpu.memref_slice %arg2[%dma_wait3A_493, %dma_wait3A_494] : memref<10000x128xf32, #tpu.memory_space<hbm>> -> memref<10000x128xf32, #tpu.memory_space<hbm>>
      tpu.wait_indirect_dma semaphore(%arg28 : memref<!tpu.dma_semaphore, #tpu.memory_space<semaphore_mem>>) src(%dma_wait3A_495 : memref<10000x128xf32, #tpu.memory_space<hbm>>) dst(%arg11 : memref<64x128xf32, #tpu.memory_space<vmem>>)
      %dma_wait3A_496 = arith.constant 0 : i32
      %dma_wait3A_497 = arith.constant 0 : i32
      %dma_wait3A_498 = arith.constant 0 : i32
      %dma_wait3A_499 = tpu.memref_slice %arg3[%dma_wait3A_496, %dma_wait3A_497, %dma_wait3A_498] : memref<5120x4x128xf32, #tpu.memory_space<hbm>> -> memref<1x4x128xf32, #tpu.memory_space<hbm>>
      %dma_wait3A_500 = tpu.memref_squeeze %dma_wait3A_499 : memref<1x4x128xf32, #tpu.memory_space<hbm>> -> memref<4x128xf32, #tpu.memory_space<hbm>>
      %dma_wait3A_501 = arith.constant 0 : i32
      %dma_wait3A_502 = arith.constant 0 : i32
      %dma_wait3A_503 = tpu.memref_slice %arg3[%dma_wait3A_496, %dma_wait3A_501, %dma_wait3A_502] : memref<5120x4x128xf32, #tpu.memory_space<hbm>> -> memref<1x4x128xf32, #tpu.memory_space<hbm>>
      %dma_wait3A_504 = tpu.memref_squeeze %dma_wait3A_503 : memref<1x4x128xf32, #tpu.memory_space<hbm>> -> memref<4x128xf32, #tpu.memory_space<hbm>>
      tpu.wait_dma2 semaphore(%arg28 : memref<!tpu.dma_semaphore, #tpu.memory_space<semaphore_mem>>) src(%dma_wait3A_504 : memref<4x128xf32, #tpu.memory_space<hbm>>) dst(%arg15 : memref<4x128xf32, #tpu.memory_space<vmem>>)
      %iota3A_505 = tpu.iota {dimensions = array<i32: 0>} : vector<16xi32>
      %broadcast_in_dim3A_506 = arith.constant 0 : i32
      %broadcast_in_dim3A_507 = vector.broadcast %broadcast_in_dim3A_506 : i32 to vector<16xi32>
      %broadcast_in_dim3A_508 = arith.constant 1 : i32
      %broadcast_in_dim3A_509 = vector.broadcast %broadcast_in_dim3A_508 : i32 to vector<16xi32>
      %broadcast_in_dim3A_510 = arith.constant 2 : i32
      %broadcast_in_dim3A_511 = vector.broadcast %broadcast_in_dim3A_510 : i32 to vector<16xi32>
      %broadcast_in_dim3A_512 = arith.constant 3 : i32
      %broadcast_in_dim3A_513 = vector.broadcast %broadcast_in_dim3A_512 : i32 to vector<16xi32>
      %broadcast_in_dim3A_514 = arith.constant 4 : i32
      %broadcast_in_dim3A_515 = vector.broadcast %broadcast_in_dim3A_514 : i32 to vector<16xi32>
      %broadcast_in_dim3A_516 = arith.constant 5 : i32
      %broadcast_in_dim3A_517 = vector.broadcast %broadcast_in_dim3A_516 : i32 to vector<16xi32>
      %broadcast_in_dim3A_518 = arith.constant 6 : i32
      %broadcast_in_dim3A_519 = vector.broadcast %broadcast_in_dim3A_518 : i32 to vector<16xi32>
      %broadcast_in_dim3A_520 = arith.constant 7 : i32
      %broadcast_in_dim3A_521 = vector.broadcast %broadcast_in_dim3A_520 : i32 to vector<16xi32>
      %scan3A_522 = arith.constant 0 : i32
      %scan3A_523 = arith.constant 0 : i32
      %scan3A_524 = arith.constant 64 : i32
      %scan3A_525 = arith.addi %scan3A_523, %scan3A_524 : i32
      %scan3A_526 = arith.constant 1 : i32
      scf.for %scan3A_663 = %scan3A_523 to %scan3A_525 step %scan3A_526  : i32 {
        %broadcast_in_dim3A_664 = vector.broadcast %scan3A_663 : i32 to vector<16xi32>
        %add3A_665 = arith.constant 0 : i32
        %add3A_666 = vector.broadcast %add3A_665 : i32 to vector<16xi32>
        %add3A_667 = arith.addi %iota3A_505, %add3A_666 : vector<16xi32>
        %add3A_668 = arith.constant 0 : i32
        %add3A_669 = vector.broadcast %add3A_668 : i32 to vector<16xi32>
        %add3A_670 = arith.addi %broadcast_in_dim3A_664, %add3A_669 : vector<16xi32>
        %gather3A = tpu.vector_load_idx %arg15[%broadcast_in_dim3A_507, %add3A_670] : memref<4x128xf32, #tpu.memory_space<vmem>>[vector<16xi32>, vector<16xi32>], vector<16xf32>,
        %gather3A_671 = tpu.vector_load_idx %arg11[%broadcast_in_dim3A_664, %add3A_667] : memref<64x128xf32, #tpu.memory_space<vmem>>[vector<16xi32>, vector<16xi32>], vector<16xf32>,
        %mul3A_672 = arith.mulf %gather3A_671, %gather3A : vector<16xf32>
        tpu.vector_store_idx %arg11[%broadcast_in_dim3A_664, %add3A_667], %mul3A_672 : memref<64x128xf32, #tpu.memory_space<vmem>>[vector<16xi32>, vector<16xi32>], vector<16xf32>,
        %add3A_673 = arith.constant 16 : i32
        %add3A_674 = vector.broadcast %add3A_673 : i32 to vector<16xi32>
        %add3A_675 = arith.addi %iota3A_505, %add3A_674 : vector<16xi32>
        %add3A_676 = arith.constant 64 : i32
        %add3A_677 = vector.broadcast %add3A_676 : i32 to vector<16xi32>
        %add3A_678 = arith.addi %broadcast_in_dim3A_664, %add3A_677 : vector<16xi32>
        %gather3A_679 = tpu.vector_load_idx %arg15[%broadcast_in_dim3A_507, %add3A_678] : memref<4x128xf32, #tpu.memory_space<vmem>>[vector<16xi32>, vector<16xi32>], vector<16xf32>,
        %gather3A_680 = tpu.vector_load_idx %arg11[%broadcast_in_dim3A_664, %add3A_675] : memref<64x128xf32, #tpu.memory_space<vmem>>[vector<16xi32>, vector<16xi32>], vector<16xf32>,
        %mul3A_681 = arith.mulf %gather3A_680, %gather3A_679 : vector<16xf32>
        tpu.vector_store_idx %arg11[%broadcast_in_dim3A_664, %add3A_675], %mul3A_681 : memref<64x128xf32, #tpu.memory_space<vmem>>[vector<16xi32>, vector<16xi32>], vector<16xf32>,
        %add3A_682 = arith.constant 32 : i32
        %add3A_683 = vector.broadcast %add3A_682 : i32 to vector<16xi32>
        %add3A_684 = arith.addi %iota3A_505, %add3A_683 : vector<16xi32>
        %add3A_685 = arith.constant 0 : i32
        %add3A_686 = vector.broadcast %add3A_685 : i32 to vector<16xi32>
        %add3A_687 = arith.addi %broadcast_in_dim3A_664, %add3A_686 : vector<16xi32>
        %gather3A_688 = tpu.vector_load_idx %arg15[%broadcast_in_dim3A_509, %add3A_687] : memref<4x128xf32, #tpu.memory_space<vmem>>[vector<16xi32>, vector<16xi32>], vector<16xf32>,
        %gather3A_689 = tpu.vector_load_idx %arg11[%broadcast_in_dim3A_664, %add3A_684] : memref<64x128xf32, #tpu.memory_space<vmem>>[vector<16xi32>, vector<16xi32>], vector<16xf32>,
        %mul3A_690 = arith.mulf %gather3A_689, %gather3A_688 : vector<16xf32>
        tpu.vector_store_idx %arg11[%broadcast_in_dim3A_664, %add3A_684], %mul3A_690 : memref<64x128xf32, #tpu.memory_space<vmem>>[vector<16xi32>, vector<16xi32>], vector<16xf32>,
        %add3A_691 = arith.constant 48 : i32
        %add3A_692 = vector.broadcast %add3A_691 : i32 to vector<16xi32>
        %add3A_693 = arith.addi %iota3A_505, %add3A_692 : vector<16xi32>
        %add3A_694 = arith.constant 64 : i32
        %add3A_695 = vector.broadcast %add3A_694 : i32 to vector<16xi32>
        %add3A_696 = arith.addi %broadcast_in_dim3A_664, %add3A_695 : vector<16xi32>
        %gather3A_697 = tpu.vector_load_idx %arg15[%broadcast_in_dim3A_509, %add3A_696] : memref<4x128xf32, #tpu.memory_space<vmem>>[vector<16xi32>, vector<16xi32>], vector<16xf32>,
        %gather3A_698 = tpu.vector_load_idx %arg11[%broadcast_in_dim3A_664, %add3A_693] : memref<64x128xf32, #tpu.memory_space<vmem>>[vector<16xi32>, vector<16xi32>], vector<16xf32>,
        %mul3A_699 = arith.mulf %gather3A_698, %gather3A_697 : vector<16xf32>
        tpu.vector_store_idx %arg11[%broadcast_in_dim3A_664, %add3A_693], %mul3A_699 : memref<64x128xf32, #tpu.memory_space<vmem>>[vector<16xi32>, vector<16xi32>], vector<16xf32>,
        %add3A_700 = arith.constant 64 : i32
        %add3A_701 = vector.broadcast %add3A_700 : i32 to vector<16xi32>
        %add3A_702 = arith.addi %iota3A_505, %add3A_701 : vector<16xi32>
        %add3A_703 = arith.constant 0 : i32
        %add3A_704 = vector.broadcast %add3A_703 : i32 to vector<16xi32>
        %add3A_705 = arith.addi %broadcast_in_dim3A_664, %add3A_704 : vector<16xi32>
        %gather3A_706 = tpu.vector_load_idx %arg15[%broadcast_in_dim3A_511, %add3A_705] : memref<4x128xf32, #tpu.memory_space<vmem>>[vector<16xi32>, vector<16xi32>], vector<16xf32>,
        %gather3A_707 = tpu.vector_load_idx %arg11[%broadcast_in_dim3A_664, %add3A_702] : memref<64x128xf32, #tpu.memory_space<vmem>>[vector<16xi32>, vector<16xi32>], vector<16xf32>,
        %mul3A_708 = arith.mulf %gather3A_707, %gather3A_706 : vector<16xf32>
        tpu.vector_store_idx %arg11[%broadcast_in_dim3A_664, %add3A_702], %mul3A_708 : memref<64x128xf32, #tpu.memory_space<vmem>>[vector<16xi32>, vector<16xi32>], vector<16xf32>,
        %add3A_709 = arith.constant 80 : i32
        %add3A_710 = vector.broadcast %add3A_709 : i32 to vector<16xi32>
        %add3A_711 = arith.addi %iota3A_505, %add3A_710 : vector<16xi32>
        %add3A_712 = arith.constant 64 : i32
        %add3A_713 = vector.broadcast %add3A_712 : i32 to vector<16xi32>
        %add3A_714 = arith.addi %broadcast_in_dim3A_664, %add3A_713 : vector<16xi32>
        %gather3A_715 = tpu.vector_load_idx %arg15[%broadcast_in_dim3A_511, %add3A_714] : memref<4x128xf32, #tpu.memory_space<vmem>>[vector<16xi32>, vector<16xi32>], vector<16xf32>,
        %gather3A_716 = tpu.vector_load_idx %arg11[%broadcast_in_dim3A_664, %add3A_711] : memref<64x128xf32, #tpu.memory_space<vmem>>[vector<16xi32>, vector<16xi32>], vector<16xf32>,
        %mul3A_717 = arith.mulf %gather3A_716, %gather3A_715 : vector<16xf32>
        tpu.vector_store_idx %arg11[%broadcast_in_dim3A_664, %add3A_711], %mul3A_717 : memref<64x128xf32, #tpu.memory_space<vmem>>[vector<16xi32>, vector<16xi32>], vector<16xf32>,
        %add3A_718 = arith.constant 96 : i32
        %add3A_719 = vector.broadcast %add3A_718 : i32 to vector<16xi32>
        %add3A_720 = arith.addi %iota3A_505, %add3A_719 : vector<16xi32>
        %add3A_721 = arith.constant 0 : i32
        %add3A_722 = vector.broadcast %add3A_721 : i32 to vector<16xi32>
        %add3A_723 = arith.addi %broadcast_in_dim3A_664, %add3A_722 : vector<16xi32>
        %gather3A_724 = tpu.vector_load_idx %arg15[%broadcast_in_dim3A_513, %add3A_723] : memref<4x128xf32, #tpu.memory_space<vmem>>[vector<16xi32>, vector<16xi32>], vector<16xf32>,
        %gather3A_725 = tpu.vector_load_idx %arg11[%broadcast_in_dim3A_664, %add3A_720] : memref<64x128xf32, #tpu.memory_space<vmem>>[vector<16xi32>, vector<16xi32>], vector<16xf32>,
        %mul3A_726 = arith.mulf %gather3A_725, %gather3A_724 : vector<16xf32>
        tpu.vector_store_idx %arg11[%broadcast_in_dim3A_664, %add3A_720], %mul3A_726 : memref<64x128xf32, #tpu.memory_space<vmem>>[vector<16xi32>, vector<16xi32>], vector<16xf32>,
        %add3A_727 = arith.constant 112 : i32
        %add3A_728 = vector.broadcast %add3A_727 : i32 to vector<16xi32>
        %add3A_729 = arith.addi %iota3A_505, %add3A_728 : vector<16xi32>
        %add3A_730 = arith.constant 64 : i32
        %add3A_731 = vector.broadcast %add3A_730 : i32 to vector<16xi32>
        %add3A_732 = arith.addi %broadcast_in_dim3A_664, %add3A_731 : vector<16xi32>
        %gather3A_733 = tpu.vector_load_idx %arg15[%broadcast_in_dim3A_513, %add3A_732] : memref<4x128xf32, #tpu.memory_space<vmem>>[vector<16xi32>, vector<16xi32>], vector<16xf32>,
        %gather3A_734 = tpu.vector_load_idx %arg11[%broadcast_in_dim3A_664, %add3A_729] : memref<64x128xf32, #tpu.memory_space<vmem>>[vector<16xi32>, vector<16xi32>], vector<16xf32>,
        %mul3A_735 = arith.mulf %gather3A_734, %gather3A_733 : vector<16xf32>
        tpu.vector_store_idx %arg11[%broadcast_in_dim3A_664, %add3A_729], %mul3A_735 : memref<64x128xf32, #tpu.memory_space<vmem>>[vector<16xi32>, vector<16xi32>], vector<16xf32>,
      }
      %scan3A_527 = arith.constant 64 : i32
      %dma_start3A_528 = arith.constant 5 : i32
      %dma_start3A_529 = arith.constant 0 : i32
      %dma_start3A_530 = tpu.memref_slice %arg9[%dma_start3A_528, %dma_start3A_529] : memref<8x64xi32, #tpu.memory_space<vmem>> -> memref<1x64xi32, #tpu.memory_space<vmem>>
      %dma_start3A_531 = tpu.memref_squeeze %dma_start3A_530 : memref<1x64xi32, #tpu.memory_space<vmem>> -> memref<64xi32, #tpu.memory_space<vmem>>
      %dma_start3A_532 = arith.constant 0 : i32
      %dma_start3A_533 = arith.constant 0 : i32
      %dma_start3A_534 = tpu.memref_slice %arg18[%dma_start3A_532, %dma_start3A_533] : memref<10000x128xf32, #tpu.memory_space<vmem_shared>> -> memref<10000x128xf32, #tpu.memory_space<vmem_shared>>
      tpu.enqueue_indirect_dma source(%arg11 : memref<64x128xf32, #tpu.memory_space<vmem>>) target(%dma_start3A_534 : memref<10000x128xf32, #tpu.memory_space<vmem_shared>>) offsets(%dma_start3A_531 : memref<64xi32, #tpu.memory_space<vmem>>) semaphore(%arg32 : memref<!tpu.dma_semaphore, #tpu.memory_space<semaphore_mem>>) {add = true}
      %mul3A_535 = arith.constant 8 : i32
      %mul3A_536 = arith.muli %scan3A_153, %mul3A_535 : i32
      %add3A_537 = arith.constant 6 : i32
      %add3A_538 = arith.addi %mul3A_536, %add3A_537 : i32
      %add3A_539 = arith.constant 3 : i32
      %add3A_540 = arith.addi %add3A_538, %add3A_539 : i32
      %lt3A_541 = arith.constant 160 : i32
      %lt3A_542 = arith.cmpi slt, %add3A_540, %lt3A_541 : i32
      %convert_element_type3A_543 = arith.extui %lt3A_542 : i1 to i32
      %cond3A_544 = arith.constant 0 : i32
      %cond3A_545 = arith.cmpi ne, %convert_element_type3A_543, %cond3A_544 : i32
      scf.if %cond3A_545 {
        %add3A_663 = arith.constant 3 : i32
        %add3A_664 = arith.addi %add3A_538, %add3A_663 : i32
        %mul3A_665 = arith.constant 64 : i32
        %mul3A_666 = arith.muli %add3A_664, %mul3A_665 : i32
        %add3A_667 = arith.addi %mul3A_4, %mul3A_666 : i32
        %dma_start3A_668 = arith.constant 1 : i32
        %dma_start3A_669 = arith.constant 0 : i32
        %dma_start3A_670 = tpu.memref_slice %arg8[%dma_start3A_668, %dma_start3A_669] : memref<8x64xi32, #tpu.memory_space<vmem>> -> memref<1x64xi32, #tpu.memory_space<vmem>>
        %dma_start3A_671 = tpu.memref_squeeze %dma_start3A_670 : memref<1x64xi32, #tpu.memory_space<vmem>> -> memref<64xi32, #tpu.memory_space<vmem>>
        %dma_start3A_672 = tpu.memref_slice %arg4[%add3A_667] : memref<327680xi32, #tpu.memory_space<hbm>> -> memref<64xi32, #tpu.memory_space<hbm>>
        %dma_start3A_673 = arith.constant 0 : i32
        %dma_start3A_674 = tpu.memref_slice %arg8[%dma_start3A_668, %dma_start3A_673] : memref<8x64xi32, #tpu.memory_space<vmem>> -> memref<1x64xi32, #tpu.memory_space<vmem>>
        %dma_start3A_675 = tpu.memref_squeeze %dma_start3A_674 : memref<1x64xi32, #tpu.memory_space<vmem>> -> memref<64xi32, #tpu.memory_space<vmem>>
        %dma_start3A_676 = tpu.memref_slice %arg4[%add3A_667] : memref<327680xi32, #tpu.memory_space<hbm>> -> memref<64xi32, #tpu.memory_space<hbm>>
        tpu.enqueue_dma source(%dma_start3A_676 : memref<64xi32, #tpu.memory_space<hbm>>) target(%dma_start3A_675 : memref<64xi32, #tpu.memory_space<vmem>>) target_semaphore(%arg20 : memref<!tpu.dma_semaphore, #tpu.memory_space<semaphore_mem>>)
        %dma_start3A_677 = arith.constant 1 : i32
        %dma_start3A_678 = arith.constant 0 : i32
        %dma_start3A_679 = tpu.memref_slice %arg9[%dma_start3A_677, %dma_start3A_678] : memref<8x64xi32, #tpu.memory_space<vmem>> -> memref<1x64xi32, #tpu.memory_space<vmem>>
        %dma_start3A_680 = tpu.memref_squeeze %dma_start3A_679 : memref<1x64xi32, #tpu.memory_space<vmem>> -> memref<64xi32, #tpu.memory_space<vmem>>
        %dma_start3A_681 = tpu.memref_slice %arg5[%add3A_667] : memref<327680xi32, #tpu.memory_space<hbm>> -> memref<64xi32, #tpu.memory_space<hbm>>
        %dma_start3A_682 = arith.constant 0 : i32
        %dma_start3A_683 = tpu.memref_slice %arg9[%dma_start3A_677, %dma_start3A_682] : memref<8x64xi32, #tpu.memory_space<vmem>> -> memref<1x64xi32, #tpu.memory_space<vmem>>
        %dma_start3A_684 = tpu.memref_squeeze %dma_start3A_683 : memref<1x64xi32, #tpu.memory_space<vmem>> -> memref<64xi32, #tpu.memory_space<vmem>>
        %dma_start3A_685 = tpu.memref_slice %arg5[%add3A_667] : memref<327680xi32, #tpu.memory_space<hbm>> -> memref<64xi32, #tpu.memory_space<hbm>>
        tpu.enqueue_dma source(%dma_start3A_685 : memref<64xi32, #tpu.memory_space<hbm>>) target(%dma_start3A_684 : memref<64xi32, #tpu.memory_space<vmem>>) target_semaphore(%arg20 : memref<!tpu.dma_semaphore, #tpu.memory_space<semaphore_mem>>)
      } else {
      }
      %add3A_546 = arith.constant 1 : i32
      %add3A_547 = arith.addi %add3A_538, %add3A_546 : i32
      %lt3A_548 = arith.constant 160 : i32
      %lt3A_549 = arith.cmpi slt, %add3A_547, %lt3A_548 : i32
      %convert_element_type3A_550 = arith.extui %lt3A_549 : i1 to i32
      %cond3A_551 = arith.constant 0 : i32
      %cond3A_552 = arith.cmpi ne, %convert_element_type3A_550, %cond3A_551 : i32
      scf.if %cond3A_552 {
        %dma_wait3A_663 = arith.constant 7 : i32
        %dma_wait3A_664 = arith.constant 0 : i32
        %dma_wait3A_665 = tpu.memref_slice %arg8[%dma_wait3A_663, %dma_wait3A_664] : memref<8x64xi32, #tpu.memory_space<vmem>> -> memref<1x64xi32, #tpu.memory_space<vmem>>
        %dma_wait3A_666 = tpu.memref_squeeze %dma_wait3A_665 : memref<1x64xi32, #tpu.memory_space<vmem>> -> memref<64xi32, #tpu.memory_space<vmem>>
        %dma_wait3A_667 = arith.constant 0 : i32
        %dma_wait3A_668 = tpu.memref_slice %arg4[%dma_wait3A_667] : memref<327680xi32, #tpu.memory_space<hbm>> -> memref<64xi32, #tpu.memory_space<hbm>>
        %dma_wait3A_669 = arith.constant 0 : i32
        %dma_wait3A_670 = tpu.memref_slice %arg8[%dma_wait3A_663, %dma_wait3A_669] : memref<8x64xi32, #tpu.memory_space<vmem>> -> memref<1x64xi32, #tpu.memory_space<vmem>>
        %dma_wait3A_671 = tpu.memref_squeeze %dma_wait3A_670 : memref<1x64xi32, #tpu.memory_space<vmem>> -> memref<64xi32, #tpu.memory_space<vmem>>
        %dma_wait3A_672 = arith.constant 0 : i32
        %dma_wait3A_673 = tpu.memref_slice %arg4[%dma_wait3A_672] : memref<327680xi32, #tpu.memory_space<hbm>> -> memref<64xi32, #tpu.memory_space<hbm>>
        tpu.wait_dma2 semaphore(%arg26 : memref<!tpu.dma_semaphore, #tpu.memory_space<semaphore_mem>>) src(%dma_wait3A_673 : memref<64xi32, #tpu.memory_space<hbm>>) dst(%dma_wait3A_671 : memref<64xi32, #tpu.memory_space<vmem>>)
        %dma_wait3A_674 = arith.constant 7 : i32
        %dma_wait3A_675 = arith.constant 0 : i32
        %dma_wait3A_676 = tpu.memref_slice %arg9[%dma_wait3A_674, %dma_wait3A_675] : memref<8x64xi32, #tpu.memory_space<vmem>> -> memref<1x64xi32, #tpu.memory_space<vmem>>
        %dma_wait3A_677 = tpu.memref_squeeze %dma_wait3A_676 : memref<1x64xi32, #tpu.memory_space<vmem>> -> memref<64xi32, #tpu.memory_space<vmem>>
        %dma_wait3A_678 = arith.constant 0 : i32
        %dma_wait3A_679 = tpu.memref_slice %arg5[%dma_wait3A_678] : memref<327680xi32, #tpu.memory_space<hbm>> -> memref<64xi32, #tpu.memory_space<hbm>>
        %dma_wait3A_680 = arith.constant 0 : i32
        %dma_wait3A_681 = tpu.memref_slice %arg9[%dma_wait3A_674, %dma_wait3A_680] : memref<8x64xi32, #tpu.memory_space<vmem>> -> memref<1x64xi32, #tpu.memory_space<vmem>>
        %dma_wait3A_682 = tpu.memref_squeeze %dma_wait3A_681 : memref<1x64xi32, #tpu.memory_space<vmem>> -> memref<64xi32, #tpu.memory_space<vmem>>
        %dma_wait3A_683 = arith.constant 0 : i32
        %dma_wait3A_684 = tpu.memref_slice %arg5[%dma_wait3A_683] : memref<327680xi32, #tpu.memory_space<hbm>> -> memref<64xi32, #tpu.memory_space<hbm>>
        tpu.wait_dma2 semaphore(%arg26 : memref<!tpu.dma_semaphore, #tpu.memory_space<semaphore_mem>>) src(%dma_wait3A_684 : memref<64xi32, #tpu.memory_space<hbm>>) dst(%dma_wait3A_682 : memref<64xi32, #tpu.memory_space<vmem>>)
        %add3A_685 = arith.constant 1 : i32
        %add3A_686 = arith.addi %add3A_538, %add3A_685 : i32
        %ge3A = arith.constant 4 : i32
        %ge3A_687 = arith.cmpi sge, %add3A_686, %ge3A : i32
        %convert_element_type3A_688 = arith.extui %ge3A_687 : i1 to i32
        %cond3A_689 = arith.constant 0 : i32
        %cond3A_690 = arith.cmpi ne, %convert_element_type3A_688, %cond3A_689 : i32
        scf.if %cond3A_690 {
          %dma_wait3A_711 = arith.constant 0 : i32
          %dma_wait3A_712 = arith.constant 0 : i32
          %dma_wait3A_713 = tpu.memref_slice %arg9[%dma_wait3A_711, %dma_wait3A_712] : memref<8x64xi32, #tpu.memory_space<vmem>> -> memref<1x64xi32, #tpu.memory_space<vmem>>
          %dma_wait3A_714 = tpu.memref_squeeze %dma_wait3A_713 : memref<1x64xi32, #tpu.memory_space<vmem>> -> memref<64xi32, #tpu.memory_space<vmem>>
          %dma_wait3A_715 = arith.constant 0 : i32
          %dma_wait3A_716 = arith.constant 0 : i32
          %dma_wait3A_717 = tpu.memref_slice %arg18[%dma_wait3A_715, %dma_wait3A_716] : memref<10000x128xf32, #tpu.memory_space<vmem_shared>> -> memref<10000x128xf32, #tpu.memory_space<vmem_shared>>
          tpu.wait_indirect_dma semaphore(%arg34 : memref<!tpu.dma_semaphore, #tpu.memory_space<semaphore_mem>>) src(%arg13 : memref<64x128xf32, #tpu.memory_space<vmem>>) dst(%dma_wait3A_717 : memref<10000x128xf32, #tpu.memory_space<vmem_shared>>)
        } else {
        }
        %add3A_691 = arith.constant 1 : i32
        %add3A_692 = arith.addi %add3A_538, %add3A_691 : i32
        %dma_start3A_693 = arith.constant 7 : i32
        %dma_start3A_694 = arith.constant 0 : i32
        %dma_start3A_695 = tpu.memref_slice %arg8[%dma_start3A_693, %dma_start3A_694] : memref<8x64xi32, #tpu.memory_space<vmem>> -> memref<1x64xi32, #tpu.memory_space<vmem>>
        %dma_start3A_696 = tpu.memref_squeeze %dma_start3A_695 : memref<1x64xi32, #tpu.memory_space<vmem>> -> memref<64xi32, #tpu.memory_space<vmem>>
        %dma_start3A_697 = arith.constant 0 : i32
        %dma_start3A_698 = arith.constant 0 : i32
        %dma_start3A_699 = tpu.memref_slice %arg2[%dma_start3A_697, %dma_start3A_698] : memref<10000x128xf32, #tpu.memory_space<hbm>> -> memref<10000x128xf32, #tpu.memory_space<hbm>>
        tpu.enqueue_indirect_dma source(%dma_start3A_699 : memref<10000x128xf32, #tpu.memory_space<hbm>>) target(%arg13 : memref<64x128xf32, #tpu.memory_space<vmem>>) offsets(%dma_start3A_696 : memref<64xi32, #tpu.memory_space<vmem>>) semaphore(%arg30 : memref<!tpu.dma_semaphore, #tpu.memory_space<semaphore_mem>>)
        %mul3A_700 = arith.constant 160 : i32
        %mul3A_701 = arith.muli %add3A, %mul3A_700 : i32
        %add3A_702 = arith.addi %mul3A_701, %add3A_692 : i32
        %dma_start3A_703 = arith.constant 0 : i32
        %dma_start3A_704 = arith.constant 0 : i32
        %dma_start3A_705 = tpu.memref_slice %arg3[%add3A_702, %dma_start3A_703, %dma_start3A_704] : memref<5120x4x128xf32, #tpu.memory_space<hbm>> -> memref<1x4x128xf32, #tpu.memory_space<hbm>>
        %dma_start3A_706 = tpu.memref_squeeze %dma_start3A_705 : memref<1x4x128xf32, #tpu.memory_space<hbm>> -> memref<4x128xf32, #tpu.memory_space<hbm>>
        %dma_start3A_707 = arith.constant 0 : i32
        %dma_start3A_708 = arith.constant 0 : i32
        %dma_start3A_709 = tpu.memref_slice %arg3[%add3A_702, %dma_start3A_707, %dma_start3A_708] : memref<5120x4x128xf32, #tpu.memory_space<hbm>> -> memref<1x4x128xf32, #tpu.memory_space<hbm>>
        %dma_start3A_710 = tpu.memref_squeeze %dma_start3A_709 : memref<1x4x128xf32, #tpu.memory_space<hbm>> -> memref<4x128xf32, #tpu.memory_space<hbm>>
        tpu.enqueue_dma source(%dma_start3A_710 : memref<4x128xf32, #tpu.memory_space<hbm>>) target(%arg17 : memref<4x128xf32, #tpu.memory_space<vmem>>) target_semaphore(%arg30 : memref<!tpu.dma_semaphore, #tpu.memory_space<semaphore_mem>>)
      } else {
      }
      %dma_wait3A_553 = arith.constant 6 : i32
      %dma_wait3A_554 = arith.constant 0 : i32
      %dma_wait3A_555 = tpu.memref_slice %arg8[%dma_wait3A_553, %dma_wait3A_554] : memref<8x64xi32, #tpu.memory_space<vmem>> -> memref<1x64xi32, #tpu.memory_space<vmem>>
      %dma_wait3A_556 = tpu.memref_squeeze %dma_wait3A_555 : memref<1x64xi32, #tpu.memory_space<vmem>> -> memref<64xi32, #tpu.memory_space<vmem>>
      %dma_wait3A_557 = arith.constant 0 : i32
      %dma_wait3A_558 = arith.constant 0 : i32
      %dma_wait3A_559 = tpu.memref_slice %arg2[%dma_wait3A_557, %dma_wait3A_558] : memref<10000x128xf32, #tpu.memory_space<hbm>> -> memref<10000x128xf32, #tpu.memory_space<hbm>>
      tpu.wait_indirect_dma semaphore(%arg29 : memref<!tpu.dma_semaphore, #tpu.memory_space<semaphore_mem>>) src(%dma_wait3A_559 : memref<10000x128xf32, #tpu.memory_space<hbm>>) dst(%arg12 : memref<64x128xf32, #tpu.memory_space<vmem>>)
      %dma_wait3A_560 = arith.constant 0 : i32
      %dma_wait3A_561 = arith.constant 0 : i32
      %dma_wait3A_562 = arith.constant 0 : i32
      %dma_wait3A_563 = tpu.memref_slice %arg3[%dma_wait3A_560, %dma_wait3A_561, %dma_wait3A_562] : memref<5120x4x128xf32, #tpu.memory_space<hbm>> -> memref<1x4x128xf32, #tpu.memory_space<hbm>>
      %dma_wait3A_564 = tpu.memref_squeeze %dma_wait3A_563 : memref<1x4x128xf32, #tpu.memory_space<hbm>> -> memref<4x128xf32, #tpu.memory_space<hbm>>
      %dma_wait3A_565 = arith.constant 0 : i32
      %dma_wait3A_566 = arith.constant 0 : i32
      %dma_wait3A_567 = tpu.memref_slice %arg3[%dma_wait3A_560, %dma_wait3A_565, %dma_wait3A_566] : memref<5120x4x128xf32, #tpu.memory_space<hbm>> -> memref<1x4x128xf32, #tpu.memory_space<hbm>>
      %dma_wait3A_568 = tpu.memref_squeeze %dma_wait3A_567 : memref<1x4x128xf32, #tpu.memory_space<hbm>> -> memref<4x128xf32, #tpu.memory_space<hbm>>
      tpu.wait_dma2 semaphore(%arg29 : memref<!tpu.dma_semaphore, #tpu.memory_space<semaphore_mem>>) src(%dma_wait3A_568 : memref<4x128xf32, #tpu.memory_space<hbm>>) dst(%arg16 : memref<4x128xf32, #tpu.memory_space<vmem>>)
      %iota3A_569 = tpu.iota {dimensions = array<i32: 0>} : vector<16xi32>
      %broadcast_in_dim3A_570 = arith.constant 0 : i32
      %broadcast_in_dim3A_571 = vector.broadcast %broadcast_in_dim3A_570 : i32 to vector<16xi32>
      %broadcast_in_dim3A_572 = arith.constant 1 : i32
      %broadcast_in_dim3A_573 = vector.broadcast %broadcast_in_dim3A_572 : i32 to vector<16xi32>
      %broadcast_in_dim3A_574 = arith.constant 2 : i32
      %broadcast_in_dim3A_575 = vector.broadcast %broadcast_in_dim3A_574 : i32 to vector<16xi32>
      %broadcast_in_dim3A_576 = arith.constant 3 : i32
      %broadcast_in_dim3A_577 = vector.broadcast %broadcast_in_dim3A_576 : i32 to vector<16xi32>
      %broadcast_in_dim3A_578 = arith.constant 4 : i32
      %broadcast_in_dim3A_579 = vector.broadcast %broadcast_in_dim3A_578 : i32 to vector<16xi32>
      %broadcast_in_dim3A_580 = arith.constant 5 : i32
      %broadcast_in_dim3A_581 = vector.broadcast %broadcast_in_dim3A_580 : i32 to vector<16xi32>
      %broadcast_in_dim3A_582 = arith.constant 6 : i32
      %broadcast_in_dim3A_583 = vector.broadcast %broadcast_in_dim3A_582 : i32 to vector<16xi32>
      %broadcast_in_dim3A_584 = arith.constant 7 : i32
      %broadcast_in_dim3A_585 = vector.broadcast %broadcast_in_dim3A_584 : i32 to vector<16xi32>
      %scan3A_586 = arith.constant 0 : i32
      %scan3A_587 = arith.constant 0 : i32
      %scan3A_588 = arith.constant 64 : i32
      %scan3A_589 = arith.addi %scan3A_587, %scan3A_588 : i32
      %scan3A_590 = arith.constant 1 : i32
      scf.for %scan3A_663 = %scan3A_587 to %scan3A_589 step %scan3A_590  : i32 {
        %broadcast_in_dim3A_664 = vector.broadcast %scan3A_663 : i32 to vector<16xi32>
        %add3A_665 = arith.constant 0 : i32
        %add3A_666 = vector.broadcast %add3A_665 : i32 to vector<16xi32>
        %add3A_667 = arith.addi %iota3A_569, %add3A_666 : vector<16xi32>
        %add3A_668 = arith.constant 0 : i32
        %add3A_669 = vector.broadcast %add3A_668 : i32 to vector<16xi32>
        %add3A_670 = arith.addi %broadcast_in_dim3A_664, %add3A_669 : vector<16xi32>
        %gather3A = tpu.vector_load_idx %arg16[%broadcast_in_dim3A_571, %add3A_670] : memref<4x128xf32, #tpu.memory_space<vmem>>[vector<16xi32>, vector<16xi32>], vector<16xf32>,
        %gather3A_671 = tpu.vector_load_idx %arg12[%broadcast_in_dim3A_664, %add3A_667] : memref<64x128xf32, #tpu.memory_space<vmem>>[vector<16xi32>, vector<16xi32>], vector<16xf32>,
        %mul3A_672 = arith.mulf %gather3A_671, %gather3A : vector<16xf32>
        tpu.vector_store_idx %arg12[%broadcast_in_dim3A_664, %add3A_667], %mul3A_672 : memref<64x128xf32, #tpu.memory_space<vmem>>[vector<16xi32>, vector<16xi32>], vector<16xf32>,
        %add3A_673 = arith.constant 16 : i32
        %add3A_674 = vector.broadcast %add3A_673 : i32 to vector<16xi32>
        %add3A_675 = arith.addi %iota3A_569, %add3A_674 : vector<16xi32>
        %add3A_676 = arith.constant 64 : i32
        %add3A_677 = vector.broadcast %add3A_676 : i32 to vector<16xi32>
        %add3A_678 = arith.addi %broadcast_in_dim3A_664, %add3A_677 : vector<16xi32>
        %gather3A_679 = tpu.vector_load_idx %arg16[%broadcast_in_dim3A_571, %add3A_678] : memref<4x128xf32, #tpu.memory_space<vmem>>[vector<16xi32>, vector<16xi32>], vector<16xf32>,
        %gather3A_680 = tpu.vector_load_idx %arg12[%broadcast_in_dim3A_664, %add3A_675] : memref<64x128xf32, #tpu.memory_space<vmem>>[vector<16xi32>, vector<16xi32>], vector<16xf32>,
        %mul3A_681 = arith.mulf %gather3A_680, %gather3A_679 : vector<16xf32>
        tpu.vector_store_idx %arg12[%broadcast_in_dim3A_664, %add3A_675], %mul3A_681 : memref<64x128xf32, #tpu.memory_space<vmem>>[vector<16xi32>, vector<16xi32>], vector<16xf32>,
        %add3A_682 = arith.constant 32 : i32
        %add3A_683 = vector.broadcast %add3A_682 : i32 to vector<16xi32>
        %add3A_684 = arith.addi %iota3A_569, %add3A_683 : vector<16xi32>
        %add3A_685 = arith.constant 0 : i32
        %add3A_686 = vector.broadcast %add3A_685 : i32 to vector<16xi32>
        %add3A_687 = arith.addi %broadcast_in_dim3A_664, %add3A_686 : vector<16xi32>
        %gather3A_688 = tpu.vector_load_idx %arg16[%broadcast_in_dim3A_573, %add3A_687] : memref<4x128xf32, #tpu.memory_space<vmem>>[vector<16xi32>, vector<16xi32>], vector<16xf32>,
        %gather3A_689 = tpu.vector_load_idx %arg12[%broadcast_in_dim3A_664, %add3A_684] : memref<64x128xf32, #tpu.memory_space<vmem>>[vector<16xi32>, vector<16xi32>], vector<16xf32>,
        %mul3A_690 = arith.mulf %gather3A_689, %gather3A_688 : vector<16xf32>
        tpu.vector_store_idx %arg12[%broadcast_in_dim3A_664, %add3A_684], %mul3A_690 : memref<64x128xf32, #tpu.memory_space<vmem>>[vector<16xi32>, vector<16xi32>], vector<16xf32>,
        %add3A_691 = arith.constant 48 : i32
        %add3A_692 = vector.broadcast %add3A_691 : i32 to vector<16xi32>
        %add3A_693 = arith.addi %iota3A_569, %add3A_692 : vector<16xi32>
        %add3A_694 = arith.constant 64 : i32
        %add3A_695 = vector.broadcast %add3A_694 : i32 to vector<16xi32>
        %add3A_696 = arith.addi %broadcast_in_dim3A_664, %add3A_695 : vector<16xi32>
        %gather3A_697 = tpu.vector_load_idx %arg16[%broadcast_in_dim3A_573, %add3A_696] : memref<4x128xf32, #tpu.memory_space<vmem>>[vector<16xi32>, vector<16xi32>], vector<16xf32>,
        %gather3A_698 = tpu.vector_load_idx %arg12[%broadcast_in_dim3A_664, %add3A_693] : memref<64x128xf32, #tpu.memory_space<vmem>>[vector<16xi32>, vector<16xi32>], vector<16xf32>,
        %mul3A_699 = arith.mulf %gather3A_698, %gather3A_697 : vector<16xf32>
        tpu.vector_store_idx %arg12[%broadcast_in_dim3A_664, %add3A_693], %mul3A_699 : memref<64x128xf32, #tpu.memory_space<vmem>>[vector<16xi32>, vector<16xi32>], vector<16xf32>,
        %add3A_700 = arith.constant 64 : i32
        %add3A_701 = vector.broadcast %add3A_700 : i32 to vector<16xi32>
        %add3A_702 = arith.addi %iota3A_569, %add3A_701 : vector<16xi32>
        %add3A_703 = arith.constant 0 : i32
        %add3A_704 = vector.broadcast %add3A_703 : i32 to vector<16xi32>
        %add3A_705 = arith.addi %broadcast_in_dim3A_664, %add3A_704 : vector<16xi32>
        %gather3A_706 = tpu.vector_load_idx %arg16[%broadcast_in_dim3A_575, %add3A_705] : memref<4x128xf32, #tpu.memory_space<vmem>>[vector<16xi32>, vector<16xi32>], vector<16xf32>,
        %gather3A_707 = tpu.vector_load_idx %arg12[%broadcast_in_dim3A_664, %add3A_702] : memref<64x128xf32, #tpu.memory_space<vmem>>[vector<16xi32>, vector<16xi32>], vector<16xf32>,
        %mul3A_708 = arith.mulf %gather3A_707, %gather3A_706 : vector<16xf32>
        tpu.vector_store_idx %arg12[%broadcast_in_dim3A_664, %add3A_702], %mul3A_708 : memref<64x128xf32, #tpu.memory_space<vmem>>[vector<16xi32>, vector<16xi32>], vector<16xf32>,
        %add3A_709 = arith.constant 80 : i32
        %add3A_710 = vector.broadcast %add3A_709 : i32 to vector<16xi32>
        %add3A_711 = arith.addi %iota3A_569, %add3A_710 : vector<16xi32>
        %add3A_712 = arith.constant 64 : i32
        %add3A_713 = vector.broadcast %add3A_712 : i32 to vector<16xi32>
        %add3A_714 = arith.addi %broadcast_in_dim3A_664, %add3A_713 : vector<16xi32>
        %gather3A_715 = tpu.vector_load_idx %arg16[%broadcast_in_dim3A_575, %add3A_714] : memref<4x128xf32, #tpu.memory_space<vmem>>[vector<16xi32>, vector<16xi32>], vector<16xf32>,
        %gather3A_716 = tpu.vector_load_idx %arg12[%broadcast_in_dim3A_664, %add3A_711] : memref<64x128xf32, #tpu.memory_space<vmem>>[vector<16xi32>, vector<16xi32>], vector<16xf32>,
        %mul3A_717 = arith.mulf %gather3A_716, %gather3A_715 : vector<16xf32>
        tpu.vector_store_idx %arg12[%broadcast_in_dim3A_664, %add3A_711], %mul3A_717 : memref<64x128xf32, #tpu.memory_space<vmem>>[vector<16xi32>, vector<16xi32>], vector<16xf32>,
        %add3A_718 = arith.constant 96 : i32
        %add3A_719 = vector.broadcast %add3A_718 : i32 to vector<16xi32>
        %add3A_720 = arith.addi %iota3A_569, %add3A_719 : vector<16xi32>
        %add3A_721 = arith.constant 0 : i32
        %add3A_722 = vector.broadcast %add3A_721 : i32 to vector<16xi32>
        %add3A_723 = arith.addi %broadcast_in_dim3A_664, %add3A_722 : vector<16xi32>
        %gather3A_724 = tpu.vector_load_idx %arg16[%broadcast_in_dim3A_577, %add3A_723] : memref<4x128xf32, #tpu.memory_space<vmem>>[vector<16xi32>, vector<16xi32>], vector<16xf32>,
        %gather3A_725 = tpu.vector_load_idx %arg12[%broadcast_in_dim3A_664, %add3A_720] : memref<64x128xf32, #tpu.memory_space<vmem>>[vector<16xi32>, vector<16xi32>], vector<16xf32>,
        %mul3A_726 = arith.mulf %gather3A_725, %gather3A_724 : vector<16xf32>
        tpu.vector_store_idx %arg12[%broadcast_in_dim3A_664, %add3A_720], %mul3A_726 : memref<64x128xf32, #tpu.memory_space<vmem>>[vector<16xi32>, vector<16xi32>], vector<16xf32>,
        %add3A_727 = arith.constant 112 : i32
        %add3A_728 = vector.broadcast %add3A_727 : i32 to vector<16xi32>
        %add3A_729 = arith.addi %iota3A_569, %add3A_728 : vector<16xi32>
        %add3A_730 = arith.constant 64 : i32
        %add3A_731 = vector.broadcast %add3A_730 : i32 to vector<16xi32>
        %add3A_732 = arith.addi %broadcast_in_dim3A_664, %add3A_731 : vector<16xi32>
        %gather3A_733 = tpu.vector_load_idx %arg16[%broadcast_in_dim3A_577, %add3A_732] : memref<4x128xf32, #tpu.memory_space<vmem>>[vector<16xi32>, vector<16xi32>], vector<16xf32>,
        %gather3A_734 = tpu.vector_load_idx %arg12[%broadcast_in_dim3A_664, %add3A_729] : memref<64x128xf32, #tpu.memory_space<vmem>>[vector<16xi32>, vector<16xi32>], vector<16xf32>,
        %mul3A_735 = arith.mulf %gather3A_734, %gather3A_733 : vector<16xf32>
        tpu.vector_store_idx %arg12[%broadcast_in_dim3A_664, %add3A_729], %mul3A_735 : memref<64x128xf32, #tpu.memory_space<vmem>>[vector<16xi32>, vector<16xi32>], vector<16xf32>,
      }
      %scan3A_591 = arith.constant 64 : i32
      %dma_start3A_592 = arith.constant 6 : i32
      %dma_start3A_593 = arith.constant 0 : i32
      %dma_start3A_594 = tpu.memref_slice %arg9[%dma_start3A_592, %dma_start3A_593] : memref<8x64xi32, #tpu.memory_space<vmem>> -> memref<1x64xi32, #tpu.memory_space<vmem>>
      %dma_start3A_595 = tpu.memref_squeeze %dma_start3A_594 : memref<1x64xi32, #tpu.memory_space<vmem>> -> memref<64xi32, #tpu.memory_space<vmem>>
      %dma_start3A_596 = arith.constant 0 : i32
      %dma_start3A_597 = arith.constant 0 : i32
      %dma_start3A_598 = tpu.memref_slice %arg18[%dma_start3A_596, %dma_start3A_597] : memref<10000x128xf32, #tpu.memory_space<vmem_shared>> -> memref<10000x128xf32, #tpu.memory_space<vmem_shared>>
      tpu.enqueue_indirect_dma source(%arg12 : memref<64x128xf32, #tpu.memory_space<vmem>>) target(%dma_start3A_598 : memref<10000x128xf32, #tpu.memory_space<vmem_shared>>) offsets(%dma_start3A_595 : memref<64xi32, #tpu.memory_space<vmem>>) semaphore(%arg33 : memref<!tpu.dma_semaphore, #tpu.memory_space<semaphore_mem>>) {add = true}
      %mul3A_599 = arith.constant 8 : i32
      %mul3A_600 = arith.muli %scan3A_153, %mul3A_599 : i32
      %add3A_601 = arith.constant 7 : i32
      %add3A_602 = arith.addi %mul3A_600, %add3A_601 : i32
      %add3A_603 = arith.constant 3 : i32
      %add3A_604 = arith.addi %add3A_602, %add3A_603 : i32
      %lt3A_605 = arith.constant 160 : i32
      %lt3A_606 = arith.cmpi slt, %add3A_604, %lt3A_605 : i32
      %convert_element_type3A_607 = arith.extui %lt3A_606 : i1 to i32
      %cond3A_608 = arith.constant 0 : i32
      %cond3A_609 = arith.cmpi ne, %convert_element_type3A_607, %cond3A_608 : i32
      scf.if %cond3A_609 {
        %add3A_663 = arith.constant 3 : i32
        %add3A_664 = arith.addi %add3A_602, %add3A_663 : i32
        %mul3A_665 = arith.constant 64 : i32
        %mul3A_666 = arith.muli %add3A_664, %mul3A_665 : i32
        %add3A_667 = arith.addi %mul3A_4, %mul3A_666 : i32
        %dma_start3A_668 = arith.constant 2 : i32
        %dma_start3A_669 = arith.constant 0 : i32
        %dma_start3A_670 = tpu.memref_slice %arg8[%dma_start3A_668, %dma_start3A_669] : memref<8x64xi32, #tpu.memory_space<vmem>> -> memref<1x64xi32, #tpu.memory_space<vmem>>
        %dma_start3A_671 = tpu.memref_squeeze %dma_start3A_670 : memref<1x64xi32, #tpu.memory_space<vmem>> -> memref<64xi32, #tpu.memory_space<vmem>>
        %dma_start3A_672 = tpu.memref_slice %arg4[%add3A_667] : memref<327680xi32, #tpu.memory_space<hbm>> -> memref<64xi32, #tpu.memory_space<hbm>>
        %dma_start3A_673 = arith.constant 0 : i32
        %dma_start3A_674 = tpu.memref_slice %arg8[%dma_start3A_668, %dma_start3A_673] : memref<8x64xi32, #tpu.memory_space<vmem>> -> memref<1x64xi32, #tpu.memory_space<vmem>>
        %dma_start3A_675 = tpu.memref_squeeze %dma_start3A_674 : memref<1x64xi32, #tpu.memory_space<vmem>> -> memref<64xi32, #tpu.memory_space<vmem>>
        %dma_start3A_676 = tpu.memref_slice %arg4[%add3A_667] : memref<327680xi32, #tpu.memory_space<hbm>> -> memref<64xi32, #tpu.memory_space<hbm>>
        tpu.enqueue_dma source(%dma_start3A_676 : memref<64xi32, #tpu.memory_space<hbm>>) target(%dma_start3A_675 : memref<64xi32, #tpu.memory_space<vmem>>) target_semaphore(%arg21 : memref<!tpu.dma_semaphore, #tpu.memory_space<semaphore_mem>>)
        %dma_start3A_677 = arith.constant 2 : i32
        %dma_start3A_678 = arith.constant 0 : i32
        %dma_start3A_679 = tpu.memref_slice %arg9[%dma_start3A_677, %dma_start3A_678] : memref<8x64xi32, #tpu.memory_space<vmem>> -> memref<1x64xi32, #tpu.memory_space<vmem>>
        %dma_start3A_680 = tpu.memref_squeeze %dma_start3A_679 : memref<1x64xi32, #tpu.memory_space<vmem>> -> memref<64xi32, #tpu.memory_space<vmem>>
        %dma_start3A_681 = tpu.memref_slice %arg5[%add3A_667] : memref<327680xi32, #tpu.memory_space<hbm>> -> memref<64xi32, #tpu.memory_space<hbm>>
        %dma_start3A_682 = arith.constant 0 : i32
        %dma_start3A_683 = tpu.memref_slice %arg9[%dma_start3A_677, %dma_start3A_682] : memref<8x64xi32, #tpu.memory_space<vmem>> -> memref<1x64xi32, #tpu.memory_space<vmem>>
        %dma_start3A_684 = tpu.memref_squeeze %dma_start3A_683 : memref<1x64xi32, #tpu.memory_space<vmem>> -> memref<64xi32, #tpu.memory_space<vmem>>
        %dma_start3A_685 = tpu.memref_slice %arg5[%add3A_667] : memref<327680xi32, #tpu.memory_space<hbm>> -> memref<64xi32, #tpu.memory_space<hbm>>
        tpu.enqueue_dma source(%dma_start3A_685 : memref<64xi32, #tpu.memory_space<hbm>>) target(%dma_start3A_684 : memref<64xi32, #tpu.memory_space<vmem>>) target_semaphore(%arg21 : memref<!tpu.dma_semaphore, #tpu.memory_space<semaphore_mem>>)
      } else {
      }
      %add3A_610 = arith.constant 1 : i32
      %add3A_611 = arith.addi %add3A_602, %add3A_610 : i32
      %lt3A_612 = arith.constant 160 : i32
      %lt3A_613 = arith.cmpi slt, %add3A_611, %lt3A_612 : i32
      %convert_element_type3A_614 = arith.extui %lt3A_613 : i1 to i32
      %cond3A_615 = arith.constant 0 : i32
      %cond3A_616 = arith.cmpi ne, %convert_element_type3A_614, %cond3A_615 : i32
      scf.if %cond3A_616 {
        %dma_wait3A_663 = arith.constant 0 : i32
        %dma_wait3A_664 = arith.constant 0 : i32
        %dma_wait3A_665 = tpu.memref_slice %arg8[%dma_wait3A_663, %dma_wait3A_664] : memref<8x64xi32, #tpu.memory_space<vmem>> -> memref<1x64xi32, #tpu.memory_space<vmem>>
        %dma_wait3A_666 = tpu.memref_squeeze %dma_wait3A_665 : memref<1x64xi32, #tpu.memory_space<vmem>> -> memref<64xi32, #tpu.memory_space<vmem>>
        %dma_wait3A_667 = arith.constant 0 : i32
        %dma_wait3A_668 = tpu.memref_slice %arg4[%dma_wait3A_667] : memref<327680xi32, #tpu.memory_space<hbm>> -> memref<64xi32, #tpu.memory_space<hbm>>
        %dma_wait3A_669 = arith.constant 0 : i32
        %dma_wait3A_670 = tpu.memref_slice %arg8[%dma_wait3A_663, %dma_wait3A_669] : memref<8x64xi32, #tpu.memory_space<vmem>> -> memref<1x64xi32, #tpu.memory_space<vmem>>
        %dma_wait3A_671 = tpu.memref_squeeze %dma_wait3A_670 : memref<1x64xi32, #tpu.memory_space<vmem>> -> memref<64xi32, #tpu.memory_space<vmem>>
        %dma_wait3A_672 = arith.constant 0 : i32
        %dma_wait3A_673 = tpu.memref_slice %arg4[%dma_wait3A_672] : memref<327680xi32, #tpu.memory_space<hbm>> -> memref<64xi32, #tpu.memory_space<hbm>>
        tpu.wait_dma2 semaphore(%arg19 : memref<!tpu.dma_semaphore, #tpu.memory_space<semaphore_mem>>) src(%dma_wait3A_673 : memref<64xi32, #tpu.memory_space<hbm>>) dst(%dma_wait3A_671 : memref<64xi32, #tpu.memory_space<vmem>>)
        %dma_wait3A_674 = arith.constant 0 : i32
        %dma_wait3A_675 = arith.constant 0 : i32
        %dma_wait3A_676 = tpu.memref_slice %arg9[%dma_wait3A_674, %dma_wait3A_675] : memref<8x64xi32, #tpu.memory_space<vmem>> -> memref<1x64xi32, #tpu.memory_space<vmem>>
        %dma_wait3A_677 = tpu.memref_squeeze %dma_wait3A_676 : memref<1x64xi32, #tpu.memory_space<vmem>> -> memref<64xi32, #tpu.memory_space<vmem>>
        %dma_wait3A_678 = arith.constant 0 : i32
        %dma_wait3A_679 = tpu.memref_slice %arg5[%dma_wait3A_678] : memref<327680xi32, #tpu.memory_space<hbm>> -> memref<64xi32, #tpu.memory_space<hbm>>
        %dma_wait3A_680 = arith.constant 0 : i32
        %dma_wait3A_681 = tpu.memref_slice %arg9[%dma_wait3A_674, %dma_wait3A_680] : memref<8x64xi32, #tpu.memory_space<vmem>> -> memref<1x64xi32, #tpu.memory_space<vmem>>
        %dma_wait3A_682 = tpu.memref_squeeze %dma_wait3A_681 : memref<1x64xi32, #tpu.memory_space<vmem>> -> memref<64xi32, #tpu.memory_space<vmem>>
        %dma_wait3A_683 = arith.constant 0 : i32
        %dma_wait3A_684 = tpu.memref_slice %arg5[%dma_wait3A_683] : memref<327680xi32, #tpu.memory_space<hbm>> -> memref<64xi32, #tpu.memory_space<hbm>>
        tpu.wait_dma2 semaphore(%arg19 : memref<!tpu.dma_semaphore, #tpu.memory_space<semaphore_mem>>) src(%dma_wait3A_684 : memref<64xi32, #tpu.memory_space<hbm>>) dst(%dma_wait3A_682 : memref<64xi32, #tpu.memory_space<vmem>>)
        %add3A_685 = arith.constant 1 : i32
        %add3A_686 = arith.addi %add3A_602, %add3A_685 : i32
        %ge3A = arith.constant 4 : i32
        %ge3A_687 = arith.cmpi sge, %add3A_686, %ge3A : i32
        %convert_element_type3A_688 = arith.extui %ge3A_687 : i1 to i32
        %cond3A_689 = arith.constant 0 : i32
        %cond3A_690 = arith.cmpi ne, %convert_element_type3A_688, %cond3A_689 : i32
        scf.if %cond3A_690 {
          %dma_wait3A_711 = arith.constant 0 : i32
          %dma_wait3A_712 = arith.constant 0 : i32
          %dma_wait3A_713 = tpu.memref_slice %arg9[%dma_wait3A_711, %dma_wait3A_712] : memref<8x64xi32, #tpu.memory_space<vmem>> -> memref<1x64xi32, #tpu.memory_space<vmem>>
          %dma_wait3A_714 = tpu.memref_squeeze %dma_wait3A_713 : memref<1x64xi32, #tpu.memory_space<vmem>> -> memref<64xi32, #tpu.memory_space<vmem>>
          %dma_wait3A_715 = arith.constant 0 : i32
          %dma_wait3A_716 = arith.constant 0 : i32
          %dma_wait3A_717 = tpu.memref_slice %arg18[%dma_wait3A_715, %dma_wait3A_716] : memref<10000x128xf32, #tpu.memory_space<vmem_shared>> -> memref<10000x128xf32, #tpu.memory_space<vmem_shared>>
          tpu.wait_indirect_dma semaphore(%arg31 : memref<!tpu.dma_semaphore, #tpu.memory_space<semaphore_mem>>) src(%arg10 : memref<64x128xf32, #tpu.memory_space<vmem>>) dst(%dma_wait3A_717 : memref<10000x128xf32, #tpu.memory_space<vmem_shared>>)
        } else {
        }
        %add3A_691 = arith.constant 1 : i32
        %add3A_692 = arith.addi %add3A_602, %add3A_691 : i32
        %dma_start3A_693 = arith.constant 0 : i32
        %dma_start3A_694 = arith.constant 0 : i32
        %dma_start3A_695 = tpu.memref_slice %arg8[%dma_start3A_693, %dma_start3A_694] : memref<8x64xi32, #tpu.memory_space<vmem>> -> memref<1x64xi32, #tpu.memory_space<vmem>>
        %dma_start3A_696 = tpu.memref_squeeze %dma_start3A_695 : memref<1x64xi32, #tpu.memory_space<vmem>> -> memref<64xi32, #tpu.memory_space<vmem>>
        %dma_start3A_697 = arith.constant 0 : i32
        %dma_start3A_698 = arith.constant 0 : i32
        %dma_start3A_699 = tpu.memref_slice %arg2[%dma_start3A_697, %dma_start3A_698] : memref<10000x128xf32, #tpu.memory_space<hbm>> -> memref<10000x128xf32, #tpu.memory_space<hbm>>
        tpu.enqueue_indirect_dma source(%dma_start3A_699 : memref<10000x128xf32, #tpu.memory_space<hbm>>) target(%arg10 : memref<64x128xf32, #tpu.memory_space<vmem>>) offsets(%dma_start3A_696 : memref<64xi32, #tpu.memory_space<vmem>>) semaphore(%arg27 : memref<!tpu.dma_semaphore, #tpu.memory_space<semaphore_mem>>)
        %mul3A_700 = arith.constant 160 : i32
        %mul3A_701 = arith.muli %add3A, %mul3A_700 : i32
        %add3A_702 = arith.addi %mul3A_701, %add3A_692 : i32
        %dma_start3A_703 = arith.constant 0 : i32
        %dma_start3A_704 = arith.constant 0 : i32
        %dma_start3A_705 = tpu.memref_slice %arg3[%add3A_702, %dma_start3A_703, %dma_start3A_704] : memref<5120x4x128xf32, #tpu.memory_space<hbm>> -> memref<1x4x128xf32, #tpu.memory_space<hbm>>
        %dma_start3A_706 = tpu.memref_squeeze %dma_start3A_705 : memref<1x4x128xf32, #tpu.memory_space<hbm>> -> memref<4x128xf32, #tpu.memory_space<hbm>>
        %dma_start3A_707 = arith.constant 0 : i32
        %dma_start3A_708 = arith.constant 0 : i32
        %dma_start3A_709 = tpu.memref_slice %arg3[%add3A_702, %dma_start3A_707, %dma_start3A_708] : memref<5120x4x128xf32, #tpu.memory_space<hbm>> -> memref<1x4x128xf32, #tpu.memory_space<hbm>>
        %dma_start3A_710 = tpu.memref_squeeze %dma_start3A_709 : memref<1x4x128xf32, #tpu.memory_space<hbm>> -> memref<4x128xf32, #tpu.memory_space<hbm>>
        tpu.enqueue_dma source(%dma_start3A_710 : memref<4x128xf32, #tpu.memory_space<hbm>>) target(%arg14 : memref<4x128xf32, #tpu.memory_space<vmem>>) target_semaphore(%arg27 : memref<!tpu.dma_semaphore, #tpu.memory_space<semaphore_mem>>)
      } else {
      }
      %dma_wait3A_617 = arith.constant 7 : i32
      %dma_wait3A_618 = arith.constant 0 : i32
      %dma_wait3A_619 = tpu.memref_slice %arg8[%dma_wait3A_617, %dma_wait3A_618] : memref<8x64xi32, #tpu.memory_space<vmem>> -> memref<1x64xi32, #tpu.memory_space<vmem>>
      %dma_wait3A_620 = tpu.memref_squeeze %dma_wait3A_619 : memref<1x64xi32, #tpu.memory_space<vmem>> -> memref<64xi32, #tpu.memory_space<vmem>>
      %dma_wait3A_621 = arith.constant 0 : i32
      %dma_wait3A_622 = arith.constant 0 : i32
      %dma_wait3A_623 = tpu.memref_slice %arg2[%dma_wait3A_621, %dma_wait3A_622] : memref<10000x128xf32, #tpu.memory_space<hbm>> -> memref<10000x128xf32, #tpu.memory_space<hbm>>
      tpu.wait_indirect_dma semaphore(%arg30 : memref<!tpu.dma_semaphore, #tpu.memory_space<semaphore_mem>>) src(%dma_wait3A_623 : memref<10000x128xf32, #tpu.memory_space<hbm>>) dst(%arg13 : memref<64x128xf32, #tpu.memory_space<vmem>>)
      %dma_wait3A_624 = arith.constant 0 : i32
      %dma_wait3A_625 = arith.constant 0 : i32
      %dma_wait3A_626 = arith.constant 0 : i32
      %dma_wait3A_627 = tpu.memref_slice %arg3[%dma_wait3A_624, %dma_wait3A_625, %dma_wait3A_626] : memref<5120x4x128xf32, #tpu.memory_space<hbm>> -> memref<1x4x128xf32, #tpu.memory_space<hbm>>
      %dma_wait3A_628 = tpu.memref_squeeze %dma_wait3A_627 : memref<1x4x128xf32, #tpu.memory_space<hbm>> -> memref<4x128xf32, #tpu.memory_space<hbm>>
      %dma_wait3A_629 = arith.constant 0 : i32
      %dma_wait3A_630 = arith.constant 0 : i32
      %dma_wait3A_631 = tpu.memref_slice %arg3[%dma_wait3A_624, %dma_wait3A_629, %dma_wait3A_630] : memref<5120x4x128xf32, #tpu.memory_space<hbm>> -> memref<1x4x128xf32, #tpu.memory_space<hbm>>
      %dma_wait3A_632 = tpu.memref_squeeze %dma_wait3A_631 : memref<1x4x128xf32, #tpu.memory_space<hbm>> -> memref<4x128xf32, #tpu.memory_space<hbm>>
      tpu.wait_dma2 semaphore(%arg30 : memref<!tpu.dma_semaphore, #tpu.memory_space<semaphore_mem>>) src(%dma_wait3A_632 : memref<4x128xf32, #tpu.memory_space<hbm>>) dst(%arg17 : memref<4x128xf32, #tpu.memory_space<vmem>>)
      %iota3A_633 = tpu.iota {dimensions = array<i32: 0>} : vector<16xi32>
      %broadcast_in_dim3A_634 = arith.constant 0 : i32
      %broadcast_in_dim3A_635 = vector.broadcast %broadcast_in_dim3A_634 : i32 to vector<16xi32>
      %broadcast_in_dim3A_636 = arith.constant 1 : i32
      %broadcast_in_dim3A_637 = vector.broadcast %broadcast_in_dim3A_636 : i32 to vector<16xi32>
      %broadcast_in_dim3A_638 = arith.constant 2 : i32
      %broadcast_in_dim3A_639 = vector.broadcast %broadcast_in_dim3A_638 : i32 to vector<16xi32>
      %broadcast_in_dim3A_640 = arith.constant 3 : i32
      %broadcast_in_dim3A_641 = vector.broadcast %broadcast_in_dim3A_640 : i32 to vector<16xi32>
      %broadcast_in_dim3A_642 = arith.constant 4 : i32
      %broadcast_in_dim3A_643 = vector.broadcast %broadcast_in_dim3A_642 : i32 to vector<16xi32>
      %broadcast_in_dim3A_644 = arith.constant 5 : i32
      %broadcast_in_dim3A_645 = vector.broadcast %broadcast_in_dim3A_644 : i32 to vector<16xi32>
      %broadcast_in_dim3A_646 = arith.constant 6 : i32
      %broadcast_in_dim3A_647 = vector.broadcast %broadcast_in_dim3A_646 : i32 to vector<16xi32>
      %broadcast_in_dim3A_648 = arith.constant 7 : i32
      %broadcast_in_dim3A_649 = vector.broadcast %broadcast_in_dim3A_648 : i32 to vector<16xi32>
      %scan3A_650 = arith.constant 0 : i32
      %scan3A_651 = arith.constant 0 : i32
      %scan3A_652 = arith.constant 64 : i32
      %scan3A_653 = arith.addi %scan3A_651, %scan3A_652 : i32
      %scan3A_654 = arith.constant 1 : i32
      scf.for %scan3A_663 = %scan3A_651 to %scan3A_653 step %scan3A_654  : i32 {
        %broadcast_in_dim3A_664 = vector.broadcast %scan3A_663 : i32 to vector<16xi32>
        %add3A_665 = arith.constant 0 : i32
        %add3A_666 = vector.broadcast %add3A_665 : i32 to vector<16xi32>
        %add3A_667 = arith.addi %iota3A_633, %add3A_666 : vector<16xi32>
        %add3A_668 = arith.constant 0 : i32
        %add3A_669 = vector.broadcast %add3A_668 : i32 to vector<16xi32>
        %add3A_670 = arith.addi %broadcast_in_dim3A_664, %add3A_669 : vector<16xi32>
        %gather3A = tpu.vector_load_idx %arg17[%broadcast_in_dim3A_635, %add3A_670] : memref<4x128xf32, #tpu.memory_space<vmem>>[vector<16xi32>, vector<16xi32>], vector<16xf32>,
        %gather3A_671 = tpu.vector_load_idx %arg13[%broadcast_in_dim3A_664, %add3A_667] : memref<64x128xf32, #tpu.memory_space<vmem>>[vector<16xi32>, vector<16xi32>], vector<16xf32>,
        %mul3A_672 = arith.mulf %gather3A_671, %gather3A : vector<16xf32>
        tpu.vector_store_idx %arg13[%broadcast_in_dim3A_664, %add3A_667], %mul3A_672 : memref<64x128xf32, #tpu.memory_space<vmem>>[vector<16xi32>, vector<16xi32>], vector<16xf32>,
        %add3A_673 = arith.constant 16 : i32
        %add3A_674 = vector.broadcast %add3A_673 : i32 to vector<16xi32>
        %add3A_675 = arith.addi %iota3A_633, %add3A_674 : vector<16xi32>
        %add3A_676 = arith.constant 64 : i32
        %add3A_677 = vector.broadcast %add3A_676 : i32 to vector<16xi32>
        %add3A_678 = arith.addi %broadcast_in_dim3A_664, %add3A_677 : vector<16xi32>
        %gather3A_679 = tpu.vector_load_idx %arg17[%broadcast_in_dim3A_635, %add3A_678] : memref<4x128xf32, #tpu.memory_space<vmem>>[vector<16xi32>, vector<16xi32>], vector<16xf32>,
        %gather3A_680 = tpu.vector_load_idx %arg13[%broadcast_in_dim3A_664, %add3A_675] : memref<64x128xf32, #tpu.memory_space<vmem>>[vector<16xi32>, vector<16xi32>], vector<16xf32>,
        %mul3A_681 = arith.mulf %gather3A_680, %gather3A_679 : vector<16xf32>
        tpu.vector_store_idx %arg13[%broadcast_in_dim3A_664, %add3A_675], %mul3A_681 : memref<64x128xf32, #tpu.memory_space<vmem>>[vector<16xi32>, vector<16xi32>], vector<16xf32>,
        %add3A_682 = arith.constant 32 : i32
        %add3A_683 = vector.broadcast %add3A_682 : i32 to vector<16xi32>
        %add3A_684 = arith.addi %iota3A_633, %add3A_683 : vector<16xi32>
        %add3A_685 = arith.constant 0 : i32
        %add3A_686 = vector.broadcast %add3A_685 : i32 to vector<16xi32>
        %add3A_687 = arith.addi %broadcast_in_dim3A_664, %add3A_686 : vector<16xi32>
        %gather3A_688 = tpu.vector_load_idx %arg17[%broadcast_in_dim3A_637, %add3A_687] : memref<4x128xf32, #tpu.memory_space<vmem>>[vector<16xi32>, vector<16xi32>], vector<16xf32>,
        %gather3A_689 = tpu.vector_load_idx %arg13[%broadcast_in_dim3A_664, %add3A_684] : memref<64x128xf32, #tpu.memory_space<vmem>>[vector<16xi32>, vector<16xi32>], vector<16xf32>,
        %mul3A_690 = arith.mulf %gather3A_689, %gather3A_688 : vector<16xf32>
        tpu.vector_store_idx %arg13[%broadcast_in_dim3A_664, %add3A_684], %mul3A_690 : memref<64x128xf32, #tpu.memory_space<vmem>>[vector<16xi32>, vector<16xi32>], vector<16xf32>,
        %add3A_691 = arith.constant 48 : i32
        %add3A_692 = vector.broadcast %add3A_691 : i32 to vector<16xi32>
        %add3A_693 = arith.addi %iota3A_633, %add3A_692 : vector<16xi32>
        %add3A_694 = arith.constant 64 : i32
        %add3A_695 = vector.broadcast %add3A_694 : i32 to vector<16xi32>
        %add3A_696 = arith.addi %broadcast_in_dim3A_664, %add3A_695 : vector<16xi32>
        %gather3A_697 = tpu.vector_load_idx %arg17[%broadcast_in_dim3A_637, %add3A_696] : memref<4x128xf32, #tpu.memory_space<vmem>>[vector<16xi32>, vector<16xi32>], vector<16xf32>,
        %gather3A_698 = tpu.vector_load_idx %arg13[%broadcast_in_dim3A_664, %add3A_693] : memref<64x128xf32, #tpu.memory_space<vmem>>[vector<16xi32>, vector<16xi32>], vector<16xf32>,
        %mul3A_699 = arith.mulf %gather3A_698, %gather3A_697 : vector<16xf32>
        tpu.vector_store_idx %arg13[%broadcast_in_dim3A_664, %add3A_693], %mul3A_699 : memref<64x128xf32, #tpu.memory_space<vmem>>[vector<16xi32>, vector<16xi32>], vector<16xf32>,
        %add3A_700 = arith.constant 64 : i32
        %add3A_701 = vector.broadcast %add3A_700 : i32 to vector<16xi32>
        %add3A_702 = arith.addi %iota3A_633, %add3A_701 : vector<16xi32>
        %add3A_703 = arith.constant 0 : i32
        %add3A_704 = vector.broadcast %add3A_703 : i32 to vector<16xi32>
        %add3A_705 = arith.addi %broadcast_in_dim3A_664, %add3A_704 : vector<16xi32>
        %gather3A_706 = tpu.vector_load_idx %arg17[%broadcast_in_dim3A_639, %add3A_705] : memref<4x128xf32, #tpu.memory_space<vmem>>[vector<16xi32>, vector<16xi32>], vector<16xf32>,
        %gather3A_707 = tpu.vector_load_idx %arg13[%broadcast_in_dim3A_664, %add3A_702] : memref<64x128xf32, #tpu.memory_space<vmem>>[vector<16xi32>, vector<16xi32>], vector<16xf32>,
        %mul3A_708 = arith.mulf %gather3A_707, %gather3A_706 : vector<16xf32>
        tpu.vector_store_idx %arg13[%broadcast_in_dim3A_664, %add3A_702], %mul3A_708 : memref<64x128xf32, #tpu.memory_space<vmem>>[vector<16xi32>, vector<16xi32>], vector<16xf32>,
        %add3A_709 = arith.constant 80 : i32
        %add3A_710 = vector.broadcast %add3A_709 : i32 to vector<16xi32>
        %add3A_711 = arith.addi %iota3A_633, %add3A_710 : vector<16xi32>
        %add3A_712 = arith.constant 64 : i32
        %add3A_713 = vector.broadcast %add3A_712 : i32 to vector<16xi32>
        %add3A_714 = arith.addi %broadcast_in_dim3A_664, %add3A_713 : vector<16xi32>
        %gather3A_715 = tpu.vector_load_idx %arg17[%broadcast_in_dim3A_639, %add3A_714] : memref<4x128xf32, #tpu.memory_space<vmem>>[vector<16xi32>, vector<16xi32>], vector<16xf32>,
        %gather3A_716 = tpu.vector_load_idx %arg13[%broadcast_in_dim3A_664, %add3A_711] : memref<64x128xf32, #tpu.memory_space<vmem>>[vector<16xi32>, vector<16xi32>], vector<16xf32>,
        %mul3A_717 = arith.mulf %gather3A_716, %gather3A_715 : vector<16xf32>
        tpu.vector_store_idx %arg13[%broadcast_in_dim3A_664, %add3A_711], %mul3A_717 : memref<64x128xf32, #tpu.memory_space<vmem>>[vector<16xi32>, vector<16xi32>], vector<16xf32>,
        %add3A_718 = arith.constant 96 : i32
        %add3A_719 = vector.broadcast %add3A_718 : i32 to vector<16xi32>
        %add3A_720 = arith.addi %iota3A_633, %add3A_719 : vector<16xi32>
        %add3A_721 = arith.constant 0 : i32
        %add3A_722 = vector.broadcast %add3A_721 : i32 to vector<16xi32>
        %add3A_723 = arith.addi %broadcast_in_dim3A_664, %add3A_722 : vector<16xi32>
        %gather3A_724 = tpu.vector_load_idx %arg17[%broadcast_in_dim3A_641, %add3A_723] : memref<4x128xf32, #tpu.memory_space<vmem>>[vector<16xi32>, vector<16xi32>], vector<16xf32>,
        %gather3A_725 = tpu.vector_load_idx %arg13[%broadcast_in_dim3A_664, %add3A_720] : memref<64x128xf32, #tpu.memory_space<vmem>>[vector<16xi32>, vector<16xi32>], vector<16xf32>,
        %mul3A_726 = arith.mulf %gather3A_725, %gather3A_724 : vector<16xf32>
        tpu.vector_store_idx %arg13[%broadcast_in_dim3A_664, %add3A_720], %mul3A_726 : memref<64x128xf32, #tpu.memory_space<vmem>>[vector<16xi32>, vector<16xi32>], vector<16xf32>,
        %add3A_727 = arith.constant 112 : i32
        %add3A_728 = vector.broadcast %add3A_727 : i32 to vector<16xi32>
        %add3A_729 = arith.addi %iota3A_633, %add3A_728 : vector<16xi32>
        %add3A_730 = arith.constant 64 : i32
        %add3A_731 = vector.broadcast %add3A_730 : i32 to vector<16xi32>
        %add3A_732 = arith.addi %broadcast_in_dim3A_664, %add3A_731 : vector<16xi32>
        %gather3A_733 = tpu.vector_load_idx %arg17[%broadcast_in_dim3A_641, %add3A_732] : memref<4x128xf32, #tpu.memory_space<vmem>>[vector<16xi32>, vector<16xi32>], vector<16xf32>,
        %gather3A_734 = tpu.vector_load_idx %arg13[%broadcast_in_dim3A_664, %add3A_729] : memref<64x128xf32, #tpu.memory_space<vmem>>[vector<16xi32>, vector<16xi32>], vector<16xf32>,
        %mul3A_735 = arith.mulf %gather3A_734, %gather3A_733 : vector<16xf32>
        tpu.vector_store_idx %arg13[%broadcast_in_dim3A_664, %add3A_729], %mul3A_735 : memref<64x128xf32, #tpu.memory_space<vmem>>[vector<16xi32>, vector<16xi32>], vector<16xf32>,
      }
      %scan3A_655 = arith.constant 64 : i32
      %dma_start3A_656 = arith.constant 7 : i32
      %dma_start3A_657 = arith.constant 0 : i32
      %dma_start3A_658 = tpu.memref_slice %arg9[%dma_start3A_656, %dma_start3A_657] : memref<8x64xi32, #tpu.memory_space<vmem>> -> memref<1x64xi32, #tpu.memory_space<vmem>>
      %dma_start3A_659 = tpu.memref_squeeze %dma_start3A_658 : memref<1x64xi32, #tpu.memory_space<vmem>> -> memref<64xi32, #tpu.memory_space<vmem>>
      %dma_start3A_660 = arith.constant 0 : i32
      %dma_start3A_661 = arith.constant 0 : i32
      %dma_start3A_662 = tpu.memref_slice %arg18[%dma_start3A_660, %dma_start3A_661] : memref<10000x128xf32, #tpu.memory_space<vmem_shared>> -> memref<10000x128xf32, #tpu.memory_space<vmem_shared>>
      tpu.enqueue_indirect_dma source(%arg13 : memref<64x128xf32, #tpu.memory_space<vmem>>) target(%dma_start3A_662 : memref<10000x128xf32, #tpu.memory_space<vmem_shared>>) offsets(%dma_start3A_659 : memref<64xi32, #tpu.memory_space<vmem>>) semaphore(%arg34 : memref<!tpu.dma_semaphore, #tpu.memory_space<semaphore_mem>>) {add = true}
    }
    %scan3A_114 = arith.constant 20 : i32
    %dma_wait3A_115 = arith.constant 0 : i32
    %dma_wait3A_116 = arith.constant 0 : i32
    %dma_wait3A_117 = tpu.memref_slice %arg9[%dma_wait3A_115, %dma_wait3A_116] : memref<8x64xi32, #tpu.memory_space<vmem>> -> memref<1x64xi32, #tpu.memory_space<vmem>>
    %dma_wait3A_118 = tpu.memref_squeeze %dma_wait3A_117 : memref<1x64xi32, #tpu.memory_space<vmem>> -> memref<64xi32, #tpu.memory_space<vmem>>
    %dma_wait3A_119 = arith.constant 0 : i32
    %dma_wait3A_120 = arith.constant 0 : i32
    %dma_wait3A_121 = tpu.memref_slice %arg18[%dma_wait3A_119, %dma_wait3A_120] : memref<10000x128xf32, #tpu.memory_space<vmem_shared>> -> memref<10000x128xf32, #tpu.memory_space<vmem_shared>>
    tpu.wait_indirect_dma semaphore(%arg31 : memref<!tpu.dma_semaphore, #tpu.memory_space<semaphore_mem>>) src(%arg10 : memref<64x128xf32, #tpu.memory_space<vmem>>) dst(%dma_wait3A_121 : memref<10000x128xf32, #tpu.memory_space<vmem_shared>>)
    %dma_wait3A_122 = arith.constant 0 : i32
    %dma_wait3A_123 = arith.constant 0 : i32
    %dma_wait3A_124 = tpu.memref_slice %arg9[%dma_wait3A_122, %dma_wait3A_123] : memref<8x64xi32, #tpu.memory_space<vmem>> -> memref<1x64xi32, #tpu.memory_space<vmem>>
    %dma_wait3A_125 = tpu.memref_squeeze %dma_wait3A_124 : memref<1x64xi32, #tpu.memory_space<vmem>> -> memref<64xi32, #tpu.memory_space<vmem>>
    %dma_wait3A_126 = arith.constant 0 : i32
    %dma_wait3A_127 = arith.constant 0 : i32
    %dma_wait3A_128 = tpu.memref_slice %arg18[%dma_wait3A_126, %dma_wait3A_127] : memref<10000x128xf32, #tpu.memory_space<vmem_shared>> -> memref<10000x128xf32, #tpu.memory_space<vmem_shared>>
    tpu.wait_indirect_dma semaphore(%arg32 : memref<!tpu.dma_semaphore, #tpu.memory_space<semaphore_mem>>) src(%arg11 : memref<64x128xf32, #tpu.memory_space<vmem>>) dst(%dma_wait3A_128 : memref<10000x128xf32, #tpu.memory_space<vmem_shared>>)
    %dma_wait3A_129 = arith.constant 0 : i32
    %dma_wait3A_130 = arith.constant 0 : i32
    %dma_wait3A_131 = tpu.memref_slice %arg9[%dma_wait3A_129, %dma_wait3A_130] : memref<8x64xi32, #tpu.memory_space<vmem>> -> memref<1x64xi32, #tpu.memory_space<vmem>>
    %dma_wait3A_132 = tpu.memref_squeeze %dma_wait3A_131 : memref<1x64xi32, #tpu.memory_space<vmem>> -> memref<64xi32, #tpu.memory_space<vmem>>
    %dma_wait3A_133 = arith.constant 0 : i32
    %dma_wait3A_134 = arith.constant 0 : i32
    %dma_wait3A_135 = tpu.memref_slice %arg18[%dma_wait3A_133, %dma_wait3A_134] : memref<10000x128xf32, #tpu.memory_space<vmem_shared>> -> memref<10000x128xf32, #tpu.memory_space<vmem_shared>>
    tpu.wait_indirect_dma semaphore(%arg33 : memref<!tpu.dma_semaphore, #tpu.memory_space<semaphore_mem>>) src(%arg12 : memref<64x128xf32, #tpu.memory_space<vmem>>) dst(%dma_wait3A_135 : memref<10000x128xf32, #tpu.memory_space<vmem_shared>>)
    %dma_wait3A_136 = arith.constant 0 : i32
    %dma_wait3A_137 = arith.constant 0 : i32
    %dma_wait3A_138 = tpu.memref_slice %arg9[%dma_wait3A_136, %dma_wait3A_137] : memref<8x64xi32, #tpu.memory_space<vmem>> -> memref<1x64xi32, #tpu.memory_space<vmem>>
    %dma_wait3A_139 = tpu.memref_squeeze %dma_wait3A_138 : memref<1x64xi32, #tpu.memory_space<vmem>> -> memref<64xi32, #tpu.memory_space<vmem>>
    %dma_wait3A_140 = arith.constant 0 : i32
    %dma_wait3A_141 = arith.constant 0 : i32
    %dma_wait3A_142 = tpu.memref_slice %arg18[%dma_wait3A_140, %dma_wait3A_141] : memref<10000x128xf32, #tpu.memory_space<vmem_shared>> -> memref<10000x128xf32, #tpu.memory_space<vmem_shared>>
    tpu.wait_indirect_dma semaphore(%arg34 : memref<!tpu.dma_semaphore, #tpu.memory_space<semaphore_mem>>) src(%arg13 : memref<64x128xf32, #tpu.memory_space<vmem>>) dst(%dma_wait3A_142 : memref<10000x128xf32, #tpu.memory_space<vmem_shared>>)
    %barrier3A_143 = arith.constant 0 : index
    tpu.barrier barrier_id(%barrier3A_143)
    %mul3A_144 = arith.constant 624 : i32
    %mul3A_145 = arith.muli %arg1, %mul3A_144 : i32
    %mul3A_146 = arith.constant 624 : i32
    %mul3A_147 = arith.muli %arg1, %mul3A_146 : i32
    "tpu.region"() ({
      %run_scoped3A = tpu.sem_alloc : memref<!tpu.dma_semaphore, #tpu.memory_space<semaphore_mem>>
      %dma_start3A_153 = arith.constant 0 : i32
      %dma_start3A_154 = tpu.memref_slice %arg7[%arg0, %mul3A_147, %dma_start3A_153] : memref<2x10000x128xf32, #tpu.memory_space<hbm>> -> memref<1x624x128xf32, #tpu.memory_space<hbm>>
      %dma_start3A_155 = tpu.memref_squeeze %dma_start3A_154 : memref<1x624x128xf32, #tpu.memory_space<hbm>> -> memref<624x128xf32, #tpu.memory_space<hbm>>
      %dma_start3A_156 = arith.constant 0 : i32
      %dma_start3A_157 = tpu.memref_slice %arg18[%mul3A_145, %dma_start3A_156] : memref<10000x128xf32, #tpu.memory_space<vmem_shared>> -> memref<624x128xf32, #tpu.memory_space<vmem_shared>>
      tpu.enqueue_dma source(%dma_start3A_157 : memref<624x128xf32, #tpu.memory_space<vmem_shared>>) target(%dma_start3A_155 : memref<624x128xf32, #tpu.memory_space<hbm>>) target_semaphore(%run_scoped3A : memref<!tpu.dma_semaphore, #tpu.memory_space<semaphore_mem>>)
      %dma_wait3A_158 = arith.constant 0 : i32
      %dma_wait3A_159 = tpu.memref_slice %arg7[%arg0, %mul3A_147, %dma_wait3A_158] : memref<2x10000x128xf32, #tpu.memory_space<hbm>> -> memref<1x624x128xf32, #tpu.memory_space<hbm>>
      %dma_wait3A_160 = tpu.memref_squeeze %dma_wait3A_159 : memref<1x624x128xf32, #tpu.memory_space<hbm>> -> memref<624x128xf32, #tpu.memory_space<hbm>>
      %dma_wait3A_161 = arith.constant 0 : i32
      %dma_wait3A_162 = tpu.memref_slice %arg18[%mul3A_145, %dma_wait3A_161] : memref<10000x128xf32, #tpu.memory_space<vmem_shared>> -> memref<624x128xf32, #tpu.memory_space<vmem_shared>>
      tpu.wait_dma2 semaphore(%run_scoped3A : memref<!tpu.dma_semaphore, #tpu.memory_space<semaphore_mem>>) src(%dma_wait3A_162 : memref<624x128xf32, #tpu.memory_space<vmem_shared>>) dst(%dma_wait3A_160 : memref<624x128xf32, #tpu.memory_space<hbm>>)
      tpu.yield
    }) : () -> ()
    %eq3A_148 = arith.constant 15 : i32
    %eq3A_149 = arith.cmpi eq, %arg1, %eq3A_148 : i32
    %convert_element_type3A_150 = arith.extui %eq3A_149 : i1 to i32
    %cond3A_151 = arith.constant 0 : i32
    %cond3A_152 = arith.cmpi ne, %convert_element_type3A_150, %cond3A_151 : i32
    scf.if %cond3A_152 {
      "tpu.region"() ({
        %run_scoped3A = tpu.sem_alloc : memref<!tpu.dma_semaphore, #tpu.memory_space<semaphore_mem>>
        %dma_start3A_153 = arith.constant 9984 : i32
        %dma_start3A_154 = arith.constant 0 : i32
        %dma_start3A_155 = tpu.memref_slice %arg7[%arg0, %dma_start3A_153, %dma_start3A_154] : memref<2x10000x128xf32, #tpu.memory_space<hbm>> -> memref<1x16x128xf32, #tpu.memory_space<hbm>>
        %dma_start3A_156 = tpu.memref_squeeze %dma_start3A_155 : memref<1x16x128xf32, #tpu.memory_space<hbm>> -> memref<16x128xf32, #tpu.memory_space<hbm>>
        %dma_start3A_157 = arith.constant 9984 : i32
        %dma_start3A_158 = arith.constant 0 : i32
        %dma_start3A_159 = tpu.memref_slice %arg18[%dma_start3A_157, %dma_start3A_158] : memref<10000x128xf32, #tpu.memory_space<vmem_shared>> -> memref<16x128xf32, #tpu.memory_space<vmem_shared>>
        tpu.enqueue_dma source(%dma_start3A_159 : memref<16x128xf32, #tpu.memory_space<vmem_shared>>) target(%dma_start3A_156 : memref<16x128xf32, #tpu.memory_space<hbm>>) target_semaphore(%run_scoped3A : memref<!tpu.dma_semaphore, #tpu.memory_space<semaphore_mem>>)
        %dma_wait3A_160 = arith.constant 9984 : i32
        %dma_wait3A_161 = arith.constant 0 : i32
        %dma_wait3A_162 = tpu.memref_slice %arg7[%arg0, %dma_wait3A_160, %dma_wait3A_161] : memref<2x10000x128xf32, #tpu.memory_space<hbm>> -> memref<1x16x128xf32, #tpu.memory_space<hbm>>
        %dma_wait3A_163 = tpu.memref_squeeze %dma_wait3A_162 : memref<1x16x128xf32, #tpu.memory_space<hbm>> -> memref<16x128xf32, #tpu.memory_space<hbm>>
        %dma_wait3A_164 = arith.constant 9984 : i32
        %dma_wait3A_165 = arith.constant 0 : i32
        %dma_wait3A_166 = tpu.memref_slice %arg18[%dma_wait3A_164, %dma_wait3A_165] : memref<10000x128xf32, #tpu.memory_space<vmem_shared>> -> memref<16x128xf32, #tpu.memory_space<vmem_shared>>
        tpu.wait_dma2 semaphore(%run_scoped3A : memref<!tpu.dma_semaphore, #tpu.memory_space<semaphore_mem>>) src(%dma_wait3A_166 : memref<16x128xf32, #tpu.memory_space<vmem_shared>>) dst(%dma_wait3A_163 : memref<16x128xf32, #tpu.memory_space<hbm>>)
        tpu.yield
      }) : () -> ()
    } else {
    }
    return
  }
}

#map = affine_map<(d0, d1) -> (0, 0)>
#map1 = affine_map<(d0, d1) -> (0)>
module attributes {stable_mosaic.version = 14 : i64} {
  func.func @_scores_sc_body(%arg0: i32, %arg1: i32, %arg2: memref<10000x128xf32, #tpu.memory_space<hbm>>, %arg3: memref<10000x128xf32, #tpu.memory_space<hbm>>, %arg4: memref<327680xi32, #tpu.memory_space<hbm>>, %arg5: memref<327680xi32, #tpu.memory_space<hbm>>, %arg6: memref<8x327680xf32, #tpu.memory_space<hbm>>, %arg7: memref<4x128xi32, #tpu.memory_space<vmem>>, %arg8: memref<4x128xi32, #tpu.memory_space<vmem>>, %arg9: memref<128x128xf32, #tpu.memory_space<vmem>>, %arg10: memref<128x128xf32, #tpu.memory_space<vmem>>, %arg11: memref<128x128xf32, #tpu.memory_space<vmem>>, %arg12: memref<128x128xf32, #tpu.memory_space<vmem>>, %arg13: memref<8x128xf32, #tpu.memory_space<vmem>>, %arg14: memref<8x128xf32, #tpu.memory_space<vmem>>, %arg15: memref<!tpu.dma_semaphore, #tpu.memory_space<semaphore_mem>>, %arg16: memref<!tpu.dma_semaphore, #tpu.memory_space<semaphore_mem>>, %arg17: memref<!tpu.dma_semaphore, #tpu.memory_space<semaphore_mem>>, %arg18: memref<!tpu.dma_semaphore, #tpu.memory_space<semaphore_mem>>, %arg19: memref<!tpu.dma_semaphore, #tpu.memory_space<semaphore_mem>>, %arg20: memref<!tpu.dma_semaphore, #tpu.memory_space<semaphore_mem>>, %arg21: memref<!tpu.dma_semaphore, #tpu.memory_space<semaphore_mem>>, %arg22: memref<!tpu.dma_semaphore, #tpu.memory_space<semaphore_mem>>) attributes {dimension_semantics = [#tpu.dimension_semantics<core_parallel>, #tpu.dimension_semantics<subcore_parallel>], iteration_bounds = array<i64: 2, 16>, scalar_prefetch = 0 : i64, scratch_operands = 16 : i64, tpu.core_type = #tpu.core_type<sc_vector_subcore>, window_params = [{transform_indices = #map}, {transform_indices = #map}, {transform_indices = #map1}, {transform_indices = #map1}, {transform_indices = #map}]} {
    %mul3A = arith.constant 16 : i32
    %mul3A_0 = arith.muli %arg0, %mul3A : i32
    %add3A = arith.addi %mul3A_0, %arg1 : i32
    %mul3A_1 = arith.constant 80 : i32
    %mul3A_2 = arith.muli %add3A, %mul3A_1 : i32
    %mul3A_3 = arith.constant 128 : i32
    %mul3A_4 = arith.muli %mul3A_2, %mul3A_3 : i32
    %add3A_5 = arith.constant 0 : i32
    %add3A_6 = arith.addi %mul3A_4, %add3A_5 : i32
    %dma_start3A = arith.constant 0 : i32
    %dma_start3A_7 = arith.constant 0 : i32
    %dma_start3A_8 = tpu.memref_slice %arg7[%dma_start3A, %dma_start3A_7] : memref<4x128xi32, #tpu.memory_space<vmem>> -> memref<1x128xi32, #tpu.memory_space<vmem>>
    %dma_start3A_9 = tpu.memref_squeeze %dma_start3A_8 : memref<1x128xi32, #tpu.memory_space<vmem>> -> memref<128xi32, #tpu.memory_space<vmem>>
    %dma_start3A_10 = tpu.memref_slice %arg4[%add3A_6] : memref<327680xi32, #tpu.memory_space<hbm>> -> memref<128xi32, #tpu.memory_space<hbm>>
    %dma_start3A_11 = arith.constant 0 : i32
    %dma_start3A_12 = tpu.memref_slice %arg7[%dma_start3A, %dma_start3A_11] : memref<4x128xi32, #tpu.memory_space<vmem>> -> memref<1x128xi32, #tpu.memory_space<vmem>>
    %dma_start3A_13 = tpu.memref_squeeze %dma_start3A_12 : memref<1x128xi32, #tpu.memory_space<vmem>> -> memref<128xi32, #tpu.memory_space<vmem>>
    %dma_start3A_14 = tpu.memref_slice %arg4[%add3A_6] : memref<327680xi32, #tpu.memory_space<hbm>> -> memref<128xi32, #tpu.memory_space<hbm>>
    tpu.enqueue_dma source(%dma_start3A_14 : memref<128xi32, #tpu.memory_space<hbm>>) target(%dma_start3A_13 : memref<128xi32, #tpu.memory_space<vmem>>) target_semaphore(%arg15 : memref<!tpu.dma_semaphore, #tpu.memory_space<semaphore_mem>>)
    %dma_start3A_15 = arith.constant 0 : i32
    %dma_start3A_16 = arith.constant 0 : i32
    %dma_start3A_17 = tpu.memref_slice %arg8[%dma_start3A_15, %dma_start3A_16] : memref<4x128xi32, #tpu.memory_space<vmem>> -> memref<1x128xi32, #tpu.memory_space<vmem>>
    %dma_start3A_18 = tpu.memref_squeeze %dma_start3A_17 : memref<1x128xi32, #tpu.memory_space<vmem>> -> memref<128xi32, #tpu.memory_space<vmem>>
    %dma_start3A_19 = tpu.memref_slice %arg5[%add3A_6] : memref<327680xi32, #tpu.memory_space<hbm>> -> memref<128xi32, #tpu.memory_space<hbm>>
    %dma_start3A_20 = arith.constant 0 : i32
    %dma_start3A_21 = tpu.memref_slice %arg8[%dma_start3A_15, %dma_start3A_20] : memref<4x128xi32, #tpu.memory_space<vmem>> -> memref<1x128xi32, #tpu.memory_space<vmem>>
    %dma_start3A_22 = tpu.memref_squeeze %dma_start3A_21 : memref<1x128xi32, #tpu.memory_space<vmem>> -> memref<128xi32, #tpu.memory_space<vmem>>
    %dma_start3A_23 = tpu.memref_slice %arg5[%add3A_6] : memref<327680xi32, #tpu.memory_space<hbm>> -> memref<128xi32, #tpu.memory_space<hbm>>
    tpu.enqueue_dma source(%dma_start3A_23 : memref<128xi32, #tpu.memory_space<hbm>>) target(%dma_start3A_22 : memref<128xi32, #tpu.memory_space<vmem>>) target_semaphore(%arg15 : memref<!tpu.dma_semaphore, #tpu.memory_space<semaphore_mem>>)
    %add3A_24 = arith.constant 128 : i32
    %add3A_25 = arith.addi %mul3A_4, %add3A_24 : i32
    %dma_start3A_26 = arith.constant 1 : i32
    %dma_start3A_27 = arith.constant 0 : i32
    %dma_start3A_28 = tpu.memref_slice %arg7[%dma_start3A_26, %dma_start3A_27] : memref<4x128xi32, #tpu.memory_space<vmem>> -> memref<1x128xi32, #tpu.memory_space<vmem>>
    %dma_start3A_29 = tpu.memref_squeeze %dma_start3A_28 : memref<1x128xi32, #tpu.memory_space<vmem>> -> memref<128xi32, #tpu.memory_space<vmem>>
    %dma_start3A_30 = tpu.memref_slice %arg4[%add3A_25] : memref<327680xi32, #tpu.memory_space<hbm>> -> memref<128xi32, #tpu.memory_space<hbm>>
    %dma_start3A_31 = arith.constant 0 : i32
    %dma_start3A_32 = tpu.memref_slice %arg7[%dma_start3A_26, %dma_start3A_31] : memref<4x128xi32, #tpu.memory_space<vmem>> -> memref<1x128xi32, #tpu.memory_space<vmem>>
    %dma_start3A_33 = tpu.memref_squeeze %dma_start3A_32 : memref<1x128xi32, #tpu.memory_space<vmem>> -> memref<128xi32, #tpu.memory_space<vmem>>
    %dma_start3A_34 = tpu.memref_slice %arg4[%add3A_25] : memref<327680xi32, #tpu.memory_space<hbm>> -> memref<128xi32, #tpu.memory_space<hbm>>
    tpu.enqueue_dma source(%dma_start3A_34 : memref<128xi32, #tpu.memory_space<hbm>>) target(%dma_start3A_33 : memref<128xi32, #tpu.memory_space<vmem>>) target_semaphore(%arg16 : memref<!tpu.dma_semaphore, #tpu.memory_space<semaphore_mem>>)
    %dma_start3A_35 = arith.constant 1 : i32
    %dma_start3A_36 = arith.constant 0 : i32
    %dma_start3A_37 = tpu.memref_slice %arg8[%dma_start3A_35, %dma_start3A_36] : memref<4x128xi32, #tpu.memory_space<vmem>> -> memref<1x128xi32, #tpu.memory_space<vmem>>
    %dma_start3A_38 = tpu.memref_squeeze %dma_start3A_37 : memref<1x128xi32, #tpu.memory_space<vmem>> -> memref<128xi32, #tpu.memory_space<vmem>>
    %dma_start3A_39 = tpu.memref_slice %arg5[%add3A_25] : memref<327680xi32, #tpu.memory_space<hbm>> -> memref<128xi32, #tpu.memory_space<hbm>>
    %dma_start3A_40 = arith.constant 0 : i32
    %dma_start3A_41 = tpu.memref_slice %arg8[%dma_start3A_35, %dma_start3A_40] : memref<4x128xi32, #tpu.memory_space<vmem>> -> memref<1x128xi32, #tpu.memory_space<vmem>>
    %dma_start3A_42 = tpu.memref_squeeze %dma_start3A_41 : memref<1x128xi32, #tpu.memory_space<vmem>> -> memref<128xi32, #tpu.memory_space<vmem>>
    %dma_start3A_43 = tpu.memref_slice %arg5[%add3A_25] : memref<327680xi32, #tpu.memory_space<hbm>> -> memref<128xi32, #tpu.memory_space<hbm>>
    tpu.enqueue_dma source(%dma_start3A_43 : memref<128xi32, #tpu.memory_space<hbm>>) target(%dma_start3A_42 : memref<128xi32, #tpu.memory_space<vmem>>) target_semaphore(%arg16 : memref<!tpu.dma_semaphore, #tpu.memory_space<semaphore_mem>>)
    %dma_wait3A = arith.constant 0 : i32
    %dma_wait3A_44 = arith.constant 0 : i32
    %dma_wait3A_45 = tpu.memref_slice %arg7[%dma_wait3A, %dma_wait3A_44] : memref<4x128xi32, #tpu.memory_space<vmem>> -> memref<1x128xi32, #tpu.memory_space<vmem>>
    %dma_wait3A_46 = tpu.memref_squeeze %dma_wait3A_45 : memref<1x128xi32, #tpu.memory_space<vmem>> -> memref<128xi32, #tpu.memory_space<vmem>>
    %dma_wait3A_47 = arith.constant 0 : i32
    %dma_wait3A_48 = tpu.memref_slice %arg4[%dma_wait3A_47] : memref<327680xi32, #tpu.memory_space<hbm>> -> memref<128xi32, #tpu.memory_space<hbm>>
    %dma_wait3A_49 = arith.constant 0 : i32
    %dma_wait3A_50 = tpu.memref_slice %arg7[%dma_wait3A, %dma_wait3A_49] : memref<4x128xi32, #tpu.memory_space<vmem>> -> memref<1x128xi32, #tpu.memory_space<vmem>>
    %dma_wait3A_51 = tpu.memref_squeeze %dma_wait3A_50 : memref<1x128xi32, #tpu.memory_space<vmem>> -> memref<128xi32, #tpu.memory_space<vmem>>
    %dma_wait3A_52 = arith.constant 0 : i32
    %dma_wait3A_53 = tpu.memref_slice %arg4[%dma_wait3A_52] : memref<327680xi32, #tpu.memory_space<hbm>> -> memref<128xi32, #tpu.memory_space<hbm>>
    tpu.wait_dma2 semaphore(%arg15 : memref<!tpu.dma_semaphore, #tpu.memory_space<semaphore_mem>>) src(%dma_wait3A_53 : memref<128xi32, #tpu.memory_space<hbm>>) dst(%dma_wait3A_51 : memref<128xi32, #tpu.memory_space<vmem>>)
    %dma_wait3A_54 = arith.constant 0 : i32
    %dma_wait3A_55 = arith.constant 0 : i32
    %dma_wait3A_56 = tpu.memref_slice %arg8[%dma_wait3A_54, %dma_wait3A_55] : memref<4x128xi32, #tpu.memory_space<vmem>> -> memref<1x128xi32, #tpu.memory_space<vmem>>
    %dma_wait3A_57 = tpu.memref_squeeze %dma_wait3A_56 : memref<1x128xi32, #tpu.memory_space<vmem>> -> memref<128xi32, #tpu.memory_space<vmem>>
    %dma_wait3A_58 = arith.constant 0 : i32
    %dma_wait3A_59 = tpu.memref_slice %arg5[%dma_wait3A_58] : memref<327680xi32, #tpu.memory_space<hbm>> -> memref<128xi32, #tpu.memory_space<hbm>>
    %dma_wait3A_60 = arith.constant 0 : i32
    %dma_wait3A_61 = tpu.memref_slice %arg8[%dma_wait3A_54, %dma_wait3A_60] : memref<4x128xi32, #tpu.memory_space<vmem>> -> memref<1x128xi32, #tpu.memory_space<vmem>>
    %dma_wait3A_62 = tpu.memref_squeeze %dma_wait3A_61 : memref<1x128xi32, #tpu.memory_space<vmem>> -> memref<128xi32, #tpu.memory_space<vmem>>
    %dma_wait3A_63 = arith.constant 0 : i32
    %dma_wait3A_64 = tpu.memref_slice %arg5[%dma_wait3A_63] : memref<327680xi32, #tpu.memory_space<hbm>> -> memref<128xi32, #tpu.memory_space<hbm>>
    tpu.wait_dma2 semaphore(%arg15 : memref<!tpu.dma_semaphore, #tpu.memory_space<semaphore_mem>>) src(%dma_wait3A_64 : memref<128xi32, #tpu.memory_space<hbm>>) dst(%dma_wait3A_62 : memref<128xi32, #tpu.memory_space<vmem>>)
    %dma_start3A_65 = arith.constant 0 : i32
    %dma_start3A_66 = arith.constant 0 : i32
    %dma_start3A_67 = tpu.memref_slice %arg7[%dma_start3A_65, %dma_start3A_66] : memref<4x128xi32, #tpu.memory_space<vmem>> -> memref<1x128xi32, #tpu.memory_space<vmem>>
    %dma_start3A_68 = tpu.memref_squeeze %dma_start3A_67 : memref<1x128xi32, #tpu.memory_space<vmem>> -> memref<128xi32, #tpu.memory_space<vmem>>
    %dma_start3A_69 = arith.constant 0 : i32
    %dma_start3A_70 = arith.constant 0 : i32
    %dma_start3A_71 = tpu.memref_slice %arg3[%dma_start3A_69, %dma_start3A_70] : memref<10000x128xf32, #tpu.memory_space<hbm>> -> memref<10000x128xf32, #tpu.memory_space<hbm>>
    tpu.enqueue_indirect_dma source(%dma_start3A_71 : memref<10000x128xf32, #tpu.memory_space<hbm>>) target(%arg11 : memref<128x128xf32, #tpu.memory_space<vmem>>) offsets(%dma_start3A_68 : memref<128xi32, #tpu.memory_space<vmem>>) semaphore(%arg19 : memref<!tpu.dma_semaphore, #tpu.memory_space<semaphore_mem>>)
    %dma_start3A_72 = arith.constant 0 : i32
    %dma_start3A_73 = arith.constant 0 : i32
    %dma_start3A_74 = tpu.memref_slice %arg8[%dma_start3A_72, %dma_start3A_73] : memref<4x128xi32, #tpu.memory_space<vmem>> -> memref<1x128xi32, #tpu.memory_space<vmem>>
    %dma_start3A_75 = tpu.memref_squeeze %dma_start3A_74 : memref<1x128xi32, #tpu.memory_space<vmem>> -> memref<128xi32, #tpu.memory_space<vmem>>
    %dma_start3A_76 = arith.constant 0 : i32
    %dma_start3A_77 = arith.constant 0 : i32
    %dma_start3A_78 = tpu.memref_slice %arg2[%dma_start3A_76, %dma_start3A_77] : memref<10000x128xf32, #tpu.memory_space<hbm>> -> memref<10000x128xf32, #tpu.memory_space<hbm>>
    tpu.enqueue_indirect_dma source(%dma_start3A_78 : memref<10000x128xf32, #tpu.memory_space<hbm>>) target(%arg9 : memref<128x128xf32, #tpu.memory_space<vmem>>) offsets(%dma_start3A_75 : memref<128xi32, #tpu.memory_space<vmem>>) semaphore(%arg19 : memref<!tpu.dma_semaphore, #tpu.memory_space<semaphore_mem>>)
    %scan3A = arith.constant 0 : i32
    %scan3A_79 = arith.constant 0 : i32
    %scan3A_80 = arith.constant 20 : i32
    %scan3A_81 = arith.addi %scan3A_79, %scan3A_80 : i32
    %scan3A_82 = arith.constant 1 : i32
    scf.for %scan3A_96 = %scan3A_79 to %scan3A_81 step %scan3A_82  : i32 {
      %mul3A_97 = arith.constant 4 : i32
      %mul3A_98 = arith.muli %scan3A_96, %mul3A_97 : i32
      %add3A_99 = arith.constant 0 : i32
      %add3A_100 = arith.addi %mul3A_98, %add3A_99 : i32
      %add3A_101 = arith.constant 2 : i32
      %add3A_102 = arith.addi %add3A_100, %add3A_101 : i32
      %lt3A = arith.constant 80 : i32
      %lt3A_103 = arith.cmpi slt, %add3A_102, %lt3A : i32
      %convert_element_type3A = arith.extui %lt3A_103 : i1 to i32
      %cond3A = arith.constant 0 : i32
      %cond3A_104 = arith.cmpi ne, %convert_element_type3A, %cond3A : i32
      scf.if %cond3A_104 {
        %add3A_269 = arith.constant 2 : i32
        %add3A_270 = arith.addi %add3A_100, %add3A_269 : i32
        %mul3A_271 = arith.constant 128 : i32
        %mul3A_272 = arith.muli %add3A_270, %mul3A_271 : i32
        %add3A_273 = arith.addi %mul3A_4, %mul3A_272 : i32
        %dma_start3A_274 = arith.constant 2 : i32
        %dma_start3A_275 = arith.constant 0 : i32
        %dma_start3A_276 = tpu.memref_slice %arg7[%dma_start3A_274, %dma_start3A_275] : memref<4x128xi32, #tpu.memory_space<vmem>> -> memref<1x128xi32, #tpu.memory_space<vmem>>
        %dma_start3A_277 = tpu.memref_squeeze %dma_start3A_276 : memref<1x128xi32, #tpu.memory_space<vmem>> -> memref<128xi32, #tpu.memory_space<vmem>>
        %dma_start3A_278 = tpu.memref_slice %arg4[%add3A_273] : memref<327680xi32, #tpu.memory_space<hbm>> -> memref<128xi32, #tpu.memory_space<hbm>>
        %dma_start3A_279 = arith.constant 0 : i32
        %dma_start3A_280 = tpu.memref_slice %arg7[%dma_start3A_274, %dma_start3A_279] : memref<4x128xi32, #tpu.memory_space<vmem>> -> memref<1x128xi32, #tpu.memory_space<vmem>>
        %dma_start3A_281 = tpu.memref_squeeze %dma_start3A_280 : memref<1x128xi32, #tpu.memory_space<vmem>> -> memref<128xi32, #tpu.memory_space<vmem>>
        %dma_start3A_282 = tpu.memref_slice %arg4[%add3A_273] : memref<327680xi32, #tpu.memory_space<hbm>> -> memref<128xi32, #tpu.memory_space<hbm>>
        tpu.enqueue_dma source(%dma_start3A_282 : memref<128xi32, #tpu.memory_space<hbm>>) target(%dma_start3A_281 : memref<128xi32, #tpu.memory_space<vmem>>) target_semaphore(%arg17 : memref<!tpu.dma_semaphore, #tpu.memory_space<semaphore_mem>>)
        %dma_start3A_283 = arith.constant 2 : i32
        %dma_start3A_284 = arith.constant 0 : i32
        %dma_start3A_285 = tpu.memref_slice %arg8[%dma_start3A_283, %dma_start3A_284] : memref<4x128xi32, #tpu.memory_space<vmem>> -> memref<1x128xi32, #tpu.memory_space<vmem>>
        %dma_start3A_286 = tpu.memref_squeeze %dma_start3A_285 : memref<1x128xi32, #tpu.memory_space<vmem>> -> memref<128xi32, #tpu.memory_space<vmem>>
        %dma_start3A_287 = tpu.memref_slice %arg5[%add3A_273] : memref<327680xi32, #tpu.memory_space<hbm>> -> memref<128xi32, #tpu.memory_space<hbm>>
        %dma_start3A_288 = arith.constant 0 : i32
        %dma_start3A_289 = tpu.memref_slice %arg8[%dma_start3A_283, %dma_start3A_288] : memref<4x128xi32, #tpu.memory_space<vmem>> -> memref<1x128xi32, #tpu.memory_space<vmem>>
        %dma_start3A_290 = tpu.memref_squeeze %dma_start3A_289 : memref<1x128xi32, #tpu.memory_space<vmem>> -> memref<128xi32, #tpu.memory_space<vmem>>
        %dma_start3A_291 = tpu.memref_slice %arg5[%add3A_273] : memref<327680xi32, #tpu.memory_space<hbm>> -> memref<128xi32, #tpu.memory_space<hbm>>
        tpu.enqueue_dma source(%dma_start3A_291 : memref<128xi32, #tpu.memory_space<hbm>>) target(%dma_start3A_290 : memref<128xi32, #tpu.memory_space<vmem>>) target_semaphore(%arg17 : memref<!tpu.dma_semaphore, #tpu.memory_space<semaphore_mem>>)
      } else {
      }
      %add3A_105 = arith.constant 1 : i32
      %add3A_106 = arith.addi %add3A_100, %add3A_105 : i32
      %lt3A_107 = arith.constant 80 : i32
      %lt3A_108 = arith.cmpi slt, %add3A_106, %lt3A_107 : i32
      %convert_element_type3A_109 = arith.extui %lt3A_108 : i1 to i32
      %cond3A_110 = arith.constant 0 : i32
      %cond3A_111 = arith.cmpi ne, %convert_element_type3A_109, %cond3A_110 : i32
      scf.if %cond3A_111 {
        %dma_wait3A_269 = arith.constant 1 : i32
        %dma_wait3A_270 = arith.constant 0 : i32
        %dma_wait3A_271 = tpu.memref_slice %arg7[%dma_wait3A_269, %dma_wait3A_270] : memref<4x128xi32, #tpu.memory_space<vmem>> -> memref<1x128xi32, #tpu.memory_space<vmem>>
        %dma_wait3A_272 = tpu.memref_squeeze %dma_wait3A_271 : memref<1x128xi32, #tpu.memory_space<vmem>> -> memref<128xi32, #tpu.memory_space<vmem>>
        %dma_wait3A_273 = arith.constant 0 : i32
        %dma_wait3A_274 = tpu.memref_slice %arg4[%dma_wait3A_273] : memref<327680xi32, #tpu.memory_space<hbm>> -> memref<128xi32, #tpu.memory_space<hbm>>
        %dma_wait3A_275 = arith.constant 0 : i32
        %dma_wait3A_276 = tpu.memref_slice %arg7[%dma_wait3A_269, %dma_wait3A_275] : memref<4x128xi32, #tpu.memory_space<vmem>> -> memref<1x128xi32, #tpu.memory_space<vmem>>
        %dma_wait3A_277 = tpu.memref_squeeze %dma_wait3A_276 : memref<1x128xi32, #tpu.memory_space<vmem>> -> memref<128xi32, #tpu.memory_space<vmem>>
        %dma_wait3A_278 = arith.constant 0 : i32
        %dma_wait3A_279 = tpu.memref_slice %arg4[%dma_wait3A_278] : memref<327680xi32, #tpu.memory_space<hbm>> -> memref<128xi32, #tpu.memory_space<hbm>>
        tpu.wait_dma2 semaphore(%arg16 : memref<!tpu.dma_semaphore, #tpu.memory_space<semaphore_mem>>) src(%dma_wait3A_279 : memref<128xi32, #tpu.memory_space<hbm>>) dst(%dma_wait3A_277 : memref<128xi32, #tpu.memory_space<vmem>>)
        %dma_wait3A_280 = arith.constant 1 : i32
        %dma_wait3A_281 = arith.constant 0 : i32
        %dma_wait3A_282 = tpu.memref_slice %arg8[%dma_wait3A_280, %dma_wait3A_281] : memref<4x128xi32, #tpu.memory_space<vmem>> -> memref<1x128xi32, #tpu.memory_space<vmem>>
        %dma_wait3A_283 = tpu.memref_squeeze %dma_wait3A_282 : memref<1x128xi32, #tpu.memory_space<vmem>> -> memref<128xi32, #tpu.memory_space<vmem>>
        %dma_wait3A_284 = arith.constant 0 : i32
        %dma_wait3A_285 = tpu.memref_slice %arg5[%dma_wait3A_284] : memref<327680xi32, #tpu.memory_space<hbm>> -> memref<128xi32, #tpu.memory_space<hbm>>
        %dma_wait3A_286 = arith.constant 0 : i32
        %dma_wait3A_287 = tpu.memref_slice %arg8[%dma_wait3A_280, %dma_wait3A_286] : memref<4x128xi32, #tpu.memory_space<vmem>> -> memref<1x128xi32, #tpu.memory_space<vmem>>
        %dma_wait3A_288 = tpu.memref_squeeze %dma_wait3A_287 : memref<1x128xi32, #tpu.memory_space<vmem>> -> memref<128xi32, #tpu.memory_space<vmem>>
        %dma_wait3A_289 = arith.constant 0 : i32
        %dma_wait3A_290 = tpu.memref_slice %arg5[%dma_wait3A_289] : memref<327680xi32, #tpu.memory_space<hbm>> -> memref<128xi32, #tpu.memory_space<hbm>>
        tpu.wait_dma2 semaphore(%arg16 : memref<!tpu.dma_semaphore, #tpu.memory_space<semaphore_mem>>) src(%dma_wait3A_290 : memref<128xi32, #tpu.memory_space<hbm>>) dst(%dma_wait3A_288 : memref<128xi32, #tpu.memory_space<vmem>>)
        %dma_start3A_291 = arith.constant 1 : i32
        %dma_start3A_292 = arith.constant 0 : i32
        %dma_start3A_293 = tpu.memref_slice %arg7[%dma_start3A_291, %dma_start3A_292] : memref<4x128xi32, #tpu.memory_space<vmem>> -> memref<1x128xi32, #tpu.memory_space<vmem>>
        %dma_start3A_294 = tpu.memref_squeeze %dma_start3A_293 : memref<1x128xi32, #tpu.memory_space<vmem>> -> memref<128xi32, #tpu.memory_space<vmem>>
        %dma_start3A_295 = arith.constant 0 : i32
        %dma_start3A_296 = arith.constant 0 : i32
        %dma_start3A_297 = tpu.memref_slice %arg3[%dma_start3A_295, %dma_start3A_296] : memref<10000x128xf32, #tpu.memory_space<hbm>> -> memref<10000x128xf32, #tpu.memory_space<hbm>>
        tpu.enqueue_indirect_dma source(%dma_start3A_297 : memref<10000x128xf32, #tpu.memory_space<hbm>>) target(%arg12 : memref<128x128xf32, #tpu.memory_space<vmem>>) offsets(%dma_start3A_294 : memref<128xi32, #tpu.memory_space<vmem>>) semaphore(%arg20 : memref<!tpu.dma_semaphore, #tpu.memory_space<semaphore_mem>>)
        %dma_start3A_298 = arith.constant 1 : i32
        %dma_start3A_299 = arith.constant 0 : i32
        %dma_start3A_300 = tpu.memref_slice %arg8[%dma_start3A_298, %dma_start3A_299] : memref<4x128xi32, #tpu.memory_space<vmem>> -> memref<1x128xi32, #tpu.memory_space<vmem>>
        %dma_start3A_301 = tpu.memref_squeeze %dma_start3A_300 : memref<1x128xi32, #tpu.memory_space<vmem>> -> memref<128xi32, #tpu.memory_space<vmem>>
        %dma_start3A_302 = arith.constant 0 : i32
        %dma_start3A_303 = arith.constant 0 : i32
        %dma_start3A_304 = tpu.memref_slice %arg2[%dma_start3A_302, %dma_start3A_303] : memref<10000x128xf32, #tpu.memory_space<hbm>> -> memref<10000x128xf32, #tpu.memory_space<hbm>>
        tpu.enqueue_indirect_dma source(%dma_start3A_304 : memref<10000x128xf32, #tpu.memory_space<hbm>>) target(%arg10 : memref<128x128xf32, #tpu.memory_space<vmem>>) offsets(%dma_start3A_301 : memref<128xi32, #tpu.memory_space<vmem>>) semaphore(%arg20 : memref<!tpu.dma_semaphore, #tpu.memory_space<semaphore_mem>>)
      } else {
      }
      %ge3A = arith.constant 2 : i32
      %ge3A_112 = arith.cmpi sge, %add3A_100, %ge3A : i32
      %convert_element_type3A_113 = arith.extui %ge3A_112 : i1 to i32
      %cond3A_114 = arith.constant 0 : i32
      %cond3A_115 = arith.cmpi ne, %convert_element_type3A_113, %cond3A_114 : i32
      scf.if %cond3A_115 {
        %dma_wait3A_269 = arith.constant 0 : i32
        %dma_wait3A_270 = arith.constant 0 : i32
        %dma_wait3A_271 = tpu.memref_slice %arg6[%dma_wait3A_269, %dma_wait3A_270] : memref<8x327680xf32, #tpu.memory_space<hbm>> -> memref<8x128xf32, #tpu.memory_space<hbm>>
        %dma_wait3A_272 = arith.constant 0 : i32
        %dma_wait3A_273 = arith.constant 0 : i32
        %dma_wait3A_274 = tpu.memref_slice %arg6[%dma_wait3A_272, %dma_wait3A_273] : memref<8x327680xf32, #tpu.memory_space<hbm>> -> memref<8x128xf32, #tpu.memory_space<hbm>>
        tpu.wait_dma2 semaphore(%arg21 : memref<!tpu.dma_semaphore, #tpu.memory_space<semaphore_mem>>) src(%arg13 : memref<8x128xf32, #tpu.memory_space<vmem>>) dst(%dma_wait3A_274 : memref<8x128xf32, #tpu.memory_space<hbm>>)
      } else {
      }
      %dma_wait3A_116 = arith.constant 0 : i32
      %dma_wait3A_117 = arith.constant 0 : i32
      %dma_wait3A_118 = tpu.memref_slice %arg7[%dma_wait3A_116, %dma_wait3A_117] : memref<4x128xi32, #tpu.memory_space<vmem>> -> memref<1x128xi32, #tpu.memory_space<vmem>>
      %dma_wait3A_119 = tpu.memref_squeeze %dma_wait3A_118 : memref<1x128xi32, #tpu.memory_space<vmem>> -> memref<128xi32, #tpu.memory_space<vmem>>
      %dma_wait3A_120 = arith.constant 0 : i32
      %dma_wait3A_121 = arith.constant 0 : i32
      %dma_wait3A_122 = tpu.memref_slice %arg3[%dma_wait3A_120, %dma_wait3A_121] : memref<10000x128xf32, #tpu.memory_space<hbm>> -> memref<10000x128xf32, #tpu.memory_space<hbm>>
      tpu.wait_indirect_dma semaphore(%arg19 : memref<!tpu.dma_semaphore, #tpu.memory_space<semaphore_mem>>) src(%dma_wait3A_122 : memref<10000x128xf32, #tpu.memory_space<hbm>>) dst(%arg11 : memref<128x128xf32, #tpu.memory_space<vmem>>)
      %dma_wait3A_123 = arith.constant 0 : i32
      %dma_wait3A_124 = arith.constant 0 : i32
      %dma_wait3A_125 = tpu.memref_slice %arg8[%dma_wait3A_123, %dma_wait3A_124] : memref<4x128xi32, #tpu.memory_space<vmem>> -> memref<1x128xi32, #tpu.memory_space<vmem>>
      %dma_wait3A_126 = tpu.memref_squeeze %dma_wait3A_125 : memref<1x128xi32, #tpu.memory_space<vmem>> -> memref<128xi32, #tpu.memory_space<vmem>>
      %dma_wait3A_127 = arith.constant 0 : i32
      %dma_wait3A_128 = arith.constant 0 : i32
      %dma_wait3A_129 = tpu.memref_slice %arg2[%dma_wait3A_127, %dma_wait3A_128] : memref<10000x128xf32, #tpu.memory_space<hbm>> -> memref<10000x128xf32, #tpu.memory_space<hbm>>
      tpu.wait_indirect_dma semaphore(%arg19 : memref<!tpu.dma_semaphore, #tpu.memory_space<semaphore_mem>>) src(%dma_wait3A_129 : memref<10000x128xf32, #tpu.memory_space<hbm>>) dst(%arg9 : memref<128x128xf32, #tpu.memory_space<vmem>>)
      %mul3A_130 = arith.constant 128 : i32
      %mul3A_131 = arith.muli %add3A_100, %mul3A_130 : i32
      %add3A_132 = arith.addi %mul3A_4, %mul3A_131 : i32
      %dma_start3A_133 = arith.constant 0 : i32
      %dma_start3A_134 = tpu.memref_slice %arg6[%dma_start3A_133, %add3A_132] : memref<8x327680xf32, #tpu.memory_space<hbm>> -> memref<8x128xf32, #tpu.memory_space<hbm>>
      %dma_start3A_135 = arith.constant 0 : i32
      %dma_start3A_136 = tpu.memref_slice %arg6[%dma_start3A_135, %add3A_132] : memref<8x327680xf32, #tpu.memory_space<hbm>> -> memref<8x128xf32, #tpu.memory_space<hbm>>
      tpu.enqueue_dma source(%arg13 : memref<8x128xf32, #tpu.memory_space<vmem>>) target(%dma_start3A_136 : memref<8x128xf32, #tpu.memory_space<hbm>>) target_semaphore(%arg21 : memref<!tpu.dma_semaphore, #tpu.memory_space<semaphore_mem>>)
      %mul3A_137 = arith.constant 4 : i32
      %mul3A_138 = arith.muli %scan3A_96, %mul3A_137 : i32
      %add3A_139 = arith.constant 1 : i32
      %add3A_140 = arith.addi %mul3A_138, %add3A_139 : i32
      %add3A_141 = arith.constant 2 : i32
      %add3A_142 = arith.addi %add3A_140, %add3A_141 : i32
      %lt3A_143 = arith.constant 80 : i32
      %lt3A_144 = arith.cmpi slt, %add3A_142, %lt3A_143 : i32
      %convert_element_type3A_145 = arith.extui %lt3A_144 : i1 to i32
      %cond3A_146 = arith.constant 0 : i32
      %cond3A_147 = arith.cmpi ne, %convert_element_type3A_145, %cond3A_146 : i32
      scf.if %cond3A_147 {
        %add3A_269 = arith.constant 2 : i32
        %add3A_270 = arith.addi %add3A_140, %add3A_269 : i32
        %mul3A_271 = arith.constant 128 : i32
        %mul3A_272 = arith.muli %add3A_270, %mul3A_271 : i32
        %add3A_273 = arith.addi %mul3A_4, %mul3A_272 : i32
        %dma_start3A_274 = arith.constant 3 : i32
        %dma_start3A_275 = arith.constant 0 : i32
        %dma_start3A_276 = tpu.memref_slice %arg7[%dma_start3A_274, %dma_start3A_275] : memref<4x128xi32, #tpu.memory_space<vmem>> -> memref<1x128xi32, #tpu.memory_space<vmem>>
        %dma_start3A_277 = tpu.memref_squeeze %dma_start3A_276 : memref<1x128xi32, #tpu.memory_space<vmem>> -> memref<128xi32, #tpu.memory_space<vmem>>
        %dma_start3A_278 = tpu.memref_slice %arg4[%add3A_273] : memref<327680xi32, #tpu.memory_space<hbm>> -> memref<128xi32, #tpu.memory_space<hbm>>
        %dma_start3A_279 = arith.constant 0 : i32
        %dma_start3A_280 = tpu.memref_slice %arg7[%dma_start3A_274, %dma_start3A_279] : memref<4x128xi32, #tpu.memory_space<vmem>> -> memref<1x128xi32, #tpu.memory_space<vmem>>
        %dma_start3A_281 = tpu.memref_squeeze %dma_start3A_280 : memref<1x128xi32, #tpu.memory_space<vmem>> -> memref<128xi32, #tpu.memory_space<vmem>>
        %dma_start3A_282 = tpu.memref_slice %arg4[%add3A_273] : memref<327680xi32, #tpu.memory_space<hbm>> -> memref<128xi32, #tpu.memory_space<hbm>>
        tpu.enqueue_dma source(%dma_start3A_282 : memref<128xi32, #tpu.memory_space<hbm>>) target(%dma_start3A_281 : memref<128xi32, #tpu.memory_space<vmem>>) target_semaphore(%arg18 : memref<!tpu.dma_semaphore, #tpu.memory_space<semaphore_mem>>)
        %dma_start3A_283 = arith.constant 3 : i32
        %dma_start3A_284 = arith.constant 0 : i32
        %dma_start3A_285 = tpu.memref_slice %arg8[%dma_start3A_283, %dma_start3A_284] : memref<4x128xi32, #tpu.memory_space<vmem>> -> memref<1x128xi32, #tpu.memory_space<vmem>>
        %dma_start3A_286 = tpu.memref_squeeze %dma_start3A_285 : memref<1x128xi32, #tpu.memory_space<vmem>> -> memref<128xi32, #tpu.memory_space<vmem>>
        %dma_start3A_287 = tpu.memref_slice %arg5[%add3A_273] : memref<327680xi32, #tpu.memory_space<hbm>> -> memref<128xi32, #tpu.memory_space<hbm>>
        %dma_start3A_288 = arith.constant 0 : i32
        %dma_start3A_289 = tpu.memref_slice %arg8[%dma_start3A_283, %dma_start3A_288] : memref<4x128xi32, #tpu.memory_space<vmem>> -> memref<1x128xi32, #tpu.memory_space<vmem>>
        %dma_start3A_290 = tpu.memref_squeeze %dma_start3A_289 : memref<1x128xi32, #tpu.memory_space<vmem>> -> memref<128xi32, #tpu.memory_space<vmem>>
        %dma_start3A_291 = tpu.memref_slice %arg5[%add3A_273] : memref<327680xi32, #tpu.memory_space<hbm>> -> memref<128xi32, #tpu.memory_space<hbm>>
        tpu.enqueue_dma source(%dma_start3A_291 : memref<128xi32, #tpu.memory_space<hbm>>) target(%dma_start3A_290 : memref<128xi32, #tpu.memory_space<vmem>>) target_semaphore(%arg18 : memref<!tpu.dma_semaphore, #tpu.memory_space<semaphore_mem>>)
      } else {
      }
      %add3A_148 = arith.constant 1 : i32
      %add3A_149 = arith.addi %add3A_140, %add3A_148 : i32
      %lt3A_150 = arith.constant 80 : i32
      %lt3A_151 = arith.cmpi slt, %add3A_149, %lt3A_150 : i32
      %convert_element_type3A_152 = arith.extui %lt3A_151 : i1 to i32
      %cond3A_153 = arith.constant 0 : i32
      %cond3A_154 = arith.cmpi ne, %convert_element_type3A_152, %cond3A_153 : i32
      scf.if %cond3A_154 {
        %dma_wait3A_269 = arith.constant 2 : i32
        %dma_wait3A_270 = arith.constant 0 : i32
        %dma_wait3A_271 = tpu.memref_slice %arg7[%dma_wait3A_269, %dma_wait3A_270] : memref<4x128xi32, #tpu.memory_space<vmem>> -> memref<1x128xi32, #tpu.memory_space<vmem>>
        %dma_wait3A_272 = tpu.memref_squeeze %dma_wait3A_271 : memref<1x128xi32, #tpu.memory_space<vmem>> -> memref<128xi32, #tpu.memory_space<vmem>>
        %dma_wait3A_273 = arith.constant 0 : i32
        %dma_wait3A_274 = tpu.memref_slice %arg4[%dma_wait3A_273] : memref<327680xi32, #tpu.memory_space<hbm>> -> memref<128xi32, #tpu.memory_space<hbm>>
        %dma_wait3A_275 = arith.constant 0 : i32
        %dma_wait3A_276 = tpu.memref_slice %arg7[%dma_wait3A_269, %dma_wait3A_275] : memref<4x128xi32, #tpu.memory_space<vmem>> -> memref<1x128xi32, #tpu.memory_space<vmem>>
        %dma_wait3A_277 = tpu.memref_squeeze %dma_wait3A_276 : memref<1x128xi32, #tpu.memory_space<vmem>> -> memref<128xi32, #tpu.memory_space<vmem>>
        %dma_wait3A_278 = arith.constant 0 : i32
        %dma_wait3A_279 = tpu.memref_slice %arg4[%dma_wait3A_278] : memref<327680xi32, #tpu.memory_space<hbm>> -> memref<128xi32, #tpu.memory_space<hbm>>
        tpu.wait_dma2 semaphore(%arg17 : memref<!tpu.dma_semaphore, #tpu.memory_space<semaphore_mem>>) src(%dma_wait3A_279 : memref<128xi32, #tpu.memory_space<hbm>>) dst(%dma_wait3A_277 : memref<128xi32, #tpu.memory_space<vmem>>)
        %dma_wait3A_280 = arith.constant 2 : i32
        %dma_wait3A_281 = arith.constant 0 : i32
        %dma_wait3A_282 = tpu.memref_slice %arg8[%dma_wait3A_280, %dma_wait3A_281] : memref<4x128xi32, #tpu.memory_space<vmem>> -> memref<1x128xi32, #tpu.memory_space<vmem>>
        %dma_wait3A_283 = tpu.memref_squeeze %dma_wait3A_282 : memref<1x128xi32, #tpu.memory_space<vmem>> -> memref<128xi32, #tpu.memory_space<vmem>>
        %dma_wait3A_284 = arith.constant 0 : i32
        %dma_wait3A_285 = tpu.memref_slice %arg5[%dma_wait3A_284] : memref<327680xi32, #tpu.memory_space<hbm>> -> memref<128xi32, #tpu.memory_space<hbm>>
        %dma_wait3A_286 = arith.constant 0 : i32
        %dma_wait3A_287 = tpu.memref_slice %arg8[%dma_wait3A_280, %dma_wait3A_286] : memref<4x128xi32, #tpu.memory_space<vmem>> -> memref<1x128xi32, #tpu.memory_space<vmem>>
        %dma_wait3A_288 = tpu.memref_squeeze %dma_wait3A_287 : memref<1x128xi32, #tpu.memory_space<vmem>> -> memref<128xi32, #tpu.memory_space<vmem>>
        %dma_wait3A_289 = arith.constant 0 : i32
        %dma_wait3A_290 = tpu.memref_slice %arg5[%dma_wait3A_289] : memref<327680xi32, #tpu.memory_space<hbm>> -> memref<128xi32, #tpu.memory_space<hbm>>
        tpu.wait_dma2 semaphore(%arg17 : memref<!tpu.dma_semaphore, #tpu.memory_space<semaphore_mem>>) src(%dma_wait3A_290 : memref<128xi32, #tpu.memory_space<hbm>>) dst(%dma_wait3A_288 : memref<128xi32, #tpu.memory_space<vmem>>)
        %dma_start3A_291 = arith.constant 2 : i32
        %dma_start3A_292 = arith.constant 0 : i32
        %dma_start3A_293 = tpu.memref_slice %arg7[%dma_start3A_291, %dma_start3A_292] : memref<4x128xi32, #tpu.memory_space<vmem>> -> memref<1x128xi32, #tpu.memory_space<vmem>>
        %dma_start3A_294 = tpu.memref_squeeze %dma_start3A_293 : memref<1x128xi32, #tpu.memory_space<vmem>> -> memref<128xi32, #tpu.memory_space<vmem>>
        %dma_start3A_295 = arith.constant 0 : i32
        %dma_start3A_296 = arith.constant 0 : i32
        %dma_start3A_297 = tpu.memref_slice %arg3[%dma_start3A_295, %dma_start3A_296] : memref<10000x128xf32, #tpu.memory_space<hbm>> -> memref<10000x128xf32, #tpu.memory_space<hbm>>
        tpu.enqueue_indirect_dma source(%dma_start3A_297 : memref<10000x128xf32, #tpu.memory_space<hbm>>) target(%arg11 : memref<128x128xf32, #tpu.memory_space<vmem>>) offsets(%dma_start3A_294 : memref<128xi32, #tpu.memory_space<vmem>>) semaphore(%arg19 : memref<!tpu.dma_semaphore, #tpu.memory_space<semaphore_mem>>)
        %dma_start3A_298 = arith.constant 2 : i32
        %dma_start3A_299 = arith.constant 0 : i32
        %dma_start3A_300 = tpu.memref_slice %arg8[%dma_start3A_298, %dma_start3A_299] : memref<4x128xi32, #tpu.memory_space<vmem>> -> memref<1x128xi32, #tpu.memory_space<vmem>>
        %dma_start3A_301 = tpu.memref_squeeze %dma_start3A_300 : memref<1x128xi32, #tpu.memory_space<vmem>> -> memref<128xi32, #tpu.memory_space<vmem>>
        %dma_start3A_302 = arith.constant 0 : i32
        %dma_start3A_303 = arith.constant 0 : i32
        %dma_start3A_304 = tpu.memref_slice %arg2[%dma_start3A_302, %dma_start3A_303] : memref<10000x128xf32, #tpu.memory_space<hbm>> -> memref<10000x128xf32, #tpu.memory_space<hbm>>
        tpu.enqueue_indirect_dma source(%dma_start3A_304 : memref<10000x128xf32, #tpu.memory_space<hbm>>) target(%arg9 : memref<128x128xf32, #tpu.memory_space<vmem>>) offsets(%dma_start3A_301 : memref<128xi32, #tpu.memory_space<vmem>>) semaphore(%arg19 : memref<!tpu.dma_semaphore, #tpu.memory_space<semaphore_mem>>)
      } else {
      }
      %ge3A_155 = arith.constant 2 : i32
      %ge3A_156 = arith.cmpi sge, %add3A_140, %ge3A_155 : i32
      %convert_element_type3A_157 = arith.extui %ge3A_156 : i1 to i32
      %cond3A_158 = arith.constant 0 : i32
      %cond3A_159 = arith.cmpi ne, %convert_element_type3A_157, %cond3A_158 : i32
      scf.if %cond3A_159 {
        %dma_wait3A_269 = arith.constant 0 : i32
        %dma_wait3A_270 = arith.constant 0 : i32
        %dma_wait3A_271 = tpu.memref_slice %arg6[%dma_wait3A_269, %dma_wait3A_270] : memref<8x327680xf32, #tpu.memory_space<hbm>> -> memref<8x128xf32, #tpu.memory_space<hbm>>
        %dma_wait3A_272 = arith.constant 0 : i32
        %dma_wait3A_273 = arith.constant 0 : i32
        %dma_wait3A_274 = tpu.memref_slice %arg6[%dma_wait3A_272, %dma_wait3A_273] : memref<8x327680xf32, #tpu.memory_space<hbm>> -> memref<8x128xf32, #tpu.memory_space<hbm>>
        tpu.wait_dma2 semaphore(%arg22 : memref<!tpu.dma_semaphore, #tpu.memory_space<semaphore_mem>>) src(%arg14 : memref<8x128xf32, #tpu.memory_space<vmem>>) dst(%dma_wait3A_274 : memref<8x128xf32, #tpu.memory_space<hbm>>)
      } else {
      }
      %dma_wait3A_160 = arith.constant 1 : i32
      %dma_wait3A_161 = arith.constant 0 : i32
      %dma_wait3A_162 = tpu.memref_slice %arg7[%dma_wait3A_160, %dma_wait3A_161] : memref<4x128xi32, #tpu.memory_space<vmem>> -> memref<1x128xi32, #tpu.memory_space<vmem>>
      %dma_wait3A_163 = tpu.memref_squeeze %dma_wait3A_162 : memref<1x128xi32, #tpu.memory_space<vmem>> -> memref<128xi32, #tpu.memory_space<vmem>>
      %dma_wait3A_164 = arith.constant 0 : i32
      %dma_wait3A_165 = arith.constant 0 : i32
      %dma_wait3A_166 = tpu.memref_slice %arg3[%dma_wait3A_164, %dma_wait3A_165] : memref<10000x128xf32, #tpu.memory_space<hbm>> -> memref<10000x128xf32, #tpu.memory_space<hbm>>
      tpu.wait_indirect_dma semaphore(%arg20 : memref<!tpu.dma_semaphore, #tpu.memory_space<semaphore_mem>>) src(%dma_wait3A_166 : memref<10000x128xf32, #tpu.memory_space<hbm>>) dst(%arg12 : memref<128x128xf32, #tpu.memory_space<vmem>>)
      %dma_wait3A_167 = arith.constant 1 : i32
      %dma_wait3A_168 = arith.constant 0 : i32
      %dma_wait3A_169 = tpu.memref_slice %arg8[%dma_wait3A_167, %dma_wait3A_168] : memref<4x128xi32, #tpu.memory_space<vmem>> -> memref<1x128xi32, #tpu.memory_space<vmem>>
      %dma_wait3A_170 = tpu.memref_squeeze %dma_wait3A_169 : memref<1x128xi32, #tpu.memory_space<vmem>> -> memref<128xi32, #tpu.memory_space<vmem>>
      %dma_wait3A_171 = arith.constant 0 : i32
      %dma_wait3A_172 = arith.constant 0 : i32
      %dma_wait3A_173 = tpu.memref_slice %arg2[%dma_wait3A_171, %dma_wait3A_172] : memref<10000x128xf32, #tpu.memory_space<hbm>> -> memref<10000x128xf32, #tpu.memory_space<hbm>>
      tpu.wait_indirect_dma semaphore(%arg20 : memref<!tpu.dma_semaphore, #tpu.memory_space<semaphore_mem>>) src(%dma_wait3A_173 : memref<10000x128xf32, #tpu.memory_space<hbm>>) dst(%arg10 : memref<128x128xf32, #tpu.memory_space<vmem>>)
      %mul3A_174 = arith.constant 128 : i32
      %mul3A_175 = arith.muli %add3A_140, %mul3A_174 : i32
      %add3A_176 = arith.addi %mul3A_4, %mul3A_175 : i32
      %dma_start3A_177 = arith.constant 0 : i32
      %dma_start3A_178 = tpu.memref_slice %arg6[%dma_start3A_177, %add3A_176] : memref<8x327680xf32, #tpu.memory_space<hbm>> -> memref<8x128xf32, #tpu.memory_space<hbm>>
      %dma_start3A_179 = arith.constant 0 : i32
      %dma_start3A_180 = tpu.memref_slice %arg6[%dma_start3A_179, %add3A_176] : memref<8x327680xf32, #tpu.memory_space<hbm>> -> memref<8x128xf32, #tpu.memory_space<hbm>>
      tpu.enqueue_dma source(%arg14 : memref<8x128xf32, #tpu.memory_space<vmem>>) target(%dma_start3A_180 : memref<8x128xf32, #tpu.memory_space<hbm>>) target_semaphore(%arg22 : memref<!tpu.dma_semaphore, #tpu.memory_space<semaphore_mem>>)
      %mul3A_181 = arith.constant 4 : i32
      %mul3A_182 = arith.muli %scan3A_96, %mul3A_181 : i32
      %add3A_183 = arith.constant 2 : i32
      %add3A_184 = arith.addi %mul3A_182, %add3A_183 : i32
      %add3A_185 = arith.constant 2 : i32
      %add3A_186 = arith.addi %add3A_184, %add3A_185 : i32
      %lt3A_187 = arith.constant 80 : i32
      %lt3A_188 = arith.cmpi slt, %add3A_186, %lt3A_187 : i32
      %convert_element_type3A_189 = arith.extui %lt3A_188 : i1 to i32
      %cond3A_190 = arith.constant 0 : i32
      %cond3A_191 = arith.cmpi ne, %convert_element_type3A_189, %cond3A_190 : i32
      scf.if %cond3A_191 {
        %add3A_269 = arith.constant 2 : i32
        %add3A_270 = arith.addi %add3A_184, %add3A_269 : i32
        %mul3A_271 = arith.constant 128 : i32
        %mul3A_272 = arith.muli %add3A_270, %mul3A_271 : i32
        %add3A_273 = arith.addi %mul3A_4, %mul3A_272 : i32
        %dma_start3A_274 = arith.constant 0 : i32
        %dma_start3A_275 = arith.constant 0 : i32
        %dma_start3A_276 = tpu.memref_slice %arg7[%dma_start3A_274, %dma_start3A_275] : memref<4x128xi32, #tpu.memory_space<vmem>> -> memref<1x128xi32, #tpu.memory_space<vmem>>
        %dma_start3A_277 = tpu.memref_squeeze %dma_start3A_276 : memref<1x128xi32, #tpu.memory_space<vmem>> -> memref<128xi32, #tpu.memory_space<vmem>>
        %dma_start3A_278 = tpu.memref_slice %arg4[%add3A_273] : memref<327680xi32, #tpu.memory_space<hbm>> -> memref<128xi32, #tpu.memory_space<hbm>>
        %dma_start3A_279 = arith.constant 0 : i32
        %dma_start3A_280 = tpu.memref_slice %arg7[%dma_start3A_274, %dma_start3A_279] : memref<4x128xi32, #tpu.memory_space<vmem>> -> memref<1x128xi32, #tpu.memory_space<vmem>>
        %dma_start3A_281 = tpu.memref_squeeze %dma_start3A_280 : memref<1x128xi32, #tpu.memory_space<vmem>> -> memref<128xi32, #tpu.memory_space<vmem>>
        %dma_start3A_282 = tpu.memref_slice %arg4[%add3A_273] : memref<327680xi32, #tpu.memory_space<hbm>> -> memref<128xi32, #tpu.memory_space<hbm>>
        tpu.enqueue_dma source(%dma_start3A_282 : memref<128xi32, #tpu.memory_space<hbm>>) target(%dma_start3A_281 : memref<128xi32, #tpu.memory_space<vmem>>) target_semaphore(%arg15 : memref<!tpu.dma_semaphore, #tpu.memory_space<semaphore_mem>>)
        %dma_start3A_283 = arith.constant 0 : i32
        %dma_start3A_284 = arith.constant 0 : i32
        %dma_start3A_285 = tpu.memref_slice %arg8[%dma_start3A_283, %dma_start3A_284] : memref<4x128xi32, #tpu.memory_space<vmem>> -> memref<1x128xi32, #tpu.memory_space<vmem>>
        %dma_start3A_286 = tpu.memref_squeeze %dma_start3A_285 : memref<1x128xi32, #tpu.memory_space<vmem>> -> memref<128xi32, #tpu.memory_space<vmem>>
        %dma_start3A_287 = tpu.memref_slice %arg5[%add3A_273] : memref<327680xi32, #tpu.memory_space<hbm>> -> memref<128xi32, #tpu.memory_space<hbm>>
        %dma_start3A_288 = arith.constant 0 : i32
        %dma_start3A_289 = tpu.memref_slice %arg8[%dma_start3A_283, %dma_start3A_288] : memref<4x128xi32, #tpu.memory_space<vmem>> -> memref<1x128xi32, #tpu.memory_space<vmem>>
        %dma_start3A_290 = tpu.memref_squeeze %dma_start3A_289 : memref<1x128xi32, #tpu.memory_space<vmem>> -> memref<128xi32, #tpu.memory_space<vmem>>
        %dma_start3A_291 = tpu.memref_slice %arg5[%add3A_273] : memref<327680xi32, #tpu.memory_space<hbm>> -> memref<128xi32, #tpu.memory_space<hbm>>
        tpu.enqueue_dma source(%dma_start3A_291 : memref<128xi32, #tpu.memory_space<hbm>>) target(%dma_start3A_290 : memref<128xi32, #tpu.memory_space<vmem>>) target_semaphore(%arg15 : memref<!tpu.dma_semaphore, #tpu.memory_space<semaphore_mem>>)
      } else {
      }
      %add3A_192 = arith.constant 1 : i32
      %add3A_193 = arith.addi %add3A_184, %add3A_192 : i32
      %lt3A_194 = arith.constant 80 : i32
      %lt3A_195 = arith.cmpi slt, %add3A_193, %lt3A_194 : i32
      %convert_element_type3A_196 = arith.extui %lt3A_195 : i1 to i32
      %cond3A_197 = arith.constant 0 : i32
      %cond3A_198 = arith.cmpi ne, %convert_element_type3A_196, %cond3A_197 : i32
      scf.if %cond3A_198 {
        %dma_wait3A_269 = arith.constant 3 : i32
        %dma_wait3A_270 = arith.constant 0 : i32
        %dma_wait3A_271 = tpu.memref_slice %arg7[%dma_wait3A_269, %dma_wait3A_270] : memref<4x128xi32, #tpu.memory_space<vmem>> -> memref<1x128xi32, #tpu.memory_space<vmem>>
        %dma_wait3A_272 = tpu.memref_squeeze %dma_wait3A_271 : memref<1x128xi32, #tpu.memory_space<vmem>> -> memref<128xi32, #tpu.memory_space<vmem>>
        %dma_wait3A_273 = arith.constant 0 : i32
        %dma_wait3A_274 = tpu.memref_slice %arg4[%dma_wait3A_273] : memref<327680xi32, #tpu.memory_space<hbm>> -> memref<128xi32, #tpu.memory_space<hbm>>
        %dma_wait3A_275 = arith.constant 0 : i32
        %dma_wait3A_276 = tpu.memref_slice %arg7[%dma_wait3A_269, %dma_wait3A_275] : memref<4x128xi32, #tpu.memory_space<vmem>> -> memref<1x128xi32, #tpu.memory_space<vmem>>
        %dma_wait3A_277 = tpu.memref_squeeze %dma_wait3A_276 : memref<1x128xi32, #tpu.memory_space<vmem>> -> memref<128xi32, #tpu.memory_space<vmem>>
        %dma_wait3A_278 = arith.constant 0 : i32
        %dma_wait3A_279 = tpu.memref_slice %arg4[%dma_wait3A_278] : memref<327680xi32, #tpu.memory_space<hbm>> -> memref<128xi32, #tpu.memory_space<hbm>>
        tpu.wait_dma2 semaphore(%arg18 : memref<!tpu.dma_semaphore, #tpu.memory_space<semaphore_mem>>) src(%dma_wait3A_279 : memref<128xi32, #tpu.memory_space<hbm>>) dst(%dma_wait3A_277 : memref<128xi32, #tpu.memory_space<vmem>>)
        %dma_wait3A_280 = arith.constant 3 : i32
        %dma_wait3A_281 = arith.constant 0 : i32
        %dma_wait3A_282 = tpu.memref_slice %arg8[%dma_wait3A_280, %dma_wait3A_281] : memref<4x128xi32, #tpu.memory_space<vmem>> -> memref<1x128xi32, #tpu.memory_space<vmem>>
        %dma_wait3A_283 = tpu.memref_squeeze %dma_wait3A_282 : memref<1x128xi32, #tpu.memory_space<vmem>> -> memref<128xi32, #tpu.memory_space<vmem>>
        %dma_wait3A_284 = arith.constant 0 : i32
        %dma_wait3A_285 = tpu.memref_slice %arg5[%dma_wait3A_284] : memref<327680xi32, #tpu.memory_space<hbm>> -> memref<128xi32, #tpu.memory_space<hbm>>
        %dma_wait3A_286 = arith.constant 0 : i32
        %dma_wait3A_287 = tpu.memref_slice %arg8[%dma_wait3A_280, %dma_wait3A_286] : memref<4x128xi32, #tpu.memory_space<vmem>> -> memref<1x128xi32, #tpu.memory_space<vmem>>
        %dma_wait3A_288 = tpu.memref_squeeze %dma_wait3A_287 : memref<1x128xi32, #tpu.memory_space<vmem>> -> memref<128xi32, #tpu.memory_space<vmem>>
        %dma_wait3A_289 = arith.constant 0 : i32
        %dma_wait3A_290 = tpu.memref_slice %arg5[%dma_wait3A_289] : memref<327680xi32, #tpu.memory_space<hbm>> -> memref<128xi32, #tpu.memory_space<hbm>>
        tpu.wait_dma2 semaphore(%arg18 : memref<!tpu.dma_semaphore, #tpu.memory_space<semaphore_mem>>) src(%dma_wait3A_290 : memref<128xi32, #tpu.memory_space<hbm>>) dst(%dma_wait3A_288 : memref<128xi32, #tpu.memory_space<vmem>>)
        %dma_start3A_291 = arith.constant 3 : i32
        %dma_start3A_292 = arith.constant 0 : i32
        %dma_start3A_293 = tpu.memref_slice %arg7[%dma_start3A_291, %dma_start3A_292] : memref<4x128xi32, #tpu.memory_space<vmem>> -> memref<1x128xi32, #tpu.memory_space<vmem>>
        %dma_start3A_294 = tpu.memref_squeeze %dma_start3A_293 : memref<1x128xi32, #tpu.memory_space<vmem>> -> memref<128xi32, #tpu.memory_space<vmem>>
        %dma_start3A_295 = arith.constant 0 : i32
        %dma_start3A_296 = arith.constant 0 : i32
        %dma_start3A_297 = tpu.memref_slice %arg3[%dma_start3A_295, %dma_start3A_296] : memref<10000x128xf32, #tpu.memory_space<hbm>> -> memref<10000x128xf32, #tpu.memory_space<hbm>>
        tpu.enqueue_indirect_dma source(%dma_start3A_297 : memref<10000x128xf32, #tpu.memory_space<hbm>>) target(%arg12 : memref<128x128xf32, #tpu.memory_space<vmem>>) offsets(%dma_start3A_294 : memref<128xi32, #tpu.memory_space<vmem>>) semaphore(%arg20 : memref<!tpu.dma_semaphore, #tpu.memory_space<semaphore_mem>>)
        %dma_start3A_298 = arith.constant 3 : i32
        %dma_start3A_299 = arith.constant 0 : i32
        %dma_start3A_300 = tpu.memref_slice %arg8[%dma_start3A_298, %dma_start3A_299] : memref<4x128xi32, #tpu.memory_space<vmem>> -> memref<1x128xi32, #tpu.memory_space<vmem>>
        %dma_start3A_301 = tpu.memref_squeeze %dma_start3A_300 : memref<1x128xi32, #tpu.memory_space<vmem>> -> memref<128xi32, #tpu.memory_space<vmem>>
        %dma_start3A_302 = arith.constant 0 : i32
        %dma_start3A_303 = arith.constant 0 : i32
        %dma_start3A_304 = tpu.memref_slice %arg2[%dma_start3A_302, %dma_start3A_303] : memref<10000x128xf32, #tpu.memory_space<hbm>> -> memref<10000x128xf32, #tpu.memory_space<hbm>>
        tpu.enqueue_indirect_dma source(%dma_start3A_304 : memref<10000x128xf32, #tpu.memory_space<hbm>>) target(%arg10 : memref<128x128xf32, #tpu.memory_space<vmem>>) offsets(%dma_start3A_301 : memref<128xi32, #tpu.memory_space<vmem>>) semaphore(%arg20 : memref<!tpu.dma_semaphore, #tpu.memory_space<semaphore_mem>>)
      } else {
      }
      %ge3A_199 = arith.constant 2 : i32
      %ge3A_200 = arith.cmpi sge, %add3A_184, %ge3A_199 : i32
      %convert_element_type3A_201 = arith.extui %ge3A_200 : i1 to i32
      %cond3A_202 = arith.constant 0 : i32
      %cond3A_203 = arith.cmpi ne, %convert_element_type3A_201, %cond3A_202 : i32
      scf.if %cond3A_203 {
        %dma_wait3A_269 = arith.constant 0 : i32
        %dma_wait3A_270 = arith.constant 0 : i32
        %dma_wait3A_271 = tpu.memref_slice %arg6[%dma_wait3A_269, %dma_wait3A_270] : memref<8x327680xf32, #tpu.memory_space<hbm>> -> memref<8x128xf32, #tpu.memory_space<hbm>>
        %dma_wait3A_272 = arith.constant 0 : i32
        %dma_wait3A_273 = arith.constant 0 : i32
        %dma_wait3A_274 = tpu.memref_slice %arg6[%dma_wait3A_272, %dma_wait3A_273] : memref<8x327680xf32, #tpu.memory_space<hbm>> -> memref<8x128xf32, #tpu.memory_space<hbm>>
        tpu.wait_dma2 semaphore(%arg21 : memref<!tpu.dma_semaphore, #tpu.memory_space<semaphore_mem>>) src(%arg13 : memref<8x128xf32, #tpu.memory_space<vmem>>) dst(%dma_wait3A_274 : memref<8x128xf32, #tpu.memory_space<hbm>>)
      } else {
      }
      %dma_wait3A_204 = arith.constant 2 : i32
      %dma_wait3A_205 = arith.constant 0 : i32
      %dma_wait3A_206 = tpu.memref_slice %arg7[%dma_wait3A_204, %dma_wait3A_205] : memref<4x128xi32, #tpu.memory_space<vmem>> -> memref<1x128xi32, #tpu.memory_space<vmem>>
      %dma_wait3A_207 = tpu.memref_squeeze %dma_wait3A_206 : memref<1x128xi32, #tpu.memory_space<vmem>> -> memref<128xi32, #tpu.memory_space<vmem>>
      %dma_wait3A_208 = arith.constant 0 : i32
      %dma_wait3A_209 = arith.constant 0 : i32
      %dma_wait3A_210 = tpu.memref_slice %arg3[%dma_wait3A_208, %dma_wait3A_209] : memref<10000x128xf32, #tpu.memory_space<hbm>> -> memref<10000x128xf32, #tpu.memory_space<hbm>>
      tpu.wait_indirect_dma semaphore(%arg19 : memref<!tpu.dma_semaphore, #tpu.memory_space<semaphore_mem>>) src(%dma_wait3A_210 : memref<10000x128xf32, #tpu.memory_space<hbm>>) dst(%arg11 : memref<128x128xf32, #tpu.memory_space<vmem>>)
      %dma_wait3A_211 = arith.constant 2 : i32
      %dma_wait3A_212 = arith.constant 0 : i32
      %dma_wait3A_213 = tpu.memref_slice %arg8[%dma_wait3A_211, %dma_wait3A_212] : memref<4x128xi32, #tpu.memory_space<vmem>> -> memref<1x128xi32, #tpu.memory_space<vmem>>
      %dma_wait3A_214 = tpu.memref_squeeze %dma_wait3A_213 : memref<1x128xi32, #tpu.memory_space<vmem>> -> memref<128xi32, #tpu.memory_space<vmem>>
      %dma_wait3A_215 = arith.constant 0 : i32
      %dma_wait3A_216 = arith.constant 0 : i32
      %dma_wait3A_217 = tpu.memref_slice %arg2[%dma_wait3A_215, %dma_wait3A_216] : memref<10000x128xf32, #tpu.memory_space<hbm>> -> memref<10000x128xf32, #tpu.memory_space<hbm>>
      tpu.wait_indirect_dma semaphore(%arg19 : memref<!tpu.dma_semaphore, #tpu.memory_space<semaphore_mem>>) src(%dma_wait3A_217 : memref<10000x128xf32, #tpu.memory_space<hbm>>) dst(%arg9 : memref<128x128xf32, #tpu.memory_space<vmem>>)
      %mul3A_218 = arith.constant 128 : i32
      %mul3A_219 = arith.muli %add3A_184, %mul3A_218 : i32
      %add3A_220 = arith.addi %mul3A_4, %mul3A_219 : i32
      %dma_start3A_221 = arith.constant 0 : i32
      %dma_start3A_222 = tpu.memref_slice %arg6[%dma_start3A_221, %add3A_220] : memref<8x327680xf32, #tpu.memory_space<hbm>> -> memref<8x128xf32, #tpu.memory_space<hbm>>
      %dma_start3A_223 = arith.constant 0 : i32
      %dma_start3A_224 = tpu.memref_slice %arg6[%dma_start3A_223, %add3A_220] : memref<8x327680xf32, #tpu.memory_space<hbm>> -> memref<8x128xf32, #tpu.memory_space<hbm>>
      tpu.enqueue_dma source(%arg13 : memref<8x128xf32, #tpu.memory_space<vmem>>) target(%dma_start3A_224 : memref<8x128xf32, #tpu.memory_space<hbm>>) target_semaphore(%arg21 : memref<!tpu.dma_semaphore, #tpu.memory_space<semaphore_mem>>)
      %mul3A_225 = arith.constant 4 : i32
      %mul3A_226 = arith.muli %scan3A_96, %mul3A_225 : i32
      %add3A_227 = arith.constant 3 : i32
      %add3A_228 = arith.addi %mul3A_226, %add3A_227 : i32
      %add3A_229 = arith.constant 2 : i32
      %add3A_230 = arith.addi %add3A_228, %add3A_229 : i32
      %lt3A_231 = arith.constant 80 : i32
      %lt3A_232 = arith.cmpi slt, %add3A_230, %lt3A_231 : i32
      %convert_element_type3A_233 = arith.extui %lt3A_232 : i1 to i32
      %cond3A_234 = arith.constant 0 : i32
      %cond3A_235 = arith.cmpi ne, %convert_element_type3A_233, %cond3A_234 : i32
      scf.if %cond3A_235 {
        %add3A_269 = arith.constant 2 : i32
        %add3A_270 = arith.addi %add3A_228, %add3A_269 : i32
        %mul3A_271 = arith.constant 128 : i32
        %mul3A_272 = arith.muli %add3A_270, %mul3A_271 : i32
        %add3A_273 = arith.addi %mul3A_4, %mul3A_272 : i32
        %dma_start3A_274 = arith.constant 1 : i32
        %dma_start3A_275 = arith.constant 0 : i32
        %dma_start3A_276 = tpu.memref_slice %arg7[%dma_start3A_274, %dma_start3A_275] : memref<4x128xi32, #tpu.memory_space<vmem>> -> memref<1x128xi32, #tpu.memory_space<vmem>>
        %dma_start3A_277 = tpu.memref_squeeze %dma_start3A_276 : memref<1x128xi32, #tpu.memory_space<vmem>> -> memref<128xi32, #tpu.memory_space<vmem>>
        %dma_start3A_278 = tpu.memref_slice %arg4[%add3A_273] : memref<327680xi32, #tpu.memory_space<hbm>> -> memref<128xi32, #tpu.memory_space<hbm>>
        %dma_start3A_279 = arith.constant 0 : i32
        %dma_start3A_280 = tpu.memref_slice %arg7[%dma_start3A_274, %dma_start3A_279] : memref<4x128xi32, #tpu.memory_space<vmem>> -> memref<1x128xi32, #tpu.memory_space<vmem>>
        %dma_start3A_281 = tpu.memref_squeeze %dma_start3A_280 : memref<1x128xi32, #tpu.memory_space<vmem>> -> memref<128xi32, #tpu.memory_space<vmem>>
        %dma_start3A_282 = tpu.memref_slice %arg4[%add3A_273] : memref<327680xi32, #tpu.memory_space<hbm>> -> memref<128xi32, #tpu.memory_space<hbm>>
        tpu.enqueue_dma source(%dma_start3A_282 : memref<128xi32, #tpu.memory_space<hbm>>) target(%dma_start3A_281 : memref<128xi32, #tpu.memory_space<vmem>>) target_semaphore(%arg16 : memref<!tpu.dma_semaphore, #tpu.memory_space<semaphore_mem>>)
        %dma_start3A_283 = arith.constant 1 : i32
        %dma_start3A_284 = arith.constant 0 : i32
        %dma_start3A_285 = tpu.memref_slice %arg8[%dma_start3A_283, %dma_start3A_284] : memref<4x128xi32, #tpu.memory_space<vmem>> -> memref<1x128xi32, #tpu.memory_space<vmem>>
        %dma_start3A_286 = tpu.memref_squeeze %dma_start3A_285 : memref<1x128xi32, #tpu.memory_space<vmem>> -> memref<128xi32, #tpu.memory_space<vmem>>
        %dma_start3A_287 = tpu.memref_slice %arg5[%add3A_273] : memref<327680xi32, #tpu.memory_space<hbm>> -> memref<128xi32, #tpu.memory_space<hbm>>
        %dma_start3A_288 = arith.constant 0 : i32
        %dma_start3A_289 = tpu.memref_slice %arg8[%dma_start3A_283, %dma_start3A_288] : memref<4x128xi32, #tpu.memory_space<vmem>> -> memref<1x128xi32, #tpu.memory_space<vmem>>
        %dma_start3A_290 = tpu.memref_squeeze %dma_start3A_289 : memref<1x128xi32, #tpu.memory_space<vmem>> -> memref<128xi32, #tpu.memory_space<vmem>>
        %dma_start3A_291 = tpu.memref_slice %arg5[%add3A_273] : memref<327680xi32, #tpu.memory_space<hbm>> -> memref<128xi32, #tpu.memory_space<hbm>>
        tpu.enqueue_dma source(%dma_start3A_291 : memref<128xi32, #tpu.memory_space<hbm>>) target(%dma_start3A_290 : memref<128xi32, #tpu.memory_space<vmem>>) target_semaphore(%arg16 : memref<!tpu.dma_semaphore, #tpu.memory_space<semaphore_mem>>)
      } else {
      }
      %add3A_236 = arith.constant 1 : i32
      %add3A_237 = arith.addi %add3A_228, %add3A_236 : i32
      %lt3A_238 = arith.constant 80 : i32
      %lt3A_239 = arith.cmpi slt, %add3A_237, %lt3A_238 : i32
      %convert_element_type3A_240 = arith.extui %lt3A_239 : i1 to i32
      %cond3A_241 = arith.constant 0 : i32
      %cond3A_242 = arith.cmpi ne, %convert_element_type3A_240, %cond3A_241 : i32
      scf.if %cond3A_242 {
        %dma_wait3A_269 = arith.constant 0 : i32
        %dma_wait3A_270 = arith.constant 0 : i32
        %dma_wait3A_271 = tpu.memref_slice %arg7[%dma_wait3A_269, %dma_wait3A_270] : memref<4x128xi32, #tpu.memory_space<vmem>> -> memref<1x128xi32, #tpu.memory_space<vmem>>
        %dma_wait3A_272 = tpu.memref_squeeze %dma_wait3A_271 : memref<1x128xi32, #tpu.memory_space<vmem>> -> memref<128xi32, #tpu.memory_space<vmem>>
        %dma_wait3A_273 = arith.constant 0 : i32
        %dma_wait3A_274 = tpu.memref_slice %arg4[%dma_wait3A_273] : memref<327680xi32, #tpu.memory_space<hbm>> -> memref<128xi32, #tpu.memory_space<hbm>>
        %dma_wait3A_275 = arith.constant 0 : i32
        %dma_wait3A_276 = tpu.memref_slice %arg7[%dma_wait3A_269, %dma_wait3A_275] : memref<4x128xi32, #tpu.memory_space<vmem>> -> memref<1x128xi32, #tpu.memory_space<vmem>>
        %dma_wait3A_277 = tpu.memref_squeeze %dma_wait3A_276 : memref<1x128xi32, #tpu.memory_space<vmem>> -> memref<128xi32, #tpu.memory_space<vmem>>
        %dma_wait3A_278 = arith.constant 0 : i32
        %dma_wait3A_279 = tpu.memref_slice %arg4[%dma_wait3A_278] : memref<327680xi32, #tpu.memory_space<hbm>> -> memref<128xi32, #tpu.memory_space<hbm>>
        tpu.wait_dma2 semaphore(%arg15 : memref<!tpu.dma_semaphore, #tpu.memory_space<semaphore_mem>>) src(%dma_wait3A_279 : memref<128xi32, #tpu.memory_space<hbm>>) dst(%dma_wait3A_277 : memref<128xi32, #tpu.memory_space<vmem>>)
        %dma_wait3A_280 = arith.constant 0 : i32
        %dma_wait3A_281 = arith.constant 0 : i32
        %dma_wait3A_282 = tpu.memref_slice %arg8[%dma_wait3A_280, %dma_wait3A_281] : memref<4x128xi32, #tpu.memory_space<vmem>> -> memref<1x128xi32, #tpu.memory_space<vmem>>
        %dma_wait3A_283 = tpu.memref_squeeze %dma_wait3A_282 : memref<1x128xi32, #tpu.memory_space<vmem>> -> memref<128xi32, #tpu.memory_space<vmem>>
        %dma_wait3A_284 = arith.constant 0 : i32
        %dma_wait3A_285 = tpu.memref_slice %arg5[%dma_wait3A_284] : memref<327680xi32, #tpu.memory_space<hbm>> -> memref<128xi32, #tpu.memory_space<hbm>>
        %dma_wait3A_286 = arith.constant 0 : i32
        %dma_wait3A_287 = tpu.memref_slice %arg8[%dma_wait3A_280, %dma_wait3A_286] : memref<4x128xi32, #tpu.memory_space<vmem>> -> memref<1x128xi32, #tpu.memory_space<vmem>>
        %dma_wait3A_288 = tpu.memref_squeeze %dma_wait3A_287 : memref<1x128xi32, #tpu.memory_space<vmem>> -> memref<128xi32, #tpu.memory_space<vmem>>
        %dma_wait3A_289 = arith.constant 0 : i32
        %dma_wait3A_290 = tpu.memref_slice %arg5[%dma_wait3A_289] : memref<327680xi32, #tpu.memory_space<hbm>> -> memref<128xi32, #tpu.memory_space<hbm>>
        tpu.wait_dma2 semaphore(%arg15 : memref<!tpu.dma_semaphore, #tpu.memory_space<semaphore_mem>>) src(%dma_wait3A_290 : memref<128xi32, #tpu.memory_space<hbm>>) dst(%dma_wait3A_288 : memref<128xi32, #tpu.memory_space<vmem>>)
        %dma_start3A_291 = arith.constant 0 : i32
        %dma_start3A_292 = arith.constant 0 : i32
        %dma_start3A_293 = tpu.memref_slice %arg7[%dma_start3A_291, %dma_start3A_292] : memref<4x128xi32, #tpu.memory_space<vmem>> -> memref<1x128xi32, #tpu.memory_space<vmem>>
        %dma_start3A_294 = tpu.memref_squeeze %dma_start3A_293 : memref<1x128xi32, #tpu.memory_space<vmem>> -> memref<128xi32, #tpu.memory_space<vmem>>
        %dma_start3A_295 = arith.constant 0 : i32
        %dma_start3A_296 = arith.constant 0 : i32
        %dma_start3A_297 = tpu.memref_slice %arg3[%dma_start3A_295, %dma_start3A_296] : memref<10000x128xf32, #tpu.memory_space<hbm>> -> memref<10000x128xf32, #tpu.memory_space<hbm>>
        tpu.enqueue_indirect_dma source(%dma_start3A_297 : memref<10000x128xf32, #tpu.memory_space<hbm>>) target(%arg11 : memref<128x128xf32, #tpu.memory_space<vmem>>) offsets(%dma_start3A_294 : memref<128xi32, #tpu.memory_space<vmem>>) semaphore(%arg19 : memref<!tpu.dma_semaphore, #tpu.memory_space<semaphore_mem>>)
        %dma_start3A_298 = arith.constant 0 : i32
        %dma_start3A_299 = arith.constant 0 : i32
        %dma_start3A_300 = tpu.memref_slice %arg8[%dma_start3A_298, %dma_start3A_299] : memref<4x128xi32, #tpu.memory_space<vmem>> -> memref<1x128xi32, #tpu.memory_space<vmem>>
        %dma_start3A_301 = tpu.memref_squeeze %dma_start3A_300 : memref<1x128xi32, #tpu.memory_space<vmem>> -> memref<128xi32, #tpu.memory_space<vmem>>
        %dma_start3A_302 = arith.constant 0 : i32
        %dma_start3A_303 = arith.constant 0 : i32
        %dma_start3A_304 = tpu.memref_slice %arg2[%dma_start3A_302, %dma_start3A_303] : memref<10000x128xf32, #tpu.memory_space<hbm>> -> memref<10000x128xf32, #tpu.memory_space<hbm>>
        tpu.enqueue_indirect_dma source(%dma_start3A_304 : memref<10000x128xf32, #tpu.memory_space<hbm>>) target(%arg9 : memref<128x128xf32, #tpu.memory_space<vmem>>) offsets(%dma_start3A_301 : memref<128xi32, #tpu.memory_space<vmem>>) semaphore(%arg19 : memref<!tpu.dma_semaphore, #tpu.memory_space<semaphore_mem>>)
      } else {
      }
      %ge3A_243 = arith.constant 2 : i32
      %ge3A_244 = arith.cmpi sge, %add3A_228, %ge3A_243 : i32
      %convert_element_type3A_245 = arith.extui %ge3A_244 : i1 to i32
      %cond3A_246 = arith.constant 0 : i32
      %cond3A_247 = arith.cmpi ne, %convert_element_type3A_245, %cond3A_246 : i32
      scf.if %cond3A_247 {
        %dma_wait3A_269 = arith.constant 0 : i32
        %dma_wait3A_270 = arith.constant 0 : i32
        %dma_wait3A_271 = tpu.memref_slice %arg6[%dma_wait3A_269, %dma_wait3A_270] : memref<8x327680xf32, #tpu.memory_space<hbm>> -> memref<8x128xf32, #tpu.memory_space<hbm>>
        %dma_wait3A_272 = arith.constant 0 : i32
        %dma_wait3A_273 = arith.constant 0 : i32
        %dma_wait3A_274 = tpu.memref_slice %arg6[%dma_wait3A_272, %dma_wait3A_273] : memref<8x327680xf32, #tpu.memory_space<hbm>> -> memref<8x128xf32, #tpu.memory_space<hbm>>
        tpu.wait_dma2 semaphore(%arg22 : memref<!tpu.dma_semaphore, #tpu.memory_space<semaphore_mem>>) src(%arg14 : memref<8x128xf32, #tpu.memory_space<vmem>>) dst(%dma_wait3A_274 : memref<8x128xf32, #tpu.memory_space<hbm>>)
      } else {
      }
      %dma_wait3A_248 = arith.constant 3 : i32
      %dma_wait3A_249 = arith.constant 0 : i32
      %dma_wait3A_250 = tpu.memref_slice %arg7[%dma_wait3A_248, %dma_wait3A_249] : memref<4x128xi32, #tpu.memory_space<vmem>> -> memref<1x128xi32, #tpu.memory_space<vmem>>
      %dma_wait3A_251 = tpu.memref_squeeze %dma_wait3A_250 : memref<1x128xi32, #tpu.memory_space<vmem>> -> memref<128xi32, #tpu.memory_space<vmem>>
      %dma_wait3A_252 = arith.constant 0 : i32
      %dma_wait3A_253 = arith.constant 0 : i32
      %dma_wait3A_254 = tpu.memref_slice %arg3[%dma_wait3A_252, %dma_wait3A_253] : memref<10000x128xf32, #tpu.memory_space<hbm>> -> memref<10000x128xf32, #tpu.memory_space<hbm>>
      tpu.wait_indirect_dma semaphore(%arg20 : memref<!tpu.dma_semaphore, #tpu.memory_space<semaphore_mem>>) src(%dma_wait3A_254 : memref<10000x128xf32, #tpu.memory_space<hbm>>) dst(%arg12 : memref<128x128xf32, #tpu.memory_space<vmem>>)
      %dma_wait3A_255 = arith.constant 3 : i32
      %dma_wait3A_256 = arith.constant 0 : i32
      %dma_wait3A_257 = tpu.memref_slice %arg8[%dma_wait3A_255, %dma_wait3A_256] : memref<4x128xi32, #tpu.memory_space<vmem>> -> memref<1x128xi32, #tpu.memory_space<vmem>>
      %dma_wait3A_258 = tpu.memref_squeeze %dma_wait3A_257 : memref<1x128xi32, #tpu.memory_space<vmem>> -> memref<128xi32, #tpu.memory_space<vmem>>
      %dma_wait3A_259 = arith.constant 0 : i32
      %dma_wait3A_260 = arith.constant 0 : i32
      %dma_wait3A_261 = tpu.memref_slice %arg2[%dma_wait3A_259, %dma_wait3A_260] : memref<10000x128xf32, #tpu.memory_space<hbm>> -> memref<10000x128xf32, #tpu.memory_space<hbm>>
      tpu.wait_indirect_dma semaphore(%arg20 : memref<!tpu.dma_semaphore, #tpu.memory_space<semaphore_mem>>) src(%dma_wait3A_261 : memref<10000x128xf32, #tpu.memory_space<hbm>>) dst(%arg10 : memref<128x128xf32, #tpu.memory_space<vmem>>)
      %mul3A_262 = arith.constant 128 : i32
      %mul3A_263 = arith.muli %add3A_228, %mul3A_262 : i32
      %add3A_264 = arith.addi %mul3A_4, %mul3A_263 : i32
      %dma_start3A_265 = arith.constant 0 : i32
      %dma_start3A_266 = tpu.memref_slice %arg6[%dma_start3A_265, %add3A_264] : memref<8x327680xf32, #tpu.memory_space<hbm>> -> memref<8x128xf32, #tpu.memory_space<hbm>>
      %dma_start3A_267 = arith.constant 0 : i32
      %dma_start3A_268 = tpu.memref_slice %arg6[%dma_start3A_267, %add3A_264] : memref<8x327680xf32, #tpu.memory_space<hbm>> -> memref<8x128xf32, #tpu.memory_space<hbm>>
      tpu.enqueue_dma source(%arg14 : memref<8x128xf32, #tpu.memory_space<vmem>>) target(%dma_start3A_268 : memref<8x128xf32, #tpu.memory_space<hbm>>) target_semaphore(%arg22 : memref<!tpu.dma_semaphore, #tpu.memory_space<semaphore_mem>>)
    }
    %scan3A_83 = arith.constant 20 : i32
    %dma_wait3A_84 = arith.constant 0 : i32
    %dma_wait3A_85 = arith.constant 0 : i32
    %dma_wait3A_86 = tpu.memref_slice %arg6[%dma_wait3A_84, %dma_wait3A_85] : memref<8x327680xf32, #tpu.memory_space<hbm>> -> memref<8x128xf32, #tpu.memory_space<hbm>>
    %dma_wait3A_87 = arith.constant 0 : i32
    %dma_wait3A_88 = arith.constant 0 : i32
    %dma_wait3A_89 = tpu.memref_slice %arg6[%dma_wait3A_87, %dma_wait3A_88] : memref<8x327680xf32, #tpu.memory_space<hbm>> -> memref<8x128xf32, #tpu.memory_space<hbm>>
    tpu.wait_dma2 semaphore(%arg21 : memref<!tpu.dma_semaphore, #tpu.memory_space<semaphore_mem>>) src(%arg13 : memref<8x128xf32, #tpu.memory_space<vmem>>) dst(%dma_wait3A_89 : memref<8x128xf32, #tpu.memory_space<hbm>>)
    %dma_wait3A_90 = arith.constant 0 : i32
    %dma_wait3A_91 = arith.constant 0 : i32
    %dma_wait3A_92 = tpu.memref_slice %arg6[%dma_wait3A_90, %dma_wait3A_91] : memref<8x327680xf32, #tpu.memory_space<hbm>> -> memref<8x128xf32, #tpu.memory_space<hbm>>
    %dma_wait3A_93 = arith.constant 0 : i32
    %dma_wait3A_94 = arith.constant 0 : i32
    %dma_wait3A_95 = tpu.memref_slice %arg6[%dma_wait3A_93, %dma_wait3A_94] : memref<8x327680xf32, #tpu.memory_space<hbm>> -> memref<8x128xf32, #tpu.memory_space<hbm>>
    tpu.wait_dma2 semaphore(%arg22 : memref<!tpu.dma_semaphore, #tpu.memory_space<semaphore_mem>>) src(%arg14 : memref<8x128xf32, #tpu.memory_space<vmem>>) dst(%dma_wait3A_95 : memref<8x128xf32, #tpu.memory_space<hbm>>)
    return
  }
}

module attributes {stable_mosaic.version = 14 : i64} {
  func.func @_qkv_body(%arg0: i32, %arg1: memref<400x128xf32, #tpu.memory_space<vmem>>, %arg2: memref<400x128xf32, #tpu.memory_space<vmem>>, %arg3: memref<128x128xf32, #tpu.memory_space<vmem>>, %arg4: memref<128x128xf32, #tpu.memory_space<vmem>>, %arg5: memref<128x128xf32, #tpu.memory_space<vmem>>, %arg6: memref<1x128xf32, #tpu.memory_space<vmem>>, %arg7: memref<1x128xf32, #tpu.memory_space<vmem>>, %arg8: memref<1x128xf32, #tpu.memory_space<vmem>>, %arg9: memref<400x128xf32, #tpu.memory_space<vmem>>, %arg10: memref<400x128xf32, #tpu.memory_space<vmem>>, %arg11: memref<400x128xf32, #tpu.memory_space<vmem>>) attributes {dimension_semantics = [#tpu.dimension_semantics<arbitrary>], iteration_bounds = array<i64: 25>, scalar_prefetch = 0 : i64, scratch_operands = 0 : i64, tpu.core_type = #tpu.core_type<tc>, window_params = [{transform_indices = @transform_0, window_bounds = array<i64: 400, 128>}, {transform_indices = @transform_1, window_bounds = array<i64: 400, 128>}, {pipeline_mode = #tpu.pipeline_mode<synchronous>, transform_indices = @transform_2, window_bounds = array<i64: 128, 128>}, {pipeline_mode = #tpu.pipeline_mode<synchronous>, transform_indices = @transform_3, window_bounds = array<i64: 128, 128>}, {pipeline_mode = #tpu.pipeline_mode<synchronous>, transform_indices = @transform_4, window_bounds = array<i64: 128, 128>}, {pipeline_mode = #tpu.pipeline_mode<synchronous>, transform_indices = @transform_5, window_bounds = array<i64: 1, 128>}, {pipeline_mode = #tpu.pipeline_mode<synchronous>, transform_indices = @transform_6, window_bounds = array<i64: 1, 128>}, {pipeline_mode = #tpu.pipeline_mode<synchronous>, transform_indices = @transform_7, window_bounds = array<i64: 1, 128>}, {transform_indices = @transform_8, window_bounds = array<i64: 400, 128>}, {transform_indices = @transform_9, window_bounds = array<i64: 400, 128>}, {transform_indices = @transform_10, window_bounds = array<i64: 400, 128>}]} {
    %get3A = arith.constant 0 : index
    %get3A_0 = arith.constant 0 : index
    %get3A_1 = vector.load %arg1[%get3A, %get3A_0] : memref<400x128xf32, #tpu.memory_space<vmem>>, vector<400x128xf32>
    %get3A_2 = arith.constant 0 : index
    %get3A_3 = arith.constant 0 : index
    %get3A_4 = vector.load %arg2[%get3A_2, %get3A_3] : memref<400x128xf32, #tpu.memory_space<vmem>>, vector<400x128xf32>
    %get3A_5 = arith.constant 0 : index
    %get3A_6 = arith.constant 0 : index
    %get3A_7 = vector.load %arg3[%get3A_5, %get3A_6] : memref<128x128xf32, #tpu.memory_space<vmem>>, vector<128x128xf32>
    %dot_general3A = arith.constant dense<0.000000e+00> : vector<400x128xf32>
    %dot_general3A_8 = tpu.matmul %get3A_4, %get3A_7, %dot_general3A {dimension_numbers = #tpu.dot_dimension_numbers<[1], [0], [0], [1], [0, 0, 1, 1], [], []>, transpose_lhs_hint = false} : vector<400x128xf32>, vector<128x128xf32>, vector<400x128xf32> -> vector<400x128xf32>
    %get3A_9 = arith.constant 0 : index
    %get3A_10 = arith.constant 0 : index
    %get3A_11 = vector.load %arg6[%get3A_9, %get3A_10] : memref<1x128xf32, #tpu.memory_space<vmem>>, vector<1x128xf32>
    %add3A = vector.broadcast %get3A_11 : vector<1x128xf32> to vector<400x128xf32>
    %add3A_12 = arith.addf %dot_general3A_8, %add3A : vector<400x128xf32>
    %swap3A = arith.constant 0 : index
    %swap3A_13 = arith.constant 0 : index
    %swap3A_14 = vector.load %arg9[%swap3A, %swap3A_13] : memref<400x128xf32, #tpu.memory_space<vmem>>, vector<400x128xf32>
    tpu.vector_store %arg9[%swap3A, %swap3A_13], %add3A_12 {strides = array<i32>} : memref<400x128xf32, #tpu.memory_space<vmem>>, vector<400x128xf32>,
    %get3A_15 = arith.constant 0 : index
    %get3A_16 = arith.constant 0 : index
    %get3A_17 = vector.load %arg4[%get3A_15, %get3A_16] : memref<128x128xf32, #tpu.memory_space<vmem>>, vector<128x128xf32>
    %dot_general3A_18 = arith.constant dense<0.000000e+00> : vector<400x128xf32>
    %dot_general3A_19 = tpu.matmul %get3A_1, %get3A_17, %dot_general3A_18 {dimension_numbers = #tpu.dot_dimension_numbers<[1], [0], [0], [1], [0, 0, 1, 1], [], []>, transpose_lhs_hint = false} : vector<400x128xf32>, vector<128x128xf32>, vector<400x128xf32> -> vector<400x128xf32>
    %get3A_20 = arith.constant 0 : index
    %get3A_21 = arith.constant 0 : index
    %get3A_22 = vector.load %arg7[%get3A_20, %get3A_21] : memref<1x128xf32, #tpu.memory_space<vmem>>, vector<1x128xf32>
    %add3A_23 = vector.broadcast %get3A_22 : vector<1x128xf32> to vector<400x128xf32>
    %add3A_24 = arith.addf %dot_general3A_19, %add3A_23 : vector<400x128xf32>
    %swap3A_25 = arith.constant 0 : index
    %swap3A_26 = arith.constant 0 : index
    %swap3A_27 = vector.load %arg10[%swap3A_25, %swap3A_26] : memref<400x128xf32, #tpu.memory_space<vmem>>, vector<400x128xf32>
    tpu.vector_store %arg10[%swap3A_25, %swap3A_26], %add3A_24 {strides = array<i32>} : memref<400x128xf32, #tpu.memory_space<vmem>>, vector<400x128xf32>,
    %get3A_28 = arith.constant 0 : index
    %get3A_29 = arith.constant 0 : index
    %get3A_30 = vector.load %arg5[%get3A_28, %get3A_29] : memref<128x128xf32, #tpu.memory_space<vmem>>, vector<128x128xf32>
    %dot_general3A_31 = arith.constant dense<0.000000e+00> : vector<400x128xf32>
    %dot_general3A_32 = tpu.matmul %get3A_1, %get3A_30, %dot_general3A_31 {dimension_numbers = #tpu.dot_dimension_numbers<[1], [0], [0], [1], [0, 0, 1, 1], [], []>, transpose_lhs_hint = false} : vector<400x128xf32>, vector<128x128xf32>, vector<400x128xf32> -> vector<400x128xf32>
    %get3A_33 = arith.constant 0 : index
    %get3A_34 = arith.constant 0 : index
    %get3A_35 = vector.load %arg8[%get3A_33, %get3A_34] : memref<1x128xf32, #tpu.memory_space<vmem>>, vector<1x128xf32>
    %add3A_36 = vector.broadcast %get3A_35 : vector<1x128xf32> to vector<400x128xf32>
    %add3A_37 = arith.addf %dot_general3A_32, %add3A_36 : vector<400x128xf32>
    %swap3A_38 = arith.constant 0 : index
    %swap3A_39 = arith.constant 0 : index
    %swap3A_40 = vector.load %arg11[%swap3A_38, %swap3A_39] : memref<400x128xf32, #tpu.memory_space<vmem>>, vector<400x128xf32>
    tpu.vector_store %arg11[%swap3A_38, %swap3A_39], %add3A_37 {strides = array<i32>} : memref<400x128xf32, #tpu.memory_space<vmem>>, vector<400x128xf32>,
    return
  }
  func.func @transform_0(%arg0: i32) -> (i32, i32) {
    %c0_i32 = arith.constant 0 : i32
    %c0_i32_0 = arith.constant 0 : i32
    return %arg0, %c0_i32 : i32, i32
  }
  func.func @transform_1(%arg0: i32) -> (i32, i32) {
    %c0_i32 = arith.constant 0 : i32
    %c0_i32_0 = arith.constant 0 : i32
    return %arg0, %c0_i32 : i32, i32
  }
  func.func @transform_2(%arg0: i32) -> (i32, i32) {
    %c0_i32 = arith.constant 0 : i32
    %c0_i32_0 = arith.constant 0 : i32
    %c0_i32_1 = arith.constant 0 : i32
    return %c0_i32, %c0_i32_0 : i32, i32
  }
  func.func @transform_3(%arg0: i32) -> (i32, i32) {
    %c0_i32 = arith.constant 0 : i32
    %c0_i32_0 = arith.constant 0 : i32
    %c0_i32_1 = arith.constant 0 : i32
    return %c0_i32, %c0_i32_0 : i32, i32
  }
  func.func @transform_4(%arg0: i32) -> (i32, i32) {
    %c0_i32 = arith.constant 0 : i32
    %c0_i32_0 = arith.constant 0 : i32
    %c0_i32_1 = arith.constant 0 : i32
    return %c0_i32, %c0_i32_0 : i32, i32
  }
  func.func @transform_5(%arg0: i32) -> (i32, i32) {
    %c0_i32 = arith.constant 0 : i32
    %c0_i32_0 = arith.constant 0 : i32
    %c0_i32_1 = arith.constant 0 : i32
    return %c0_i32, %c0_i32_0 : i32, i32
  }
  func.func @transform_6(%arg0: i32) -> (i32, i32) {
    %c0_i32 = arith.constant 0 : i32
    %c0_i32_0 = arith.constant 0 : i32
    %c0_i32_1 = arith.constant 0 : i32
    return %c0_i32, %c0_i32_0 : i32, i32
  }
  func.func @transform_7(%arg0: i32) -> (i32, i32) {
    %c0_i32 = arith.constant 0 : i32
    %c0_i32_0 = arith.constant 0 : i32
    %c0_i32_1 = arith.constant 0 : i32
    return %c0_i32, %c0_i32_0 : i32, i32
  }
  func.func @transform_8(%arg0: i32) -> (i32, i32) {
    %c0_i32 = arith.constant 0 : i32
    %c0_i32_0 = arith.constant 0 : i32
    return %arg0, %c0_i32 : i32, i32
  }
  func.func @transform_9(%arg0: i32) -> (i32, i32) {
    %c0_i32 = arith.constant 0 : i32
    %c0_i32_0 = arith.constant 0 : i32
    return %arg0, %c0_i32 : i32, i32
  }
  func.func @transform_10(%arg0: i32) -> (i32, i32) {
    %c0_i32 = arith.constant 0 : i32
    %c0_i32_0 = arith.constant 0 : i32
    return %arg0, %c0_i32 : i32, i32
  }
}

module attributes {stable_mosaic.version = 14 : i64} {
  func.func @_ebias_body(%arg0: i32, %arg1: memref<16x8192xf32, #tpu.memory_space<vmem>>, %arg2: memref<64x16xf32, #tpu.memory_space<vmem>>, %arg3: memref<64x1xf32, #tpu.memory_space<vmem>>, %arg4: memref<32x64xf32, #tpu.memory_space<vmem>>, %arg5: memref<32x1xf32, #tpu.memory_space<vmem>>, %arg6: memref<8x32xf32, #tpu.memory_space<vmem>>, %arg7: memref<8x1xf32, #tpu.memory_space<vmem>>, %arg8: memref<8x16xf32, #tpu.memory_space<vmem>>, %arg9: memref<8x1xf32, #tpu.memory_space<vmem>>, %arg10: memref<1x1xf32, #tpu.memory_space<vmem>>, %arg11: memref<8x8192xf32, #tpu.memory_space<vmem>>) attributes {dimension_semantics = [#tpu.dimension_semantics<arbitrary>], iteration_bounds = array<i64: 40>, scalar_prefetch = 0 : i64, scratch_operands = 0 : i64, tpu.core_type = #tpu.core_type<tc>, window_params = [{transform_indices = @transform_0, window_bounds = array<i64: 16, 8192>}, {pipeline_mode = #tpu.pipeline_mode<synchronous>, transform_indices = @transform_1, window_bounds = array<i64: 64, 16>}, {pipeline_mode = #tpu.pipeline_mode<synchronous>, transform_indices = @transform_2, window_bounds = array<i64: 64, 1>}, {pipeline_mode = #tpu.pipeline_mode<synchronous>, transform_indices = @transform_3, window_bounds = array<i64: 32, 64>}, {pipeline_mode = #tpu.pipeline_mode<synchronous>, transform_indices = @transform_4, window_bounds = array<i64: 32, 1>}, {pipeline_mode = #tpu.pipeline_mode<synchronous>, transform_indices = @transform_5, window_bounds = array<i64: 8, 32>}, {pipeline_mode = #tpu.pipeline_mode<synchronous>, transform_indices = @transform_6, window_bounds = array<i64: 8, 1>}, {pipeline_mode = #tpu.pipeline_mode<synchronous>, transform_indices = @transform_7, window_bounds = array<i64: 8, 16>}, {pipeline_mode = #tpu.pipeline_mode<synchronous>, transform_indices = @transform_8, window_bounds = array<i64: 8, 1>}, {pipeline_mode = #tpu.pipeline_mode<synchronous>, transform_indices = @transform_9, window_bounds = array<i64: 1, 1>}, {transform_indices = @transform_10, window_bounds = array<i64: 8, 8192>}]} {
    %get3A = arith.constant 0 : index
    %get3A_0 = arith.constant 0 : index
    %get3A_1 = vector.load %arg1[%get3A, %get3A_0] : memref<16x8192xf32, #tpu.memory_space<vmem>>, vector<16x8192xf32>
    %get3A_2 = arith.constant 0 : index
    %get3A_3 = arith.constant 0 : index
    %get3A_4 = vector.load %arg2[%get3A_2, %get3A_3] : memref<64x16xf32, #tpu.memory_space<vmem>>, vector<64x16xf32>
    %dot_general3A = arith.constant dense<0.000000e+00> : vector<64x8192xf32>
    %dot_general3A_5 = tpu.matmul %get3A_4, %get3A_1, %dot_general3A {dimension_numbers = #tpu.dot_dimension_numbers<[1], [0], [0], [1], [0, 0, 1, 1], [], []>, transpose_lhs_hint = false} : vector<64x16xf32>, vector<16x8192xf32>, vector<64x8192xf32> -> vector<64x8192xf32>
    %get3A_6 = arith.constant 0 : index
    %get3A_7 = arith.constant 0 : index
    %get3A_8 = vector.load %arg3[%get3A_6, %get3A_7] : memref<64x1xf32, #tpu.memory_space<vmem>>, vector<64x1xf32>
    %add3A = vector.broadcast %get3A_8 : vector<64x1xf32> to vector<64x8192xf32>
    %add3A_9 = arith.addf %dot_general3A_5, %add3A : vector<64x8192xf32>
    %max3A = arith.constant 0.000000e+00 : f32
    %max3A_10 = vector.broadcast %max3A : f32 to vector<64x8192xf32>
    %max3A_11 = arith.maximumf %add3A_9, %max3A_10 : vector<64x8192xf32>
    %get3A_12 = arith.constant 0 : index
    %get3A_13 = arith.constant 0 : index
    %get3A_14 = vector.load %arg4[%get3A_12, %get3A_13] : memref<32x64xf32, #tpu.memory_space<vmem>>, vector<32x64xf32>
    %dot_general3A_15 = arith.constant dense<0.000000e+00> : vector<32x8192xf32>
    %dot_general3A_16 = tpu.matmul %get3A_14, %max3A_11, %dot_general3A_15 {dimension_numbers = #tpu.dot_dimension_numbers<[1], [0], [0], [1], [0, 0, 1, 1], [], []>, transpose_lhs_hint = false} : vector<32x64xf32>, vector<64x8192xf32>, vector<32x8192xf32> -> vector<32x8192xf32>
    %get3A_17 = arith.constant 0 : index
    %get3A_18 = arith.constant 0 : index
    %get3A_19 = vector.load %arg5[%get3A_17, %get3A_18] : memref<32x1xf32, #tpu.memory_space<vmem>>, vector<32x1xf32>
    %add3A_20 = vector.broadcast %get3A_19 : vector<32x1xf32> to vector<32x8192xf32>
    %add3A_21 = arith.addf %dot_general3A_16, %add3A_20 : vector<32x8192xf32>
    %max3A_22 = arith.constant 0.000000e+00 : f32
    %max3A_23 = vector.broadcast %max3A_22 : f32 to vector<32x8192xf32>
    %max3A_24 = arith.maximumf %add3A_21, %max3A_23 : vector<32x8192xf32>
    %get3A_25 = arith.constant 0 : index
    %get3A_26 = arith.constant 0 : index
    %get3A_27 = vector.load %arg6[%get3A_25, %get3A_26] : memref<8x32xf32, #tpu.memory_space<vmem>>, vector<8x32xf32>
    %dot_general3A_28 = arith.constant dense<0.000000e+00> : vector<8x8192xf32>
    %dot_general3A_29 = tpu.matmul %get3A_27, %max3A_24, %dot_general3A_28 {dimension_numbers = #tpu.dot_dimension_numbers<[1], [0], [0], [1], [0, 0, 1, 1], [], []>, transpose_lhs_hint = false} : vector<8x32xf32>, vector<32x8192xf32>, vector<8x8192xf32> -> vector<8x8192xf32>
    %get3A_30 = arith.constant 0 : index
    %get3A_31 = arith.constant 0 : index
    %get3A_32 = vector.load %arg7[%get3A_30, %get3A_31] : memref<8x1xf32, #tpu.memory_space<vmem>>, vector<8x1xf32>
    %add3A_33 = vector.broadcast %get3A_32 : vector<8x1xf32> to vector<8x8192xf32>
    %add3A_34 = arith.addf %dot_general3A_29, %add3A_33 : vector<8x8192xf32>
    %get3A_35 = arith.constant 0 : index
    %get3A_36 = arith.constant 0 : index
    %get3A_37 = vector.load %arg8[%get3A_35, %get3A_36] : memref<8x16xf32, #tpu.memory_space<vmem>>, vector<8x16xf32>
    %dot_general3A_38 = arith.constant dense<0.000000e+00> : vector<8x8192xf32>
    %dot_general3A_39 = tpu.matmul %get3A_37, %get3A_1, %dot_general3A_38 {dimension_numbers = #tpu.dot_dimension_numbers<[1], [0], [0], [1], [0, 0, 1, 1], [], []>, transpose_lhs_hint = false} : vector<8x16xf32>, vector<16x8192xf32>, vector<8x8192xf32> -> vector<8x8192xf32>
    %get3A_40 = arith.constant 0 : index
    %get3A_41 = arith.constant 0 : index
    %get3A_42 = vector.load %arg9[%get3A_40, %get3A_41] : memref<8x1xf32, #tpu.memory_space<vmem>>, vector<8x1xf32>
    %add3A_43 = vector.broadcast %get3A_42 : vector<8x1xf32> to vector<8x8192xf32>
    %add3A_44 = arith.addf %dot_general3A_39, %add3A_43 : vector<8x8192xf32>
    %get3A_45 = arith.constant 0 : index
    %get3A_46 = arith.constant 0 : index
    %get3A_47 = vector.load %arg10[%get3A_45, %get3A_46] : memref<1x1xf32, #tpu.memory_space<vmem>>, vector<1x1xf32>
    %get3A_48 = vector.extract %get3A_47[0, 0] : f32 from vector<1x1xf32>
    %logistic3A = arith.negf %get3A_48 : f32
    %logistic3A_49 = math.exp %logistic3A : f32
    %logistic3A_50 = arith.constant 1.000000e+00 : f32
    %logistic3A_51 = arith.addf %logistic3A_50, %logistic3A_49 : f32
    %logistic3A_52 = arith.divf %logistic3A_50, %logistic3A_51 : f32
    %mul3A = vector.broadcast %logistic3A_52 : f32 to vector<8x8192xf32>
    %mul3A_53 = arith.mulf %mul3A, %add3A_34 : vector<8x8192xf32>
    %sub3A = arith.constant 1.000000e+00 : f32
    %sub3A_54 = arith.subf %sub3A, %logistic3A_52 : f32
    %mul3A_55 = vector.broadcast %sub3A_54 : f32 to vector<8x8192xf32>
    %mul3A_56 = arith.mulf %mul3A_55, %add3A_44 : vector<8x8192xf32>
    %add3A_57 = arith.addf %mul3A_53, %mul3A_56 : vector<8x8192xf32>
    %swap3A = arith.constant 0 : index
    %swap3A_58 = arith.constant 0 : index
    %swap3A_59 = vector.load %arg11[%swap3A, %swap3A_58] : memref<8x8192xf32, #tpu.memory_space<vmem>>, vector<8x8192xf32>
    tpu.vector_store %arg11[%swap3A, %swap3A_58], %add3A_57 {strides = array<i32>} : memref<8x8192xf32, #tpu.memory_space<vmem>>, vector<8x8192xf32>,
    return
  }
  func.func @transform_0(%arg0: i32) -> (i32, i32) {
    %c0_i32 = arith.constant 0 : i32
    %c0_i32_0 = arith.constant 0 : i32
    return %c0_i32, %arg0 : i32, i32
  }
  func.func @transform_1(%arg0: i32) -> (i32, i32) {
    %c0_i32 = arith.constant 0 : i32
    %c0_i32_0 = arith.constant 0 : i32
    %c0_i32_1 = arith.constant 0 : i32
    return %c0_i32, %c0_i32_0 : i32, i32
  }
  func.func @transform_2(%arg0: i32) -> (i32, i32) {
    %c0_i32 = arith.constant 0 : i32
    %c0_i32_0 = arith.constant 0 : i32
    %c0_i32_1 = arith.constant 0 : i32
    return %c0_i32, %c0_i32_0 : i32, i32
  }
  func.func @transform_3(%arg0: i32) -> (i32, i32) {
    %c0_i32 = arith.constant 0 : i32
    %c0_i32_0 = arith.constant 0 : i32
    %c0_i32_1 = arith.constant 0 : i32
    return %c0_i32, %c0_i32_0 : i32, i32
  }
  func.func @transform_4(%arg0: i32) -> (i32, i32) {
    %c0_i32 = arith.constant 0 : i32
    %c0_i32_0 = arith.constant 0 : i32
    %c0_i32_1 = arith.constant 0 : i32
    return %c0_i32, %c0_i32_0 : i32, i32
  }
  func.func @transform_5(%arg0: i32) -> (i32, i32) {
    %c0_i32 = arith.constant 0 : i32
    %c0_i32_0 = arith.constant 0 : i32
    %c0_i32_1 = arith.constant 0 : i32
    return %c0_i32, %c0_i32_0 : i32, i32
  }
  func.func @transform_6(%arg0: i32) -> (i32, i32) {
    %c0_i32 = arith.constant 0 : i32
    %c0_i32_0 = arith.constant 0 : i32
    %c0_i32_1 = arith.constant 0 : i32
    return %c0_i32, %c0_i32_0 : i32, i32
  }
  func.func @transform_7(%arg0: i32) -> (i32, i32) {
    %c0_i32 = arith.constant 0 : i32
    %c0_i32_0 = arith.constant 0 : i32
    %c0_i32_1 = arith.constant 0 : i32
    return %c0_i32, %c0_i32_0 : i32, i32
  }
  func.func @transform_8(%arg0: i32) -> (i32, i32) {
    %c0_i32 = arith.constant 0 : i32
    %c0_i32_0 = arith.constant 0 : i32
    %c0_i32_1 = arith.constant 0 : i32
    return %c0_i32, %c0_i32_0 : i32, i32
  }
  func.func @transform_9(%arg0: i32) -> (i32, i32) {
    %c0_i32 = arith.constant 0 : i32
    %c0_i32_0 = arith.constant 0 : i32
    %c0_i32_1 = arith.constant 0 : i32
    return %c0_i32, %c0_i32_0 : i32, i32
  }
  func.func @transform_10(%arg0: i32) -> (i32, i32) {
    %c0_i32 = arith.constant 0 : i32
    %c0_i32_0 = arith.constant 0 : i32
    return %c0_i32, %arg0 : i32, i32
  }
}

module attributes {stable_mosaic.version = 14 : i64} {
  func.func @_softmax_body(%arg0: i32, %arg1: i32, %arg2: memref<8x16384xf32, #tpu.memory_space<vmem>>, %arg3: memref<8x16384xf32, #tpu.memory_space<vmem>>, %arg4: memref<8x16384xf32, #tpu.memory_space<vmem>>, %arg5: memref<8x128xf32, #tpu.memory_space<vmem>>, %arg6: memref<8x128xf32, #tpu.memory_space<vmem>>) attributes {dimension_semantics = [#tpu.dimension_semantics<arbitrary>, #tpu.dimension_semantics<arbitrary>], iteration_bounds = array<i64: 3, 20>, scalar_prefetch = 0 : i64, scratch_operands = 2 : i64, tpu.core_type = #tpu.core_type<tc>, window_params = [{transform_indices = @transform_0, window_bounds = array<i64: 8, 16384>}, {transform_indices = @transform_1, window_bounds = array<i64: 8, 16384>}, {transform_indices = @transform_2, window_bounds = array<i64: 8, 16384>}]} {
    %get3A = arith.constant 0 : index
    %get3A_0 = arith.constant 0 : index
    %get3A_1 = vector.load %arg2[%get3A, %get3A_0] : memref<8x16384xf32, #tpu.memory_space<vmem>>, vector<8x16384xf32>
    %mul3A = arith.constant 2.500000e-01 : f32
    %mul3A_2 = vector.broadcast %mul3A : f32 to vector<8x16384xf32>
    %mul3A_3 = arith.mulf %get3A_1, %mul3A_2 : vector<8x16384xf32>
    %get3A_4 = arith.constant 0 : index
    %get3A_5 = arith.constant 0 : index
    %get3A_6 = vector.load %arg3[%get3A_4, %get3A_5] : memref<8x16384xf32, #tpu.memory_space<vmem>>, vector<8x16384xf32>
    %add3A = arith.addf %mul3A_3, %get3A_6 : vector<8x16384xf32>
    %iota3A = tpu.iota {dimensions = array<i32: 1>} : vector<8x16384xi32>
    %mul3A_7 = arith.constant 16384 : i32
    %mul3A_8 = arith.muli %arg1, %mul3A_7 : i32
    %add3A_9 = vector.broadcast %mul3A_8 : i32 to vector<8x16384xi32>
    %add3A_10 = arith.addi %iota3A, %add3A_9 : vector<8x16384xi32>
    %lt3A = arith.constant 320000 : i32
    %lt3A_11 = vector.broadcast %lt3A : i32 to vector<8x16384xi32>
    %lt3A_12 = arith.cmpi slt, %add3A_10, %lt3A_11 : vector<8x16384xi32>
    %jit3A = arith.constant -1.000000e+30 : f32
    %broadcast_in_dim3A = vector.broadcast %jit3A : f32 to vector<8x16384xf32>
    %select_n3A = arith.select %lt3A_12, %add3A, %broadcast_in_dim3A : vector<8x16384xi1>, vector<8x16384xf32>
    %eq3A = arith.constant 0 : i32
    %eq3A_13 = arith.cmpi eq, %arg0, %eq3A : i32
    %eq3A_14 = arith.constant 0 : i32
    %eq3A_15 = arith.cmpi eq, %arg1, %eq3A_14 : i32
    %and3A = arith.andi %eq3A_13, %eq3A_15 : i1
    %convert_element_type3A = arith.extui %and3A : i1 to i32
    %cond3A = arith.constant 0 : i32
    %cond3A_16 = arith.cmpi ne, %convert_element_type3A, %cond3A : i32
    scf.if %cond3A_16 {
      %broadcast_in_dim3A_40 = arith.constant -1.000000e+30 : f32
      %broadcast_in_dim3A_41 = vector.broadcast %broadcast_in_dim3A_40 : f32 to vector<8x128xf32>
      %swap3A = arith.constant 0 : index
      %swap3A_42 = arith.constant 0 : index
      %swap3A_43 = vector.load %arg5[%swap3A, %swap3A_42] : memref<8x128xf32, #tpu.memory_space<vmem>>, vector<8x128xf32>
      tpu.vector_store %arg5[%swap3A, %swap3A_42], %broadcast_in_dim3A_41 {strides = array<i32>} : memref<8x128xf32, #tpu.memory_space<vmem>>, vector<8x128xf32>,
    } else {
    }
    %eq3A_17 = arith.constant 0 : i32
    %eq3A_18 = arith.cmpi eq, %arg0, %eq3A_17 : i32
    %convert_element_type3A_19 = arith.extui %eq3A_18 : i1 to i32
    %cond3A_20 = arith.constant 0 : i32
    %cond3A_21 = arith.cmpi ne, %convert_element_type3A_19, %cond3A_20 : i32
    scf.if %cond3A_21 {
      %reduce_max3A = arith.constant dense<0xFF800000> : vector<8xf32>
      %reduce_max3A_40 = vector.multi_reduction <maximumf>, %select_n3A, %reduce_max3A [1] : vector<8x16384xf32> to vector<8xf32>
      %broadcast_in_dim3A_41 = vector.shape_cast %reduce_max3A_40 : vector<8xf32> to vector<8x1xf32>
      %get3A_42 = arith.constant 0 : index
      %get3A_43 = arith.constant 0 : index
      %get3A_44 = vector.load %arg5[%get3A_42, %get3A_43] : memref<8x128xf32, #tpu.memory_space<vmem>>, vector<8x128xf32>
      %broadcast_in_dim3A_45 = vector.shape_cast %broadcast_in_dim3A_41 : vector<8x1xf32> to vector<8x1xf32>
      %broadcast_in_dim3A_46 = vector.broadcast %broadcast_in_dim3A_45 : vector<8x1xf32> to vector<8x128xf32>
      %max3A = arith.maximumf %get3A_44, %broadcast_in_dim3A_46 : vector<8x128xf32>
      %swap3A = arith.constant 0 : index
      %swap3A_47 = arith.constant 0 : index
      %swap3A_48 = vector.load %arg5[%swap3A, %swap3A_47] : memref<8x128xf32, #tpu.memory_space<vmem>>, vector<8x128xf32>
      tpu.vector_store %arg5[%swap3A, %swap3A_47], %max3A {strides = array<i32>} : memref<8x128xf32, #tpu.memory_space<vmem>>, vector<8x128xf32>,
      %swap3A_49 = arith.constant 0 : index
      %swap3A_50 = arith.constant 0 : index
      %swap3A_51 = vector.load %arg4[%swap3A_49, %swap3A_50] : memref<8x16384xf32, #tpu.memory_space<vmem>>, vector<8x16384xf32>
      tpu.vector_store %arg4[%swap3A_49, %swap3A_50], %select_n3A {strides = array<i32>} : memref<8x16384xf32, #tpu.memory_space<vmem>>, vector<8x16384xf32>,
    } else {
    }
    %eq3A_22 = arith.constant 1 : i32
    %eq3A_23 = arith.cmpi eq, %arg0, %eq3A_22 : i32
    %eq3A_24 = arith.constant 0 : i32
    %eq3A_25 = arith.cmpi eq, %arg1, %eq3A_24 : i32
    %and3A_26 = arith.andi %eq3A_23, %eq3A_25 : i1
    %convert_element_type3A_27 = arith.extui %and3A_26 : i1 to i32
    %cond3A_28 = arith.constant 0 : i32
    %cond3A_29 = arith.cmpi ne, %convert_element_type3A_27, %cond3A_28 : i32
    scf.if %cond3A_29 {
      %broadcast_in_dim3A_40 = arith.constant 0.000000e+00 : f32
      %broadcast_in_dim3A_41 = vector.broadcast %broadcast_in_dim3A_40 : f32 to vector<8x128xf32>
      %swap3A = arith.constant 0 : index
      %swap3A_42 = arith.constant 0 : index
      %swap3A_43 = vector.load %arg6[%swap3A, %swap3A_42] : memref<8x128xf32, #tpu.memory_space<vmem>>, vector<8x128xf32>
      tpu.vector_store %arg6[%swap3A, %swap3A_42], %broadcast_in_dim3A_41 {strides = array<i32>} : memref<8x128xf32, #tpu.memory_space<vmem>>, vector<8x128xf32>,
    } else {
    }
    %eq3A_30 = arith.constant 1 : i32
    %eq3A_31 = arith.cmpi eq, %arg0, %eq3A_30 : i32
    %convert_element_type3A_32 = arith.extui %eq3A_31 : i1 to i32
    %cond3A_33 = arith.constant 0 : i32
    %cond3A_34 = arith.cmpi ne, %convert_element_type3A_32, %cond3A_33 : i32
    scf.if %cond3A_34 {
      %get3A_40 = arith.constant 0 : index
      %get3A_41 = arith.constant 0 : index
      %get3A_42 = vector.load %arg5[%get3A_40, %get3A_41] : memref<8x128xf32, #tpu.memory_space<vmem>>, vector<8x1xf32>
      %sub3A = vector.broadcast %get3A_42 : vector<8x1xf32> to vector<8x16384xf32>
      %sub3A_43 = arith.subf %select_n3A, %sub3A : vector<8x16384xf32>
      %exp3A = math.exp %sub3A_43 : vector<8x16384xf32>
      %get3A_44 = arith.constant 0 : index
      %get3A_45 = arith.constant 0 : index
      %get3A_46 = vector.load %arg6[%get3A_44, %get3A_45] : memref<8x128xf32, #tpu.memory_space<vmem>>, vector<8x128xf32>
      %reduce_sum3A = arith.constant dense<0.000000e+00> : vector<8xf32>
      %reduce_sum3A_47 = vector.multi_reduction <add>, %exp3A, %reduce_sum3A [1] : vector<8x16384xf32> to vector<8xf32>
      %broadcast_in_dim3A_48 = vector.shape_cast %reduce_sum3A_47 : vector<8xf32> to vector<8x1xf32>
      %broadcast_in_dim3A_49 = vector.shape_cast %broadcast_in_dim3A_48 : vector<8x1xf32> to vector<8x1xf32>
      %broadcast_in_dim3A_50 = vector.broadcast %broadcast_in_dim3A_49 : vector<8x1xf32> to vector<8x128xf32>
      %add3A_51 = arith.addf %get3A_46, %broadcast_in_dim3A_50 : vector<8x128xf32>
      %swap3A = arith.constant 0 : index
      %swap3A_52 = arith.constant 0 : index
      %swap3A_53 = vector.load %arg6[%swap3A, %swap3A_52] : memref<8x128xf32, #tpu.memory_space<vmem>>, vector<8x128xf32>
      tpu.vector_store %arg6[%swap3A, %swap3A_52], %add3A_51 {strides = array<i32>} : memref<8x128xf32, #tpu.memory_space<vmem>>, vector<8x128xf32>,
      %swap3A_54 = arith.constant 0 : index
      %swap3A_55 = arith.constant 0 : index
      %swap3A_56 = vector.load %arg4[%swap3A_54, %swap3A_55] : memref<8x16384xf32, #tpu.memory_space<vmem>>, vector<8x16384xf32>
      tpu.vector_store %arg4[%swap3A_54, %swap3A_55], %select_n3A {strides = array<i32>} : memref<8x16384xf32, #tpu.memory_space<vmem>>, vector<8x16384xf32>,
    } else {
    }
    %eq3A_35 = arith.constant 2 : i32
    %eq3A_36 = arith.cmpi eq, %arg0, %eq3A_35 : i32
    %convert_element_type3A_37 = arith.extui %eq3A_36 : i1 to i32
    %cond3A_38 = arith.constant 0 : i32
    %cond3A_39 = arith.cmpi ne, %convert_element_type3A_37, %cond3A_38 : i32
    scf.if %cond3A_39 {
      %get3A_40 = arith.constant 0 : index
      %get3A_41 = arith.constant 0 : index
      %get3A_42 = vector.load %arg5[%get3A_40, %get3A_41] : memref<8x128xf32, #tpu.memory_space<vmem>>, vector<8x1xf32>
      %sub3A = vector.broadcast %get3A_42 : vector<8x1xf32> to vector<8x16384xf32>
      %sub3A_43 = arith.subf %select_n3A, %sub3A : vector<8x16384xf32>
      %exp3A = math.exp %sub3A_43 : vector<8x16384xf32>
      %get3A_44 = arith.constant 0 : index
      %get3A_45 = arith.constant 0 : index
      %get3A_46 = vector.load %arg6[%get3A_44, %get3A_45] : memref<8x128xf32, #tpu.memory_space<vmem>>, vector<8x1xf32>
      %div3A = vector.broadcast %get3A_46 : vector<8x1xf32> to vector<8x16384xf32>
      %div3A_47 = arith.divf %exp3A, %div3A : vector<8x16384xf32>
      %swap3A = arith.constant 0 : index
      %swap3A_48 = arith.constant 0 : index
      %swap3A_49 = vector.load %arg4[%swap3A, %swap3A_48] : memref<8x16384xf32, #tpu.memory_space<vmem>>, vector<8x16384xf32>
      tpu.vector_store %arg4[%swap3A, %swap3A_48], %div3A_47 {strides = array<i32>} : memref<8x16384xf32, #tpu.memory_space<vmem>>, vector<8x16384xf32>,
    } else {
    }
    return
  }
  func.func @transform_0(%arg0: i32, %arg1: i32) -> (i32, i32) {
    %c0_i32 = arith.constant 0 : i32
    %c0_i32_0 = arith.constant 0 : i32
    return %c0_i32, %arg1 : i32, i32
  }
  func.func @transform_1(%arg0: i32, %arg1: i32) -> (i32, i32) {
    %c0_i32 = arith.constant 0 : i32
    %c0_i32_0 = arith.constant 0 : i32
    return %c0_i32, %arg1 : i32, i32
  }
  func.func @transform_2(%arg0: i32, %arg1: i32) -> (i32, i32) {
    %c0_i32 = arith.constant 0 : i32
    %c0_i32_0 = arith.constant 0 : i32
    return %c0_i32, %arg1 : i32, i32
  }
}

module attributes {stable_mosaic.version = 14 : i64} {
  func.func @_omlp_body(%arg0: i32, %arg1: memref<400x128xf32, #tpu.memory_space<vmem>>, %arg2: memref<400x128xf32, #tpu.memory_space<vmem>>, %arg3: memref<400x128xf32, #tpu.memory_space<vmem>>, %arg4: memref<128x256xf32, #tpu.memory_space<vmem>>, %arg5: memref<1x256xf32, #tpu.memory_space<vmem>>, %arg6: memref<256x384xf32, #tpu.memory_space<vmem>>, %arg7: memref<1x384xf32, #tpu.memory_space<vmem>>, %arg8: memref<384x128xf32, #tpu.memory_space<vmem>>, %arg9: memref<1x128xf32, #tpu.memory_space<vmem>>, %arg10: memref<1x128xf32, #tpu.memory_space<vmem>>, %arg11: memref<1x128xf32, #tpu.memory_space<vmem>>, %arg12: memref<1x128xf32, #tpu.memory_space<vmem>>, %arg13: memref<400x128xf32, #tpu.memory_space<vmem>>) attributes {dimension_semantics = [#tpu.dimension_semantics<arbitrary>], iteration_bounds = array<i64: 25>, scalar_prefetch = 0 : i64, scratch_operands = 0 : i64, tpu.core_type = #tpu.core_type<tc>, window_params = [{transform_indices = @transform_0, window_bounds = array<i64: 400, 128>}, {transform_indices = @transform_1, window_bounds = array<i64: 400, 128>}, {transform_indices = @transform_2, window_bounds = array<i64: 400, 128>}, {pipeline_mode = #tpu.pipeline_mode<synchronous>, transform_indices = @transform_3, window_bounds = array<i64: 128, 256>}, {pipeline_mode = #tpu.pipeline_mode<synchronous>, transform_indices = @transform_4, window_bounds = array<i64: 1, 256>}, {pipeline_mode = #tpu.pipeline_mode<synchronous>, transform_indices = @transform_5, window_bounds = array<i64: 256, 384>}, {pipeline_mode = #tpu.pipeline_mode<synchronous>, transform_indices = @transform_6, window_bounds = array<i64: 1, 384>}, {pipeline_mode = #tpu.pipeline_mode<synchronous>, transform_indices = @transform_7, window_bounds = array<i64: 384, 128>}, {pipeline_mode = #tpu.pipeline_mode<synchronous>, transform_indices = @transform_8, window_bounds = array<i64: 1, 128>}, {pipeline_mode = #tpu.pipeline_mode<synchronous>, transform_indices = @transform_9, window_bounds = array<i64: 1, 128>}, {pipeline_mode = #tpu.pipeline_mode<synchronous>, transform_indices = @transform_10, window_bounds = array<i64: 1, 128>}, {pipeline_mode = #tpu.pipeline_mode<synchronous>, transform_indices = @transform_11, window_bounds = array<i64: 1, 128>}, {transform_indices = @transform_12, window_bounds = array<i64: 400, 128>}]} {
    %get3A = arith.constant 0 : index
    %get3A_0 = arith.constant 0 : index
    %get3A_1 = vector.load %arg1[%get3A, %get3A_0] : memref<400x128xf32, #tpu.memory_space<vmem>>, vector<400x128xf32>
    %get3A_2 = arith.constant 0 : index
    %get3A_3 = arith.constant 0 : index
    %get3A_4 = vector.load %arg2[%get3A_2, %get3A_3] : memref<400x128xf32, #tpu.memory_space<vmem>>, vector<400x128xf32>
    %add3A = arith.addf %get3A_1, %get3A_4 : vector<400x128xf32>
    %get3A_5 = arith.constant 0 : index
    %get3A_6 = arith.constant 0 : index
    %get3A_7 = vector.load %arg4[%get3A_5, %get3A_6] : memref<128x256xf32, #tpu.memory_space<vmem>>, vector<128x256xf32>
    %dot_general3A = arith.constant dense<0.000000e+00> : vector<400x256xf32>
    %dot_general3A_8 = tpu.matmul %add3A, %get3A_7, %dot_general3A {dimension_numbers = #tpu.dot_dimension_numbers<[1], [0], [0], [1], [0, 0, 1, 1], [], []>, transpose_lhs_hint = false} : vector<400x128xf32>, vector<128x256xf32>, vector<400x256xf32> -> vector<400x256xf32>
    %get3A_9 = arith.constant 0 : index
    %get3A_10 = arith.constant 0 : index
    %get3A_11 = vector.load %arg5[%get3A_9, %get3A_10] : memref<1x256xf32, #tpu.memory_space<vmem>>, vector<1x256xf32>
    %add3A_12 = vector.broadcast %get3A_11 : vector<1x256xf32> to vector<400x256xf32>
    %add3A_13 = arith.addf %dot_general3A_8, %add3A_12 : vector<400x256xf32>
    %max3A = arith.constant 0.000000e+00 : f32
    %max3A_14 = vector.broadcast %max3A : f32 to vector<400x256xf32>
    %max3A_15 = arith.maximumf %add3A_13, %max3A_14 : vector<400x256xf32>
    %get3A_16 = arith.constant 0 : index
    %get3A_17 = arith.constant 0 : index
    %get3A_18 = vector.load %arg6[%get3A_16, %get3A_17] : memref<256x384xf32, #tpu.memory_space<vmem>>, vector<256x384xf32>
    %dot_general3A_19 = arith.constant dense<0.000000e+00> : vector<400x384xf32>
    %dot_general3A_20 = tpu.matmul %max3A_15, %get3A_18, %dot_general3A_19 {dimension_numbers = #tpu.dot_dimension_numbers<[1], [0], [0], [1], [0, 0, 1, 1], [], []>, transpose_lhs_hint = false} : vector<400x256xf32>, vector<256x384xf32>, vector<400x384xf32> -> vector<400x384xf32>
    %get3A_21 = arith.constant 0 : index
    %get3A_22 = arith.constant 0 : index
    %get3A_23 = vector.load %arg7[%get3A_21, %get3A_22] : memref<1x384xf32, #tpu.memory_space<vmem>>, vector<1x384xf32>
    %add3A_24 = vector.broadcast %get3A_23 : vector<1x384xf32> to vector<400x384xf32>
    %add3A_25 = arith.addf %dot_general3A_20, %add3A_24 : vector<400x384xf32>
    %max3A_26 = arith.constant 0.000000e+00 : f32
    %max3A_27 = vector.broadcast %max3A_26 : f32 to vector<400x384xf32>
    %max3A_28 = arith.maximumf %add3A_25, %max3A_27 : vector<400x384xf32>
    %get3A_29 = arith.constant 0 : index
    %get3A_30 = arith.constant 0 : index
    %get3A_31 = vector.load %arg8[%get3A_29, %get3A_30] : memref<384x128xf32, #tpu.memory_space<vmem>>, vector<384x128xf32>
    %dot_general3A_32 = arith.constant dense<0.000000e+00> : vector<400x128xf32>
    %dot_general3A_33 = tpu.matmul %max3A_28, %get3A_31, %dot_general3A_32 {dimension_numbers = #tpu.dot_dimension_numbers<[1], [0], [0], [1], [0, 0, 1, 1], [], []>, transpose_lhs_hint = false} : vector<400x384xf32>, vector<384x128xf32>, vector<400x128xf32> -> vector<400x128xf32>
    %get3A_34 = arith.constant 0 : index
    %get3A_35 = arith.constant 0 : index
    %get3A_36 = vector.load %arg9[%get3A_34, %get3A_35] : memref<1x128xf32, #tpu.memory_space<vmem>>, vector<1x128xf32>
    %add3A_37 = vector.broadcast %get3A_36 : vector<1x128xf32> to vector<400x128xf32>
    %add3A_38 = arith.addf %dot_general3A_33, %add3A_37 : vector<400x128xf32>
    %get3A_39 = arith.constant 0 : index
    %get3A_40 = arith.constant 0 : index
    %get3A_41 = vector.load %arg3[%get3A_39, %get3A_40] : memref<400x128xf32, #tpu.memory_space<vmem>>, vector<400x128xf32>
    %add3A_42 = arith.addf %add3A_38, %get3A_41 : vector<400x128xf32>
    %get3A_43 = arith.constant 0 : index
    %get3A_44 = arith.constant 0 : index
    %get3A_45 = vector.load %arg10[%get3A_43, %get3A_44] : memref<1x128xf32, #tpu.memory_space<vmem>>, vector<1x128xf32>
    %add3A_46 = vector.broadcast %get3A_45 : vector<1x128xf32> to vector<400x128xf32>
    %add3A_47 = arith.addf %add3A_42, %add3A_46 : vector<400x128xf32>
    %reduce_sum3A = arith.constant dense<0.000000e+00> : vector<400xf32>
    %reduce_sum3A_48 = vector.multi_reduction <add>, %add3A_47, %reduce_sum3A [1] : vector<400x128xf32> to vector<400xf32>
    %broadcast_in_dim3A = vector.shape_cast %reduce_sum3A_48 : vector<400xf32> to vector<400x1xf32>
    %div3A = arith.constant 1.280000e+02 : f32
    %div3A_49 = vector.broadcast %div3A : f32 to vector<400x1xf32>
    %div3A_50 = arith.divf %broadcast_in_dim3A, %div3A_49 : vector<400x1xf32>
    %sub3A = vector.broadcast %div3A_50 : vector<400x1xf32> to vector<400x128xf32>
    %sub3A_51 = arith.subf %add3A_47, %sub3A : vector<400x128xf32>
    %mul3A = arith.mulf %sub3A_51, %sub3A_51 : vector<400x128xf32>
    %reduce_sum3A_52 = arith.constant dense<0.000000e+00> : vector<400xf32>
    %reduce_sum3A_53 = vector.multi_reduction <add>, %mul3A, %reduce_sum3A_52 [1] : vector<400x128xf32> to vector<400xf32>
    %broadcast_in_dim3A_54 = vector.shape_cast %reduce_sum3A_53 : vector<400xf32> to vector<400x1xf32>
    %div3A_55 = arith.constant 1.280000e+02 : f32
    %div3A_56 = vector.broadcast %div3A_55 : f32 to vector<400x1xf32>
    %div3A_57 = arith.divf %broadcast_in_dim3A_54, %div3A_56 : vector<400x1xf32>
    %add3A_58 = arith.constant 9.99999974E-6 : f32
    %add3A_59 = vector.broadcast %add3A_58 : f32 to vector<400x1xf32>
    %add3A_60 = arith.addf %div3A_57, %add3A_59 : vector<400x1xf32>
    %rsqrt3A = math.rsqrt %add3A_60 : vector<400x1xf32>
    %mul3A_61 = vector.broadcast %rsqrt3A : vector<400x1xf32> to vector<400x128xf32>
    %mul3A_62 = arith.mulf %sub3A_51, %mul3A_61 : vector<400x128xf32>
    %get3A_63 = arith.constant 0 : index
    %get3A_64 = arith.constant 0 : index
    %get3A_65 = vector.load %arg11[%get3A_63, %get3A_64] : memref<1x128xf32, #tpu.memory_space<vmem>>, vector<1x128xf32>
    %mul3A_66 = vector.broadcast %get3A_65 : vector<1x128xf32> to vector<400x128xf32>
    %mul3A_67 = arith.mulf %mul3A_62, %mul3A_66 : vector<400x128xf32>
    %get3A_68 = arith.constant 0 : index
    %get3A_69 = arith.constant 0 : index
    %get3A_70 = vector.load %arg12[%get3A_68, %get3A_69] : memref<1x128xf32, #tpu.memory_space<vmem>>, vector<1x128xf32>
    %add3A_71 = vector.broadcast %get3A_70 : vector<1x128xf32> to vector<400x128xf32>
    %add3A_72 = arith.addf %mul3A_67, %add3A_71 : vector<400x128xf32>
    %swap3A = arith.constant 0 : index
    %swap3A_73 = arith.constant 0 : index
    %swap3A_74 = vector.load %arg13[%swap3A, %swap3A_73] : memref<400x128xf32, #tpu.memory_space<vmem>>, vector<400x128xf32>
    tpu.vector_store %arg13[%swap3A, %swap3A_73], %add3A_72 {strides = array<i32>} : memref<400x128xf32, #tpu.memory_space<vmem>>, vector<400x128xf32>,
    return
  }
  func.func @transform_0(%arg0: i32) -> (i32, i32) {
    %c0_i32 = arith.constant 0 : i32
    %c0_i32_0 = arith.constant 0 : i32
    return %arg0, %c0_i32 : i32, i32
  }
  func.func @transform_1(%arg0: i32) -> (i32, i32) {
    %c0_i32 = arith.constant 0 : i32
    %c0_i32_0 = arith.constant 0 : i32
    return %arg0, %c0_i32 : i32, i32
  }
  func.func @transform_2(%arg0: i32) -> (i32, i32) {
    %c0_i32 = arith.constant 0 : i32
    %c0_i32_0 = arith.constant 0 : i32
    return %arg0, %c0_i32 : i32, i32
  }
  func.func @transform_3(%arg0: i32) -> (i32, i32) {
    %c0_i32 = arith.constant 0 : i32
    %c0_i32_0 = arith.constant 0 : i32
    %c0_i32_1 = arith.constant 0 : i32
    return %c0_i32, %c0_i32_0 : i32, i32
  }
  func.func @transform_4(%arg0: i32) -> (i32, i32) {
    %c0_i32 = arith.constant 0 : i32
    %c0_i32_0 = arith.constant 0 : i32
    %c0_i32_1 = arith.constant 0 : i32
    return %c0_i32, %c0_i32_0 : i32, i32
  }
  func.func @transform_5(%arg0: i32) -> (i32, i32) {
    %c0_i32 = arith.constant 0 : i32
    %c0_i32_0 = arith.constant 0 : i32
    %c0_i32_1 = arith.constant 0 : i32
    return %c0_i32, %c0_i32_0 : i32, i32
  }
  func.func @transform_6(%arg0: i32) -> (i32, i32) {
    %c0_i32 = arith.constant 0 : i32
    %c0_i32_0 = arith.constant 0 : i32
    %c0_i32_1 = arith.constant 0 : i32
    return %c0_i32, %c0_i32_0 : i32, i32
  }
  func.func @transform_7(%arg0: i32) -> (i32, i32) {
    %c0_i32 = arith.constant 0 : i32
    %c0_i32_0 = arith.constant 0 : i32
    %c0_i32_1 = arith.constant 0 : i32
    return %c0_i32, %c0_i32_0 : i32, i32
  }
  func.func @transform_8(%arg0: i32) -> (i32, i32) {
    %c0_i32 = arith.constant 0 : i32
    %c0_i32_0 = arith.constant 0 : i32
    %c0_i32_1 = arith.constant 0 : i32
    return %c0_i32, %c0_i32_0 : i32, i32
  }
  func.func @transform_9(%arg0: i32) -> (i32, i32) {
    %c0_i32 = arith.constant 0 : i32
    %c0_i32_0 = arith.constant 0 : i32
    %c0_i32_1 = arith.constant 0 : i32
    return %c0_i32, %c0_i32_0 : i32, i32
  }
  func.func @transform_10(%arg0: i32) -> (i32, i32) {
    %c0_i32 = arith.constant 0 : i32
    %c0_i32_0 = arith.constant 0 : i32
    %c0_i32_1 = arith.constant 0 : i32
    return %c0_i32, %c0_i32_0 : i32, i32
  }
  func.func @transform_11(%arg0: i32) -> (i32, i32) {
    %c0_i32 = arith.constant 0 : i32
    %c0_i32_0 = arith.constant 0 : i32
    %c0_i32_1 = arith.constant 0 : i32
    return %c0_i32, %c0_i32_0 : i32, i32
  }
  func.func @transform_12(%arg0: i32) -> (i32, i32) {
    %c0_i32 = arith.constant 0 : i32
    %c0_i32_0 = arith.constant 0 : i32
    return %arg0, %c0_i32 : i32, i32
  }
}

</mosaic_0001>

<sc_bundles>
// kernel: kernel.11.cloned.1.call-start
scs
__scs_entry_jumppad:
0x0: {  	(pc) =	sbr.rel $0x88, $3  }
0x1: {  	(tag) =	ssettag $0x0;
	lr =	simm.s32 $0x1  }
0x2: {  	[smem:$0x3F85] =	sst lr;
	_ =	strace $0xD0000000  }
0x3: {  	_ = 	snop  }
0x4: {  	_ = 	snop  }
0x5: {  	_ = 	snop  }
0x6: {  	_ = 	snop  }
0x7: {  	_ = 	snop  }
__scs_overlays_trampoline_lowered:
0x8: {  	[smem:$0x3F94] =	sst s0  }
0x9: {  	[smem:$0x3F95] =	sst s1  }
0xa: {  	[smem:$0x3F96] =	sst s2  }
0xb: {  	[smem:$0x3F97] =	sst s3  }
0xc: {  	[smem:$0x3F98] =	sst s4  }
0xd: {  	[smem:$0x3F99] =	sst s5  }
0xe: {  	[smem:$0x3F9A] =	sst s6  }
0xf: {  	[smem:$0x3F9B] =	sst s7  }
0x10: {  	[smem:$0x3F9C] =	sst s8  }
0x11: {  	[smem:$0x3F9D] =	sst s9;
	s0 =	simm.s32 @!p0 $0x0  }
0x12: {  	s1 =	sld [smem:$0x3F83];
	s0 =	simm.s32 @p0 $0x1  }
0x13: {  	[smem:$0x3F9E] =	sst s0;
	s0 =	simm.s32 @!p1 $0x0  }
0x14: {  	s2 =	sld [smem:$0x3F82];
	s0 =	simm.s32 @p1 $0x1  }
0x15: {  	[smem:$0x3F9F] =	sst s0;
	s0 =	simm.s32 @!p2 $0x0  }
0x16: {  	s3 =	sld [smem:$0x3FDB];
	s0 =	simm.s32 @p2 $0x1  }
0x17: {  	s4 =	simm.s32 $0x1BF5;
	[smem:$0x3FA1] =	sst s0  }
0x18: {  	s0 =	sld [smem:$0x3F84];
	_ =	swait.ge [sflag:s4], $0x0  }
0x19: {  	s7 =	sld [smem:$0x3F85]  }
0x1a: {  	s8 =	sadd.s32 $0xFFFFE003, lr  }
0x1b: {  	s9 =	sadd.s32 $0xFFFFFEF7, lr;
	s5 =	simm.s32 $0xFFFFFFFF;
	p2 =	slt.u32 s8, $0xFFFFF086  }
0x1c: {  	p1 =	slt.u32 s9, $0xF7A;
	s5 =	simm.s32 @!p2 $0x0  }
0x1d: {  	s5 =	simm.s32 @p1 $0x1;
	p0 =	seq.s32 s7, s2  }
0x1e: {  	s7 =	smul.u32 @!p0 $0xF7A, s2;
	p2 =	seq.s32 @!p0 s5, $0x0  }
0x1f: {  	s9 =	smul.u32 $0xF7A, s1;
	s8 =	simm.s32 @!p0 $0x1BF5;
	p2 =	por !p2, p0  }
0x20: {  	[sflag:s8] =	ssyncset.s32 @!p0 $0xFFFFF086;
	s6 =	sadd.s32 @!p0 s3, s7;
	s7 =	simm.s32 @!p0 $0x108  }
0x21: {  	s3 =	sadd.s32 s3, s9;
	s6 =	sadd.s32 @!p0 $0x88, s6;
	s7 =	simm.s32 @p2 $0x1082  }
0x22: {  	[simem:s7], [sflag:s8] =	dma.local @!p0 [hbm:s6], $0xF7A  }
0x23: {  	s9 =	sor.u32 $0xD0000000, s2;
	s6 =	simm.s32 $0x108;
	_ =	swait.ge @!p0 [sflag:s8], $0x0  }
0x24: {  	s3 =	sadd.s32 $0x88, s3;
	s6 =	simm.s32 @!p1 $0x1082;
	[sflag:s4] =	ssyncset.s32 $0xFFFFF086  }
0x25: {  	[simem:s6], [sflag:s4] =	dma.local [hbm:s3], $0xF7A  }
0x26: {  	[smem:$0x3F85] =	sst s1;
	(tag) =	ssettag s2;
	_ =	strace s9  }
0x27: {  	s1 =	sld [smem:$0x3F95]  }
0x28: {  	s2 =	sld [smem:$0x3F96]  }
0x29: {  	s4 =	sld [smem:$0x3F98]  }
0x2a: {  	p0 =	seq.s32 s5, $0x0;
	s5 =	sld [smem:$0x3F99]  }
0x2b: {  	s6 =	sld [smem:$0x3F9A]  }
0x2c: {  	s7 =	sld [smem:$0x3F9B]  }
0x2d: {  	s3 =	simm.s32 $0x108;
	s8 =	sld [smem:$0x3F9C]  }
0x2e: {  	s3 =	simm.s32 @!p0 $0x1082;
	s9 =	sld [smem:$0x3F9D]  }
0x2f: {  	lr =	sadd.s32 s0, s3;
	s0 =	sld [smem:$0x3F94]  }
0x30: {  	s3 =	sld [smem:$0x3F97]  }
0x31: {  	[smem:$0x3FA0] =	sst s10  }
0x32: {  	s10 =	sld [smem:$0x3F9E];
	_ =	sdelay $0x3  }
0x33: {  	p0 =	seq.s32 s10, $0x1;
	s10 =	sld [smem:$0x3FA0];
	_ =	sdelay $0x3  }
0x34: {  	[smem:$0x3FA0] =	sst s10  }
0x35: {  	s10 =	sld [smem:$0x3F9F];
	_ =	sdelay $0x3  }
0x36: {  	p1 =	seq.s32 s10, $0x1;
	s10 =	sld [smem:$0x3FA0];
	_ =	sdelay $0x3  }
0x37: {  	[smem:$0x3FA0] =	sst s10  }
0x38: {  	s10 =	sld [smem:$0x3FA1]  }
0x39: {  	_ = 	snop;
	(pc) =	sbr.ind lr, $3  }
0x3a: {  	_ = 	snop  }
0x3b: {  	_ = 	snop  }
0x3c: {  	p2 =	seq.s32 s10, $0x1;
	s10 =	sld [smem:$0x3FA0]  }
0x3d: {  	_ =	shalt  }
0x3e: {  	_ =	shalt  }
0x3f: {  	_ =	shalt  }
0x40: {  	_ =	shalt  }
0x41: {  	_ =	shalt  }
0x42: {  	_ =	shalt  }
0x43: {  	_ =	shalt  }
0x44: {  	_ =	shalt  }
0x45: {  	_ =	shalt  }
0x46: {  	_ =	shalt  }
0x47: {  	_ =	shalt  }
0x48: {  	_ =	shalt  }
0x49: {  	_ =	shalt  }
0x4a: {  	_ =	shalt  }
0x4b: {  	_ =	shalt  }
0x4c: {  	_ =	shalt  }
0x4d: {  	_ =	shalt  }
0x4e: {  	_ =	shalt  }
0x4f: {  	_ =	shalt  }
0x50: {  	_ =	shalt  }
0x51: {  	_ =	shalt  }
0x52: {  	_ =	shalt  }
0x53: {  	_ =	shalt  }
0x54: {  	_ =	shalt  }
0x55: {  	_ =	shalt  }
0x56: {  	_ =	shalt  }
0x57: {  	_ =	shalt  }
0x58: {  	_ =	shalt  }
0x59: {  	_ =	shalt  }
0x5a: {  	_ =	shalt  }
0x5b: {  	_ =	shalt  }
0x5c: {  	_ =	shalt  }
0x5d: {  	_ =	shalt  }
0x5e: {  	_ =	shalt  }
0x5f: {  	_ =	shalt  }
0x60: {  	_ =	shalt  }
0x61: {  	_ =	shalt  }
0x62: {  	_ =	shalt  }
0x63: {  	_ =	shalt  }
0x64: {  	_ =	shalt  }
0x65: {  	_ =	shalt  }
0x66: {  	_ =	shalt  }
0x67: {  	_ =	shalt  }
0x68: {  	_ =	shalt  }
0x69: {  	_ =	shalt  }
0x6a: {  	_ =	shalt  }
0x6b: {  	_ =	shalt  }
0x6c: {  	_ =	shalt  }
0x6d: {  	_ =	shalt  }
0x6e: {  	_ =	shalt  }
0x6f: {  	_ =	shalt  }
0x70: {  	_ =	shalt  }
0x71: {  	_ =	shalt  }
0x72: {  	_ =	shalt  }
0x73: {  	_ =	shalt  }
0x74: {  	_ =	shalt  }
0x75: {  	_ =	shalt  }
0x76: {  	_ =	shalt  }
0x77: {  	_ =	shalt  }
0x78: {  	_ =	shalt  }
0x79: {  	_ =	shalt  }
0x7a: {  	_ =	shalt  }
0x7b: {  	_ =	shalt  }
0x7c: {  	_ =	shalt  }
0x7d: {  	_ =	shalt  }
0x7e: {  	_ =	shalt  }
0x7f: {  	_ =	shalt  }
0x80: {  	_ =	shalt  }
0x81: {  	_ =	shalt  }
0x82: {  	_ =	shalt  }
0x83: {  	_ =	shalt  }
0x84: {  	_ =	shalt  }
0x85: {  	_ =	shalt  }
0x86: {  	_ =	shalt  }
0x87: {  	_ =	shalt  }
.Lfunc_end0:
.L_simem_size_0:
called_computation.1_lowered:
.L_overlay_start_0:
0x88: {  	s2 =	sld [smem:$0x3FD9]  }
0x89: {  	s3 =	sld [smem:$0x3FFE];
	_ =	sdelay $0x1  }
0x8a: {  	s1 =	srdreg.scid  }
0x8b: {  	s0 =	sand.u32 $0x1, s1  }
0x8c: {  	s17 =	sshll.u32 s0, $0xA;
	s2 =	sadd.s32 s3, s2  }
0x8d: {  	s2 =	sadd.s32 s2, s17  }
0x8e: {  	[smem:$0x3FAC] =	sst s2  }
0x8f: {  	_ = 	snop  }
0x90: {  	s2 =	sld [smem:$0x3FD0];
	(tm) =	ssettm $0x1  }
0x91: {  	s18 =	sld [smem:$0x3FFB];
	_ =	sdelay $0x3  }
0x92: {  	_ =	strace s18  }
0x93: {  	s3 =	sld [smem:$0x3FFC];
	_ =	sdelay $0x3  }
0x94: {  	_ =	strace s3  }
0x95: {  	s3 =	sld [smem:$0x3FFD];
	_ =	sdelay $0x3  }
0x96: {  	_ =	strace s3  }
0x97: {  	_ =	strace $0x8FFFFFFF  }
0x98: {  	s19 =	sld [smem:$0x3FDB];
	_ =	sdelay $0x1  }
0x99: {  	s4 =	simm.s32 $_scs_section_size  }
0x9a: {  	s5 =	simm.s32 $_size__tile_overlayer_lowered;
	s6 =	simm.s32 $_tile_overlayer_lowered  }
0x9b: {  	s22 =	simm.s32 $0x1BFF;
	s21 =	sshll.u32 s6, $0x1;
	s3 =	sadd.s32 s4, s19  }
0x9c: {  	s7 =	simm.s32 $0x0;
	s20 =	sshll.u32 s5, $0x1;
	s5 =	sadd.s32 s21, s3  }
0x9d: {  	[timem:s7], [sflag:s22] =	dma.local [hbm:s5], s20  }
0x9e: {  	_ =	swait.ge [sflag:s22], s20  }
0x9f: {  	s4 =	ssub.s32 $0x0, s20;
	[sflag:s22] =	ssyncset.done $0x0  }
0xa0: {  	[sflag:s22] =	ssyncadd.s32 s4;
	_ =	sdelay $0x1  }
0xa1: {  	s23 =	simm.s32 $0x1B8B  }
0xa2: {  	_ =	swait.ge [sflag:s23], $0x1  }
0xa3: {  	[sflag:s23] =	ssyncset.done $0x0  }
0xa4: {  	s25 =	simm.s32 $0x1B8E;
	s24 =	sld [smem:$0x3FFE];
	[sflag:s23] =	ssyncadd.s32 $0xFFFFFFFF  }
0xa5: {  	s26 =	simm.s32 $execute0_lowered;
	[smem:$0x3FD2] =	sst s25  }
0xa6: {  	s5 =	sshll.u32 s26, $0x1;
	_ =	strace $0x80000049;
	[dreg:$0x1] =	wrdreg $0xFFFFFFFF  }
0xa7: {  	s28 =	simm.s32 $_size_execute0_lowered;
	s3 =	sadd.s32 s3, s5;
	[dreg:$0x0] =	wrdreg $0x0  }
0xa8: {  	s5 =	sshll.u32 s28, $0x1;
	[dreg:$0x2] =	wrdreg s3  }
0xa9: {  	[dreg:$0x3] =	wrdreg s5  }
0xaa: {  	[dreg:$0x4] =	wrdreg $0xC0  }
0xab: {  	_ =	task [dreg:s7], $0x5FFFF  }
0xac: {  	[dreg:$0x1] =	wrdreg $0xFFFFFFFF  }
0xad: {  	[dreg:$0x0] =	wrdreg $0x60  }
0xae: {  	[dreg:$0x2] =	wrdreg s2  }
0xaf: {  	[dreg:$0x3] =	wrdreg s24  }
0xb0: {  	[dreg:$0x4] =	wrdreg $0x90000  }
0xb1: {  	[dreg:$0x5] =	wrdreg $0x9  }
0xb2: {  	_ =	task.clear_ibuf [dreg:s7], $0x6FFFF;
	_ =	strace $0x90000049  }
0xb3: {  	s29 =	simm.s32 $0x9;
	_ =	strace $0x8000004B  }
0xb4: {  	_ =	swait.ge [sflag:s29], $0x1  }
0xb5: {  	[sflag:s29] =	ssyncadd.s32 $0xFFFFFFFF  }
0xb6: {  	_ =	strace $0x9000004B  }
0xb7: {  	_ =	sfence  }
0xb8: {  	s30 =	sld [smem:$0x0];
	_ =	sdelay $0x2  }
0xb9: {  	s31 =	sshll.u32 s1, $0xD;
	s1 =	sshrl.u32 s1, $0x2  }
0xba: {  	s3 =	sand.u32 $0x4000, s31;
	s1 =	sadd.s32 s1, s30  }
0xbb: {  	s0 =	sor.u32 s3, s0;
	s1 =	sshll.u32 s1, $0x11  }
0xbc: {  	s0 =	sor.u32 s1, s0  }
0xbd: {  	s0 =	sadd.s32 $0x8F2B, s0  }
0xbe: {  	[sflag:s0] =	ssyncadd.remote.s32 $0x1  }
0xbf: {  	_ =	sfence.sel $0xFFFF  }
0xc0: {  	[dreg:$0x0] =	wrdreg $0xFFFFFFFF;
	(pc) =	sbr.abs _section_cstart, $3  }
0xc1: {  	[dreg:$0x1] =	wrdreg $0xFFFFFFFF  }
0xc2: {  	_ =	task.clear_ibuf [dreg:s7], $0x2FFFF;
	_ =	strace $0x9FFFFFFF  }
0xc3: {  	(tm) =	ssettm $0x7FFFFFFF  }
tec
execute0_lowered:
.L_overlay_start_1:
0x0: {  	(tag) =	ssettag $0x1  }
0x1: {  	s1 =	rddreg [dreg:$0x0]  }
0x2: {  	s0 =	rddreg [dreg:$0x1]  }
0x3: {  	s3 =	rddreg [dreg:$0x2]  }
0x4: {  	s16 =	simm.s32 $0x0;
	s4 =	stileid.u32;
	s9 =	srdreg.scid  }
0x5: {  	s31 =	simm.s32 $0xA;
	s29 =	simm.s32 $0x7;
	[smem:$0x7FF] =	sst s16  }
0x6: {  	s2 =	smul.u32 $0x13800, s4;
	s5 =	sadd.s32 $0x19A00, s0;
	s6 =	sadd.s32 $0x5A00, s0  }
0x7: {  	s7 =	sadd.s32 $0xFA00, s0;
	s9 =	sand.u32 $0x1, s9;
	s12 =	smul.u32 $0x4E000, s4  }
0x8: {  	s13 =	sadd.s32 $0x90C00, s0;
	s22 =	sshll.u32 s4, $0x6;
	s23 =	sadd.s32 $0x138000, s3  }
0x9: {  	p0 =	sne.s32 s4, $0xF;
	_ =	strace $0x8000004A;
	s21 =	ssub.s32 $0x2, s9  }
0xa: {  	s11 =	sshll.u32 s9, $0x4;
	s17 =	sor.u32 $0x1C11, s22;
	[dreg:$0x7] =	wrdreg s23  }
0xb: {  	s9 =	smul.u32 $0x138800, s9;
	s8 =	sshrl.u32 s2, $0x3;
	s14 =	sshrl.u32 s21, $0x1  }
0xc: {  	s11 =	sor.u32 s4, s11;
	s12 =	sshrl.u32 s12, $0x2;
	[dreg:$0x6] =	wrdreg s17  }
0xd: {  	s10 =	sadd.s32 s8, s0;
	s14 =	ssub.s32 s21, s14;
	s8 =	smul.u32 $0x2800, s11  }
0xe: {  	s12 =	sadd.s32 s12, s3;
	s0 =	sadd.s32 $0x90A00, s0;
	s20 =	smul.u32 $0xA0, s11  }
0xf: {  	s19 =	sadd.s32 s2, s9;
	s22 =	sshrl.u32 s9, $0x3;
	[dreg:$0x4] =	wrdreg s12  }
0x10: {  	s11 =	simm.s32 $0x8C00;
	s10 =	sadd.s32 $0x69A00, s10;
	[dreg:$0x8] =	wrdreg s0  }
0x11: {  	[dreg:$0x5] =	wrdreg s10;
	s24 =	sshrl.u32 s8, $0x3;
	s21 =	sadd.s32 s5, s8  }
0x12: {  	s2 =	simm.s32 $0x0;
	s25 =	sadd.s32 s6, s24;
	[dreg:$0xf] =	wrdreg s21  }
0x13: {  	s26 =	sadd.s32 s7, s24;
	s28 =	sor.u32 $0x8, s24;
	[dreg:$0x9] =	wrdreg s25  }
0x14: {  	s10 =	sor.u32 $0x10, s24;
	s24 =	sor.u32 $0x1, s20;
	[dreg:$0xa] =	wrdreg s26  }
0x15: {  	s23 =	sadd.s32 s13, s22;
	s30 =	sadd.s32 s6, s28;
	[dreg:$0x11] =	wrdreg s24  }
0x16: {  	s22 =	simm.s32 $0x9;
	s0 =	sadd.s32 s7, s28;
	[dreg:$0xb] =	wrdreg s30  }
0x17: {  	s12 =	simm.s32 $0x4800;
	s15 =	sadd.s32 s6, s10;
	[dreg:$0xc] =	wrdreg s0  }
0x18: {  	s21 =	simm.s32 $0x8A00;
	s18 =	sadd.s32 s7, s10;
	[dreg:$0xd] =	wrdreg s15  }
0x19: {  	s25 =	smax.u32 s14, $0x1;
	s26 =	sor.u32 $0x2, s20;
	[dreg:$0xe] =	wrdreg s18  }
0x1a: {  	s28 =	sor.u32 $0x240, s8;
	s14 =	simm.s32 $0x800;
	[dreg:$0x13] =	wrdreg s25  }
0x1b: {  	s10 =	simm.s32 $0x6800;
	s24 =	simm.s32 $0xC;
	[dreg:$0x14] =	wrdreg s26  }
0x1c: {  	s0 =	sshrl.u32 s19, $0x3;
	[dreg:$0x15] =	wrdreg s28;
	s30 =	sor.u32 $0x280, s8  }
0x1d: {  	v0 =	vlaneseq.u32;
	s18 =	simm.s32 $0x11;
	s15 =	simm.s32 $0x8800;
	s19 =	simm.s32 $0x2800  }
0x1e: {  	v1 =	vor.u32 $0x10, v0;
	s26 =	simm.s32 $0xB;
	s0 =	sadd.s32 s13, s0;
	[dreg:$0x16] =	wrdreg s30  }
0x1f: {  	v2 =	vor.u32 $0x20, v0;
	v3 =	vor.u32 $0x30, v0;
	v4 =	vor.u32 $0x40, v0;
	s13 =	simm.s32 $0x40;
	[dreg:$0x10] =	wrdreg s0;
	s0 =	sadd.s32 $0x27000, s23  }
0x20: {  	v5 =	vor.u32 $0x50, v0;
	v6 =	vor.u32 $0x60, v0;
	v7 =	vor.u32 $0x70, v0;
	s23 =	simm.s32 $0x8E00;
	[dreg:$0x12] =	wrdreg s0;
	s0 =	simm.s32 $0x8  }
.LBB2_1:
0x21: {  	[dreg:$0x17] =	wrdreg s2  }
0x22: {  	s4 =	rddreg [dreg:$0x4]  }
0x23: {  	s9 =	rddreg [dreg:$0x5];
	s4 =	sshrl.u32 s4, $0x3  }
0x24: {  	[dreg:$0x18] =	wrdreg s4  }
0x25: {  	[spmem:s4], [sflag:s17] =	dma.local [hbm:s9], $0x2700  }
0x26: {  	_ =	swait.ge [sflag:s18], $0x2700  }
0x27: {  	s4 =	rddreg [dreg:$0x7]  }
0x28: {  	[sflag:s18] =	ssyncset.done $0x0;
	s2 =	sshrl.u32 @!p0 s4, $0x3;
	s4 =	rddreg [dreg:$0x8]  }
0x29: {  	s9 =	simm.s32 @!p0 $0x11;
	[sflag:s18] =	ssyncadd.s32 $0xFFFFD900;
	[dreg:$0x19] =	wrdreg s2  }
0x2a: {  	[spmem:s2], [sflag:s17] =	dma.local @!p0 [hbm:s4], $0x100  }
0x2b: {  	_ =	swait.ge @!p0 [sflag:s9], $0x100  }
0x2c: {  	[sflag:s9] =	ssyncset.done @!p0 $0x0  }
0x2d: {  	s25 =	rddreg [dreg:$0x9];
	[sflag:s9] =	ssyncadd.s32 @!p0 $0xFFFFFF00  }
0x2e: {  	[tilespmem:s16], [sflag:$0x1] =	stream.linear.gather [hbm4b:s25+s16], $0x40, $0x38;
	[tilespmem:$0x1C880] =	vst v63  }
0x2f: {  	s2 =	simm.s32 $0x400;
	s30 =	rddreg [dreg:$0xa]  }
0x30: {  	[tilespmem:s2], [sflag:$0x1] =	stream.linear.gather [hbm4b:s30+s16], $0x40, $0x38;
	[tilespmem:$0x1C880] =	vst v63  }
0x31: {  	s17 =	simm.s32 $0x80;
	s9 =	rddreg [dreg:$0xb]  }
0x32: {  	[tilespmem:s17], [sflag:$0x2] =	stream.linear.gather [hbm4b:s9+s16], $0x40, $0x38;
	[tilespmem:$0x1C880] =	vst v63  }
0x33: {  	s18 =	rddreg [dreg:$0xc];
	s25 =	simm.s32 $0x480  }
0x34: {  	[tilespmem:s25], [sflag:$0x2] =	stream.linear.gather [hbm4b:s18+s16], $0x40, $0x38;
	[tilespmem:$0x1C880] =	vst v63  }
0x35: {  	s30 =	rddreg [dreg:$0xd];
	s2 =	simm.s32 $0x100  }
0x36: {  	[tilespmem:s2], [sflag:$0x3] =	stream.linear.gather [hbm4b:s30+s16], $0x40, $0x38;
	[tilespmem:$0x1C880] =	vst v63  }
0x37: {  	s17 =	rddreg [dreg:$0xe];
	s18 =	simm.s32 $0x500;
	s25 =	simm.s32 $0x1  }
0x38: {  	[tilespmem:s18], [sflag:$0x3] =	stream.linear.gather [hbm4b:s17+s16], $0x40, $0x38;
	[tilespmem:$0x1C880] =	vst v63  }
0x39: {  	_ =	swait.ge [sflag:s25], $0x40  }
0x3a: {  	[sflag:s25] =	ssyncset.done $0x0  }
0x3b: {  	[sflag:s25] =	ssyncadd.s32 $0xFFFFFFC0  }
0x3c: {  	_ =	swait.ge [sflag:s25], $0x40  }
0x3d: {  	[sflag:s25] =	ssyncset.done $0x0  }
0x3e: {  	[sflag:s25] =	ssyncadd.s32 $0xFFFFFFC0  }
0x3f: {  	[tilespmem:s14], [sflag:$0x9] =	stream.indirect.gather [hbm4b:s1+s13], $0x80, s16, s13, $0xb8;
	[tilespmem:$0x1C880] =	vst v63  }
0x40: {  	s30 =	rddreg [dreg:$0xf]  }
0x41: {  	[tilespmem:s15], [sflag:$0x9] =	stream.linear.gather [hbm4b:s30+s16], $0x200, $0x38;
	[tilespmem:$0x1C880] =	vst v63  }
0x42: {  	s28 =	simm.s32 $0x0;
	[bflag:$0x0] =	sbarrier.arrive $0xFFFF  }
.LBB2_2:
0x43: {  	s25 =	sshll.u32 s28, $0x3  }
0x44: {  	s17 =	sor.u32 $0x3, s25  }
0x45: {  	s9 =	sshll.u32 s17, $0x6  }
0x46: {  	s9 =	sadd.s32 s8, s9  }
0x47: {  	s9 =	sshrl.u32 s9, $0x3  }
0x48: {  	s4 =	simm.s32 $0x180;
	s18 =	sadd.s32 s6, s9  }
0x49: {  	[tilespmem:s4], [sflag:$0x4] =	stream.linear.gather [hbm4b:s18+s16], $0x40, $0x38;
	[tilespmem:$0x1C880] =	vst v63  }
0x4a: {  	s30 =	simm.s32 $0x2;
	s9 =	sadd.s32 s7, s9;
	s18 =	simm.s32 $0x580  }
0x4b: {  	[tilespmem:s18], [sflag:$0x4] =	stream.linear.gather [hbm4b:s9+s16], $0x40, $0x38;
	[tilespmem:$0x1C880] =	vst v63  }
0x4c: {  	_ =	swait.ge [sflag:s30], $0x40  }
0x4d: {  	[sflag:s30] =	ssyncset.done $0x0  }
0x4e: {  	[sflag:s30] =	ssyncadd.s32 $0xFFFFFFC0  }
0x4f: {  	_ =	swait.ge [sflag:s30], $0x40  }
0x50: {  	p1 =	seq.s32 s28, $0x0;
	[sflag:s30] =	ssyncset.done $0x0  }
0x51: {  	s9 =	simm.s32 @!p1 $0xE;
	[sflag:s30] =	ssyncadd.s32 $0xFFFFFFC0  }
0x52: {  	_ =	swait.ge @!p1 [sflag:s9], $0x2000  }
0x53: {  	[sflag:s9] =	ssyncset.done @!p1 $0x0  }
0x54: {  	s2 =	simm.s32 $0x80;
	[sflag:s9] =	ssyncadd.s32 @!p1 $0xFFFFE000;
	s9 =	rddreg [dreg:$0x11]  }
0x55: {  	[tilespmem:s19], [sflag:$0xA] =	stream.indirect.gather [hbm4b:s1+s13], $0x80, s2, s13, $0xb8;
	[tilespmem:$0x1C880] =	vst v63  }
0x56: {  	s18 =	sadd.s32 s25, s9  }
0x57: {  	s9 =	sshll.u32 s18, $0x6  }
0x58: {  	s9 =	sand.u32 $0x1FFFFE40, s9  }
0x59: {  	s30 =	simm.s32 $0x0;
	s9 =	sadd.s32 s5, s9  }
0x5a: {  	[tilespmem:s21], [sflag:$0xA] =	stream.linear.gather [hbm4b:s9+s30], $0x200, $0x38;
	[tilespmem:$0x1C880] =	vst v63  }
0x5b: {  	v8 =	vmov s30;
	_ =	swait.ge [sflag:s22], $0x2000  }
0x5c: {  	v9 =	vshll.u32 v8, $0x7;
	[sflag:s22] =	ssyncset.done $0x0  }
0x5d: {  	v10 =	vor.u32 v0, v9;
	[sflag:s22] =	ssyncadd.s32 $0xFFFFE000  }
0x5e: {  	_ =	swait.ge [sflag:s22], $0x200  }
0x5f: {  	[sflag:s22] =	ssyncset.done $0x0  }
0x60: {  	[sflag:s22] =	ssyncadd.s32 $0xFFFFFE00  }
0x61: {  	v11 =	vld.idx.msk [tilespmem:v8+s15+$0x0], $0xffff  }
0x62: {  	v12 =	vld.idx.msk [tilespmem:v10+s14+$0x0], $0xffff;
	_ =	sdelay $0x2  }
0x63: {  	v13 =	vor.u32 $0x40, v8  }
0x64: {  	v14 =	vor.u32 v1, v9  }
0x65: {  	v11 =	vmul.f32 v12, v11;
	_ =	sdelay $0x1  }
0x66: {  	[tilespmem:v10+s14+$0x0] =	vst.idx.msk $0xffff, v11  }
0x67: {  	v10 =	vld.idx.msk [tilespmem:v13+s15+$0x0], $0xffff  }
0x68: {  	v11 =	vld.idx.msk [tilespmem:v14+s14+$0x0], $0xffff;
	_ =	sdelay $0x2  }
0x69: {  	v53 =	vor.u32 $0x80, v8  }
0x6a: {  	v54 =	vor.u32 v2, v9  }
0x6b: {  	v10 =	vmul.f32 v11, v10;
	_ =	sdelay $0x1  }
0x6c: {  	[tilespmem:v14+s14+$0x0] =	vst.idx.msk $0xffff, v10  }
0x6d: {  	v10 =	vld.idx.msk [tilespmem:v53+s15+$0x0], $0xffff  }
0x6e: {  	v11 =	vld.idx.msk [tilespmem:v54+s14+$0x0], $0xffff;
	_ =	sdelay $0x2  }
0x6f: {  	v55 =	vor.u32 $0xC0, v8  }
0x70: {  	v56 =	vor.u32 v3, v9  }
0x71: {  	v10 =	vmul.f32 v11, v10;
	_ =	sdelay $0x1  }
0x72: {  	[tilespmem:v54+s14+$0x0] =	vst.idx.msk $0xffff, v10  }
0x73: {  	v10 =	vld.idx.msk [tilespmem:v55+s15+$0x0], $0xffff  }
0x74: {  	v11 =	vld.idx.msk [tilespmem:v56+s14+$0x0], $0xffff;
	_ =	sdelay $0x2  }
0x75: {  	v57 =	vor.u32 $0x100, v8  }
0x76: {  	v58 =	vor.u32 v4, v9  }
0x77: {  	v10 =	vmul.f32 v11, v10;
	_ =	sdelay $0x1  }
0x78: {  	[tilespmem:v56+s14+$0x0] =	vst.idx.msk $0xffff, v10  }
0x79: {  	v10 =	vld.idx.msk [tilespmem:v57+s15+$0x0], $0xffff  }
0x7a: {  	v11 =	vld.idx.msk [tilespmem:v58+s14+$0x0], $0xffff;
	_ =	sdelay $0x2  }
0x7b: {  	v59 =	vor.u32 $0x140, v8  }
0x7c: {  	v60 =	vor.u32 v5, v9  }
0x7d: {  	v10 =	vmul.f32 v11, v10;
	_ =	sdelay $0x1  }
0x7e: {  	[tilespmem:v58+s14+$0x0] =	vst.idx.msk $0xffff, v10  }
0x7f: {  	v10 =	vld.idx.msk [tilespmem:v59+s15+$0x0], $0xffff  }
0x80: {  	v11 =	vld.idx.msk [tilespmem:v60+s14+$0x0], $0xffff;
	_ =	sdelay $0x2  }
0x81: {  	v61 =	vor.u32 $0x180, v8  }
0x82: {  	v62 =	vor.u32 v6, v9  }
0x83: {  	v10 =	vmul.f32 v11, v10;
	_ =	sdelay $0x1  }
0x84: {  	[tilespmem:v60+s14+$0x0] =	vst.idx.msk $0xffff, v10  }
0x85: {  	v10 =	vld.idx.msk [tilespmem:v61+s15+$0x0], $0xffff  }
0x86: {  	v11 =	vld.idx.msk [tilespmem:v62+s14+$0x0], $0xffff;
	_ =	sdelay $0x2  }
0x87: {  	v63 =	vor.u32 $0x1C0, v8  }
0x88: {  	v8 =	vor.u32 v7, v9  }
0x89: {  	v9 =	vmul.f32 v11, v10;
	_ =	sdelay $0x1  }
0x8a: {  	[tilespmem:v62+s14+$0x0] =	vst.idx.msk $0xffff, v9  }
0x8b: {  	v9 =	vld.idx.msk [tilespmem:v63+s15+$0x0], $0xffff  }
0x8c: {  	s9 =	simm.s32 $0x1;
	v10 =	vld.idx.msk [tilespmem:v8+s14+$0x0], $0xffff  }
.LBB2_3:
0x8d: {  	p2 =	sne.s32 s9, $0x3F;
	s18 =	smov.u32 s9;
	s9 =	sadd.s32 $0x1, s9  }
0x8e: {  	_ = 	snop  }
0x8f: {  	v11 =	vmov s18  }
0x90: {  	v12 =	vshll.u32 v11, $0x7  }
0x91: {  	v13 =	vor.u32 v0, v12  }
0x92: {  	v9 =	vmul.f32 v10, v9;
	_ =	sdelay $0x1  }
0x93: {  	[tilespmem:v8+s14+$0x0] =	vst.idx.msk $0xffff, v9  }
0x94: {  	v8 =	vld.idx.msk [tilespmem:v11+s15+$0x0], $0xffff  }
0x95: {  	v9 =	vld.idx.msk [tilespmem:v13+s14+$0x0], $0xffff;
	_ =	sdelay $0x3  }
0x96: {  	v14 =	vor.u32 v1, v12;
	v10 =	vor.u32 $0x40, v11;
	_ =	sdelay $0x1  }
0x97: {  	v8 =	vmul.f32 v9, v8;
	_ =	sdelay $0x1  }
0x98: {  	[tilespmem:v13+s14+$0x0] =	vst.idx.msk $0xffff, v8  }
0x99: {  	v8 =	vld.idx.msk [tilespmem:v10+s15+$0x0], $0xffff  }
0x9a: {  	v9 =	vld.idx.msk [tilespmem:v14+s14+$0x0], $0xffff;
	_ =	sdelay $0x3  }
0x9b: {  	v13 =	vor.u32 v2, v12;
	v10 =	vor.u32 $0x80, v11;
	_ =	sdelay $0x1  }
0x9c: {  	v8 =	vmul.f32 v9, v8;
	_ =	sdelay $0x1  }
0x9d: {  	[tilespmem:v14+s14+$0x0] =	vst.idx.msk $0xffff, v8  }
0x9e: {  	v8 =	vld.idx.msk [tilespmem:v10+s15+$0x0], $0xffff  }
0x9f: {  	v9 =	vld.idx.msk [tilespmem:v13+s14+$0x0], $0xffff;
	_ =	sdelay $0x3  }
0xa0: {  	v14 =	vor.u32 v3, v12;
	v10 =	vor.u32 $0xC0, v11;
	_ =	sdelay $0x1  }
0xa1: {  	v8 =	vmul.f32 v9, v8;
	_ =	sdelay $0x1  }
0xa2: {  	[tilespmem:v13+s14+$0x0] =	vst.idx.msk $0xffff, v8  }
0xa3: {  	v8 =	vld.idx.msk [tilespmem:v10+s15+$0x0], $0xffff  }
0xa4: {  	v9 =	vld.idx.msk [tilespmem:v14+s14+$0x0], $0xffff;
	_ =	sdelay $0x3  }
0xa5: {  	v13 =	vor.u32 v4, v12;
	v10 =	vor.u32 $0x100, v11;
	_ =	sdelay $0x1  }
0xa6: {  	v8 =	vmul.f32 v9, v8;
	_ =	sdelay $0x1  }
0xa7: {  	[tilespmem:v14+s14+$0x0] =	vst.idx.msk $0xffff, v8  }
0xa8: {  	v8 =	vld.idx.msk [tilespmem:v10+s15+$0x0], $0xffff  }
0xa9: {  	v9 =	vld.idx.msk [tilespmem:v13+s14+$0x0], $0xffff;
	_ =	sdelay $0x3  }
0xaa: {  	v14 =	vor.u32 v5, v12;
	v10 =	vor.u32 $0x140, v11;
	_ =	sdelay $0x1  }
0xab: {  	v8 =	vmul.f32 v9, v8;
	_ =	sdelay $0x1  }
0xac: {  	[tilespmem:v13+s14+$0x0] =	vst.idx.msk $0xffff, v8  }
0xad: {  	v8 =	vld.idx.msk [tilespmem:v10+s15+$0x0], $0xffff  }
0xae: {  	v9 =	vld.idx.msk [tilespmem:v14+s14+$0x0], $0xffff;
	_ =	sdelay $0x3  }
0xaf: {  	v13 =	vor.u32 v6, v12;
	v10 =	vor.u32 $0x180, v11;
	_ =	sdelay $0x1  }
0xb0: {  	v8 =	vmul.f32 v9, v8;
	_ =	sdelay $0x1  }
0xb1: {  	[tilespmem:v14+s14+$0x0] =	vst.idx.msk $0xffff, v8  }
0xb2: {  	v9 =	vld.idx.msk [tilespmem:v10+s15+$0x0], $0xffff  }
0xb3: {  	v10 =	vld.idx.msk [tilespmem:v13+s14+$0x0], $0xffff;
	_ =	sdelay $0x3  }
0xb4: {  	v11 =	vor.u32 $0x1C0, v11;
	v8 =	vor.u32 v7, v12;
	_ =	sdelay $0x1  }
.Ltmp0:
0xb5: {  	v9 =	vmul.f32 v10, v9;
	(pc) =	sbr.rel @p2 .LBB2_3-.Ltmp0, $4  }
0xb6: {  	_ = 	snop  }
0xb7: {  	[tilespmem:v13+s14+$0x0] =	vst.idx.msk $0xffff, v9  }
0xb8: {  	v9 =	vld.idx.msk [tilespmem:v11+s15+$0x0], $0xffff  }
0xb9: {  	v10 =	vld.idx.msk [tilespmem:v8+s14+$0x0], $0xffff  }
0xba: {  	_ =	sdelay $0x2  }
0xbb: {  	s18 =	sor.u32 $0x4, s25  }
0xbc: {  	s9 =	sshll.u32 s18, $0x6;
	v9 =	vmul.f32 v10, v9  }
0xbd: {  	s9 =	sadd.s32 s8, s9  }
0xbe: {  	s4 =	simm.s32 $0x400;
	s9 =	sshrl.u32 s9, $0x3;
	[tilespmem:v8+s14+$0x0] =	vst.idx.msk $0xffff, v9  }
0xbf: {  	[spmem:s3] =	stream.indirect.scatter.add.f32 [tilespmem:s14], [sflag:$0xD], $0x80, s4, s13, $0xb8;
	[tilespmem:$0x1C880] =	vst v63  }
0xc0: {  	s2 =	simm.s32 $0x200;
	s30 =	sadd.s32 s6, s9  }
0xc1: {  	[tilespmem:s2], [sflag:$0x5] =	stream.linear.gather [hbm4b:s30+s16], $0x40, $0x38;
	[tilespmem:$0x1C880] =	vst v63  }
0xc2: {  	s9 =	sadd.s32 s7, s9;
	s30 =	simm.s32 $0x600;
	s2 =	simm.s32 $0x3  }
0xc3: {  	[tilespmem:s30], [sflag:$0x5] =	stream.linear.gather [hbm4b:s9+s16], $0x40, $0x38;
	[tilespmem:$0x1C880] =	vst v63  }
0xc4: {  	_ =	swait.ge [sflag:s2], $0x40  }
0xc5: {  	[sflag:s2] =	ssyncset.done $0x0  }
0xc6: {  	[sflag:s2] =	ssyncadd.s32 $0xFFFFFFC0  }
0xc7: {  	_ =	swait.ge [sflag:s2], $0x40  }
0xc8: {  	[sflag:s2] =	ssyncset.done $0x0  }
0xc9: {  	s9 =	simm.s32 @!p1 $0xF;
	[sflag:s2] =	ssyncadd.s32 $0xFFFFFFC0  }
0xca: {  	_ =	swait.ge @!p1 [sflag:s9], $0x2000  }
0xcb: {  	[sflag:s9] =	ssyncset.done @!p1 $0x0;
	s30 =	rddreg [dreg:$0x14]  }
0xcc: {  	[sflag:s9] =	ssyncadd.s32 @!p1 $0xFFFFE000;
	s9 =	simm.s32 $0x100;
	s2 =	sadd.s32 s25, s30  }
0xcd: {  	[tilespmem:s12], [sflag:$0xB] =	stream.indirect.gather [hbm4b:s1+s13], $0x80, s9, s13, $0xb8;
	[tilespmem:$0x1C880] =	vst v63  }
0xce: {  	s9 =	sshll.u32 s2, $0x6  }
0xcf: {  	s9 =	sand.u32 $0x1FFFFE80, s9  }
0xd0: {  	s4 =	simm.s32 $0x0;
	s9 =	sadd.s32 s5, s9  }
0xd1: {  	[tilespmem:s11], [sflag:$0xB] =	stream.linear.gather [hbm4b:s9+s4], $0x200, $0x38;
	[tilespmem:$0x1C880] =	vst v63  }
0xd2: {  	v8 =	vmov s4;
	_ =	swait.ge [sflag:s31], $0x2000  }
0xd3: {  	v9 =	vshll.u32 v8, $0x7;
	[sflag:s31] =	ssyncset.done $0x0  }
0xd4: {  	v10 =	vor.u32 v0, v9;
	[sflag:s31] =	ssyncadd.s32 $0xFFFFE000  }
0xd5: {  	_ =	swait.ge [sflag:s31], $0x200  }
0xd6: {  	[sflag:s31] =	ssyncset.done $0x0  }
0xd7: {  	[sflag:s31] =	ssyncadd.s32 $0xFFFFFE00  }
0xd8: {  	v11 =	vld.idx.msk [tilespmem:v8+s21+$0x0], $0xffff  }
0xd9: {  	v12 =	vld.idx.msk [tilespmem:v10+s19+$0x0], $0xffff;
	_ =	sdelay $0x2  }
0xda: {  	v13 =	vor.u32 $0x40, v8  }
0xdb: {  	v14 =	vor.u32 v1, v9  }
0xdc: {  	v11 =	vmul.f32 v12, v11;
	_ =	sdelay $0x1  }
0xdd: {  	[tilespmem:v10+s19+$0x0] =	vst.idx.msk $0xffff, v11  }
0xde: {  	v10 =	vld.idx.msk [tilespmem:v13+s21+$0x0], $0xffff  }
0xdf: {  	v11 =	vld.idx.msk [tilespmem:v14+s19+$0x0], $0xffff;
	_ =	sdelay $0x2  }
0xe0: {  	v53 =	vor.u32 $0x80, v8  }
0xe1: {  	v54 =	vor.u32 v2, v9  }
0xe2: {  	v10 =	vmul.f32 v11, v10;
	_ =	sdelay $0x1  }
0xe3: {  	[tilespmem:v14+s19+$0x0] =	vst.idx.msk $0xffff, v10  }
0xe4: {  	v10 =	vld.idx.msk [tilespmem:v53+s21+$0x0], $0xffff  }
0xe5: {  	v11 =	vld.idx.msk [tilespmem:v54+s19+$0x0], $0xffff;
	_ =	sdelay $0x2  }
0xe6: {  	v55 =	vor.u32 $0xC0, v8  }
0xe7: {  	v56 =	vor.u32 v3, v9  }
0xe8: {  	v10 =	vmul.f32 v11, v10;
	_ =	sdelay $0x1  }
0xe9: {  	[tilespmem:v54+s19+$0x0] =	vst.idx.msk $0xffff, v10  }
0xea: {  	v10 =	vld.idx.msk [tilespmem:v55+s21+$0x0], $0xffff  }
0xeb: {  	v11 =	vld.idx.msk [tilespmem:v56+s19+$0x0], $0xffff;
	_ =	sdelay $0x2  }
0xec: {  	v57 =	vor.u32 $0x100, v8  }
0xed: {  	v58 =	vor.u32 v4, v9  }
0xee: {  	v10 =	vmul.f32 v11, v10;
	_ =	sdelay $0x1  }
0xef: {  	[tilespmem:v56+s19+$0x0] =	vst.idx.msk $0xffff, v10  }
0xf0: {  	v10 =	vld.idx.msk [tilespmem:v57+s21+$0x0], $0xffff  }
0xf1: {  	v11 =	vld.idx.msk [tilespmem:v58+s19+$0x0], $0xffff;
	_ =	sdelay $0x2  }
0xf2: {  	v59 =	vor.u32 $0x140, v8  }
0xf3: {  	v60 =	vor.u32 v5, v9  }
0xf4: {  	v10 =	vmul.f32 v11, v10;
	_ =	sdelay $0x1  }
0xf5: {  	[tilespmem:v58+s19+$0x0] =	vst.idx.msk $0xffff, v10  }
0xf6: {  	v10 =	vld.idx.msk [tilespmem:v59+s21+$0x0], $0xffff  }
0xf7: {  	v11 =	vld.idx.msk [tilespmem:v60+s19+$0x0], $0xffff;
	_ =	sdelay $0x2  }
0xf8: {  	v61 =	vor.u32 $0x180, v8  }
0xf9: {  	v62 =	vor.u32 v6, v9  }
0xfa: {  	v10 =	vmul.f32 v11, v10;
	_ =	sdelay $0x1  }
0xfb: {  	[tilespmem:v60+s19+$0x0] =	vst.idx.msk $0xffff, v10  }
0xfc: {  	v10 =	vld.idx.msk [tilespmem:v61+s21+$0x0], $0xffff  }
0xfd: {  	v11 =	vld.idx.msk [tilespmem:v62+s19+$0x0], $0xffff;
	_ =	sdelay $0x2  }
0xfe: {  	v63 =	vor.u32 $0x1C0, v8  }
0xff: {  	v8 =	vor.u32 v7, v9  }
0x100: {  	v9 =	vmul.f32 v11, v10;
	_ =	sdelay $0x1  }
0x101: {  	[tilespmem:v62+s19+$0x0] =	vst.idx.msk $0xffff, v9  }
0x102: {  	v9 =	vld.idx.msk [tilespmem:v63+s21+$0x0], $0xffff  }
0x103: {  	s9 =	simm.s32 $0x1;
	v10 =	vld.idx.msk [tilespmem:v8+s19+$0x0], $0xffff  }
.LBB2_5:
0x104: {  	p2 =	sne.s32 s9, $0x3F;
	s30 =	smov.u32 s9;
	s9 =	sadd.s32 $0x1, s9  }
0x105: {  	_ = 	snop  }
0x106: {  	v11 =	vmov s30  }
0x107: {  	v12 =	vshll.u32 v11, $0x7  }
0x108: {  	v13 =	vor.u32 v0, v12  }
0x109: {  	v9 =	vmul.f32 v10, v9;
	_ =	sdelay $0x1  }
0x10a: {  	[tilespmem:v8+s19+$0x0] =	vst.idx.msk $0xffff, v9  }
0x10b: {  	v8 =	vld.idx.msk [tilespmem:v11+s21+$0x0], $0xffff  }
0x10c: {  	v9 =	vld.idx.msk [tilespmem:v13+s19+$0x0], $0xffff;
	_ =	sdelay $0x3  }
0x10d: {  	v14 =	vor.u32 v1, v12;
	v10 =	vor.u32 $0x40, v11;
	_ =	sdelay $0x1  }
0x10e: {  	v8 =	vmul.f32 v9, v8;
	_ =	sdelay $0x1  }
0x10f: {  	[tilespmem:v13+s19+$0x0] =	vst.idx.msk $0xffff, v8  }
0x110: {  	v8 =	vld.idx.msk [tilespmem:v10+s21+$0x0], $0xffff  }
0x111: {  	v9 =	vld.idx.msk [tilespmem:v14+s19+$0x0], $0xffff;
	_ =	sdelay $0x3  }
0x112: {  	v13 =	vor.u32 v2, v12;
	v10 =	vor.u32 $0x80, v11;
	_ =	sdelay $0x1  }
0x113: {  	v8 =	vmul.f32 v9, v8;
	_ =	sdelay $0x1  }
0x114: {  	[tilespmem:v14+s19+$0x0] =	vst.idx.msk $0xffff, v8  }
0x115: {  	v8 =	vld.idx.msk [tilespmem:v10+s21+$0x0], $0xffff  }
0x116: {  	v9 =	vld.idx.msk [tilespmem:v13+s19+$0x0], $0xffff;
	_ =	sdelay $0x3  }
0x117: {  	v14 =	vor.u32 v3, v12;
	v10 =	vor.u32 $0xC0, v11;
	_ =	sdelay $0x1  }
0x118: {  	v8 =	vmul.f32 v9, v8;
	_ =	sdelay $0x1  }
0x119: {  	[tilespmem:v13+s19+$0x0] =	vst.idx.msk $0xffff, v8  }
0x11a: {  	v8 =	vld.idx.msk [tilespmem:v10+s21+$0x0], $0xffff  }
0x11b: {  	v9 =	vld.idx.msk [tilespmem:v14+s19+$0x0], $0xffff;
	_ =	sdelay $0x3  }
0x11c: {  	v13 =	vor.u32 v4, v12;
	v10 =	vor.u32 $0x100, v11;
	_ =	sdelay $0x1  }
0x11d: {  	v8 =	vmul.f32 v9, v8;
	_ =	sdelay $0x1  }
0x11e: {  	[tilespmem:v14+s19+$0x0] =	vst.idx.msk $0xffff, v8  }
0x11f: {  	v8 =	vld.idx.msk [tilespmem:v10+s21+$0x0], $0xffff  }
0x120: {  	v9 =	vld.idx.msk [tilespmem:v13+s19+$0x0], $0xffff;
	_ =	sdelay $0x3  }
0x121: {  	v14 =	vor.u32 v5, v12;
	v10 =	vor.u32 $0x140, v11;
	_ =	sdelay $0x1  }
0x122: {  	v8 =	vmul.f32 v9, v8;
	_ =	sdelay $0x1  }
0x123: {  	[tilespmem:v13+s19+$0x0] =	vst.idx.msk $0xffff, v8  }
0x124: {  	v8 =	vld.idx.msk [tilespmem:v10+s21+$0x0], $0xffff  }
0x125: {  	v9 =	vld.idx.msk [tilespmem:v14+s19+$0x0], $0xffff;
	_ =	sdelay $0x3  }
0x126: {  	v13 =	vor.u32 v6, v12;
	v10 =	vor.u32 $0x180, v11;
	_ =	sdelay $0x1  }
0x127: {  	v8 =	vmul.f32 v9, v8;
	_ =	sdelay $0x1  }
0x128: {  	[tilespmem:v14+s19+$0x0] =	vst.idx.msk $0xffff, v8  }
0x129: {  	v9 =	vld.idx.msk [tilespmem:v10+s21+$0x0], $0xffff  }
0x12a: {  	v10 =	vld.idx.msk [tilespmem:v13+s19+$0x0], $0xffff;
	_ =	sdelay $0x3  }
0x12b: {  	v11 =	vor.u32 $0x1C0, v11;
	v8 =	vor.u32 v7, v12;
	_ =	sdelay $0x1  }
.Ltmp1:
0x12c: {  	v9 =	vmul.f32 v10, v9;
	(pc) =	sbr.rel @p2 .LBB2_5-.Ltmp1, $4  }
0x12d: {  	_ = 	snop  }
0x12e: {  	[tilespmem:v13+s19+$0x0] =	vst.idx.msk $0xffff, v9  }
0x12f: {  	v9 =	vld.idx.msk [tilespmem:v11+s21+$0x0], $0xffff  }
0x130: {  	v10 =	vld.idx.msk [tilespmem:v8+s19+$0x0], $0xffff  }
0x131: {  	_ =	sdelay $0x2  }
0x132: {  	s9 =	sor.u32 $0x5, s25  }
0x133: {  	s30 =	sshll.u32 s9, $0x6;
	v9 =	vmul.f32 v10, v9  }
0x134: {  	s30 =	sadd.s32 s8, s30  }
0x135: {  	s4 =	simm.s32 $0x480;
	s30 =	sshrl.u32 s30, $0x3;
	[tilespmem:v8+s19+$0x0] =	vst.idx.msk $0xffff, v9  }
0x136: {  	[spmem:s3] =	stream.indirect.scatter.add.f32 [tilespmem:s19], [sflag:$0xE], $0x80, s4, s13, $0xb8;
	[tilespmem:$0x1C880] =	vst v63  }
0x137: {  	s2 =	simm.s32 $0x280;
	s4 =	sadd.s32 s6, s30  }
0x138: {  	[tilespmem:s2], [sflag:$0x6] =	stream.linear.gather [hbm4b:s4+s16], $0x40, $0x38;
	[tilespmem:$0x1C880] =	vst v63  }
0x139: {  	s2 =	sadd.s32 s7, s30;
	s30 =	simm.s32 $0x680;
	s4 =	simm.s32 $0x4  }
0x13a: {  	[tilespmem:s30], [sflag:$0x6] =	stream.linear.gather [hbm4b:s2+s16], $0x40, $0x38;
	[tilespmem:$0x1C880] =	vst v63  }
0x13b: {  	_ =	swait.ge [sflag:s4], $0x40  }
0x13c: {  	[sflag:s4] =	ssyncset.done $0x0  }
0x13d: {  	[sflag:s4] =	ssyncadd.s32 $0xFFFFFFC0  }
0x13e: {  	_ =	swait.ge [sflag:s4], $0x40  }
0x13f: {  	[sflag:s4] =	ssyncset.done $0x0  }
0x140: {  	[sflag:s4] =	ssyncadd.s32 $0xFFFFFFC0;
	s4 =	simm.s32 @!p1 $0x10  }
0x141: {  	_ =	swait.ge @!p1 [sflag:s4], $0x2000  }
0x142: {  	s17 =	sadd.s32 s20, s17;
	[sflag:s4] =	ssyncset.done @!p1 $0x0  }
0x143: {  	s16 =	simm.s32 $0x180;
	[sflag:s4] =	ssyncadd.s32 @!p1 $0xFFFFE000;
	s4 =	sshll.u32 s17, $0x6  }
0x144: {  	[tilespmem:s10], [sflag:$0xC] =	stream.indirect.gather [hbm4b:s1+s13], $0x80, s16, s13, $0xb8;
	[tilespmem:$0x1C880] =	vst v63  }
0x145: {  	s4 =	sand.u32 $0x1FFFFEC0, s4  }
0x146: {  	s30 =	simm.s32 $0x0;
	s4 =	sadd.s32 s5, s4  }
0x147: {  	[tilespmem:s23], [sflag:$0xC] =	stream.linear.gather [hbm4b:s4+s30], $0x200, $0x38;
	[tilespmem:$0x1C880] =	vst v63  }
0x148: {  	v8 =	vmov s30;
	_ =	swait.ge [sflag:s26], $0x2000  }
0x149: {  	v9 =	vshll.u32 v8, $0x7;
	[sflag:s26] =	ssyncset.done $0x0  }
0x14a: {  	v10 =	vor.u32 v0, v9;
	[sflag:s26] =	ssyncadd.s32 $0xFFFFE000  }
0x14b: {  	_ =	swait.ge [sflag:s26], $0x200  }
0x14c: {  	[sflag:s26] =	ssyncset.done $0x0  }
0x14d: {  	[sflag:s26] =	ssyncadd.s32 $0xFFFFFE00  }
0x14e: {  	v11 =	vld.idx.msk [tilespmem:v8+s11+$0x0], $0xffff  }
0x14f: {  	v12 =	vld.idx.msk [tilespmem:v10+s12+$0x0], $0xffff;
	_ =	sdelay $0x2  }
0x150: {  	v13 =	vor.u32 $0x40, v8  }
0x151: {  	v14 =	vor.u32 v1, v9  }
0x152: {  	v11 =	vmul.f32 v12, v11;
	_ =	sdelay $0x1  }
0x153: {  	[tilespmem:v10+s12+$0x0] =	vst.idx.msk $0xffff, v11  }
0x154: {  	v10 =	vld.idx.msk [tilespmem:v13+s11+$0x0], $0xffff  }
0x155: {  	v11 =	vld.idx.msk [tilespmem:v14+s12+$0x0], $0xffff;
	_ =	sdelay $0x2  }
0x156: {  	v53 =	vor.u32 $0x80, v8  }
0x157: {  	v54 =	vor.u32 v2, v9  }
0x158: {  	v10 =	vmul.f32 v11, v10;
	_ =	sdelay $0x1  }
0x159: {  	[tilespmem:v14+s12+$0x0] =	vst.idx.msk $0xffff, v10  }
0x15a: {  	v10 =	vld.idx.msk [tilespmem:v53+s11+$0x0], $0xffff  }
0x15b: {  	v11 =	vld.idx.msk [tilespmem:v54+s12+$0x0], $0xffff;
	_ =	sdelay $0x2  }
0x15c: {  	v55 =	vor.u32 $0xC0, v8  }
0x15d: {  	v56 =	vor.u32 v3, v9  }
0x15e: {  	v10 =	vmul.f32 v11, v10;
	_ =	sdelay $0x1  }
0x15f: {  	[tilespmem:v54+s12+$0x0] =	vst.idx.msk $0xffff, v10  }
0x160: {  	v10 =	vld.idx.msk [tilespmem:v55+s11+$0x0], $0xffff  }
0x161: {  	v11 =	vld.idx.msk [tilespmem:v56+s12+$0x0], $0xffff;
	_ =	sdelay $0x2  }
0x162: {  	v57 =	vor.u32 $0x100, v8  }
0x163: {  	v58 =	vor.u32 v4, v9  }
0x164: {  	v10 =	vmul.f32 v11, v10;
	_ =	sdelay $0x1  }
0x165: {  	[tilespmem:v56+s12+$0x0] =	vst.idx.msk $0xffff, v10  }
0x166: {  	v10 =	vld.idx.msk [tilespmem:v57+s11+$0x0], $0xffff  }
0x167: {  	v11 =	vld.idx.msk [tilespmem:v58+s12+$0x0], $0xffff;
	_ =	sdelay $0x2  }
0x168: {  	v59 =	vor.u32 $0x140, v8  }
0x169: {  	v60 =	vor.u32 v5, v9  }
0x16a: {  	v10 =	vmul.f32 v11, v10;
	_ =	sdelay $0x1  }
0x16b: {  	[tilespmem:v58+s12+$0x0] =	vst.idx.msk $0xffff, v10  }
0x16c: {  	v10 =	vld.idx.msk [tilespmem:v59+s11+$0x0], $0xffff  }
0x16d: {  	v11 =	vld.idx.msk [tilespmem:v60+s12+$0x0], $0xffff;
	_ =	sdelay $0x2  }
0x16e: {  	v61 =	vor.u32 $0x180, v8  }
0x16f: {  	v62 =	vor.u32 v6, v9  }
0x170: {  	v10 =	vmul.f32 v11, v10;
	_ =	sdelay $0x1  }
0x171: {  	[tilespmem:v60+s12+$0x0] =	vst.idx.msk $0xffff, v10  }
0x172: {  	v10 =	vld.idx.msk [tilespmem:v61+s11+$0x0], $0xffff  }
0x173: {  	v11 =	vld.idx.msk [tilespmem:v62+s12+$0x0], $0xffff;
	_ =	sdelay $0x2  }
0x174: {  	v63 =	vor.u32 $0x1C0, v8  }
0x175: {  	v8 =	vor.u32 v7, v9  }
0x176: {  	v9 =	vmul.f32 v11, v10;
	_ =	sdelay $0x1  }
0x177: {  	[tilespmem:v62+s12+$0x0] =	vst.idx.msk $0xffff, v9  }
0x178: {  	v9 =	vld.idx.msk [tilespmem:v63+s11+$0x0], $0xffff  }
0x179: {  	s17 =	simm.s32 $0x1;
	v10 =	vld.idx.msk [tilespmem:v8+s12+$0x0], $0xffff  }
.LBB2_7:
0x17a: {  	p1 =	sne.s32 s17, $0x3F;
	s4 =	smov.u32 s17;
	s17 =	sadd.s32 $0x1, s17  }
0x17b: {  	_ = 	snop  }
0x17c: {  	v11 =	vmov s4  }
0x17d: {  	v12 =	vshll.u32 v11, $0x7  }
0x17e: {  	v13 =	vor.u32 v0, v12  }
0x17f: {  	v9 =	vmul.f32 v10, v9;
	_ =	sdelay $0x1  }
0x180: {  	[tilespmem:v8+s12+$0x0] =	vst.idx.msk $0xffff, v9  }
0x181: {  	v8 =	vld.idx.msk [tilespmem:v11+s11+$0x0], $0xffff  }
0x182: {  	v9 =	vld.idx.msk [tilespmem:v13+s12+$0x0], $0xffff;
	_ =	sdelay $0x3  }
0x183: {  	v14 =	vor.u32 v1, v12;
	v10 =	vor.u32 $0x40, v11;
	_ =	sdelay $0x1  }
0x184: {  	v8 =	vmul.f32 v9, v8;
	_ =	sdelay $0x1  }
0x185: {  	[tilespmem:v13+s12+$0x0] =	vst.idx.msk $0xffff, v8  }
0x186: {  	v8 =	vld.idx.msk [tilespmem:v10+s11+$0x0], $0xffff  }
0x187: {  	v9 =	vld.idx.msk [tilespmem:v14+s12+$0x0], $0xffff;
	_ =	sdelay $0x3  }
0x188: {  	v13 =	vor.u32 v2, v12;
	v10 =	vor.u32 $0x80, v11;
	_ =	sdelay $0x1  }
0x189: {  	v8 =	vmul.f32 v9, v8;
	_ =	sdelay $0x1  }
0x18a: {  	[tilespmem:v14+s12+$0x0] =	vst.idx.msk $0xffff, v8  }
0x18b: {  	v8 =	vld.idx.msk [tilespmem:v10+s11+$0x0], $0xffff  }
0x18c: {  	v9 =	vld.idx.msk [tilespmem:v13+s12+$0x0], $0xffff;
	_ =	sdelay $0x3  }
0x18d: {  	v14 =	vor.u32 v3, v12;
	v10 =	vor.u32 $0xC0, v11;
	_ =	sdelay $0x1  }
0x18e: {  	v8 =	vmul.f32 v9, v8;
	_ =	sdelay $0x1  }
0x18f: {  	[tilespmem:v13+s12+$0x0] =	vst.idx.msk $0xffff, v8  }
0x190: {  	v8 =	vld.idx.msk [tilespmem:v10+s11+$0x0], $0xffff  }
0x191: {  	v9 =	vld.idx.msk [tilespmem:v14+s12+$0x0], $0xffff;
	_ =	sdelay $0x3  }
0x192: {  	v13 =	vor.u32 v4, v12;
	v10 =	vor.u32 $0x100, v11;
	_ =	sdelay $0x1  }
0x193: {  	v8 =	vmul.f32 v9, v8;
	_ =	sdelay $0x1  }
0x194: {  	[tilespmem:v14+s12+$0x0] =	vst.idx.msk $0xffff, v8  }
0x195: {  	v8 =	vld.idx.msk [tilespmem:v10+s11+$0x0], $0xffff  }
0x196: {  	v9 =	vld.idx.msk [tilespmem:v13+s12+$0x0], $0xffff;
	_ =	sdelay $0x3  }
0x197: {  	v14 =	vor.u32 v5, v12;
	v10 =	vor.u32 $0x140, v11;
	_ =	sdelay $0x1  }
0x198: {  	v8 =	vmul.f32 v9, v8;
	_ =	sdelay $0x1  }
0x199: {  	[tilespmem:v13+s12+$0x0] =	vst.idx.msk $0xffff, v8  }
0x19a: {  	v8 =	vld.idx.msk [tilespmem:v10+s11+$0x0], $0xffff  }
0x19b: {  	v9 =	vld.idx.msk [tilespmem:v14+s12+$0x0], $0xffff;
	_ =	sdelay $0x3  }
0x19c: {  	v13 =	vor.u32 v6, v12;
	v10 =	vor.u32 $0x180, v11;
	_ =	sdelay $0x1  }
0x19d: {  	v8 =	vmul.f32 v9, v8;
	_ =	sdelay $0x1  }
0x19e: {  	[tilespmem:v14+s12+$0x0] =	vst.idx.msk $0xffff, v8  }
0x19f: {  	v9 =	vld.idx.msk [tilespmem:v10+s11+$0x0], $0xffff  }
0x1a0: {  	v10 =	vld.idx.msk [tilespmem:v13+s12+$0x0], $0xffff;
	_ =	sdelay $0x3  }
0x1a1: {  	v11 =	vor.u32 $0x1C0, v11;
	v8 =	vor.u32 v7, v12;
	_ =	sdelay $0x1  }
.Ltmp2:
0x1a2: {  	v9 =	vmul.f32 v10, v9;
	(pc) =	sbr.rel @p1 .LBB2_7-.Ltmp2, $4  }
0x1a3: {  	_ = 	snop  }
0x1a4: {  	[tilespmem:v13+s12+$0x0] =	vst.idx.msk $0xffff, v9  }
0x1a5: {  	v9 =	vld.idx.msk [tilespmem:v11+s11+$0x0], $0xffff  }
0x1a6: {  	v10 =	vld.idx.msk [tilespmem:v8+s12+$0x0], $0xffff  }
0x1a7: {  	_ =	sdelay $0x3  }
0x1a8: {  	v9 =	vmul.f32 v10, v9  }
0x1a9: {  	s30 =	sor.u32 $0x6, s25  }
0x1aa: {  	s4 =	simm.s32 $0x500;
	s16 =	sshll.u32 s30, $0x6;
	[tilespmem:v8+s12+$0x0] =	vst.idx.msk $0xffff, v9  }
0x1ab: {  	[spmem:s3] =	stream.indirect.scatter.add.f32 [tilespmem:s12], [sflag:$0xF], $0x80, s4, s13, $0xb8;
	[tilespmem:$0x1C880] =	vst v63  }
0x1ac: {  	s4 =	sadd.s32 s8, s16  }
0x1ad: {  	s4 =	sshrl.u32 s4, $0x3  }
0x1ae: {  	s2 =	simm.s32 $0x300;
	s16 =	simm.s32 $0x0;
	s17 =	sadd.s32 s6, s4  }
0x1af: {  	[tilespmem:s2], [sflag:$0x7] =	stream.linear.gather [hbm4b:s17+s16], $0x40, $0x38;
	[tilespmem:$0x1C880] =	vst v63  }
0x1b0: {  	s4 =	sadd.s32 s7, s4;
	s17 =	simm.s32 $0x700  }
0x1b1: {  	[tilespmem:s17], [sflag:$0x7] =	stream.linear.gather [hbm4b:s4+s16], $0x40, $0x38;
	[tilespmem:$0x1C880] =	vst v63  }
0x1b2: {  	s17 =	simm.s32 $0x5  }
0x1b3: {  	_ =	swait.ge [sflag:s17], $0x40  }
0x1b4: {  	[sflag:s17] =	ssyncset.done $0x0  }
0x1b5: {  	[sflag:s17] =	ssyncadd.s32 $0xFFFFFFC0  }
0x1b6: {  	_ =	swait.ge [sflag:s17], $0x40  }
0x1b7: {  	[sflag:s17] =	ssyncset.done $0x0  }
0x1b8: {  	s4 =	simm.s32 $0xD;
	[sflag:s17] =	ssyncadd.s32 $0xFFFFFFC0  }
0x1b9: {  	_ =	swait.ge [sflag:s4], $0x2000  }
0x1ba: {  	s18 =	sadd.s32 s20, s18;
	[sflag:s4] =	ssyncset.done $0x0  }
0x1bb: {  	s17 =	simm.s32 $0x200;
	[sflag:s4] =	ssyncadd.s32 $0xFFFFE000;
	s4 =	sshll.u32 s18, $0x6  }
0x1bc: {  	[tilespmem:s14], [sflag:$0x9] =	stream.indirect.gather [hbm4b:s1+s13], $0x80, s17, s13, $0xb8;
	[tilespmem:$0x1C880] =	vst v63  }
0x1bd: {  	s4 =	sand.u32 $0x1FFFFF00, s4  }
0x1be: {  	s4 =	sadd.s32 s5, s4  }
0x1bf: {  	[tilespmem:s15], [sflag:$0x9] =	stream.linear.gather [hbm4b:s4+s16], $0x200, $0x38;
	[tilespmem:$0x1C880] =	vst v63  }
0x1c0: {  	v8 =	vmov s16;
	_ =	swait.ge [sflag:s24], $0x2000  }
0x1c1: {  	v9 =	vshll.u32 v8, $0x7;
	[sflag:s24] =	ssyncset.done $0x0  }
0x1c2: {  	v10 =	vor.u32 v0, v9;
	[sflag:s24] =	ssyncadd.s32 $0xFFFFE000  }
0x1c3: {  	_ =	swait.ge [sflag:s24], $0x200  }
0x1c4: {  	[sflag:s24] =	ssyncset.done $0x0  }
0x1c5: {  	[sflag:s24] =	ssyncadd.s32 $0xFFFFFE00  }
0x1c6: {  	v11 =	vld.idx.msk [tilespmem:v8+s23+$0x0], $0xffff  }
0x1c7: {  	v12 =	vld.idx.msk [tilespmem:v10+s10+$0x0], $0xffff;
	_ =	sdelay $0x2  }
0x1c8: {  	v13 =	vor.u32 $0x40, v8  }
0x1c9: {  	v14 =	vor.u32 v1, v9  }
0x1ca: {  	v11 =	vmul.f32 v12, v11;
	_ =	sdelay $0x1  }
0x1cb: {  	[tilespmem:v10+s10+$0x0] =	vst.idx.msk $0xffff, v11  }
0x1cc: {  	v10 =	vld.idx.msk [tilespmem:v13+s23+$0x0], $0xffff  }
0x1cd: {  	v11 =	vld.idx.msk [tilespmem:v14+s10+$0x0], $0xffff;
	_ =	sdelay $0x2  }
0x1ce: {  	v53 =	vor.u32 $0x80, v8  }
0x1cf: {  	v54 =	vor.u32 v2, v9  }
0x1d0: {  	v10 =	vmul.f32 v11, v10;
	_ =	sdelay $0x1  }
0x1d1: {  	[tilespmem:v14+s10+$0x0] =	vst.idx.msk $0xffff, v10  }
0x1d2: {  	v10 =	vld.idx.msk [tilespmem:v53+s23+$0x0], $0xffff  }
0x1d3: {  	v11 =	vld.idx.msk [tilespmem:v54+s10+$0x0], $0xffff;
	_ =	sdelay $0x2  }
0x1d4: {  	v55 =	vor.u32 $0xC0, v8  }
0x1d5: {  	v56 =	vor.u32 v3, v9  }
0x1d6: {  	v10 =	vmul.f32 v11, v10;
	_ =	sdelay $0x1  }
0x1d7: {  	[tilespmem:v54+s10+$0x0] =	vst.idx.msk $0xffff, v10  }
0x1d8: {  	v10 =	vld.idx.msk [tilespmem:v55+s23+$0x0], $0xffff  }
0x1d9: {  	v11 =	vld.idx.msk [tilespmem:v56+s10+$0x0], $0xffff;
	_ =	sdelay $0x2  }
0x1da: {  	v57 =	vor.u32 $0x100, v8  }
0x1db: {  	v58 =	vor.u32 v4, v9  }
0x1dc: {  	v10 =	vmul.f32 v11, v10;
	_ =	sdelay $0x1  }
0x1dd: {  	[tilespmem:v56+s10+$0x0] =	vst.idx.msk $0xffff, v10  }
0x1de: {  	v10 =	vld.idx.msk [tilespmem:v57+s23+$0x0], $0xffff  }
0x1df: {  	v11 =	vld.idx.msk [tilespmem:v58+s10+$0x0], $0xffff;
	_ =	sdelay $0x2  }
0x1e0: {  	v59 =	vor.u32 $0x140, v8  }
0x1e1: {  	v60 =	vor.u32 v5, v9  }
0x1e2: {  	v10 =	vmul.f32 v11, v10;
	_ =	sdelay $0x1  }
0x1e3: {  	[tilespmem:v58+s10+$0x0] =	vst.idx.msk $0xffff, v10  }
0x1e4: {  	v10 =	vld.idx.msk [tilespmem:v59+s23+$0x0], $0xffff  }
0x1e5: {  	v11 =	vld.idx.msk [tilespmem:v60+s10+$0x0], $0xffff;
	_ =	sdelay $0x2  }
0x1e6: {  	v61 =	vor.u32 $0x180, v8  }
0x1e7: {  	v62 =	vor.u32 v6, v9  }
0x1e8: {  	v10 =	vmul.f32 v11, v10;
	_ =	sdelay $0x1  }
0x1e9: {  	[tilespmem:v60+s10+$0x0] =	vst.idx.msk $0xffff, v10  }
0x1ea: {  	v10 =	vld.idx.msk [tilespmem:v61+s23+$0x0], $0xffff  }
0x1eb: {  	v11 =	vld.idx.msk [tilespmem:v62+s10+$0x0], $0xffff;
	_ =	sdelay $0x2  }
0x1ec: {  	v63 =	vor.u32 $0x1C0, v8  }
0x1ed: {  	v8 =	vor.u32 v7, v9  }
0x1ee: {  	v9 =	vmul.f32 v11, v10;
	_ =	sdelay $0x1  }
0x1ef: {  	[tilespmem:v62+s10+$0x0] =	vst.idx.msk $0xffff, v9  }
0x1f0: {  	v9 =	vld.idx.msk [tilespmem:v63+s23+$0x0], $0xffff  }
0x1f1: {  	s17 =	simm.s32 $0x1;
	v10 =	vld.idx.msk [tilespmem:v8+s10+$0x0], $0xffff  }
.LBB2_9:
0x1f2: {  	p1 =	sne.s32 s17, $0x3F;
	s4 =	smov.u32 s17;
	s17 =	sadd.s32 $0x1, s17  }
0x1f3: {  	_ = 	snop  }
0x1f4: {  	v11 =	vmov s4  }
0x1f5: {  	v12 =	vshll.u32 v11, $0x7  }
0x1f6: {  	v13 =	vor.u32 v0, v12  }
0x1f7: {  	v9 =	vmul.f32 v10, v9;
	_ =	sdelay $0x1  }
0x1f8: {  	[tilespmem:v8+s10+$0x0] =	vst.idx.msk $0xffff, v9  }
0x1f9: {  	v8 =	vld.idx.msk [tilespmem:v11+s23+$0x0], $0xffff  }
0x1fa: {  	v9 =	vld.idx.msk [tilespmem:v13+s10+$0x0], $0xffff;
	_ =	sdelay $0x3  }
0x1fb: {  	v14 =	vor.u32 v1, v12;
	v10 =	vor.u32 $0x40, v11;
	_ =	sdelay $0x1  }
0x1fc: {  	v8 =	vmul.f32 v9, v8;
	_ =	sdelay $0x1  }
0x1fd: {  	[tilespmem:v13+s10+$0x0] =	vst.idx.msk $0xffff, v8  }
0x1fe: {  	v8 =	vld.idx.msk [tilespmem:v10+s23+$0x0], $0xffff  }
0x1ff: {  	v9 =	vld.idx.msk [tilespmem:v14+s10+$0x0], $0xffff;
	_ =	sdelay $0x3  }
0x200: {  	v13 =	vor.u32 v2, v12;
	v10 =	vor.u32 $0x80, v11;
	_ =	sdelay $0x1  }
0x201: {  	v8 =	vmul.f32 v9, v8;
	_ =	sdelay $0x1  }
0x202: {  	[tilespmem:v14+s10+$0x0] =	vst.idx.msk $0xffff, v8  }
0x203: {  	v8 =	vld.idx.msk [tilespmem:v10+s23+$0x0], $0xffff  }
0x204: {  	v9 =	vld.idx.msk [tilespmem:v13+s10+$0x0], $0xffff;
	_ =	sdelay $0x3  }
0x205: {  	v14 =	vor.u32 v3, v12;
	v10 =	vor.u32 $0xC0, v11;
	_ =	sdelay $0x1  }
0x206: {  	v8 =	vmul.f32 v9, v8;
	_ =	sdelay $0x1  }
0x207: {  	[tilespmem:v13+s10+$0x0] =	vst.idx.msk $0xffff, v8  }
0x208: {  	v8 =	vld.idx.msk [tilespmem:v10+s23+$0x0], $0xffff  }
0x209: {  	v9 =	vld.idx.msk [tilespmem:v14+s10+$0x0], $0xffff;
	_ =	sdelay $0x3  }
0x20a: {  	v13 =	vor.u32 v4, v12;
	v10 =	vor.u32 $0x100, v11;
	_ =	sdelay $0x1  }
0x20b: {  	v8 =	vmul.f32 v9, v8;
	_ =	sdelay $0x1  }
0x20c: {  	[tilespmem:v14+s10+$0x0] =	vst.idx.msk $0xffff, v8  }
0x20d: {  	v8 =	vld.idx.msk [tilespmem:v10+s23+$0x0], $0xffff  }
0x20e: {  	v9 =	vld.idx.msk [tilespmem:v13+s10+$0x0], $0xffff;
	_ =	sdelay $0x3  }
0x20f: {  	v14 =	vor.u32 v5, v12;
	v10 =	vor.u32 $0x140, v11;
	_ =	sdelay $0x1  }
0x210: {  	v8 =	vmul.f32 v9, v8;
	_ =	sdelay $0x1  }
0x211: {  	[tilespmem:v13+s10+$0x0] =	vst.idx.msk $0xffff, v8  }
0x212: {  	v8 =	vld.idx.msk [tilespmem:v10+s23+$0x0], $0xffff  }
0x213: {  	v9 =	vld.idx.msk [tilespmem:v14+s10+$0x0], $0xffff;
	_ =	sdelay $0x3  }
0x214: {  	v13 =	vor.u32 v6, v12;
	v10 =	vor.u32 $0x180, v11;
	_ =	sdelay $0x1  }
0x215: {  	v8 =	vmul.f32 v9, v8;
	_ =	sdelay $0x1  }
0x216: {  	[tilespmem:v14+s10+$0x0] =	vst.idx.msk $0xffff, v8  }
0x217: {  	v9 =	vld.idx.msk [tilespmem:v10+s23+$0x0], $0xffff  }
0x218: {  	v10 =	vld.idx.msk [tilespmem:v13+s10+$0x0], $0xffff;
	_ =	sdelay $0x3  }
0x219: {  	v11 =	vor.u32 $0x1C0, v11;
	v8 =	vor.u32 v7, v12;
	_ =	sdelay $0x1  }
.Ltmp3:
0x21a: {  	v9 =	vmul.f32 v10, v9;
	(pc) =	sbr.rel @p1 .LBB2_9-.Ltmp3, $4  }
0x21b: {  	_ = 	snop  }
0x21c: {  	[tilespmem:v13+s10+$0x0] =	vst.idx.msk $0xffff, v9  }
0x21d: {  	v9 =	vld.idx.msk [tilespmem:v11+s23+$0x0], $0xffff  }
0x21e: {  	v10 =	vld.idx.msk [tilespmem:v8+s10+$0x0], $0xffff  }
0x21f: {  	_ =	sdelay $0x3  }
0x220: {  	v9 =	vmul.f32 v10, v9  }
0x221: {  	s17 =	sor.u32 $0x7, s25  }
0x222: {  	s4 =	simm.s32 $0x580;
	s2 =	sshll.u32 s17, $0x6;
	[tilespmem:v8+s10+$0x0] =	vst.idx.msk $0xffff, v9  }
0x223: {  	[spmem:s3] =	stream.indirect.scatter.add.f32 [tilespmem:s10], [sflag:$0x10], $0x80, s4, s13, $0xb8;
	[tilespmem:$0x1C880] =	vst v63  }
0x224: {  	s4 =	sadd.s32 s8, s2  }
0x225: {  	s4 =	sshrl.u32 s4, $0x3  }
0x226: {  	s18 =	simm.s32 $0x0;
	s2 =	simm.s32 $0x380;
	s16 =	sadd.s32 s6, s4  }
0x227: {  	[tilespmem:s2], [sflag:$0x8] =	stream.linear.gather [hbm4b:s16+s18], $0x40, $0x38;
	[tilespmem:$0x1C880] =	vst v63  }
0x228: {  	s4 =	sadd.s32 s7, s4;
	s16 =	simm.s32 $0x780  }
0x229: {  	[tilespmem:s16], [sflag:$0x8] =	stream.linear.gather [hbm4b:s4+s18], $0x40, $0x38;
	[tilespmem:$0x1C880] =	vst v63  }
0x22a: {  	s4 =	simm.s32 $0x6  }
0x22b: {  	_ =	swait.ge [sflag:s4], $0x40  }
0x22c: {  	[sflag:s4] =	ssyncset.done $0x0  }
0x22d: {  	[sflag:s4] =	ssyncadd.s32 $0xFFFFFFC0  }
0x22e: {  	_ =	swait.ge [sflag:s4], $0x40  }
0x22f: {  	[sflag:s4] =	ssyncset.done $0x0  }
0x230: {  	s16 =	simm.s32 $0xE;
	[sflag:s4] =	ssyncadd.s32 $0xFFFFFFC0  }
0x231: {  	_ =	swait.ge [sflag:s16], $0x2000  }
0x232: {  	[sflag:s16] =	ssyncset.done $0x0  }
0x233: {  	s4 =	simm.s32 $0x280;
	[sflag:s16] =	ssyncadd.s32 $0xFFFFE000;
	s16 =	sadd.s32 s20, s9  }
0x234: {  	[tilespmem:s19], [sflag:$0xA] =	stream.indirect.gather [hbm4b:s1+s13], $0x80, s4, s13, $0xb8;
	[tilespmem:$0x1C880] =	vst v63  }
0x235: {  	s4 =	sshll.u32 s16, $0x6  }
0x236: {  	s4 =	sand.u32 $0x1FFFFF40, s4  }
0x237: {  	s4 =	sadd.s32 s5, s4  }
0x238: {  	[tilespmem:s21], [sflag:$0xA] =	stream.linear.gather [hbm4b:s4+s18], $0x200, $0x38;
	[tilespmem:$0x1C880] =	vst v63  }
0x239: {  	v8 =	vmov s18;
	_ =	swait.ge [sflag:s22], $0x2000  }
0x23a: {  	v9 =	vshll.u32 v8, $0x7;
	[sflag:s22] =	ssyncset.done $0x0  }
0x23b: {  	v10 =	vor.u32 v0, v9;
	[sflag:s22] =	ssyncadd.s32 $0xFFFFE000  }
0x23c: {  	_ =	swait.ge [sflag:s22], $0x200  }
0x23d: {  	[sflag:s22] =	ssyncset.done $0x0  }
0x23e: {  	[sflag:s22] =	ssyncadd.s32 $0xFFFFFE00  }
0x23f: {  	v11 =	vld.idx.msk [tilespmem:v8+s15+$0x0], $0xffff  }
0x240: {  	v12 =	vld.idx.msk [tilespmem:v10+s14+$0x0], $0xffff;
	_ =	sdelay $0x2  }
0x241: {  	v13 =	vor.u32 $0x40, v8  }
0x242: {  	v14 =	vor.u32 v1, v9  }
0x243: {  	v11 =	vmul.f32 v12, v11;
	_ =	sdelay $0x1  }
0x244: {  	[tilespmem:v10+s14+$0x0] =	vst.idx.msk $0xffff, v11  }
0x245: {  	v10 =	vld.idx.msk [tilespmem:v13+s15+$0x0], $0xffff  }
0x246: {  	v11 =	vld.idx.msk [tilespmem:v14+s14+$0x0], $0xffff;
	_ =	sdelay $0x2  }
0x247: {  	v53 =	vor.u32 $0x80, v8  }
0x248: {  	v54 =	vor.u32 v2, v9  }
0x249: {  	v10 =	vmul.f32 v11, v10;
	_ =	sdelay $0x1  }
0x24a: {  	[tilespmem:v14+s14+$0x0] =	vst.idx.msk $0xffff, v10  }
0x24b: {  	v10 =	vld.idx.msk [tilespmem:v53+s15+$0x0], $0xffff  }
0x24c: {  	v11 =	vld.idx.msk [tilespmem:v54+s14+$0x0], $0xffff;
	_ =	sdelay $0x2  }
0x24d: {  	v55 =	vor.u32 $0xC0, v8  }
0x24e: {  	v56 =	vor.u32 v3, v9  }
0x24f: {  	v10 =	vmul.f32 v11, v10;
	_ =	sdelay $0x1  }
0x250: {  	[tilespmem:v54+s14+$0x0] =	vst.idx.msk $0xffff, v10  }
0x251: {  	v10 =	vld.idx.msk [tilespmem:v55+s15+$0x0], $0xffff  }
0x252: {  	v11 =	vld.idx.msk [tilespmem:v56+s14+$0x0], $0xffff;
	_ =	sdelay $0x2  }
0x253: {  	v57 =	vor.u32 $0x100, v8  }
0x254: {  	v58 =	vor.u32 v4, v9  }
0x255: {  	v10 =	vmul.f32 v11, v10;
	_ =	sdelay $0x1  }
0x256: {  	[tilespmem:v56+s14+$0x0] =	vst.idx.msk $0xffff, v10  }
0x257: {  	v10 =	vld.idx.msk [tilespmem:v57+s15+$0x0], $0xffff  }
0x258: {  	v11 =	vld.idx.msk [tilespmem:v58+s14+$0x0], $0xffff;
	_ =	sdelay $0x2  }
0x259: {  	v59 =	vor.u32 $0x140, v8  }
0x25a: {  	v60 =	vor.u32 v5, v9  }
0x25b: {  	v10 =	vmul.f32 v11, v10;
	_ =	sdelay $0x1  }
0x25c: {  	[tilespmem:v58+s14+$0x0] =	vst.idx.msk $0xffff, v10  }
0x25d: {  	v10 =	vld.idx.msk [tilespmem:v59+s15+$0x0], $0xffff  }
0x25e: {  	v11 =	vld.idx.msk [tilespmem:v60+s14+$0x0], $0xffff;
	_ =	sdelay $0x2  }
0x25f: {  	v61 =	vor.u32 $0x180, v8  }
0x260: {  	v62 =	vor.u32 v6, v9  }
0x261: {  	v10 =	vmul.f32 v11, v10;
	_ =	sdelay $0x1  }
0x262: {  	[tilespmem:v60+s14+$0x0] =	vst.idx.msk $0xffff, v10  }
0x263: {  	v10 =	vld.idx.msk [tilespmem:v61+s15+$0x0], $0xffff  }
0x264: {  	v11 =	vld.idx.msk [tilespmem:v62+s14+$0x0], $0xffff;
	_ =	sdelay $0x2  }
0x265: {  	v63 =	vor.u32 $0x1C0, v8  }
0x266: {  	v8 =	vor.u32 v7, v9  }
0x267: {  	v9 =	vmul.f32 v11, v10;
	_ =	sdelay $0x1  }
0x268: {  	[tilespmem:v62+s14+$0x0] =	vst.idx.msk $0xffff, v9  }
0x269: {  	v9 =	vld.idx.msk [tilespmem:v63+s15+$0x0], $0xffff  }
0x26a: {  	s9 =	simm.s32 $0x1;
	v10 =	vld.idx.msk [tilespmem:v8+s14+$0x0], $0xffff  }
.LBB2_11:
0x26b: {  	p1 =	sne.s32 s9, $0x3F;
	s4 =	smov.u32 s9;
	s9 =	sadd.s32 $0x1, s9  }
0x26c: {  	_ = 	snop  }
0x26d: {  	v11 =	vmov s4  }
0x26e: {  	v12 =	vshll.u32 v11, $0x7  }
0x26f: {  	v13 =	vor.u32 v0, v12  }
0x270: {  	v9 =	vmul.f32 v10, v9;
	_ =	sdelay $0x1  }
0x271: {  	[tilespmem:v8+s14+$0x0] =	vst.idx.msk $0xffff, v9  }
0x272: {  	v8 =	vld.idx.msk [tilespmem:v11+s15+$0x0], $0xffff  }
0x273: {  	v9 =	vld.idx.msk [tilespmem:v13+s14+$0x0], $0xffff;
	_ =	sdelay $0x3  }
0x274: {  	v14 =	vor.u32 v1, v12;
	v10 =	vor.u32 $0x40, v11;
	_ =	sdelay $0x1  }
0x275: {  	v8 =	vmul.f32 v9, v8;
	_ =	sdelay $0x1  }
0x276: {  	[tilespmem:v13+s14+$0x0] =	vst.idx.msk $0xffff, v8  }
0x277: {  	v8 =	vld.idx.msk [tilespmem:v10+s15+$0x0], $0xffff  }
0x278: {  	v9 =	vld.idx.msk [tilespmem:v14+s14+$0x0], $0xffff;
	_ =	sdelay $0x3  }
0x279: {  	v13 =	vor.u32 v2, v12;
	v10 =	vor.u32 $0x80, v11;
	_ =	sdelay $0x1  }
0x27a: {  	v8 =	vmul.f32 v9, v8;
	_ =	sdelay $0x1  }
0x27b: {  	[tilespmem:v14+s14+$0x0] =	vst.idx.msk $0xffff, v8  }
0x27c: {  	v8 =	vld.idx.msk [tilespmem:v10+s15+$0x0], $0xffff  }
0x27d: {  	v9 =	vld.idx.msk [tilespmem:v13+s14+$0x0], $0xffff;
	_ =	sdelay $0x3  }
0x27e: {  	v14 =	vor.u32 v3, v12;
	v10 =	vor.u32 $0xC0, v11;
	_ =	sdelay $0x1  }
0x27f: {  	v8 =	vmul.f32 v9, v8;
	_ =	sdelay $0x1  }
0x280: {  	[tilespmem:v13+s14+$0x0] =	vst.idx.msk $0xffff, v8  }
0x281: {  	v8 =	vld.idx.msk [tilespmem:v10+s15+$0x0], $0xffff  }
0x282: {  	v9 =	vld.idx.msk [tilespmem:v14+s14+$0x0], $0xffff;
	_ =	sdelay $0x3  }
0x283: {  	v13 =	vor.u32 v4, v12;
	v10 =	vor.u32 $0x100, v11;
	_ =	sdelay $0x1  }
0x284: {  	v8 =	vmul.f32 v9, v8;
	_ =	sdelay $0x1  }
0x285: {  	[tilespmem:v14+s14+$0x0] =	vst.idx.msk $0xffff, v8  }
0x286: {  	v8 =	vld.idx.msk [tilespmem:v10+s15+$0x0], $0xffff  }
0x287: {  	v9 =	vld.idx.msk [tilespmem:v13+s14+$0x0], $0xffff;
	_ =	sdelay $0x3  }
0x288: {  	v14 =	vor.u32 v5, v12;
	v10 =	vor.u32 $0x140, v11;
	_ =	sdelay $0x1  }
0x289: {  	v8 =	vmul.f32 v9, v8;
	_ =	sdelay $0x1  }
0x28a: {  	[tilespmem:v13+s14+$0x0] =	vst.idx.msk $0xffff, v8  }
0x28b: {  	v8 =	vld.idx.msk [tilespmem:v10+s15+$0x0], $0xffff  }
0x28c: {  	v9 =	vld.idx.msk [tilespmem:v14+s14+$0x0], $0xffff;
	_ =	sdelay $0x3  }
0x28d: {  	v13 =	vor.u32 v6, v12;
	v10 =	vor.u32 $0x180, v11;
	_ =	sdelay $0x1  }
0x28e: {  	v8 =	vmul.f32 v9, v8;
	_ =	sdelay $0x1  }
0x28f: {  	[tilespmem:v14+s14+$0x0] =	vst.idx.msk $0xffff, v8  }
0x290: {  	v9 =	vld.idx.msk [tilespmem:v10+s15+$0x0], $0xffff  }
0x291: {  	v10 =	vld.idx.msk [tilespmem:v13+s14+$0x0], $0xffff;
	_ =	sdelay $0x3  }
0x292: {  	v11 =	vor.u32 $0x1C0, v11;
	v8 =	vor.u32 v7, v12;
	_ =	sdelay $0x1  }
.Ltmp4:
0x293: {  	v9 =	vmul.f32 v10, v9;
	(pc) =	sbr.rel @p1 .LBB2_11-.Ltmp4, $4  }
0x294: {  	_ = 	snop  }
0x295: {  	[tilespmem:v13+s14+$0x0] =	vst.idx.msk $0xffff, v9  }
0x296: {  	v9 =	vld.idx.msk [tilespmem:v11+s15+$0x0], $0xffff  }
0x297: {  	v10 =	vld.idx.msk [tilespmem:v8+s14+$0x0], $0xffff  }
0x298: {  	_ =	sdelay $0x3  }
0x299: {  	v9 =	vmul.f32 v10, v9;
	_ =	sdelay $0x1  }
0x29a: {  	s4 =	simm.s32 $0x600;
	s25 =	sadd.s32 $0x8, s25;
	p1 =	seq.s32 s28, $0x13;
	[tilespmem:v8+s14+$0x0] =	vst.idx.msk $0xffff, v9  }
0x29b: {  	[spmem:s3] =	stream.indirect.scatter.add.f32 [tilespmem:s14], [sflag:$0xD], $0x80, s4, s13, $0xb8;
	[tilespmem:$0x1C880] =	vst v63  }
0x29c: {  	s4 =	sshll.u32 @!p1 s25, $0x6  }
0x29d: {  	s4 =	sadd.s32 @!p1 s8, s4  }
0x29e: {  	s4 =	sshrl.u32 @!p1 s4, $0x3  }
0x29f: {  	s16 =	simm.s32 @!p1 $0x0;
	s9 =	sadd.s32 @!p1 s6, s4  }
0x2a0: {  	[tilespmem:s16], [sflag:$0x1] =	stream.linear.gather @!p1 [hbm4b:s9+s16], $0x40, $0x38;
	[tilespmem:$0x1C880] =	vst v63  }
0x2a1: {  	s4 =	sadd.s32 @!p1 s7, s4;
	s9 =	simm.s32 @!p1 $0x400  }
0x2a2: {  	[tilespmem:s9], [sflag:$0x1] =	stream.linear.gather @!p1 [hbm4b:s4+s16], $0x40, $0x38;
	[tilespmem:$0x1C880] =	vst v63  }
0x2a3: {  	_ =	swait.ge [sflag:s29], $0x40  }
0x2a4: {  	[sflag:s29] =	ssyncset.done $0x0  }
0x2a5: {  	[sflag:s29] =	ssyncadd.s32 $0xFFFFFFC0  }
0x2a6: {  	_ =	swait.ge [sflag:s29], $0x40  }
0x2a7: {  	[sflag:s29] =	ssyncset.done $0x0  }
0x2a8: {  	s2 =	simm.s32 $0xF;
	[sflag:s29] =	ssyncadd.s32 $0xFFFFFFC0  }
0x2a9: {  	s18 =	sadd.s32 s20, s30;
	_ =	swait.ge [sflag:s2], $0x2000  }
0x2aa: {  	s4 =	sshll.u32 s18, $0x6;
	[sflag:s2] =	ssyncset.done $0x0  }
0x2ab: {  	s16 =	simm.s32 $0x300;
	s4 =	sand.u32 $0x1FFFFF80, s4;
	[sflag:s2] =	ssyncadd.s32 $0xFFFFE000  }
0x2ac: {  	[tilespmem:s12], [sflag:$0xB] =	stream.indirect.gather [hbm4b:s1+s13], $0x80, s16, s13, $0xb8;
	[tilespmem:$0x1C880] =	vst v63  }
0x2ad: {  	s30 =	simm.s32 $0x0;
	s4 =	sadd.s32 s5, s4  }
0x2ae: {  	[tilespmem:s11], [sflag:$0xB] =	stream.linear.gather [hbm4b:s4+s30], $0x200, $0x38;
	[tilespmem:$0x1C880] =	vst v63  }
0x2af: {  	v8 =	vmov s30;
	_ =	swait.ge [sflag:s31], $0x2000  }
0x2b0: {  	v9 =	vshll.u32 v8, $0x7;
	[sflag:s31] =	ssyncset.done $0x0  }
0x2b1: {  	v10 =	vor.u32 v0, v9;
	[sflag:s31] =	ssyncadd.s32 $0xFFFFE000  }
0x2b2: {  	_ =	swait.ge [sflag:s31], $0x200  }
0x2b3: {  	[sflag:s31] =	ssyncset.done $0x0  }
0x2b4: {  	[sflag:s31] =	ssyncadd.s32 $0xFFFFFE00  }
0x2b5: {  	v11 =	vld.idx.msk [tilespmem:v8+s21+$0x0], $0xffff  }
0x2b6: {  	v12 =	vld.idx.msk [tilespmem:v10+s19+$0x0], $0xffff;
	_ =	sdelay $0x2  }
0x2b7: {  	v13 =	vor.u32 $0x40, v8  }
0x2b8: {  	v14 =	vor.u32 v1, v9  }
0x2b9: {  	v11 =	vmul.f32 v12, v11;
	_ =	sdelay $0x1  }
0x2ba: {  	[tilespmem:v10+s19+$0x0] =	vst.idx.msk $0xffff, v11  }
0x2bb: {  	v10 =	vld.idx.msk [tilespmem:v13+s21+$0x0], $0xffff  }
0x2bc: {  	v11 =	vld.idx.msk [tilespmem:v14+s19+$0x0], $0xffff;
	_ =	sdelay $0x2  }
0x2bd: {  	v53 =	vor.u32 $0x80, v8  }
0x2be: {  	v54 =	vor.u32 v2, v9  }
0x2bf: {  	v10 =	vmul.f32 v11, v10;
	_ =	sdelay $0x1  }
0x2c0: {  	[tilespmem:v14+s19+$0x0] =	vst.idx.msk $0xffff, v10  }
0x2c1: {  	v10 =	vld.idx.msk [tilespmem:v53+s21+$0x0], $0xffff  }
0x2c2: {  	v11 =	vld.idx.msk [tilespmem:v54+s19+$0x0], $0xffff;
	_ =	sdelay $0x2  }
0x2c3: {  	v55 =	vor.u32 $0xC0, v8  }
0x2c4: {  	v56 =	vor.u32 v3, v9  }
0x2c5: {  	v10 =	vmul.f32 v11, v10;
	_ =	sdelay $0x1  }
0x2c6: {  	[tilespmem:v54+s19+$0x0] =	vst.idx.msk $0xffff, v10  }
0x2c7: {  	v10 =	vld.idx.msk [tilespmem:v55+s21+$0x0], $0xffff  }
0x2c8: {  	v11 =	vld.idx.msk [tilespmem:v56+s19+$0x0], $0xffff;
	_ =	sdelay $0x2  }
0x2c9: {  	v57 =	vor.u32 $0x100, v8  }
0x2ca: {  	v58 =	vor.u32 v4, v9  }
0x2cb: {  	v10 =	vmul.f32 v11, v10;
	_ =	sdelay $0x1  }
0x2cc: {  	[tilespmem:v56+s19+$0x0] =	vst.idx.msk $0xffff, v10  }
0x2cd: {  	v10 =	vld.idx.msk [tilespmem:v57+s21+$0x0], $0xffff  }
0x2ce: {  	v11 =	vld.idx.msk [tilespmem:v58+s19+$0x0], $0xffff;
	_ =	sdelay $0x2  }
0x2cf: {  	v59 =	vor.u32 $0x140, v8  }
0x2d0: {  	v60 =	vor.u32 v5, v9  }
0x2d1: {  	v10 =	vmul.f32 v11, v10;
	_ =	sdelay $0x1  }
0x2d2: {  	[tilespmem:v58+s19+$0x0] =	vst.idx.msk $0xffff, v10  }
0x2d3: {  	v10 =	vld.idx.msk [tilespmem:v59+s21+$0x0], $0xffff  }
0x2d4: {  	v11 =	vld.idx.msk [tilespmem:v60+s19+$0x0], $0xffff;
	_ =	sdelay $0x2  }
0x2d5: {  	v61 =	vor.u32 $0x180, v8  }
0x2d6: {  	v62 =	vor.u32 v6, v9  }
0x2d7: {  	v10 =	vmul.f32 v11, v10;
	_ =	sdelay $0x1  }
0x2d8: {  	[tilespmem:v60+s19+$0x0] =	vst.idx.msk $0xffff, v10  }
0x2d9: {  	v10 =	vld.idx.msk [tilespmem:v61+s21+$0x0], $0xffff  }
0x2da: {  	v11 =	vld.idx.msk [tilespmem:v62+s19+$0x0], $0xffff;
	_ =	sdelay $0x2  }
0x2db: {  	v63 =	vor.u32 $0x1C0, v8  }
0x2dc: {  	v8 =	vor.u32 v7, v9  }
0x2dd: {  	v9 =	vmul.f32 v11, v10;
	_ =	sdelay $0x1  }
0x2de: {  	[tilespmem:v62+s19+$0x0] =	vst.idx.msk $0xffff, v9  }
0x2df: {  	v9 =	vld.idx.msk [tilespmem:v63+s21+$0x0], $0xffff  }
0x2e0: {  	s9 =	simm.s32 $0x1;
	v10 =	vld.idx.msk [tilespmem:v8+s19+$0x0], $0xffff  }
.LBB2_13:
0x2e1: {  	p2 =	sne.s32 s9, $0x3F;
	s4 =	smov.u32 s9;
	s9 =	sadd.s32 $0x1, s9  }
0x2e2: {  	_ = 	snop  }
0x2e3: {  	v11 =	vmov s4  }
0x2e4: {  	v12 =	vshll.u32 v11, $0x7  }
0x2e5: {  	v13 =	vor.u32 v0, v12  }
0x2e6: {  	v9 =	vmul.f32 v10, v9;
	_ =	sdelay $0x1  }
0x2e7: {  	[tilespmem:v8+s19+$0x0] =	vst.idx.msk $0xffff, v9  }
0x2e8: {  	v8 =	vld.idx.msk [tilespmem:v11+s21+$0x0], $0xffff  }
0x2e9: {  	v9 =	vld.idx.msk [tilespmem:v13+s19+$0x0], $0xffff;
	_ =	sdelay $0x3  }
0x2ea: {  	v14 =	vor.u32 v1, v12;
	v10 =	vor.u32 $0x40, v11;
	_ =	sdelay $0x1  }
0x2eb: {  	v8 =	vmul.f32 v9, v8;
	_ =	sdelay $0x1  }
0x2ec: {  	[tilespmem:v13+s19+$0x0] =	vst.idx.msk $0xffff, v8  }
0x2ed: {  	v8 =	vld.idx.msk [tilespmem:v10+s21+$0x0], $0xffff  }
0x2ee: {  	v9 =	vld.idx.msk [tilespmem:v14+s19+$0x0], $0xffff;
	_ =	sdelay $0x3  }
0x2ef: {  	v13 =	vor.u32 v2, v12;
	v10 =	vor.u32 $0x80, v11;
	_ =	sdelay $0x1  }
0x2f0: {  	v8 =	vmul.f32 v9, v8;
	_ =	sdelay $0x1  }
0x2f1: {  	[tilespmem:v14+s19+$0x0] =	vst.idx.msk $0xffff, v8  }
0x2f2: {  	v8 =	vld.idx.msk [tilespmem:v10+s21+$0x0], $0xffff  }
0x2f3: {  	v9 =	vld.idx.msk [tilespmem:v13+s19+$0x0], $0xffff;
	_ =	sdelay $0x3  }
0x2f4: {  	v14 =	vor.u32 v3, v12;
	v10 =	vor.u32 $0xC0, v11;
	_ =	sdelay $0x1  }
0x2f5: {  	v8 =	vmul.f32 v9, v8;
	_ =	sdelay $0x1  }
0x2f6: {  	[tilespmem:v13+s19+$0x0] =	vst.idx.msk $0xffff, v8  }
0x2f7: {  	v8 =	vld.idx.msk [tilespmem:v10+s21+$0x0], $0xffff  }
0x2f8: {  	v9 =	vld.idx.msk [tilespmem:v14+s19+$0x0], $0xffff;
	_ =	sdelay $0x3  }
0x2f9: {  	v13 =	vor.u32 v4, v12;
	v10 =	vor.u32 $0x100, v11;
	_ =	sdelay $0x1  }
0x2fa: {  	v8 =	vmul.f32 v9, v8;
	_ =	sdelay $0x1  }
0x2fb: {  	[tilespmem:v14+s19+$0x0] =	vst.idx.msk $0xffff, v8  }
0x2fc: {  	v8 =	vld.idx.msk [tilespmem:v10+s21+$0x0], $0xffff  }
0x2fd: {  	v9 =	vld.idx.msk [tilespmem:v13+s19+$0x0], $0xffff;
	_ =	sdelay $0x3  }
0x2fe: {  	v14 =	vor.u32 v5, v12;
	v10 =	vor.u32 $0x140, v11;
	_ =	sdelay $0x1  }
0x2ff: {  	v8 =	vmul.f32 v9, v8;
	_ =	sdelay $0x1  }
0x300: {  	[tilespmem:v13+s19+$0x0] =	vst.idx.msk $0xffff, v8  }
0x301: {  	v8 =	vld.idx.msk [tilespmem:v10+s21+$0x0], $0xffff  }
0x302: {  	v9 =	vld.idx.msk [tilespmem:v14+s19+$0x0], $0xffff;
	_ =	sdelay $0x3  }
0x303: {  	v13 =	vor.u32 v6, v12;
	v10 =	vor.u32 $0x180, v11;
	_ =	sdelay $0x1  }
0x304: {  	v8 =	vmul.f32 v9, v8;
	_ =	sdelay $0x1  }
0x305: {  	[tilespmem:v14+s19+$0x0] =	vst.idx.msk $0xffff, v8  }
0x306: {  	v9 =	vld.idx.msk [tilespmem:v10+s21+$0x0], $0xffff  }
0x307: {  	v10 =	vld.idx.msk [tilespmem:v13+s19+$0x0], $0xffff;
	_ =	sdelay $0x3  }
0x308: {  	v11 =	vor.u32 $0x1C0, v11;
	v8 =	vor.u32 v7, v12;
	_ =	sdelay $0x1  }
.Ltmp5:
0x309: {  	v9 =	vmul.f32 v10, v9;
	(pc) =	sbr.rel @p2 .LBB2_13-.Ltmp5, $4  }
0x30a: {  	_ = 	snop  }
0x30b: {  	[tilespmem:v13+s19+$0x0] =	vst.idx.msk $0xffff, v9  }
0x30c: {  	v9 =	vld.idx.msk [tilespmem:v11+s21+$0x0], $0xffff  }
0x30d: {  	v10 =	vld.idx.msk [tilespmem:v8+s19+$0x0], $0xffff  }
0x30e: {  	_ =	sdelay $0x3  }
0x30f: {  	s9 =	sshll.u32 @!p1 s28, $0x9;
	s4 =	rddreg [dreg:$0x15];
	v9 =	vmul.f32 v10, v9  }
0x310: {  	s4 =	sadd.s32 @!p1 s9, s4  }
0x311: {  	s2 =	simm.s32 $0x680;
	s4 =	sshrl.u32 @!p1 s4, $0x3;
	[tilespmem:v8+s19+$0x0] =	vst.idx.msk $0xffff, v9  }
0x312: {  	[spmem:s3] =	stream.indirect.scatter.add.f32 [tilespmem:s19], [sflag:$0xE], $0x80, s2, s13, $0xb8;
	[tilespmem:$0x1C880] =	vst v63  }
0x313: {  	s18 =	simm.s32 @!p1 $0x0;
	s30 =	simm.s32 @!p1 $0x80;
	s16 =	sadd.s32 @!p1 s6, s4  }
0x314: {  	[tilespmem:s30], [sflag:$0x2] =	stream.linear.gather @!p1 [hbm4b:s16+s18], $0x40, $0x38;
	[tilespmem:$0x1C880] =	vst v63  }
0x315: {  	s4 =	sadd.s32 @!p1 s7, s4;
	s16 =	simm.s32 @!p1 $0x480  }
0x316: {  	[tilespmem:s16], [sflag:$0x2] =	stream.linear.gather @!p1 [hbm4b:s4+s18], $0x40, $0x38;
	[tilespmem:$0x1C880] =	vst v63  }
0x317: {  	_ =	swait.ge [sflag:s0], $0x40  }
0x318: {  	[sflag:s0] =	ssyncset.done $0x0  }
0x319: {  	[sflag:s0] =	ssyncadd.s32 $0xFFFFFFC0  }
0x31a: {  	_ =	swait.ge [sflag:s0], $0x40  }
0x31b: {  	[sflag:s0] =	ssyncset.done $0x0  }
0x31c: {  	s4 =	simm.s32 $0x10;
	[sflag:s0] =	ssyncadd.s32 $0xFFFFFFC0  }
0x31d: {  	_ =	swait.ge [sflag:s4], $0x2000  }
0x31e: {  	s18 =	sadd.s32 s20, s17;
	[sflag:s4] =	ssyncset.done $0x0  }
0x31f: {  	s16 =	simm.s32 $0x380;
	[sflag:s4] =	ssyncadd.s32 $0xFFFFE000;
	s4 =	sshll.u32 s18, $0x6  }
0x320: {  	[tilespmem:s10], [sflag:$0xC] =	stream.indirect.gather [hbm4b:s1+s13], $0x80, s16, s13, $0xb8;
	[tilespmem:$0x1C880] =	vst v63  }
0x321: {  	s4 =	sand.u32 $0x1FFFFFC0, s4  }
0x322: {  	s30 =	simm.s32 $0x0;
	s4 =	sadd.s32 s5, s4  }
0x323: {  	[tilespmem:s23], [sflag:$0xC] =	stream.linear.gather [hbm4b:s4+s30], $0x200, $0x38;
	[tilespmem:$0x1C880] =	vst v63  }
0x324: {  	v8 =	vmov s30;
	_ =	swait.ge [sflag:s26], $0x2000  }
0x325: {  	v9 =	vshll.u32 v8, $0x7;
	[sflag:s26] =	ssyncset.done $0x0  }
0x326: {  	v10 =	vor.u32 v0, v9;
	[sflag:s26] =	ssyncadd.s32 $0xFFFFE000  }
0x327: {  	_ =	swait.ge [sflag:s26], $0x200  }
0x328: {  	[sflag:s26] =	ssyncset.done $0x0  }
0x329: {  	[sflag:s26] =	ssyncadd.s32 $0xFFFFFE00  }
0x32a: {  	v11 =	vld.idx.msk [tilespmem:v8+s11+$0x0], $0xffff  }
0x32b: {  	v12 =	vld.idx.msk [tilespmem:v10+s12+$0x0], $0xffff;
	_ =	sdelay $0x2  }
0x32c: {  	v13 =	vor.u32 $0x40, v8  }
0x32d: {  	v14 =	vor.u32 v1, v9  }
0x32e: {  	v11 =	vmul.f32 v12, v11;
	_ =	sdelay $0x1  }
0x32f: {  	[tilespmem:v10+s12+$0x0] =	vst.idx.msk $0xffff, v11  }
0x330: {  	v10 =	vld.idx.msk [tilespmem:v13+s11+$0x0], $0xffff  }
0x331: {  	v11 =	vld.idx.msk [tilespmem:v14+s12+$0x0], $0xffff;
	_ =	sdelay $0x2  }
0x332: {  	v53 =	vor.u32 $0x80, v8  }
0x333: {  	v54 =	vor.u32 v2, v9  }
0x334: {  	v10 =	vmul.f32 v11, v10;
	_ =	sdelay $0x1  }
0x335: {  	[tilespmem:v14+s12+$0x0] =	vst.idx.msk $0xffff, v10  }
0x336: {  	v10 =	vld.idx.msk [tilespmem:v53+s11+$0x0], $0xffff  }
0x337: {  	v11 =	vld.idx.msk [tilespmem:v54+s12+$0x0], $0xffff;
	_ =	sdelay $0x2  }
0x338: {  	v55 =	vor.u32 $0xC0, v8  }
0x339: {  	v56 =	vor.u32 v3, v9  }
0x33a: {  	v10 =	vmul.f32 v11, v10;
	_ =	sdelay $0x1  }
0x33b: {  	[tilespmem:v54+s12+$0x0] =	vst.idx.msk $0xffff, v10  }
0x33c: {  	v10 =	vld.idx.msk [tilespmem:v55+s11+$0x0], $0xffff  }
0x33d: {  	v11 =	vld.idx.msk [tilespmem:v56+s12+$0x0], $0xffff;
	_ =	sdelay $0x2  }
0x33e: {  	v57 =	vor.u32 $0x100, v8  }
0x33f: {  	v58 =	vor.u32 v4, v9  }
0x340: {  	v10 =	vmul.f32 v11, v10;
	_ =	sdelay $0x1  }
0x341: {  	[tilespmem:v56+s12+$0x0] =	vst.idx.msk $0xffff, v10  }
0x342: {  	v10 =	vld.idx.msk [tilespmem:v57+s11+$0x0], $0xffff  }
0x343: {  	v11 =	vld.idx.msk [tilespmem:v58+s12+$0x0], $0xffff;
	_ =	sdelay $0x2  }
0x344: {  	v59 =	vor.u32 $0x140, v8  }
0x345: {  	v60 =	vor.u32 v5, v9  }
0x346: {  	v10 =	vmul.f32 v11, v10;
	_ =	sdelay $0x1  }
0x347: {  	[tilespmem:v58+s12+$0x0] =	vst.idx.msk $0xffff, v10  }
0x348: {  	v10 =	vld.idx.msk [tilespmem:v59+s11+$0x0], $0xffff  }
0x349: {  	v11 =	vld.idx.msk [tilespmem:v60+s12+$0x0], $0xffff;
	_ =	sdelay $0x2  }
0x34a: {  	v61 =	vor.u32 $0x180, v8  }
0x34b: {  	v62 =	vor.u32 v6, v9  }
0x34c: {  	v10 =	vmul.f32 v11, v10;
	_ =	sdelay $0x1  }
0x34d: {  	[tilespmem:v60+s12+$0x0] =	vst.idx.msk $0xffff, v10  }
0x34e: {  	v10 =	vld.idx.msk [tilespmem:v61+s11+$0x0], $0xffff  }
0x34f: {  	v11 =	vld.idx.msk [tilespmem:v62+s12+$0x0], $0xffff;
	_ =	sdelay $0x2  }
0x350: {  	v63 =	vor.u32 $0x1C0, v8  }
0x351: {  	v8 =	vor.u32 v7, v9  }
0x352: {  	v9 =	vmul.f32 v11, v10;
	_ =	sdelay $0x1  }
0x353: {  	[tilespmem:v62+s12+$0x0] =	vst.idx.msk $0xffff, v9  }
0x354: {  	v9 =	vld.idx.msk [tilespmem:v63+s11+$0x0], $0xffff  }
0x355: {  	s17 =	simm.s32 $0x1;
	v10 =	vld.idx.msk [tilespmem:v8+s12+$0x0], $0xffff  }
.LBB2_15:
0x356: {  	p2 =	sne.s32 s17, $0x3F;
	s4 =	smov.u32 s17;
	s17 =	sadd.s32 $0x1, s17  }
0x357: {  	_ = 	snop  }
0x358: {  	v11 =	vmov s4  }
0x359: {  	v12 =	vshll.u32 v11, $0x7  }
0x35a: {  	v13 =	vor.u32 v0, v12  }
0x35b: {  	v9 =	vmul.f32 v10, v9;
	_ =	sdelay $0x1  }
0x35c: {  	[tilespmem:v8+s12+$0x0] =	vst.idx.msk $0xffff, v9  }
0x35d: {  	v8 =	vld.idx.msk [tilespmem:v11+s11+$0x0], $0xffff  }
0x35e: {  	v9 =	vld.idx.msk [tilespmem:v13+s12+$0x0], $0xffff;
	_ =	sdelay $0x3  }
0x35f: {  	v14 =	vor.u32 v1, v12;
	v10 =	vor.u32 $0x40, v11;
	_ =	sdelay $0x1  }
0x360: {  	v8 =	vmul.f32 v9, v8;
	_ =	sdelay $0x1  }
0x361: {  	[tilespmem:v13+s12+$0x0] =	vst.idx.msk $0xffff, v8  }
0x362: {  	v8 =	vld.idx.msk [tilespmem:v10+s11+$0x0], $0xffff  }
0x363: {  	v9 =	vld.idx.msk [tilespmem:v14+s12+$0x0], $0xffff;
	_ =	sdelay $0x3  }
0x364: {  	v13 =	vor.u32 v2, v12;
	v10 =	vor.u32 $0x80, v11;
	_ =	sdelay $0x1  }
0x365: {  	v8 =	vmul.f32 v9, v8;
	_ =	sdelay $0x1  }
0x366: {  	[tilespmem:v14+s12+$0x0] =	vst.idx.msk $0xffff, v8  }
0x367: {  	v8 =	vld.idx.msk [tilespmem:v10+s11+$0x0], $0xffff  }
0x368: {  	v9 =	vld.idx.msk [tilespmem:v13+s12+$0x0], $0xffff;
	_ =	sdelay $0x3  }
0x369: {  	v14 =	vor.u32 v3, v12;
	v10 =	vor.u32 $0xC0, v11;
	_ =	sdelay $0x1  }
0x36a: {  	v8 =	vmul.f32 v9, v8;
	_ =	sdelay $0x1  }
0x36b: {  	[tilespmem:v13+s12+$0x0] =	vst.idx.msk $0xffff, v8  }
0x36c: {  	v8 =	vld.idx.msk [tilespmem:v10+s11+$0x0], $0xffff  }
0x36d: {  	v9 =	vld.idx.msk [tilespmem:v14+s12+$0x0], $0xffff;
	_ =	sdelay $0x3  }
0x36e: {  	v13 =	vor.u32 v4, v12;
	v10 =	vor.u32 $0x100, v11;
	_ =	sdelay $0x1  }
0x36f: {  	v8 =	vmul.f32 v9, v8;
	_ =	sdelay $0x1  }
0x370: {  	[tilespmem:v14+s12+$0x0] =	vst.idx.msk $0xffff, v8  }
0x371: {  	v8 =	vld.idx.msk [tilespmem:v10+s11+$0x0], $0xffff  }
0x372: {  	v9 =	vld.idx.msk [tilespmem:v13+s12+$0x0], $0xffff;
	_ =	sdelay $0x3  }
0x373: {  	v14 =	vor.u32 v5, v12;
	v10 =	vor.u32 $0x140, v11;
	_ =	sdelay $0x1  }
0x374: {  	v8 =	vmul.f32 v9, v8;
	_ =	sdelay $0x1  }
0x375: {  	[tilespmem:v13+s12+$0x0] =	vst.idx.msk $0xffff, v8  }
0x376: {  	v8 =	vld.idx.msk [tilespmem:v10+s11+$0x0], $0xffff  }
0x377: {  	v9 =	vld.idx.msk [tilespmem:v14+s12+$0x0], $0xffff;
	_ =	sdelay $0x3  }
0x378: {  	v13 =	vor.u32 v6, v12;
	v10 =	vor.u32 $0x180, v11;
	_ =	sdelay $0x1  }
0x379: {  	v8 =	vmul.f32 v9, v8;
	_ =	sdelay $0x1  }
0x37a: {  	[tilespmem:v14+s12+$0x0] =	vst.idx.msk $0xffff, v8  }
0x37b: {  	v9 =	vld.idx.msk [tilespmem:v10+s11+$0x0], $0xffff  }
0x37c: {  	v10 =	vld.idx.msk [tilespmem:v13+s12+$0x0], $0xffff;
	_ =	sdelay $0x3  }
0x37d: {  	v11 =	vor.u32 $0x1C0, v11;
	v8 =	vor.u32 v7, v12;
	_ =	sdelay $0x1  }
.Ltmp6:
0x37e: {  	v9 =	vmul.f32 v10, v9;
	(pc) =	sbr.rel @p2 .LBB2_15-.Ltmp6, $4  }
0x37f: {  	_ = 	snop  }
0x380: {  	[tilespmem:v13+s12+$0x0] =	vst.idx.msk $0xffff, v9  }
0x381: {  	v9 =	vld.idx.msk [tilespmem:v11+s11+$0x0], $0xffff  }
0x382: {  	v10 =	vld.idx.msk [tilespmem:v8+s12+$0x0], $0xffff  }
0x383: {  	_ =	sdelay $0x3  }
0x384: {  	s4 =	rddreg [dreg:$0x16];
	v9 =	vmul.f32 v10, v9  }
0x385: {  	s4 =	sadd.s32 @!p1 s9, s4  }
0x386: {  	s2 =	simm.s32 $0x700;
	s4 =	sshrl.u32 @!p1 s4, $0x3;
	[tilespmem:v8+s12+$0x0] =	vst.idx.msk $0xffff, v9  }
0x387: {  	[spmem:s3] =	stream.indirect.scatter.add.f32 [tilespmem:s12], [sflag:$0xF], $0x80, s2, s13, $0xb8;
	[tilespmem:$0x1C880] =	vst v63  }
0x388: {  	s16 =	simm.s32 @!p1 $0x0;
	s17 =	simm.s32 @!p1 $0x100;
	s9 =	sadd.s32 @!p1 s6, s4  }
0x389: {  	[tilespmem:s17], [sflag:$0x3] =	stream.linear.gather @!p1 [hbm4b:s9+s16], $0x40, $0x38;
	[tilespmem:$0x1C880] =	vst v63  }
0x38a: {  	s4 =	sadd.s32 @!p1 s7, s4;
	s9 =	simm.s32 @!p1 $0x500  }
0x38b: {  	[tilespmem:s9], [sflag:$0x3] =	stream.linear.gather @!p1 [hbm4b:s4+s16], $0x40, $0x38;
	[tilespmem:$0x1C880] =	vst v63  }
0x38c: {  	s4 =	simm.s32 @!p1 $0x1  }
0x38d: {  	_ =	swait.ge @!p1 [sflag:s4], $0x40  }
0x38e: {  	[sflag:s4] =	ssyncset.done @!p1 $0x0  }
0x38f: {  	[sflag:s4] =	ssyncadd.s32 @!p1 $0xFFFFFFC0  }
0x390: {  	_ =	swait.ge @!p1 [sflag:s4], $0x40  }
0x391: {  	[sflag:s4] =	ssyncset.done @!p1 $0x0  }
0x392: {  	[sflag:s4] =	ssyncadd.s32 @!p1 $0xFFFFFFC0;
	s4 =	simm.s32 @!p1 $0xD  }
0x393: {  	_ =	swait.ge @!p1 [sflag:s4], $0x2000  }
0x394: {  	[sflag:s4] =	ssyncset.done @!p1 $0x0  }
0x395: {  	s9 =	simm.s32 @!p1 $0x800;
	[sflag:s4] =	ssyncadd.s32 @!p1 $0xFFFFE000;
	s4 =	simm.s32 @!p1 $0x40  }
0x396: {  	[tilespmem:s9], [sflag:$0x9] =	stream.indirect.gather @!p1 [hbm4b:s1+s4], $0x80, s16, s4, $0xb8;
	[tilespmem:$0x1C880] =	vst v63  }
0x397: {  	s4 =	sadd.s32 @!p1 s20, s25  }
0x398: {  	s4 =	sshll.u32 @!p1 s4, $0x6  }
0x399: {  	s4 =	sand.u32 @!p1 $0x1FFFFE00, s4  }
0x39a: {  	s30 =	simm.s32 $0x0;
	s9 =	simm.s32 @!p1 $0x8800;
	s4 =	sadd.s32 @!p1 s5, s4  }
0x39b: {  	[tilespmem:s9], [sflag:$0x9] =	stream.linear.gather @!p1 [hbm4b:s4+s16], $0x200, $0x38;
	[tilespmem:$0x1C880] =	vst v63  }
0x39c: {  	v8 =	vmov s30;
	_ =	swait.ge [sflag:s24], $0x2000  }
0x39d: {  	v9 =	vshll.u32 v8, $0x7;
	[sflag:s24] =	ssyncset.done $0x0  }
0x39e: {  	v10 =	vor.u32 v0, v9;
	[sflag:s24] =	ssyncadd.s32 $0xFFFFE000  }
0x39f: {  	_ =	swait.ge [sflag:s24], $0x200  }
0x3a0: {  	[sflag:s24] =	ssyncset.done $0x0  }
0x3a1: {  	[sflag:s24] =	ssyncadd.s32 $0xFFFFFE00  }
0x3a2: {  	v11 =	vld.idx.msk [tilespmem:v8+s23+$0x0], $0xffff  }
0x3a3: {  	v12 =	vld.idx.msk [tilespmem:v10+s10+$0x0], $0xffff;
	_ =	sdelay $0x2  }
0x3a4: {  	v13 =	vor.u32 $0x40, v8  }
0x3a5: {  	v14 =	vor.u32 v1, v9  }
0x3a6: {  	v11 =	vmul.f32 v12, v11;
	_ =	sdelay $0x1  }
0x3a7: {  	[tilespmem:v10+s10+$0x0] =	vst.idx.msk $0xffff, v11  }
0x3a8: {  	v10 =	vld.idx.msk [tilespmem:v13+s23+$0x0], $0xffff  }
0x3a9: {  	v11 =	vld.idx.msk [tilespmem:v14+s10+$0x0], $0xffff;
	_ =	sdelay $0x2  }
0x3aa: {  	v53 =	vor.u32 $0x80, v8  }
0x3ab: {  	v54 =	vor.u32 v2, v9  }
0x3ac: {  	v10 =	vmul.f32 v11, v10;
	_ =	sdelay $0x1  }
0x3ad: {  	[tilespmem:v14+s10+$0x0] =	vst.idx.msk $0xffff, v10  }
0x3ae: {  	v10 =	vld.idx.msk [tilespmem:v53+s23+$0x0], $0xffff  }
0x3af: {  	v11 =	vld.idx.msk [tilespmem:v54+s10+$0x0], $0xffff;
	_ =	sdelay $0x2  }
0x3b0: {  	v55 =	vor.u32 $0xC0, v8  }
0x3b1: {  	v56 =	vor.u32 v3, v9  }
0x3b2: {  	v10 =	vmul.f32 v11, v10;
	_ =	sdelay $0x1  }
0x3b3: {  	[tilespmem:v54+s10+$0x0] =	vst.idx.msk $0xffff, v10  }
0x3b4: {  	v10 =	vld.idx.msk [tilespmem:v55+s23+$0x0], $0xffff  }
0x3b5: {  	v11 =	vld.idx.msk [tilespmem:v56+s10+$0x0], $0xffff;
	_ =	sdelay $0x2  }
0x3b6: {  	v57 =	vor.u32 $0x100, v8  }
0x3b7: {  	v58 =	vor.u32 v4, v9  }
0x3b8: {  	v10 =	vmul.f32 v11, v10;
	_ =	sdelay $0x1  }
0x3b9: {  	[tilespmem:v56+s10+$0x0] =	vst.idx.msk $0xffff, v10  }
0x3ba: {  	v10 =	vld.idx.msk [tilespmem:v57+s23+$0x0], $0xffff  }
0x3bb: {  	v11 =	vld.idx.msk [tilespmem:v58+s10+$0x0], $0xffff;
	_ =	sdelay $0x2  }
0x3bc: {  	v59 =	vor.u32 $0x140, v8  }
0x3bd: {  	v60 =	vor.u32 v5, v9  }
0x3be: {  	v10 =	vmul.f32 v11, v10;
	_ =	sdelay $0x1  }
0x3bf: {  	[tilespmem:v58+s10+$0x0] =	vst.idx.msk $0xffff, v10  }
0x3c0: {  	v10 =	vld.idx.msk [tilespmem:v59+s23+$0x0], $0xffff  }
0x3c1: {  	v11 =	vld.idx.msk [tilespmem:v60+s10+$0x0], $0xffff;
	_ =	sdelay $0x2  }
0x3c2: {  	v61 =	vor.u32 $0x180, v8  }
0x3c3: {  	v62 =	vor.u32 v6, v9  }
0x3c4: {  	v10 =	vmul.f32 v11, v10;
	_ =	sdelay $0x1  }
0x3c5: {  	[tilespmem:v60+s10+$0x0] =	vst.idx.msk $0xffff, v10  }
0x3c6: {  	v10 =	vld.idx.msk [tilespmem:v61+s23+$0x0], $0xffff  }
0x3c7: {  	v11 =	vld.idx.msk [tilespmem:v62+s10+$0x0], $0xffff;
	_ =	sdelay $0x2  }
0x3c8: {  	v63 =	vor.u32 $0x1C0, v8  }
0x3c9: {  	v8 =	vor.u32 v7, v9  }
0x3ca: {  	v9 =	vmul.f32 v11, v10;
	_ =	sdelay $0x1  }
0x3cb: {  	[tilespmem:v62+s10+$0x0] =	vst.idx.msk $0xffff, v9  }
0x3cc: {  	v9 =	vld.idx.msk [tilespmem:v63+s23+$0x0], $0xffff  }
0x3cd: {  	s9 =	simm.s32 $0x1;
	v10 =	vld.idx.msk [tilespmem:v8+s10+$0x0], $0xffff  }
.LBB2_17:
0x3ce: {  	p1 =	sne.s32 s9, $0x3F;
	s4 =	smov.u32 s9;
	s9 =	sadd.s32 $0x1, s9  }
0x3cf: {  	_ = 	snop  }
0x3d0: {  	v11 =	vmov s4  }
0x3d1: {  	v12 =	vshll.u32 v11, $0x7  }
0x3d2: {  	v13 =	vor.u32 v0, v12  }
0x3d3: {  	v9 =	vmul.f32 v10, v9;
	_ =	sdelay $0x1  }
0x3d4: {  	[tilespmem:v8+s10+$0x0] =	vst.idx.msk $0xffff, v9  }
0x3d5: {  	v8 =	vld.idx.msk [tilespmem:v11+s23+$0x0], $0xffff  }
0x3d6: {  	v9 =	vld.idx.msk [tilespmem:v13+s10+$0x0], $0xffff;
	_ =	sdelay $0x3  }
0x3d7: {  	v14 =	vor.u32 v1, v12;
	v10 =	vor.u32 $0x40, v11;
	_ =	sdelay $0x1  }
0x3d8: {  	v8 =	vmul.f32 v9, v8;
	_ =	sdelay $0x1  }
0x3d9: {  	[tilespmem:v13+s10+$0x0] =	vst.idx.msk $0xffff, v8  }
0x3da: {  	v8 =	vld.idx.msk [tilespmem:v10+s23+$0x0], $0xffff  }
0x3db: {  	v9 =	vld.idx.msk [tilespmem:v14+s10+$0x0], $0xffff;
	_ =	sdelay $0x3  }
0x3dc: {  	v13 =	vor.u32 v2, v12;
	v10 =	vor.u32 $0x80, v11;
	_ =	sdelay $0x1  }
0x3dd: {  	v8 =	vmul.f32 v9, v8;
	_ =	sdelay $0x1  }
0x3de: {  	[tilespmem:v14+s10+$0x0] =	vst.idx.msk $0xffff, v8  }
0x3df: {  	v8 =	vld.idx.msk [tilespmem:v10+s23+$0x0], $0xffff  }
0x3e0: {  	v9 =	vld.idx.msk [tilespmem:v13+s10+$0x0], $0xffff;
	_ =	sdelay $0x3  }
0x3e1: {  	v14 =	vor.u32 v3, v12;
	v10 =	vor.u32 $0xC0, v11;
	_ =	sdelay $0x1  }
0x3e2: {  	v8 =	vmul.f32 v9, v8;
	_ =	sdelay $0x1  }
0x3e3: {  	[tilespmem:v13+s10+$0x0] =	vst.idx.msk $0xffff, v8  }
0x3e4: {  	v8 =	vld.idx.msk [tilespmem:v10+s23+$0x0], $0xffff  }
0x3e5: {  	v9 =	vld.idx.msk [tilespmem:v14+s10+$0x0], $0xffff;
	_ =	sdelay $0x3  }
0x3e6: {  	v13 =	vor.u32 v4, v12;
	v10 =	vor.u32 $0x100, v11;
	_ =	sdelay $0x1  }
0x3e7: {  	v8 =	vmul.f32 v9, v8;
	_ =	sdelay $0x1  }
0x3e8: {  	[tilespmem:v14+s10+$0x0] =	vst.idx.msk $0xffff, v8  }
0x3e9: {  	v8 =	vld.idx.msk [tilespmem:v10+s23+$0x0], $0xffff  }
0x3ea: {  	v9 =	vld.idx.msk [tilespmem:v13+s10+$0x0], $0xffff;
	_ =	sdelay $0x3  }
0x3eb: {  	v14 =	vor.u32 v5, v12;
	v10 =	vor.u32 $0x140, v11;
	_ =	sdelay $0x1  }
0x3ec: {  	v8 =	vmul.f32 v9, v8;
	_ =	sdelay $0x1  }
0x3ed: {  	[tilespmem:v13+s10+$0x0] =	vst.idx.msk $0xffff, v8  }
0x3ee: {  	v8 =	vld.idx.msk [tilespmem:v10+s23+$0x0], $0xffff  }
0x3ef: {  	v9 =	vld.idx.msk [tilespmem:v14+s10+$0x0], $0xffff;
	_ =	sdelay $0x3  }
0x3f0: {  	v13 =	vor.u32 v6, v12;
	v10 =	vor.u32 $0x180, v11;
	_ =	sdelay $0x1  }
0x3f1: {  	v8 =	vmul.f32 v9, v8;
	_ =	sdelay $0x1  }
0x3f2: {  	[tilespmem:v14+s10+$0x0] =	vst.idx.msk $0xffff, v8  }
0x3f3: {  	v9 =	vld.idx.msk [tilespmem:v10+s23+$0x0], $0xffff  }
0x3f4: {  	v10 =	vld.idx.msk [tilespmem:v13+s10+$0x0], $0xffff;
	_ =	sdelay $0x3  }
0x3f5: {  	v11 =	vor.u32 $0x1C0, v11;
	v8 =	vor.u32 v7, v12;
	_ =	sdelay $0x1  }
.Ltmp7:
0x3f6: {  	v9 =	vmul.f32 v10, v9;
	(pc) =	sbr.rel @p1 .LBB2_17-.Ltmp7, $4  }
0x3f7: {  	_ = 	snop  }
0x3f8: {  	[tilespmem:v13+s10+$0x0] =	vst.idx.msk $0xffff, v9  }
0x3f9: {  	v9 =	vld.idx.msk [tilespmem:v11+s23+$0x0], $0xffff  }
0x3fa: {  	v10 =	vld.idx.msk [tilespmem:v8+s10+$0x0], $0xffff  }
0x3fb: {  	_ = 	snop  }
0x3fc: {  	s28 =	sadd.s32 $0x1, s28  }
0x3fd: {  	p1 =	sne.s32 s28, $0x14  }
.Ltmp8:
0x3fe: {  	_ = 	snop;
	(pc) =	sbr.rel @p1 .LBB2_2-.Ltmp8, $3  }
0x3ff: {  	v9 =	vmul.f32 v10, v9;
	_ =	sdelay $0x1  }
0x400: {  	s2 =	simm.s32 $0x780;
	s16 =	simm.s32 $0x0;
	[tilespmem:v8+s10+$0x0] =	vst.idx.msk $0xffff, v9  }
0x401: {  	[spmem:s3] =	stream.indirect.scatter.add.f32 [tilespmem:s10], [sflag:$0x10], $0x80, s2, s13, $0xb8;
	[tilespmem:$0x1C880] =	vst v63  }
0x402: {  	s2 =	simm.s32 $0xD  }
0x403: {  	_ =	swait.ge [sflag:s2], $0x2000  }
0x404: {  	[sflag:s2] =	ssyncset.done $0x0  }
0x405: {  	s17 =	simm.s32 $0xE;
	[sflag:s2] =	ssyncadd.s32 $0xFFFFE000  }
0x406: {  	_ =	swait.ge [sflag:s17], $0x2000  }
0x407: {  	[sflag:s17] =	ssyncset.done $0x0  }
0x408: {  	s18 =	simm.s32 $0xF;
	[sflag:s17] =	ssyncadd.s32 $0xFFFFE000  }
0x409: {  	_ =	swait.ge [sflag:s18], $0x2000  }
0x40a: {  	[sflag:s18] =	ssyncset.done $0x0  }
0x40b: {  	s25 =	simm.s32 $0x10;
	[sflag:s18] =	ssyncadd.s32 $0xFFFFE000  }
0x40c: {  	_ =	swait.ge [sflag:s25], $0x2000  }
0x40d: {  	[sflag:s25] =	ssyncset.done $0x0  }
0x40e: {  	[sflag:s25] =	ssyncadd.s32 $0xFFFFE000  }
0x40f: {  	[bflag:$0x0] =	sbarrier.arrive $0xFFFF  }
0x410: {  	s17 =	rddreg [dreg:$0x6]  }
0x411: {  	s4 =	rddreg [dreg:$0x10]  }
0x412: {  	s18 =	simm.s32 $0x11;
	s28 =	rddreg [dreg:$0x18]  }
0x413: {  	[hbm:s4], [sflag:s17] =	dma.local [spmem:s28], $0x2700  }
0x414: {  	_ =	swait.ge [sflag:s18], $0x2700  }
0x415: {  	[sflag:s18] =	ssyncset.done $0x0;
	s4 =	rddreg [dreg:$0x12]  }
0x416: {  	s2 =	rddreg [dreg:$0x19];
	[sflag:s18] =	ssyncadd.s32 $0xFFFFD900  }
0x417: {  	[hbm:s4], [sflag:s17] =	dma.local @!p0 [spmem:s2], $0x100  }
0x418: {  	s4 =	simm.s32 @!p0 $0x11  }
0x419: {  	_ =	swait.ge @!p0 [sflag:s4], $0x100  }
0x41a: {  	s30 =	rddreg [dreg:$0x17]  }
0x41b: {  	s9 =	rddreg [dreg:$0x13];
	s2 =	sadd.s32 $0x1, s30  }
0x41c: {  	p1 =	sne.s32 s2, s9  }
.Ltmp9:
0x41d: {  	_ = 	snop;
	(pc) =	sbr.rel @p1 .LBB2_1-.Ltmp9, $3  }
0x41e: {  	_ =	sdelay $0x1  }
0x41f: {  	[sflag:s4] =	ssyncset.done @!p0 $0x0  }
0x420: {  	[sflag:s4] =	ssyncadd.s32 @!p0 $0xFFFFFF00  }
0x421: {  	_ =	sfence.sel $0x180000  }
0x422: {  	[bflag:$0x0] =	sbarrier.arrive $0xFFFF  }
0x423: {  	_ =	strace $0x9000004A  }
0x424: {  	s0 =	stileid.u32;
	[bflag:$0x2] =	sbarrier.arrive $0xFFFF  }
0x425: {  	p0 =	sne.s32 s0, $0x0;
	s0 =	rddreg [dreg:$0x3]  }
0x426: {  	s0 =	sadd.s32 @!p0 $0x100000, s0  }
0x427: {  	[sflag:s0] =	ssyncadd.tile.s32 @!p0 $0x1;
	_ =	shalt  }
.Lfunc_end2:
_tile_overlayer_lowered:
.L_overlay_start_2:
0x428: {  	(tag) =	ssettag $0x2  }
0x429: {  	s0 =	rddreg [dreg:$0x0];
	s2 =	stileid.u32  }
0x42a: {  	s1 =	rddreg [dreg:$0x1];
	p0 =	sne.s32 s2, $0x0  }
0x42b: {  	s3 =	rddreg [dreg:$0x2];
	[bflag:$0x3] =	sbarrier.arrive $0xFFFF;
	s2 =	simm.s32 @!p0 $0x1C11  }
0x42c: {  	[timem:s3], [sflag:s2] =	dma.local @!p0 [hbm:s0], s1  }
0x42d: {  	s0 =	simm.s32 @!p0 $0x11  }
0x42e: {  	_ =	swait.ge @!p0 [sflag:s0], s1  }
0x42f: {  	s1 =	ssub.s32 @!p0 $0x0, s1;
	[sflag:s0] =	ssyncset.done @!p0 $0x0  }
0x430: {  	[sflag:s0] =	ssyncadd.s32 @!p0 s1  }
0x431: {  	[bflag:$0x3] =	sbarrier.arrive $0xFFFF  }
0x432: {  	_ =	shalt  }

// kernel: kernel.8.cloned.1.call-start
scs
__scs_entry_jumppad:
0x0: {  	(pc) =	sbr.rel $0x88, $3  }
0x1: {  	(tag) =	ssettag $0x0;
	lr =	simm.s32 $0x1  }
0x2: {  	[smem:$0x3F85] =	sst lr;
	_ =	strace $0xD0000000  }
0x3: {  	_ = 	snop  }
0x4: {  	_ = 	snop  }
0x5: {  	_ = 	snop  }
0x6: {  	_ = 	snop  }
0x7: {  	_ = 	snop  }
__scs_overlays_trampoline_lowered:
0x8: {  	[smem:$0x3F94] =	sst s0  }
0x9: {  	[smem:$0x3F95] =	sst s1  }
0xa: {  	[smem:$0x3F96] =	sst s2  }
0xb: {  	[smem:$0x3F97] =	sst s3  }
0xc: {  	[smem:$0x3F98] =	sst s4  }
0xd: {  	[smem:$0x3F99] =	sst s5  }
0xe: {  	[smem:$0x3F9A] =	sst s6  }
0xf: {  	[smem:$0x3F9B] =	sst s7  }
0x10: {  	[smem:$0x3F9C] =	sst s8  }
0x11: {  	[smem:$0x3F9D] =	sst s9;
	s0 =	simm.s32 @!p0 $0x0  }
0x12: {  	s1 =	sld [smem:$0x3F83];
	s0 =	simm.s32 @p0 $0x1  }
0x13: {  	[smem:$0x3F9E] =	sst s0;
	s0 =	simm.s32 @!p1 $0x0  }
0x14: {  	s2 =	sld [smem:$0x3F82];
	s0 =	simm.s32 @p1 $0x1  }
0x15: {  	[smem:$0x3F9F] =	sst s0;
	s0 =	simm.s32 @!p2 $0x0  }
0x16: {  	s3 =	sld [smem:$0x3FDB];
	s0 =	simm.s32 @p2 $0x1  }
0x17: {  	s4 =	simm.s32 $0x1BF5;
	[smem:$0x3FA1] =	sst s0  }
0x18: {  	s0 =	sld [smem:$0x3F84];
	_ =	swait.ge [sflag:s4], $0x0  }
0x19: {  	s7 =	sld [smem:$0x3F85]  }
0x1a: {  	s8 =	sadd.s32 $0xFFFFE003, lr  }
0x1b: {  	s9 =	sadd.s32 $0xFFFFFEF7, lr;
	s5 =	simm.s32 $0xFFFFFFFF;
	p2 =	slt.u32 s8, $0xFFFFF086  }
0x1c: {  	p1 =	slt.u32 s9, $0xF7A;
	s5 =	simm.s32 @!p2 $0x0  }
0x1d: {  	s5 =	simm.s32 @p1 $0x1;
	p0 =	seq.s32 s7, s2  }
0x1e: {  	s7 =	smul.u32 @!p0 $0xF7A, s2;
	p2 =	seq.s32 @!p0 s5, $0x0  }
0x1f: {  	s9 =	smul.u32 $0xF7A, s1;
	s8 =	simm.s32 @!p0 $0x1BF5;
	p2 =	por !p2, p0  }
0x20: {  	[sflag:s8] =	ssyncset.s32 @!p0 $0xFFFFF086;
	s6 =	sadd.s32 @!p0 s3, s7;
	s7 =	simm.s32 @!p0 $0x108  }
0x21: {  	s3 =	sadd.s32 s3, s9;
	s6 =	sadd.s32 @!p0 $0x88, s6;
	s7 =	simm.s32 @p2 $0x1082  }
0x22: {  	[simem:s7], [sflag:s8] =	dma.local @!p0 [hbm:s6], $0xF7A  }
0x23: {  	s9 =	sor.u32 $0xD0000000, s2;
	s6 =	simm.s32 $0x108;
	_ =	swait.ge @!p0 [sflag:s8], $0x0  }
0x24: {  	s3 =	sadd.s32 $0x88, s3;
	s6 =	simm.s32 @!p1 $0x1082;
	[sflag:s4] =	ssyncset.s32 $0xFFFFF086  }
0x25: {  	[simem:s6], [sflag:s4] =	dma.local [hbm:s3], $0xF7A  }
0x26: {  	[smem:$0x3F85] =	sst s1;
	(tag) =	ssettag s2;
	_ =	strace s9  }
0x27: {  	s1 =	sld [smem:$0x3F95]  }
0x28: {  	s2 =	sld [smem:$0x3F96]  }
0x29: {  	s4 =	sld [smem:$0x3F98]  }
0x2a: {  	p0 =	seq.s32 s5, $0x0;
	s5 =	sld [smem:$0x3F99]  }
0x2b: {  	s6 =	sld [smem:$0x3F9A]  }
0x2c: {  	s7 =	sld [smem:$0x3F9B]  }
0x2d: {  	s3 =	simm.s32 $0x108;
	s8 =	sld [smem:$0x3F9C]  }
0x2e: {  	s3 =	simm.s32 @!p0 $0x1082;
	s9 =	sld [smem:$0x3F9D]  }
0x2f: {  	lr =	sadd.s32 s0, s3;
	s0 =	sld [smem:$0x3F94]  }
0x30: {  	s3 =	sld [smem:$0x3F97]  }
0x31: {  	[smem:$0x3FA0] =	sst s10  }
0x32: {  	s10 =	sld [smem:$0x3F9E];
	_ =	sdelay $0x3  }
0x33: {  	p0 =	seq.s32 s10, $0x1;
	s10 =	sld [smem:$0x3FA0];
	_ =	sdelay $0x3  }
0x34: {  	[smem:$0x3FA0] =	sst s10  }
0x35: {  	s10 =	sld [smem:$0x3F9F];
	_ =	sdelay $0x3  }
0x36: {  	p1 =	seq.s32 s10, $0x1;
	s10 =	sld [smem:$0x3FA0];
	_ =	sdelay $0x3  }
0x37: {  	[smem:$0x3FA0] =	sst s10  }
0x38: {  	s10 =	sld [smem:$0x3FA1]  }
0x39: {  	_ = 	snop;
	(pc) =	sbr.ind lr, $3  }
0x3a: {  	_ = 	snop  }
0x3b: {  	_ = 	snop  }
0x3c: {  	p2 =	seq.s32 s10, $0x1;
	s10 =	sld [smem:$0x3FA0]  }
0x3d: {  	_ =	shalt  }
0x3e: {  	_ =	shalt  }
0x3f: {  	_ =	shalt  }
0x40: {  	_ =	shalt  }
0x41: {  	_ =	shalt  }
0x42: {  	_ =	shalt  }
0x43: {  	_ =	shalt  }
0x44: {  	_ =	shalt  }
0x45: {  	_ =	shalt  }
0x46: {  	_ =	shalt  }
0x47: {  	_ =	shalt  }
0x48: {  	_ =	shalt  }
0x49: {  	_ =	shalt  }
0x4a: {  	_ =	shalt  }
0x4b: {  	_ =	shalt  }
0x4c: {  	_ =	shalt  }
0x4d: {  	_ =	shalt  }
0x4e: {  	_ =	shalt  }
0x4f: {  	_ =	shalt  }
0x50: {  	_ =	shalt  }
0x51: {  	_ =	shalt  }
0x52: {  	_ =	shalt  }
0x53: {  	_ =	shalt  }
0x54: {  	_ =	shalt  }
0x55: {  	_ =	shalt  }
0x56: {  	_ =	shalt  }
0x57: {  	_ =	shalt  }
0x58: {  	_ =	shalt  }
0x59: {  	_ =	shalt  }
0x5a: {  	_ =	shalt  }
0x5b: {  	_ =	shalt  }
0x5c: {  	_ =	shalt  }
0x5d: {  	_ =	shalt  }
0x5e: {  	_ =	shalt  }
0x5f: {  	_ =	shalt  }
0x60: {  	_ =	shalt  }
0x61: {  	_ =	shalt  }
0x62: {  	_ =	shalt  }
0x63: {  	_ =	shalt  }
0x64: {  	_ =	shalt  }
0x65: {  	_ =	shalt  }
0x66: {  	_ =	shalt  }
0x67: {  	_ =	shalt  }
0x68: {  	_ =	shalt  }
0x69: {  	_ =	shalt  }
0x6a: {  	_ =	shalt  }
0x6b: {  	_ =	shalt  }
0x6c: {  	_ =	shalt  }
0x6d: {  	_ =	shalt  }
0x6e: {  	_ =	shalt  }
0x6f: {  	_ =	shalt  }
0x70: {  	_ =	shalt  }
0x71: {  	_ =	shalt  }
0x72: {  	_ =	shalt  }
0x73: {  	_ =	shalt  }
0x74: {  	_ =	shalt  }
0x75: {  	_ =	shalt  }
0x76: {  	_ =	shalt  }
0x77: {  	_ =	shalt  }
0x78: {  	_ =	shalt  }
0x79: {  	_ =	shalt  }
0x7a: {  	_ =	shalt  }
0x7b: {  	_ =	shalt  }
0x7c: {  	_ =	shalt  }
0x7d: {  	_ =	shalt  }
0x7e: {  	_ =	shalt  }
0x7f: {  	_ =	shalt  }
0x80: {  	_ =	shalt  }
0x81: {  	_ =	shalt  }
0x82: {  	_ =	shalt  }
0x83: {  	_ =	shalt  }
0x84: {  	_ =	shalt  }
0x85: {  	_ =	shalt  }
0x86: {  	_ =	shalt  }
0x87: {  	_ =	shalt  }
.Lfunc_end0:
.L_simem_size_0:
called_computation_lowered:
.L_overlay_start_0:
0x88: {  	s2 =	sld [smem:$0x3FD9]  }
0x89: {  	s3 =	sld [smem:$0x3FFE];
	_ =	sdelay $0x1  }
0x8a: {  	s1 =	srdreg.scid  }
0x8b: {  	s0 =	sand.u32 $0x1, s1  }
0x8c: {  	s16 =	sshll.u32 s0, $0xA;
	s2 =	sadd.s32 s3, s2  }
0x8d: {  	s2 =	sadd.s32 s2, s16  }
0x8e: {  	[smem:$0x3FAC] =	sst s2  }
0x8f: {  	_ = 	snop  }
0x90: {  	(tm) =	ssettm $0x1  }
0x91: {  	s17 =	sld [smem:$0x3FFB];
	_ =	sdelay $0x3  }
0x92: {  	_ =	strace s17  }
0x93: {  	s2 =	sld [smem:$0x3FFC];
	_ =	sdelay $0x3  }
0x94: {  	_ =	strace s2  }
0x95: {  	s2 =	sld [smem:$0x3FFD];
	_ =	sdelay $0x3  }
0x96: {  	_ =	strace s2  }
0x97: {  	_ =	strace $0x8FFFFFFF  }
0x98: {  	s18 =	sld [smem:$0x3FDB];
	_ =	sdelay $0x1  }
0x99: {  	s19 =	simm.s32 $_scs_section_size  }
0x9a: {  	s4 =	simm.s32 $_size__tile_overlayer_lowered;
	s5 =	simm.s32 $_tile_overlayer_lowered  }
0x9b: {  	s22 =	simm.s32 $0x1BFF;
	s21 =	sshll.u32 s5, $0x1;
	s2 =	sadd.s32 s19, s18  }
0x9c: {  	s6 =	simm.s32 $0x0;
	s20 =	sshll.u32 s4, $0x1;
	s4 =	sadd.s32 s21, s2  }
0x9d: {  	[timem:s6], [sflag:s22] =	dma.local [hbm:s4], s20  }
0x9e: {  	_ =	swait.ge [sflag:s22], s20  }
0x9f: {  	s3 =	ssub.s32 $0x0, s20;
	[sflag:s22] =	ssyncset.done $0x0  }
0xa0: {  	[sflag:s22] =	ssyncadd.s32 s3;
	_ =	sdelay $0x1  }
0xa1: {  	s23 =	simm.s32 $0x1B8B  }
0xa2: {  	_ =	swait.ge [sflag:s23], $0x1  }
0xa3: {  	[sflag:s23] =	ssyncset.done $0x0  }
0xa4: {  	s25 =	simm.s32 $0x1B8E;
	s24 =	sld [smem:$0x3FFE];
	[sflag:s23] =	ssyncadd.s32 $0xFFFFFFFF  }
0xa5: {  	s26 =	simm.s32 $execute0_lowered;
	[smem:$0x3FD2] =	sst s25  }
0xa6: {  	s4 =	sshll.u32 s26, $0x1;
	_ =	strace $0x80000046;
	[dreg:$0x1] =	wrdreg $0xFFFFFFFF  }
0xa7: {  	s28 =	simm.s32 $_size_execute0_lowered;
	s2 =	sadd.s32 s2, s4;
	[dreg:$0x0] =	wrdreg $0x0  }
0xa8: {  	s4 =	sshll.u32 s28, $0x1;
	[dreg:$0x2] =	wrdreg s2  }
0xa9: {  	[dreg:$0x3] =	wrdreg s4  }
0xaa: {  	[dreg:$0x4] =	wrdreg $0xC0  }
0xab: {  	_ =	task [dreg:s6], $0x5FFFF  }
0xac: {  	[dreg:$0x1] =	wrdreg $0xFFFFFFFF  }
0xad: {  	[dreg:$0x0] =	wrdreg $0x60  }
0xae: {  	[dreg:$0x2] =	wrdreg s24  }
0xaf: {  	[dreg:$0x3] =	wrdreg $0x9  }
0xb0: {  	_ =	task.clear_ibuf [dreg:s6], $0x4FFFF;
	_ =	strace $0x90000046  }
0xb1: {  	s29 =	simm.s32 $0x9;
	_ =	strace $0x80000048  }
0xb2: {  	_ =	swait.ge [sflag:s29], $0x1  }
0xb3: {  	[sflag:s29] =	ssyncadd.s32 $0xFFFFFFFF  }
0xb4: {  	_ =	strace $0x90000048  }
0xb5: {  	_ =	sfence  }
0xb6: {  	s30 =	sld [smem:$0x0];
	_ =	sdelay $0x2  }
0xb7: {  	s31 =	sshll.u32 s1, $0xD;
	s1 =	sshrl.u32 s1, $0x2  }
0xb8: {  	s3 =	sand.u32 $0x4000, s31;
	s1 =	sadd.s32 s1, s30  }
0xb9: {  	s0 =	sor.u32 s3, s0;
	s1 =	sshll.u32 s1, $0x11  }
0xba: {  	s0 =	sor.u32 s1, s0  }
0xbb: {  	s0 =	sadd.s32 $0x8F2B, s0  }
0xbc: {  	[sflag:s0] =	ssyncadd.remote.s32 $0x1  }
0xbd: {  	_ =	sfence.sel $0xFFFF  }
0xbe: {  	[dreg:$0x0] =	wrdreg $0xFFFFFFFF;
	(pc) =	sbr.abs _section_cstart, $3  }
0xbf: {  	[dreg:$0x1] =	wrdreg $0xFFFFFFFF  }
0xc0: {  	_ =	task.clear_ibuf [dreg:s6], $0x2FFFF;
	_ =	strace $0x9FFFFFFF  }
0xc1: {  	(tm) =	ssettm $0x7FFFFFFF  }
tec
execute0_lowered:
.L_overlay_start_1:
0x0: {  	(tag) =	ssettag $0x1  }
0x1: {  	s0 =	rddreg [dreg:$0x0];
	s1 =	simm.s32 $0x0  }
0x2: {  	s2 =	srdreg.scid;
	s11 =	stileid.u32;
	s28 =	simm.s32 $0x3  }
0x3: {  	s29 =	simm.s32 $0x6;
	s30 =	simm.s32 $0x10800;
	s31 =	simm.s32 $0x4  }
0x4: {  	[smem:$0x7FF] =	sst s1;
	s2 =	sand.u32 $0x1, s2;
	s3 =	sadd.s32 $0x19A00, s0  }
0x5: {  	s4 =	sadd.s32 $0x40C00, s0;
	s6 =	sadd.s32 $0x5A00, s0;
	s7 =	sadd.s32 $0xFA00, s0  }
0x6: {  	s0 =	sadd.s32 $0x67E00, s0;
	s25 =	smul.u32 $0x2800, s11;
	_ =	strace $0x80000047  }
0x7: {  	s5 =	sshll.u32 s2, $0x4;
	s8 =	ssub.s32 $0x2, s2;
	s10 =	smul.u32 $0x28000, s2  }
0x8: {  	s2 =	smul.u32 $0x140000, s2;
	s5 =	sor.u32 s11, s5;
	s9 =	sshrl.u32 s8, $0x1  }
0x9: {  	s11 =	smul.u32 $0x14000, s11;
	s8 =	ssub.s32 s8, s9;
	s9 =	sadd.s32 s25, s10  }
0xa: {  	s5 =	smul.u32 $0x2800, s5;
	s13 =	sor.u32 $0x200, s9;
	s8 =	smax.u32 s8, $0x1  }
0xb: {  	s2 =	sadd.s32 s11, s2;
	s15 =	sor.u32 $0x280, s9;
	s18 =	sor.u32 $0x100, s9  }
0xc: {  	s22 =	sor.u32 $0x180, s9;
	s5 =	sshrl.u32 s5, $0x3;
	[dreg:$0xe] =	wrdreg s8  }
0xd: {  	s2 =	sshrl.u32 s2, $0x3;
	s16 =	sshrl.u32 s15, $0x3;
	s12 =	sadd.s32 s6, s5  }
0xe: {  	s20 =	sshrl.u32 s18, $0x3;
	s26 =	sadd.s32 s7, s5;
	[dreg:$0xa] =	wrdreg s12  }
0xf: {  	s24 =	sshrl.u32 s22, $0x3;
	s17 =	sadd.s32 s16, s7;
	[dreg:$0xb] =	wrdreg s26  }
0x10: {  	s18 =	simm.s32 $0x100;
	s19 =	sadd.s32 s16, s6;
	[dreg:$0x4] =	wrdreg s17  }
0x11: {  	s22 =	simm.s32 $0x4400;
	s21 =	sadd.s32 s20, s7;
	[dreg:$0x5] =	wrdreg s19  }
0x12: {  	s5 =	sor.u32 $0x10, s5;
	s2 =	sadd.s32 s2, s0;
	[dreg:$0x6] =	wrdreg s21  }
0x13: {  	s23 =	sadd.s32 s20, s6;
	s25 =	sadd.s32 s24, s7;
	[dreg:$0xf] =	wrdreg s2  }
0x14: {  	s0 =	sadd.s32 s0, s9;
	s20 =	simm.s32 $0x2;
	[dreg:$0x7] =	wrdreg s23  }
0x15: {  	s12 =	sadd.s32 s6, s5;
	s5 =	sadd.s32 s7, s5;
	[dreg:$0x8] =	wrdreg s25  }
0x16: {  	s26 =	sadd.s32 s24, s6;
	s0 =	sadd.s32 $0x100, s0;
	s19 =	simm.s32 $0x300  }
0x17: {  	s21 =	simm.s32 $0xC400;
	s23 =	simm.s32 $0x5;
	[dreg:$0xc] =	wrdreg s12  }
0x18: {  	s24 =	simm.s32 $0x10400;
	s25 =	simm.s32 $0x180;
	[dreg:$0xd] =	wrdreg s5  }
0x19: {  	s2 =	simm.s32 $0x8;
	s5 =	sshrl.u32 s13, $0x3;
	[dreg:$0x10] =	wrdreg s0  }
0x1a: {  	[dreg:$0x9] =	wrdreg s26;
	s13 =	simm.s32 $0x80;
	s14 =	sadd.s32 s5, s7  }
0x1b: {  	s26 =	simm.s32 $0x380;
	s5 =	sadd.s32 s5, s6;
	[dreg:$0x2] =	wrdreg s14  }
0x1c: {  	s0 =	simm.s32 $0x7;
	s6 =	simm.s32 $0x0;
	[dreg:$0x3] =	wrdreg s5  }
.LBB2_1:
0x1d: {  	[dreg:$0x11] =	wrdreg s6  }
0x1e: {  	s5 =	rddreg [dreg:$0xa]  }
0x1f: {  	[tilespmem:s1], [sflag:$0x1] =	stream.linear.gather [hbm4b:s5+s1], $0x80, $0x38;
	[tilespmem:$0x10C00] =	vst v63  }
0x20: {  	s12 =	rddreg [dreg:$0xb];
	s7 =	simm.s32 $0x200  }
0x21: {  	[tilespmem:s7], [sflag:$0x1] =	stream.linear.gather [hbm4b:s12+s1], $0x80, $0x38;
	[tilespmem:$0x10C00] =	vst v63  }
0x22: {  	s14 =	rddreg [dreg:$0xc]  }
0x23: {  	[tilespmem:s13], [sflag:$0x2] =	stream.linear.gather [hbm4b:s14+s1], $0x80, $0x38;
	[tilespmem:$0x10C00] =	vst v63  }
0x24: {  	s15 =	rddreg [dreg:$0xd];
	s8 =	simm.s32 $0x280;
	s16 =	simm.s32 $0x1  }
0x25: {  	[tilespmem:s8], [sflag:$0x2] =	stream.linear.gather [hbm4b:s15+s1], $0x80, $0x38;
	[tilespmem:$0x10C00] =	vst v63  }
0x26: {  	_ =	swait.ge [sflag:s16], $0x80  }
0x27: {  	[sflag:s16] =	ssyncset.done $0x0  }
0x28: {  	[sflag:s16] =	ssyncadd.s32 $0xFFFFFF80  }
0x29: {  	_ =	swait.ge [sflag:s16], $0x80  }
0x2a: {  	[sflag:s16] =	ssyncset.done $0x0  }
0x2b: {  	s9 =	simm.s32 $0x8400;
	[sflag:s16] =	ssyncadd.s32 $0xFFFFFF80  }
0x2c: {  	[tilespmem:s9], [sflag:$0x5] =	stream.indirect.gather [hbm4b:s4+s13], $0x80, s1, s13, $0xb8;
	[tilespmem:$0x10C00] =	vst v63  }
0x2d: {  	s10 =	simm.s32 $0x400;
	s17 =	rddreg [dreg:$0x7]  }
0x2e: {  	[tilespmem:s10], [sflag:$0x5] =	stream.indirect.gather [hbm4b:s3+s13], $0x80, s7, s13, $0xb8;
	[tilespmem:$0x10C00] =	vst v63  }
0x2f: {  	s5 =	rddreg [dreg:$0x6];
	s6 =	sadd.s32 $0x0, s17  }
0x30: {  	[tilespmem:s18], [sflag:$0x3] =	stream.linear.gather [hbm4b:s6+s1], $0x80, $0x38;
	[tilespmem:$0x10C00] =	vst v63  }
0x31: {  	s11 =	sadd.s32 $0x0, s5  }
0x32: {  	[tilespmem:s19], [sflag:$0x3] =	stream.linear.gather [hbm4b:s11+s1], $0x80, $0x38;
	[tilespmem:$0x10C00] =	vst v63  }
0x33: {  	_ =	swait.ge [sflag:s20], $0x80  }
0x34: {  	[sflag:s20] =	ssyncset.done $0x0  }
0x35: {  	[sflag:s20] =	ssyncadd.s32 $0xFFFFFF80  }
0x36: {  	_ =	swait.ge [sflag:s20], $0x80  }
0x37: {  	[sflag:s20] =	ssyncset.done $0x0  }
0x38: {  	p0 =	por $0x1, $0x1;
	[sflag:s20] =	ssyncadd.s32 $0xFFFFFF80  }
0x39: {  	[tilespmem:s21], [sflag:$0x6] =	stream.indirect.gather [hbm4b:s4+s13], $0x80, s13, s13, $0xb8;
	[tilespmem:$0x10C00] =	vst v63  }
0x3a: {  	s6 =	simm.s32 @!p0 $0x7  }
0x3b: {  	[tilespmem:s22], [sflag:$0x6] =	stream.indirect.gather [hbm4b:s3+s13], $0x80, s8, s13, $0xb8;
	[tilespmem:$0x10C00] =	vst v63  }
0x3c: {  	_ =	swait.ge @!p0 [sflag:s6], $0x400  }
0x3d: {  	[sflag:s6] =	ssyncset.done @!p0 $0x0  }
0x3e: {  	[sflag:s6] =	ssyncadd.s32 @!p0 $0xFFFFFC00  }
0x3f: {  	_ =	swait.ge [sflag:s23], $0x4000  }
0x40: {  	[sflag:s23] =	ssyncset.done $0x0  }
0x41: {  	[sflag:s23] =	ssyncadd.s32 $0xFFFFC000  }
0x42: {  	_ =	swait.ge [sflag:s23], $0x4000  }
0x43: {  	[sflag:s23] =	ssyncset.done $0x0;
	s12 =	rddreg [dreg:$0x9]  }
0x44: {  	s15 =	rddreg [dreg:$0xf];
	[sflag:s23] =	ssyncadd.s32 $0xFFFFC000  }
0x45: {  	[hbm4b:s15+s1] =	stream.linear.scatter [tilespmem:s24], [sflag:$0x7], $0x400, $0x38;
	[tilespmem:$0x10C00] =	vst v63  }
0x46: {  	s14 =	rddreg [dreg:$0x8];
	s6 =	sadd.s32 $0x0, s12  }
0x47: {  	[tilespmem:s25], [sflag:$0x4] =	stream.linear.gather [hbm4b:s6+s1], $0x80, $0x38;
	[tilespmem:$0x10C00] =	vst v63  }
0x48: {  	s16 =	sadd.s32 $0x0, s14  }
0x49: {  	[tilespmem:s26], [sflag:$0x4] =	stream.linear.gather [hbm4b:s16+s1], $0x80, $0x38;
	[tilespmem:$0x10C00] =	vst v63  }
0x4a: {  	_ =	swait.ge [sflag:s28], $0x80  }
0x4b: {  	[sflag:s28] =	ssyncset.done $0x0  }
0x4c: {  	[sflag:s28] =	ssyncadd.s32 $0xFFFFFF80  }
0x4d: {  	_ =	swait.ge [sflag:s28], $0x80  }
0x4e: {  	[sflag:s28] =	ssyncset.done $0x0  }
0x4f: {  	[sflag:s28] =	ssyncadd.s32 $0xFFFFFF80  }
0x50: {  	[tilespmem:s9], [sflag:$0x5] =	stream.indirect.gather [hbm4b:s4+s13], $0x80, s18, s13, $0xb8;
	[tilespmem:$0x10C00] =	vst v63  }
0x51: {  	s6 =	simm.s32 @!p0 $0x8  }
0x52: {  	[tilespmem:s10], [sflag:$0x5] =	stream.indirect.gather [hbm4b:s3+s13], $0x80, s19, s13, $0xb8;
	[tilespmem:$0x10C00] =	vst v63  }
0x53: {  	_ =	swait.ge @!p0 [sflag:s6], $0x400  }
0x54: {  	[sflag:s6] =	ssyncset.done @!p0 $0x0  }
0x55: {  	[sflag:s6] =	ssyncadd.s32 @!p0 $0xFFFFFC00  }
0x56: {  	_ =	swait.ge [sflag:s29], $0x4000  }
0x57: {  	[sflag:s29] =	ssyncset.done $0x0  }
0x58: {  	[sflag:s29] =	ssyncadd.s32 $0xFFFFC000  }
0x59: {  	_ =	swait.ge [sflag:s29], $0x4000  }
0x5a: {  	p0 =	por $0x0, $0x0;
	[sflag:s29] =	ssyncset.done $0x0;
	s12 =	rddreg [dreg:$0x10]  }
0x5b: {  	s7 =	rddreg [dreg:$0x3];
	s17 =	sadd.s32 $0xFFFFFF80, s12;
	[sflag:s29] =	ssyncadd.s32 $0xFFFFC000  }
0x5c: {  	[hbm4b:s17+s1] =	stream.linear.scatter [tilespmem:s30], [sflag:$0x8], $0x400, $0x38;
	[tilespmem:$0x10C00] =	vst v63  }
0x5d: {  	s8 =	rddreg [dreg:$0x2];
	s6 =	sadd.s32 @!p0 $0x0, s7;
	s7 =	simm.s32 @!p0 $0x0  }
0x5e: {  	[tilespmem:s7], [sflag:$0x1] =	stream.linear.gather @!p0 [hbm4b:s6+s7], $0x80, $0x38;
	[tilespmem:$0x10C00] =	vst v63  }
0x5f: {  	s8 =	sadd.s32 @!p0 $0x0, s8;
	s6 =	simm.s32 @!p0 $0x200  }
0x60: {  	[tilespmem:s6], [sflag:$0x1] =	stream.linear.gather @!p0 [hbm4b:s8+s7], $0x80, $0x38;
	[tilespmem:$0x10C00] =	vst v63  }
0x61: {  	_ =	swait.ge [sflag:s31], $0x80  }
0x62: {  	[sflag:s31] =	ssyncset.done $0x0  }
0x63: {  	[sflag:s31] =	ssyncadd.s32 $0xFFFFFF80  }
0x64: {  	_ =	swait.ge [sflag:s31], $0x80  }
0x65: {  	[sflag:s31] =	ssyncset.done $0x0  }
0x66: {  	[sflag:s31] =	ssyncadd.s32 $0xFFFFFF80  }
0x67: {  	[tilespmem:s21], [sflag:$0x6] =	stream.indirect.gather [hbm4b:s4+s13], $0x80, s25, s13, $0xb8;
	[tilespmem:$0x10C00] =	vst v63  }
0x68: {  	_ = 	snop  }
0x69: {  	[tilespmem:s22], [sflag:$0x6] =	stream.indirect.gather [hbm4b:s3+s13], $0x80, s26, s13, $0xb8;
	[tilespmem:$0x10C00] =	vst v63  }
0x6a: {  	_ =	swait.ge [sflag:s0], $0x400  }
0x6b: {  	[sflag:s0] =	ssyncset.done $0x0  }
0x6c: {  	[sflag:s0] =	ssyncadd.s32 $0xFFFFFC00  }
0x6d: {  	_ =	swait.ge [sflag:s23], $0x4000  }
0x6e: {  	[sflag:s23] =	ssyncset.done $0x0  }
0x6f: {  	[sflag:s23] =	ssyncadd.s32 $0xFFFFC000  }
0x70: {  	_ =	swait.ge [sflag:s23], $0x4000  }
0x71: {  	[sflag:s23] =	ssyncset.done $0x0  }
0x72: {  	s8 =	rddreg [dreg:$0x5];
	[sflag:s23] =	ssyncadd.s32 $0xFFFFC000  }
0x73: {  	[hbm4b:s12+s1] =	stream.linear.scatter [tilespmem:s24], [sflag:$0x7], $0x400, $0x38;
	[tilespmem:$0x10C00] =	vst v63  }
0x74: {  	s10 =	simm.s32 @!p0 $0x80;
	s9 =	rddreg [dreg:$0x4];
	s8 =	sadd.s32 @!p0 $0x0, s8  }
0x75: {  	[tilespmem:s10], [sflag:$0x2] =	stream.linear.gather @!p0 [hbm4b:s8+s7], $0x80, $0x38;
	[tilespmem:$0x10C00] =	vst v63  }
0x76: {  	s11 =	simm.s32 @!p0 $0x1;
	s9 =	sadd.s32 @!p0 $0x0, s9;
	s8 =	simm.s32 @!p0 $0x280  }
0x77: {  	[tilespmem:s8], [sflag:$0x2] =	stream.linear.gather @!p0 [hbm4b:s9+s7], $0x80, $0x38;
	[tilespmem:$0x10C00] =	vst v63  }
0x78: {  	_ =	swait.ge @!p0 [sflag:s11], $0x80  }
0x79: {  	[sflag:s11] =	ssyncset.done @!p0 $0x0  }
0x7a: {  	[sflag:s11] =	ssyncadd.s32 @!p0 $0xFFFFFF80  }
0x7b: {  	_ =	swait.ge @!p0 [sflag:s11], $0x80  }
0x7c: {  	[sflag:s11] =	ssyncset.done @!p0 $0x0  }
0x7d: {  	s8 =	simm.s32 @!p0 $0x8400;
	[sflag:s11] =	ssyncadd.s32 @!p0 $0xFFFFFF80  }
0x7e: {  	[tilespmem:s8], [sflag:$0x5] =	stream.indirect.gather @!p0 [hbm4b:s4+s10], $0x80, s7, s10, $0xb8;
	[tilespmem:$0x10C00] =	vst v63  }
0x7f: {  	s7 =	simm.s32 @!p0 $0x400  }
0x80: {  	[tilespmem:s7], [sflag:$0x5] =	stream.indirect.gather @!p0 [hbm4b:s3+s10], $0x80, s6, s10, $0xb8;
	[tilespmem:$0x10C00] =	vst v63  }
0x81: {  	_ =	swait.ge [sflag:s2], $0x400  }
0x82: {  	[sflag:s2] =	ssyncset.done $0x0  }
0x83: {  	[sflag:s2] =	ssyncadd.s32 $0xFFFFFC00  }
0x84: {  	_ =	swait.ge [sflag:s29], $0x4000  }
0x85: {  	[sflag:s29] =	ssyncset.done $0x0  }
0x86: {  	s9 =	simm.s32 $0x80;
	s8 =	sadd.s32 $0x200, s15;
	[sflag:s29] =	ssyncadd.s32 $0xFFFFC000  }
0x87: {  	s15 =	sadd.s32 $0x80, s12;
	s7 =	simm.s32 $0x40;
	_ =	swait.ge [sflag:s29], $0x4000  }
0x88: {  	s6 =	sadd.s32 $0x200, s12;
	s11 =	rddreg [dreg:$0x7];
	[sflag:s29] =	ssyncset.done $0x0  }
.LBB2_2:
0x89: {  	[sflag:s29] =	ssyncadd.s32 $0xFFFFC000  }
0x8a: {  	[hbm4b:s15+s1] =	stream.linear.scatter [tilespmem:s30], [sflag:$0x8], $0x400, $0x38;
	[tilespmem:$0x10C00] =	vst v63  }
0x8b: {  	s5 =	rddreg [dreg:$0x6];
	s11 =	sadd.s32 s7, s11  }
0x8c: {  	[tilespmem:s18], [sflag:$0x3] =	stream.linear.gather [hbm4b:s11+s1], $0x80, $0x38;
	[tilespmem:$0x10C00] =	vst v63  }
0x8d: {  	s5 =	sadd.s32 s7, s5  }
0x8e: {  	[tilespmem:s19], [sflag:$0x3] =	stream.linear.gather [hbm4b:s5+s1], $0x80, $0x38;
	[tilespmem:$0x10C00] =	vst v63  }
0x8f: {  	_ =	swait.ge [sflag:s20], $0x80  }
0x90: {  	[sflag:s20] =	ssyncset.done $0x0  }
0x91: {  	[sflag:s20] =	ssyncadd.s32 $0xFFFFFF80  }
0x92: {  	_ =	swait.ge [sflag:s20], $0x80  }
0x93: {  	[sflag:s20] =	ssyncset.done $0x0  }
0x94: {  	p1 =	seq.s32 s7, $0x0;
	[sflag:s20] =	ssyncadd.s32 $0xFFFFFF80  }
0x95: {  	[tilespmem:s21], [sflag:$0x6] =	stream.indirect.gather [hbm4b:s4+s13], $0x80, s13, s13, $0xb8;
	[tilespmem:$0x10C00] =	vst v63  }
0x96: {  	s15 =	simm.s32 $0x280;
	s5 =	simm.s32 @!p1 $0x7  }
0x97: {  	[tilespmem:s22], [sflag:$0x6] =	stream.indirect.gather [hbm4b:s3+s13], $0x80, s15, s13, $0xb8;
	[tilespmem:$0x10C00] =	vst v63  }
0x98: {  	_ =	swait.ge @!p1 [sflag:s5], $0x400  }
0x99: {  	[sflag:s5] =	ssyncset.done @!p1 $0x0  }
0x9a: {  	[sflag:s5] =	ssyncadd.s32 @!p1 $0xFFFFFC00  }
0x9b: {  	_ =	swait.ge [sflag:s23], $0x4000  }
0x9c: {  	[sflag:s23] =	ssyncset.done $0x0  }
0x9d: {  	[sflag:s23] =	ssyncadd.s32 $0xFFFFC000  }
0x9e: {  	_ =	swait.ge [sflag:s23], $0x4000  }
0x9f: {  	[sflag:s23] =	ssyncset.done $0x0  }
0xa0: {  	s16 =	rddreg [dreg:$0x9];
	[sflag:s23] =	ssyncadd.s32 $0xFFFFC000  }
0xa1: {  	[hbm4b:s8+s1] =	stream.linear.scatter [tilespmem:s24], [sflag:$0x7], $0x400, $0x38;
	[tilespmem:$0x10C00] =	vst v63  }
0xa2: {  	s17 =	rddreg [dreg:$0x8];
	s5 =	sadd.s32 s7, s16  }
0xa3: {  	[tilespmem:s25], [sflag:$0x4] =	stream.linear.gather [hbm4b:s5+s1], $0x80, $0x38;
	[tilespmem:$0x10C00] =	vst v63  }
0xa4: {  	s14 =	sadd.s32 s7, s17  }
0xa5: {  	[tilespmem:s26], [sflag:$0x4] =	stream.linear.gather [hbm4b:s14+s1], $0x80, $0x38;
	[tilespmem:$0x10C00] =	vst v63  }
0xa6: {  	_ =	swait.ge [sflag:s28], $0x80  }
0xa7: {  	[sflag:s28] =	ssyncset.done $0x0  }
0xa8: {  	[sflag:s28] =	ssyncadd.s32 $0xFFFFFF80  }
0xa9: {  	_ =	swait.ge [sflag:s28], $0x80  }
0xaa: {  	[sflag:s28] =	ssyncset.done $0x0  }
0xab: {  	s15 =	simm.s32 $0x8400;
	[sflag:s28] =	ssyncadd.s32 $0xFFFFFF80  }
0xac: {  	[tilespmem:s15], [sflag:$0x5] =	stream.indirect.gather [hbm4b:s4+s13], $0x80, s18, s13, $0xb8;
	[tilespmem:$0x10C00] =	vst v63  }
0xad: {  	s16 =	simm.s32 $0x400;
	s5 =	simm.s32 @!p1 $0x8  }
0xae: {  	[tilespmem:s16], [sflag:$0x5] =	stream.indirect.gather [hbm4b:s3+s13], $0x80, s19, s13, $0xb8;
	[tilespmem:$0x10C00] =	vst v63  }
0xaf: {  	_ =	swait.ge @!p1 [sflag:s5], $0x400  }
0xb0: {  	[sflag:s5] =	ssyncset.done @!p1 $0x0  }
0xb1: {  	[sflag:s5] =	ssyncadd.s32 @!p1 $0xFFFFFC00  }
0xb2: {  	_ =	swait.ge [sflag:s29], $0x4000  }
0xb3: {  	[sflag:s29] =	ssyncset.done $0x0  }
0xb4: {  	[sflag:s29] =	ssyncadd.s32 $0xFFFFC000  }
0xb5: {  	_ =	swait.ge [sflag:s29], $0x4000  }
0xb6: {  	s17 =	sadd.s32 $0xFFFFFF80, s6;
	[sflag:s29] =	ssyncset.done $0x0  }
0xb7: {  	p1 =	seq.s32 s7, $0x4C0;
	s11 =	rddreg [dreg:$0x3];
	[sflag:s29] =	ssyncadd.s32 $0xFFFFC000  }
0xb8: {  	[hbm4b:s17+s1] =	stream.linear.scatter [tilespmem:s30], [sflag:$0x8], $0x400, $0x38;
	[tilespmem:$0x10C00] =	vst v63  }
0xb9: {  	s14 =	rddreg [dreg:$0x2];
	s5 =	sadd.s32 @!p1 s7, s11;
	s11 =	simm.s32 @!p1 $0x0  }
0xba: {  	[tilespmem:s11], [sflag:$0x1] =	stream.linear.gather @!p1 [hbm4b:s5+s11], $0x80, $0x38;
	[tilespmem:$0x10C00] =	vst v63  }
0xbb: {  	s15 =	simm.s32 @!p1 $0x200;
	s5 =	sadd.s32 @!p1 s7, s14  }
0xbc: {  	[tilespmem:s15], [sflag:$0x1] =	stream.linear.gather @!p1 [hbm4b:s5+s11], $0x80, $0x38;
	[tilespmem:$0x10C00] =	vst v63  }
0xbd: {  	_ =	swait.ge [sflag:s31], $0x80  }
0xbe: {  	[sflag:s31] =	ssyncset.done $0x0  }
0xbf: {  	[sflag:s31] =	ssyncadd.s32 $0xFFFFFF80  }
0xc0: {  	_ =	swait.ge [sflag:s31], $0x80  }
0xc1: {  	[sflag:s31] =	ssyncset.done $0x0  }
0xc2: {  	[sflag:s31] =	ssyncadd.s32 $0xFFFFFF80  }
0xc3: {  	[tilespmem:s21], [sflag:$0x6] =	stream.indirect.gather [hbm4b:s4+s13], $0x80, s25, s13, $0xb8;
	[tilespmem:$0x10C00] =	vst v63  }
0xc4: {  	_ = 	snop  }
0xc5: {  	[tilespmem:s22], [sflag:$0x6] =	stream.indirect.gather [hbm4b:s3+s13], $0x80, s26, s13, $0xb8;
	[tilespmem:$0x10C00] =	vst v63  }
0xc6: {  	_ =	swait.ge [sflag:s0], $0x400  }
0xc7: {  	[sflag:s0] =	ssyncset.done $0x0  }
0xc8: {  	[sflag:s0] =	ssyncadd.s32 $0xFFFFFC00  }
0xc9: {  	_ =	swait.ge [sflag:s23], $0x4000  }
0xca: {  	[sflag:s23] =	ssyncset.done $0x0  }
0xcb: {  	[sflag:s23] =	ssyncadd.s32 $0xFFFFC000  }
0xcc: {  	_ =	swait.ge [sflag:s23], $0x4000  }
0xcd: {  	[sflag:s23] =	ssyncset.done $0x0  }
0xce: {  	s5 =	rddreg [dreg:$0x5];
	[sflag:s23] =	ssyncadd.s32 $0xFFFFC000  }
0xcf: {  	[hbm4b:s6+s1] =	stream.linear.scatter [tilespmem:s24], [sflag:$0x7], $0x400, $0x38;
	[tilespmem:$0x10C00] =	vst v63  }
0xd0: {  	s16 =	simm.s32 @!p1 $0x80;
	s14 =	rddreg [dreg:$0x4];
	s5 =	sadd.s32 @!p1 s7, s5  }
0xd1: {  	[tilespmem:s16], [sflag:$0x2] =	stream.linear.gather @!p1 [hbm4b:s5+s11], $0x80, $0x38;
	[tilespmem:$0x10C00] =	vst v63  }
0xd2: {  	s17 =	simm.s32 @!p1 $0x280;
	s5 =	sadd.s32 @!p1 s7, s14;
	s14 =	simm.s32 @!p1 $0x1  }
0xd3: {  	[tilespmem:s17], [sflag:$0x2] =	stream.linear.gather @!p1 [hbm4b:s5+s11], $0x80, $0x38;
	[tilespmem:$0x10C00] =	vst v63  }
0xd4: {  	_ =	swait.ge @!p1 [sflag:s14], $0x80  }
0xd5: {  	[sflag:s14] =	ssyncset.done @!p1 $0x0  }
0xd6: {  	[sflag:s14] =	ssyncadd.s32 @!p1 $0xFFFFFF80  }
0xd7: {  	_ =	swait.ge @!p1 [sflag:s14], $0x80  }
0xd8: {  	[sflag:s14] =	ssyncset.done @!p1 $0x0  }
0xd9: {  	s10 =	smov.u32 s9;
	s5 =	simm.s32 @!p1 $0x8400;
	[sflag:s14] =	ssyncadd.s32 @!p1 $0xFFFFFF80  }
0xda: {  	[tilespmem:s5], [sflag:$0x5] =	stream.indirect.gather @!p1 [hbm4b:s4+s16], $0x80, s11, s16, $0xb8;
	[tilespmem:$0x10C00] =	vst v63  }
0xdb: {  	s7 =	smov.u32 s10;
	s10 =	simm.s32 @!p1 $0x400  }
0xdc: {  	[tilespmem:s10], [sflag:$0x5] =	stream.indirect.gather @!p1 [hbm4b:s3+s16], $0x80, s15, s16, $0xb8;
	[tilespmem:$0x10C00] =	vst v63  }
0xdd: {  	_ =	swait.ge [sflag:s2], $0x400  }
0xde: {  	s9 =	sadd.s32 $0x40, s9;
	[sflag:s2] =	ssyncset.done $0x0  }
0xdf: {  	p0 =	sne.s32 s9, $0x500;
	[sflag:s2] =	ssyncadd.s32 $0xFFFFFC00  }
.Ltmp0:
0xe0: {  	_ =	swait.ge [sflag:s29], $0x4000;
	(pc) =	sbr.rel @p0 .LBB2_2-.Ltmp0, $4  }
0xe1: {  	[sflag:s29] =	ssyncset.done $0x0  }
0xe2: {  	s12 =	smov.u32 s6;
	[sflag:s29] =	ssyncadd.s32 $0xFFFFC000  }
0xe3: {  	s8 =	sadd.s32 $0x200, s8;
	s6 =	sadd.s32 $0x200, s6;
	_ =	swait.ge [sflag:s29], $0x4000  }
0xe4: {  	s15 =	sadd.s32 $0x80, s12;
	s11 =	rddreg [dreg:$0x7];
	[sflag:s29] =	ssyncset.done $0x0  }
0xe5: {  	[sflag:s29] =	ssyncadd.s32 $0xFFFFC000  }
0xe6: {  	[hbm4b:s15+s1] =	stream.linear.scatter [tilespmem:s30], [sflag:$0x8], $0x400, $0x38;
	[tilespmem:$0x10C00] =	vst v63  }
0xe7: {  	s5 =	rddreg [dreg:$0x6];
	s9 =	sadd.s32 s7, s11  }
0xe8: {  	[tilespmem:s18], [sflag:$0x3] =	stream.linear.gather [hbm4b:s9+s1], $0x80, $0x38;
	[tilespmem:$0x10C00] =	vst v63  }
0xe9: {  	s5 =	sadd.s32 s7, s5  }
0xea: {  	[tilespmem:s19], [sflag:$0x3] =	stream.linear.gather [hbm4b:s5+s1], $0x80, $0x38;
	[tilespmem:$0x10C00] =	vst v63  }
0xeb: {  	_ =	swait.ge [sflag:s20], $0x80  }
0xec: {  	[sflag:s20] =	ssyncset.done $0x0  }
0xed: {  	[sflag:s20] =	ssyncadd.s32 $0xFFFFFF80  }
0xee: {  	_ =	swait.ge [sflag:s20], $0x80  }
0xef: {  	[sflag:s20] =	ssyncset.done $0x0  }
0xf0: {  	p0 =	seq.s32 s7, $0x0;
	[sflag:s20] =	ssyncadd.s32 $0xFFFFFF80  }
0xf1: {  	[tilespmem:s21], [sflag:$0x6] =	stream.indirect.gather [hbm4b:s4+s13], $0x80, s13, s13, $0xb8;
	[tilespmem:$0x10C00] =	vst v63  }
0xf2: {  	s15 =	simm.s32 $0x280;
	s5 =	simm.s32 @!p0 $0x7  }
0xf3: {  	[tilespmem:s22], [sflag:$0x6] =	stream.indirect.gather [hbm4b:s3+s13], $0x80, s15, s13, $0xb8;
	[tilespmem:$0x10C00] =	vst v63  }
0xf4: {  	_ =	swait.ge @!p0 [sflag:s5], $0x400  }
0xf5: {  	[sflag:s5] =	ssyncset.done @!p0 $0x0  }
0xf6: {  	[sflag:s5] =	ssyncadd.s32 @!p0 $0xFFFFFC00  }
0xf7: {  	_ =	swait.ge [sflag:s23], $0x4000  }
0xf8: {  	[sflag:s23] =	ssyncset.done $0x0  }
0xf9: {  	[sflag:s23] =	ssyncadd.s32 $0xFFFFC000  }
0xfa: {  	_ =	swait.ge [sflag:s23], $0x4000  }
0xfb: {  	[sflag:s23] =	ssyncset.done $0x0  }
0xfc: {  	s16 =	rddreg [dreg:$0x9];
	[sflag:s23] =	ssyncadd.s32 $0xFFFFC000  }
0xfd: {  	[hbm4b:s8+s1] =	stream.linear.scatter [tilespmem:s24], [sflag:$0x7], $0x400, $0x38;
	[tilespmem:$0x10C00] =	vst v63  }
0xfe: {  	s17 =	rddreg [dreg:$0x8];
	s5 =	sadd.s32 s7, s16  }
0xff: {  	[tilespmem:s25], [sflag:$0x4] =	stream.linear.gather [hbm4b:s5+s1], $0x80, $0x38;
	[tilespmem:$0x10C00] =	vst v63  }
0x100: {  	s10 =	sadd.s32 s7, s17  }
0x101: {  	[tilespmem:s26], [sflag:$0x4] =	stream.linear.gather [hbm4b:s10+s1], $0x80, $0x38;
	[tilespmem:$0x10C00] =	vst v63  }
0x102: {  	_ =	swait.ge [sflag:s28], $0x80  }
0x103: {  	[sflag:s28] =	ssyncset.done $0x0  }
0x104: {  	[sflag:s28] =	ssyncadd.s32 $0xFFFFFF80  }
0x105: {  	_ =	swait.ge [sflag:s28], $0x80  }
0x106: {  	[sflag:s28] =	ssyncset.done $0x0  }
0x107: {  	s11 =	simm.s32 $0x8400;
	[sflag:s28] =	ssyncadd.s32 $0xFFFFFF80  }
0x108: {  	[tilespmem:s11], [sflag:$0x5] =	stream.indirect.gather [hbm4b:s4+s13], $0x80, s18, s13, $0xb8;
	[tilespmem:$0x10C00] =	vst v63  }
0x109: {  	s12 =	simm.s32 $0x400;
	s5 =	simm.s32 @!p0 $0x8  }
0x10a: {  	[tilespmem:s12], [sflag:$0x5] =	stream.indirect.gather [hbm4b:s3+s13], $0x80, s19, s13, $0xb8;
	[tilespmem:$0x10C00] =	vst v63  }
0x10b: {  	_ =	swait.ge @!p0 [sflag:s5], $0x400  }
0x10c: {  	[sflag:s5] =	ssyncset.done @!p0 $0x0  }
0x10d: {  	[sflag:s5] =	ssyncadd.s32 @!p0 $0xFFFFFC00  }
0x10e: {  	_ =	swait.ge [sflag:s29], $0x4000  }
0x10f: {  	[sflag:s29] =	ssyncset.done $0x0  }
0x110: {  	[sflag:s29] =	ssyncadd.s32 $0xFFFFC000  }
0x111: {  	_ =	swait.ge [sflag:s29], $0x4000  }
0x112: {  	s14 =	sadd.s32 $0xFFFFFF80, s6;
	[sflag:s29] =	ssyncset.done $0x0  }
0x113: {  	p0 =	seq.s32 s7, $0x4C0;
	s8 =	rddreg [dreg:$0x3];
	[sflag:s29] =	ssyncadd.s32 $0xFFFFC000  }
0x114: {  	[hbm4b:s14+s1] =	stream.linear.scatter [tilespmem:s30], [sflag:$0x8], $0x400, $0x38;
	[tilespmem:$0x10C00] =	vst v63  }
0x115: {  	s9 =	rddreg [dreg:$0x2];
	s5 =	sadd.s32 @!p0 s7, s8;
	s8 =	simm.s32 @!p0 $0x0  }
0x116: {  	[tilespmem:s8], [sflag:$0x1] =	stream.linear.gather @!p0 [hbm4b:s5+s8], $0x80, $0x38;
	[tilespmem:$0x10C00] =	vst v63  }
0x117: {  	s9 =	sadd.s32 @!p0 s7, s9;
	s5 =	simm.s32 @!p0 $0x200  }
0x118: {  	[tilespmem:s5], [sflag:$0x1] =	stream.linear.gather @!p0 [hbm4b:s9+s8], $0x80, $0x38;
	[tilespmem:$0x10C00] =	vst v63  }
0x119: {  	_ =	swait.ge [sflag:s31], $0x80  }
0x11a: {  	[sflag:s31] =	ssyncset.done $0x0  }
0x11b: {  	[sflag:s31] =	ssyncadd.s32 $0xFFFFFF80  }
0x11c: {  	_ =	swait.ge [sflag:s31], $0x80  }
0x11d: {  	[sflag:s31] =	ssyncset.done $0x0  }
0x11e: {  	[sflag:s31] =	ssyncadd.s32 $0xFFFFFF80  }
0x11f: {  	[tilespmem:s21], [sflag:$0x6] =	stream.indirect.gather [hbm4b:s4+s13], $0x80, s25, s13, $0xb8;
	[tilespmem:$0x10C00] =	vst v63  }
0x120: {  	_ = 	snop  }
0x121: {  	[tilespmem:s22], [sflag:$0x6] =	stream.indirect.gather [hbm4b:s3+s13], $0x80, s26, s13, $0xb8;
	[tilespmem:$0x10C00] =	vst v63  }
0x122: {  	_ =	swait.ge [sflag:s0], $0x400  }
0x123: {  	[sflag:s0] =	ssyncset.done $0x0  }
0x124: {  	[sflag:s0] =	ssyncadd.s32 $0xFFFFFC00  }
0x125: {  	_ =	swait.ge [sflag:s23], $0x4000  }
0x126: {  	[sflag:s23] =	ssyncset.done $0x0  }
0x127: {  	[sflag:s23] =	ssyncadd.s32 $0xFFFFC000  }
0x128: {  	_ =	swait.ge [sflag:s23], $0x4000  }
0x129: {  	[sflag:s23] =	ssyncset.done $0x0  }
0x12a: {  	s9 =	rddreg [dreg:$0x5];
	[sflag:s23] =	ssyncadd.s32 $0xFFFFC000  }
0x12b: {  	[hbm4b:s6+s1] =	stream.linear.scatter [tilespmem:s24], [sflag:$0x7], $0x400, $0x38;
	[tilespmem:$0x10C00] =	vst v63  }
0x12c: {  	s11 =	simm.s32 @!p0 $0x80;
	s10 =	rddreg [dreg:$0x4];
	s9 =	sadd.s32 @!p0 s7, s9  }
0x12d: {  	[tilespmem:s11], [sflag:$0x2] =	stream.linear.gather @!p0 [hbm4b:s9+s8], $0x80, $0x38;
	[tilespmem:$0x10C00] =	vst v63  }
0x12e: {  	s7 =	sadd.s32 @!p0 s7, s10;
	s9 =	simm.s32 @!p0 $0x280  }
0x12f: {  	[tilespmem:s9], [sflag:$0x2] =	stream.linear.gather @!p0 [hbm4b:s7+s8], $0x80, $0x38;
	[tilespmem:$0x10C00] =	vst v63  }
0x130: {  	s7 =	simm.s32 @!p0 $0x1  }
0x131: {  	_ =	swait.ge @!p0 [sflag:s7], $0x80  }
0x132: {  	[sflag:s7] =	ssyncset.done @!p0 $0x0  }
0x133: {  	[sflag:s7] =	ssyncadd.s32 @!p0 $0xFFFFFF80  }
0x134: {  	_ =	swait.ge @!p0 [sflag:s7], $0x80  }
0x135: {  	[sflag:s7] =	ssyncset.done @!p0 $0x0  }
0x136: {  	[sflag:s7] =	ssyncadd.s32 @!p0 $0xFFFFFF80;
	s7 =	simm.s32 @!p0 $0x8400  }
0x137: {  	[tilespmem:s7], [sflag:$0x5] =	stream.indirect.gather @!p0 [hbm4b:s4+s11], $0x80, s8, s11, $0xb8;
	[tilespmem:$0x10C00] =	vst v63  }
0x138: {  	s7 =	simm.s32 @!p0 $0x400  }
0x139: {  	[tilespmem:s7], [sflag:$0x5] =	stream.indirect.gather @!p0 [hbm4b:s3+s11], $0x80, s5, s11, $0xb8;
	[tilespmem:$0x10C00] =	vst v63  }
0x13a: {  	_ =	swait.ge [sflag:s2], $0x400  }
0x13b: {  	[sflag:s2] =	ssyncset.done $0x0  }
0x13c: {  	[sflag:s2] =	ssyncadd.s32 $0xFFFFFC00  }
0x13d: {  	_ =	swait.ge [sflag:s29], $0x4000  }
0x13e: {  	[sflag:s29] =	ssyncset.done $0x0  }
0x13f: {  	[sflag:s29] =	ssyncadd.s32 $0xFFFFC000  }
0x140: {  	_ =	swait.ge [sflag:s29], $0x4000  }
0x141: {  	[sflag:s29] =	ssyncset.done $0x0  }
0x142: {  	s15 =	sadd.s32 $0x80, s6;
	[sflag:s29] =	ssyncadd.s32 $0xFFFFC000  }
0x143: {  	[hbm4b:s15+s1] =	stream.linear.scatter [tilespmem:s30], [sflag:$0x8], $0x400, $0x38;
	[tilespmem:$0x10C00] =	vst v63  }
0x144: {  	_ =	swait.ge [sflag:s0], $0x400  }
0x145: {  	[sflag:s0] =	ssyncset.done $0x0  }
0x146: {  	[sflag:s0] =	ssyncadd.s32 $0xFFFFFC00  }
0x147: {  	_ =	swait.ge [sflag:s2], $0x400  }
0x148: {  	s16 =	rddreg [dreg:$0x11]  }
0x149: {  	s17 =	rddreg [dreg:$0xe];
	s6 =	sadd.s32 $0x1, s16  }
0x14a: {  	p0 =	sne.s32 s6, s17  }
.Ltmp1:
0x14b: {  	_ = 	snop;
	(pc) =	sbr.rel @p0 .LBB2_1-.Ltmp1, $3  }
0x14c: {  	_ =	sdelay $0x1  }
0x14d: {  	[sflag:s2] =	ssyncset.done $0x0  }
0x14e: {  	[sflag:s2] =	ssyncadd.s32 $0xFFFFFC00  }
0x14f: {  	_ =	sfence.sel $0x180000  }
0x150: {  	[bflag:$0x0] =	sbarrier.arrive $0xFFFF  }
0x151: {  	_ =	strace $0x90000047  }
0x152: {  	s0 =	stileid.u32;
	[bflag:$0x2] =	sbarrier.arrive $0xFFFF  }
0x153: {  	p0 =	sne.s32 s0, $0x0;
	s0 =	rddreg [dreg:$0x1]  }
0x154: {  	s0 =	sadd.s32 @!p0 $0x100000, s0  }
0x155: {  	[sflag:s0] =	ssyncadd.tile.s32 @!p0 $0x1;
	_ =	shalt  }
.Lfunc_end2:
_tile_overlayer_lowered:
.L_overlay_start_2:
0x156: {  	(tag) =	ssettag $0x2  }
0x157: {  	s0 =	rddreg [dreg:$0x0];
	s2 =	stileid.u32  }
0x158: {  	s1 =	rddreg [dreg:$0x1];
	p0 =	sne.s32 s2, $0x0  }
0x159: {  	s3 =	rddreg [dreg:$0x2];
	[bflag:$0x3] =	sbarrier.arrive $0xFFFF;
	s2 =	simm.s32 @!p0 $0x1C09  }
0x15a: {  	[timem:s3], [sflag:s2] =	dma.local @!p0 [hbm:s0], s1  }
0x15b: {  	s0 =	simm.s32 @!p0 $0x9  }
0x15c: {  	_ =	swait.ge @!p0 [sflag:s0], s1  }
0x15d: {  	s1 =	ssub.s32 @!p0 $0x0, s1;
	[sflag:s0] =	ssyncset.done @!p0 $0x0  }
0x15e: {  	[sflag:s0] =	ssyncadd.s32 @!p0 s1  }
0x15f: {  	[bflag:$0x3] =	sbarrier.arrive $0xFFFF  }
0x160: {  	_ =	shalt  }

</sc_bundles>
